<compile_context>
chip_gen: v7x
topology: tpu7x:2x2x1
jax: 0.10.2.dev20260603
libtpu: 0.0.44.dev20260713+nightly
codegen_flags: <defaults>
</compile_context>

<pallas_src>
import functools

import jax
import jax.numpy as jnp
from jax import lax
from jax.experimental import pallas as pl
from jax.experimental.pallas import tpu as pltpu
from jax.experimental.pallas import tpu_sc as plsc

EMB = 32
CW = 512
NC, NS = 2, 16
NW = NC * NS
L = 16
ET, EI = EMB // 8, 8
BI = 128


def _emb_kernel(n_seq, x_hbm, tab_hbm, out_hbm,
                idx0, idx1, rows0, rows1, trows0, trows1,
                gs0, gs1, os0, os1):
    wid = lax.axis_index("s") * NC + lax.axis_index("c")
    boff = wid * CW
    bt0 = wid * (CW // BI)
    bufs = ((idx0, rows0, trows0, gs0, os0),
            (idx1, rows1, trows1, gs1, os1))

    lane = jnp.arange(L, dtype=jnp.int32)
    ediag = [(jnp.arange(L, dtype=jnp.int32) + e) % EMB for e in range(EMB)]
    cdiag = [(e_ // EI) * (ET * EI * BI) + (e_ % EI) * BI + lane
             for e_ in ediag]

    def fire(buf, s):
        idx_v, rows_v, _, gsem, _ = bufs[buf]
        pltpu.sync_copy(x_hbm.at[s, pl.ds(boff, CW)], idx_v)
        return pltpu.async_copy(tab_hbm.at[idx_v], rows_v, gsem)

    def transpose(buf):
        _, rows_v, trows_v, _, _ = bufs[buf]

        def tbody(g, _):
            for u in range(2):
                b0 = g * 2 + u
                bvec = lane + b0 * L
                off = (b0 // (BI // L)) * (EI * BI) + (b0 % (BI // L)) * L
                for e in range(EMB):
                    v = plsc.load_gather(rows_v, [bvec, ediag[e]])
                    plsc.store_scatter(trows_v, [cdiag[e] + off], v)
            return _

        lax.fori_loop(0, CW // L // 2, tbody, None)

    wchunk = (CW // BI) * EI * BI

    def write(buf, s):
        _, _, trows_v, _, osem = bufs[buf]
        for et in range(ET):
            pltpu.async_copy(
                trows_v.at[pl.ds(et * wchunk, wchunk)],
                out_hbm.at[s, et, pl.ds(bt0 * (EI * BI), wchunk)], osem)

    def wait_write(buf):
        _, _, trows_v, _, osem = bufs[buf]
        for et in range(ET):
            pltpu.make_async_copy(
                trows_v.at[pl.ds(et * wchunk, wchunk)],
                out_hbm.at[0, et, pl.ds(bt0 * (EI * BI), wchunk)],
                osem).wait()

    def wait_gather(buf):
        idx_v, rows_v, _, gsem, _ = bufs[buf]
        pltpu.make_async_copy(tab_hbm.at[idx_v], rows_v, gsem).wait()

    n_pairs = n_seq // 2

    def step(i, buf, s):
        pl.when(i > 0)(lambda: wait_write(buf))
        wait_gather(buf)
        transpose(buf)
        write(buf, s)
        def refire():
            fire(buf, s + 2)

        pl.when(i < n_pairs - 1)(refire)

    def body(i, _):
        s0 = 2 * i
        step(i, 0, s0)
        step(i, 1, s0 + 1)
        return _

    fire(0, 0)
    fire(1, 1)
    lax.fori_loop(0, n_pairs, body, None)
    wait_write(0)
    wait_write(1)


@jax.jit
def _emb(xt, table4):
    n_seq, n_batch = xt.shape
    mesh = plsc.VectorSubcoreMesh(core_axis_name="c", subcore_axis_name="s",
                                  num_cores=NC, num_subcores=NS)
    k = pl.kernel(
        functools.partial(_emb_kernel, n_seq),
        out_type=jax.ShapeDtypeStruct((n_seq, ET, (n_batch // BI) * EI * BI),
                                      jnp.float32),
        mesh=mesh,
        scratch_types=[
            pltpu.VMEM((CW,), jnp.int32),
            pltpu.VMEM((CW,), jnp.int32),
            pltpu.VMEM((CW, EMB), jnp.float32),
            pltpu.VMEM((CW, EMB), jnp.float32),
            pltpu.VMEM((ET * (CW // BI) * EI * BI,), jnp.float32),
            pltpu.VMEM((ET * (CW // BI) * EI * BI,), jnp.float32),
            pltpu.SemaphoreType.DMA,
            pltpu.SemaphoreType.DMA,
            pltpu.SemaphoreType.DMA,
            pltpu.SemaphoreType.DMA,
        ],
        compiler_params=pltpu.CompilerParams(use_tc_tiling_on_sc=False,
                                             needs_layout_passes=False),
    )
    return k(xt, table4)


def kernel(x, table):
    n_batch, n_seq = x.shape
    table4 = jnp.pad(table, ((0, 0), (0, 128 - EMB))).reshape(-1, EMB)
    out5 = _emb(x.T * 4, table4).reshape(n_seq, ET, n_batch // BI, EI, BI)
    return out5.transpose(2, 4, 0, 1, 3).reshape(n_batch, n_seq, EMB)

# --- scband reference (transcript-rebuilt; emitter-appended) ---
"""Pipeline reference for scband-embedder-45303315038813 (READ-ONLY COPY).

The authoritative reference and input builder live on the scoring server;
editing this copy changes nothing except your own understanding.
"""

import jax, jax.numpy as jnp
import numpy as np

VOCAB = 1000000
EMB = 32

def setup_inputs(seed: int = 0) -> dict:
    key = jax.random.key(seed)
    k_idx, k_tab = jax.random.split(key)
    x = jax.random.randint(k_idx, (16384, 200), 0, VOCAB, dtype=jnp.int64 if jax.config.read('jax_enable_x64') else jnp.int32)
    table = jax.random.normal(k_tab, (VOCAB, EMB), dtype=jnp.float32)
    # padding_idx=1: nn.Embedding zeros that row at init and keeps it zero
    table = table.at[1].set(0.0)
    return {"x": x, "table": table}

def reference(x, table):
    # Embedder.forward with use_tfidf=False: embedding lookup with padding_idx=1
    tab = table.at[1].set(0.0)
    return jnp.take(tab, x, axis=0)

if __name__ == "__main__":
    import jax
    _d = setup_inputs()
    print(jax.jit(kernel)(*tuple(_d.values())))

</pallas_src>

<mosaic_0001>
#map = affine_map<(d0, d1) -> (0, 0)>
#map1 = affine_map<(d0, d1) -> (0, 0, 0)>
module attributes {stable_mosaic.version = 14 : i64} {
  func.func @_emb_kernel(%arg0: i32, %arg1: i32, %arg2: memref<200x16384xi32, #tpu.memory_space<hbm>>, %arg3: memref<4000000x32xf32, #tpu.memory_space<hbm>>, %arg4: memref<200x4x131072xf32, #tpu.memory_space<hbm>>, %arg5: memref<512xi32, #tpu.memory_space<vmem>>, %arg6: memref<512xi32, #tpu.memory_space<vmem>>, %arg7: memref<512x32xf32, #tpu.memory_space<vmem>>, %arg8: memref<512x32xf32, #tpu.memory_space<vmem>>, %arg9: memref<16384xf32, #tpu.memory_space<vmem>>, %arg10: memref<16384xf32, #tpu.memory_space<vmem>>, %arg11: memref<!tpu.dma_semaphore, #tpu.memory_space<semaphore_mem>>, %arg12: memref<!tpu.dma_semaphore, #tpu.memory_space<semaphore_mem>>, %arg13: memref<!tpu.dma_semaphore, #tpu.memory_space<semaphore_mem>>, %arg14: memref<!tpu.dma_semaphore, #tpu.memory_space<semaphore_mem>>) attributes {dimension_semantics = [#tpu.dimension_semantics<core_parallel>, #tpu.dimension_semantics<subcore_parallel>], iteration_bounds = array<i64: 2, 16>, scalar_prefetch = 0 : i64, scratch_operands = 10 : i64, tpu.core_type = #tpu.core_type<sc_vector_subcore>, window_params = [{transform_indices = #map}, {transform_indices = #map}, {transform_indices = #map1}]} {
    %mul3A = arith.constant 2 : i32
    %mul3A_0 = arith.muli %arg1, %mul3A : i32
    %add3A = arith.addi %mul3A_0, %arg0 : i32
    %mul3A_1 = arith.constant 512 : i32
    %mul3A_2 = arith.muli %add3A, %mul3A_1 : i32
    %mul3A_3 = arith.constant 4 : i32
    %mul3A_4 = arith.muli %add3A, %mul3A_3 : i32
    %iota3A = tpu.iota {dimensions = array<i32: 0>} : vector<16xi32>
    %iota3A_5 = tpu.iota {dimensions = array<i32: 0>} : vector<16xi32>
    %add3A_6 = arith.constant 0 : i32
    %add3A_7 = vector.broadcast %add3A_6 : i32 to vector<16xi32>
    %add3A_8 = arith.addi %iota3A_5, %add3A_7 : vector<16xi32>
    %jit3A = arith.constant 32 : i32
    %eq3A = arith.constant 0 : i32
    %eq3A_9 = arith.cmpi eq, %jit3A, %eq3A : i32
    %jit3A_10 = arith.constant 1 : i32
    %select_n3A = arith.select %eq3A_9, %jit3A_10, %jit3A : i32
    %rem3A = vector.broadcast %select_n3A : i32 to vector<16xi32>
    %rem3A_11 = arith.remsi %add3A_8, %rem3A : vector<16xi32>
    %ne3A = arith.constant 0 : i32
    %ne3A_12 = vector.broadcast %ne3A : i32 to vector<16xi32>
    %ne3A_13 = arith.cmpi ne, %rem3A_11, %ne3A_12 : vector<16xi32>
    %lt3A = arith.constant 0 : i32
    %lt3A_14 = vector.broadcast %lt3A : i32 to vector<16xi32>
    %lt3A_15 = arith.cmpi slt, %rem3A_11, %lt3A_14 : vector<16xi32>
    %lt3A_16 = arith.constant 0 : i32
    %lt3A_17 = arith.cmpi slt, %select_n3A, %lt3A_16 : i32
    %ne3A_18 = vector.broadcast %lt3A_17 : i1 to vector<16xi1>
    %ne3A_19 = vector.broadcast %ne3A_18 : vector<16xi1> to vector<16xi1>
    %ne3A_20 = arith.xori %lt3A_15, %ne3A_19 : vector<16xi1>
    %and3A = arith.andi %ne3A_20, %ne3A_13 : vector<16xi1>
    %add3A_21 = vector.broadcast %select_n3A : i32 to vector<16xi32>
    %add3A_22 = arith.addi %rem3A_11, %add3A_21 : vector<16xi32>
    %select_n3A_23 = arith.select %and3A, %add3A_22, %rem3A_11 : vector<16xi1>, vector<16xi32>
    %iota3A_24 = tpu.iota {dimensions = array<i32: 0>} : vector<16xi32>
    %add3A_25 = arith.constant 1 : i32
    %add3A_26 = vector.broadcast %add3A_25 : i32 to vector<16xi32>
    %add3A_27 = arith.addi %iota3A_24, %add3A_26 : vector<16xi32>
    %jit3A_28 = arith.constant 32 : i32
    %eq3A_29 = arith.constant 0 : i32
    %eq3A_30 = arith.cmpi eq, %jit3A_28, %eq3A_29 : i32
    %jit3A_31 = arith.constant 1 : i32
    %select_n3A_32 = arith.select %eq3A_30, %jit3A_31, %jit3A_28 : i32
    %rem3A_33 = vector.broadcast %select_n3A_32 : i32 to vector<16xi32>
    %rem3A_34 = arith.remsi %add3A_27, %rem3A_33 : vector<16xi32>
    %ne3A_35 = arith.constant 0 : i32
    %ne3A_36 = vector.broadcast %ne3A_35 : i32 to vector<16xi32>
    %ne3A_37 = arith.cmpi ne, %rem3A_34, %ne3A_36 : vector<16xi32>
    %lt3A_38 = arith.constant 0 : i32
    %lt3A_39 = vector.broadcast %lt3A_38 : i32 to vector<16xi32>
    %lt3A_40 = arith.cmpi slt, %rem3A_34, %lt3A_39 : vector<16xi32>
    %lt3A_41 = arith.constant 0 : i32
    %lt3A_42 = arith.cmpi slt, %select_n3A_32, %lt3A_41 : i32
    %ne3A_43 = vector.broadcast %lt3A_42 : i1 to vector<16xi1>
    %ne3A_44 = vector.broadcast %ne3A_43 : vector<16xi1> to vector<16xi1>
    %ne3A_45 = arith.xori %lt3A_40, %ne3A_44 : vector<16xi1>
    %and3A_46 = arith.andi %ne3A_45, %ne3A_37 : vector<16xi1>
    %add3A_47 = vector.broadcast %select_n3A_32 : i32 to vector<16xi32>
    %add3A_48 = arith.addi %rem3A_34, %add3A_47 : vector<16xi32>
    %select_n3A_49 = arith.select %and3A_46, %add3A_48, %rem3A_34 : vector<16xi1>, vector<16xi32>
    %iota3A_50 = tpu.iota {dimensions = array<i32: 0>} : vector<16xi32>
    %add3A_51 = arith.constant 2 : i32
    %add3A_52 = vector.broadcast %add3A_51 : i32 to vector<16xi32>
    %add3A_53 = arith.addi %iota3A_50, %add3A_52 : vector<16xi32>
    %jit3A_54 = arith.constant 32 : i32
    %eq3A_55 = arith.constant 0 : i32
    %eq3A_56 = arith.cmpi eq, %jit3A_54, %eq3A_55 : i32
    %jit3A_57 = arith.constant 1 : i32
    %select_n3A_58 = arith.select %eq3A_56, %jit3A_57, %jit3A_54 : i32
    %rem3A_59 = vector.broadcast %select_n3A_58 : i32 to vector<16xi32>
    %rem3A_60 = arith.remsi %add3A_53, %rem3A_59 : vector<16xi32>
    %ne3A_61 = arith.constant 0 : i32
    %ne3A_62 = vector.broadcast %ne3A_61 : i32 to vector<16xi32>
    %ne3A_63 = arith.cmpi ne, %rem3A_60, %ne3A_62 : vector<16xi32>
    %lt3A_64 = arith.constant 0 : i32
    %lt3A_65 = vector.broadcast %lt3A_64 : i32 to vector<16xi32>
    %lt3A_66 = arith.cmpi slt, %rem3A_60, %lt3A_65 : vector<16xi32>
    %lt3A_67 = arith.constant 0 : i32
    %lt3A_68 = arith.cmpi slt, %select_n3A_58, %lt3A_67 : i32
    %ne3A_69 = vector.broadcast %lt3A_68 : i1 to vector<16xi1>
    %ne3A_70 = vector.broadcast %ne3A_69 : vector<16xi1> to vector<16xi1>
    %ne3A_71 = arith.xori %lt3A_66, %ne3A_70 : vector<16xi1>
    %and3A_72 = arith.andi %ne3A_71, %ne3A_63 : vector<16xi1>
    %add3A_73 = vector.broadcast %select_n3A_58 : i32 to vector<16xi32>
    %add3A_74 = arith.addi %rem3A_60, %add3A_73 : vector<16xi32>
    %select_n3A_75 = arith.select %and3A_72, %add3A_74, %rem3A_60 : vector<16xi1>, vector<16xi32>
    %iota3A_76 = tpu.iota {dimensions = array<i32: 0>} : vector<16xi32>
    %add3A_77 = arith.constant 3 : i32
    %add3A_78 = vector.broadcast %add3A_77 : i32 to vector<16xi32>
    %add3A_79 = arith.addi %iota3A_76, %add3A_78 : vector<16xi32>
    %jit3A_80 = arith.constant 32 : i32
    %eq3A_81 = arith.constant 0 : i32
    %eq3A_82 = arith.cmpi eq, %jit3A_80, %eq3A_81 : i32
    %jit3A_83 = arith.constant 1 : i32
    %select_n3A_84 = arith.select %eq3A_82, %jit3A_83, %jit3A_80 : i32
    %rem3A_85 = vector.broadcast %select_n3A_84 : i32 to vector<16xi32>
    %rem3A_86 = arith.remsi %add3A_79, %rem3A_85 : vector<16xi32>
    %ne3A_87 = arith.constant 0 : i32
    %ne3A_88 = vector.broadcast %ne3A_87 : i32 to vector<16xi32>
    %ne3A_89 = arith.cmpi ne, %rem3A_86, %ne3A_88 : vector<16xi32>
    %lt3A_90 = arith.constant 0 : i32
    %lt3A_91 = vector.broadcast %lt3A_90 : i32 to vector<16xi32>
    %lt3A_92 = arith.cmpi slt, %rem3A_86, %lt3A_91 : vector<16xi32>
    %lt3A_93 = arith.constant 0 : i32
    %lt3A_94 = arith.cmpi slt, %select_n3A_84, %lt3A_93 : i32
    %ne3A_95 = vector.broadcast %lt3A_94 : i1 to vector<16xi1>
    %ne3A_96 = vector.broadcast %ne3A_95 : vector<16xi1> to vector<16xi1>
    %ne3A_97 = arith.xori %lt3A_92, %ne3A_96 : vector<16xi1>
    %and3A_98 = arith.andi %ne3A_97, %ne3A_89 : vector<16xi1>
    %add3A_99 = vector.broadcast %select_n3A_84 : i32 to vector<16xi32>
    %add3A_100 = arith.addi %rem3A_86, %add3A_99 : vector<16xi32>
    %select_n3A_101 = arith.select %and3A_98, %add3A_100, %rem3A_86 : vector<16xi1>, vector<16xi32>
    %iota3A_102 = tpu.iota {dimensions = array<i32: 0>} : vector<16xi32>
    %add3A_103 = arith.constant 4 : i32
    %add3A_104 = vector.broadcast %add3A_103 : i32 to vector<16xi32>
    %add3A_105 = arith.addi %iota3A_102, %add3A_104 : vector<16xi32>
    %jit3A_106 = arith.constant 32 : i32
    %eq3A_107 = arith.constant 0 : i32
    %eq3A_108 = arith.cmpi eq, %jit3A_106, %eq3A_107 : i32
    %jit3A_109 = arith.constant 1 : i32
    %select_n3A_110 = arith.select %eq3A_108, %jit3A_109, %jit3A_106 : i32
    %rem3A_111 = vector.broadcast %select_n3A_110 : i32 to vector<16xi32>
    %rem3A_112 = arith.remsi %add3A_105, %rem3A_111 : vector<16xi32>
    %ne3A_113 = arith.constant 0 : i32
    %ne3A_114 = vector.broadcast %ne3A_113 : i32 to vector<16xi32>
    %ne3A_115 = arith.cmpi ne, %rem3A_112, %ne3A_114 : vector<16xi32>
    %lt3A_116 = arith.constant 0 : i32
    %lt3A_117 = vector.broadcast %lt3A_116 : i32 to vector<16xi32>
    %lt3A_118 = arith.cmpi slt, %rem3A_112, %lt3A_117 : vector<16xi32>
    %lt3A_119 = arith.constant 0 : i32
    %lt3A_120 = arith.cmpi slt, %select_n3A_110, %lt3A_119 : i32
    %ne3A_121 = vector.broadcast %lt3A_120 : i1 to vector<16xi1>
    %ne3A_122 = vector.broadcast %ne3A_121 : vector<16xi1> to vector<16xi1>
    %ne3A_123 = arith.xori %lt3A_118, %ne3A_122 : vector<16xi1>
    %and3A_124 = arith.andi %ne3A_123, %ne3A_115 : vector<16xi1>
    %add3A_125 = vector.broadcast %select_n3A_110 : i32 to vector<16xi32>
    %add3A_126 = arith.addi %rem3A_112, %add3A_125 : vector<16xi32>
    %select_n3A_127 = arith.select %and3A_124, %add3A_126, %rem3A_112 : vector<16xi1>, vector<16xi32>
    %iota3A_128 = tpu.iota {dimensions = array<i32: 0>} : vector<16xi32>
    %add3A_129 = arith.constant 5 : i32
    %add3A_130 = vector.broadcast %add3A_129 : i32 to vector<16xi32>
    %add3A_131 = arith.addi %iota3A_128, %add3A_130 : vector<16xi32>
    %jit3A_132 = arith.constant 32 : i32
    %eq3A_133 = arith.constant 0 : i32
    %eq3A_134 = arith.cmpi eq, %jit3A_132, %eq3A_133 : i32
    %jit3A_135 = arith.constant 1 : i32
    %select_n3A_136 = arith.select %eq3A_134, %jit3A_135, %jit3A_132 : i32
    %rem3A_137 = vector.broadcast %select_n3A_136 : i32 to vector<16xi32>
    %rem3A_138 = arith.remsi %add3A_131, %rem3A_137 : vector<16xi32>
    %ne3A_139 = arith.constant 0 : i32
    %ne3A_140 = vector.broadcast %ne3A_139 : i32 to vector<16xi32>
    %ne3A_141 = arith.cmpi ne, %rem3A_138, %ne3A_140 : vector<16xi32>
    %lt3A_142 = arith.constant 0 : i32
    %lt3A_143 = vector.broadcast %lt3A_142 : i32 to vector<16xi32>
    %lt3A_144 = arith.cmpi slt, %rem3A_138, %lt3A_143 : vector<16xi32>
    %lt3A_145 = arith.constant 0 : i32
    %lt3A_146 = arith.cmpi slt, %select_n3A_136, %lt3A_145 : i32
    %ne3A_147 = vector.broadcast %lt3A_146 : i1 to vector<16xi1>
    %ne3A_148 = vector.broadcast %ne3A_147 : vector<16xi1> to vector<16xi1>
    %ne3A_149 = arith.xori %lt3A_144, %ne3A_148 : vector<16xi1>
    %and3A_150 = arith.andi %ne3A_149, %ne3A_141 : vector<16xi1>
    %add3A_151 = vector.broadcast %select_n3A_136 : i32 to vector<16xi32>
    %add3A_152 = arith.addi %rem3A_138, %add3A_151 : vector<16xi32>
    %select_n3A_153 = arith.select %and3A_150, %add3A_152, %rem3A_138 : vector<16xi1>, vector<16xi32>
    %iota3A_154 = tpu.iota {dimensions = array<i32: 0>} : vector<16xi32>
    %add3A_155 = arith.constant 6 : i32
    %add3A_156 = vector.broadcast %add3A_155 : i32 to vector<16xi32>
    %add3A_157 = arith.addi %iota3A_154, %add3A_156 : vector<16xi32>
    %jit3A_158 = arith.constant 32 : i32
    %eq3A_159 = arith.constant 0 : i32
    %eq3A_160 = arith.cmpi eq, %jit3A_158, %eq3A_159 : i32
    %jit3A_161 = arith.constant 1 : i32
    %select_n3A_162 = arith.select %eq3A_160, %jit3A_161, %jit3A_158 : i32
    %rem3A_163 = vector.broadcast %select_n3A_162 : i32 to vector<16xi32>
    %rem3A_164 = arith.remsi %add3A_157, %rem3A_163 : vector<16xi32>
    %ne3A_165 = arith.constant 0 : i32
    %ne3A_166 = vector.broadcast %ne3A_165 : i32 to vector<16xi32>
    %ne3A_167 = arith.cmpi ne, %rem3A_164, %ne3A_166 : vector<16xi32>
    %lt3A_168 = arith.constant 0 : i32
    %lt3A_169 = vector.broadcast %lt3A_168 : i32 to vector<16xi32>
    %lt3A_170 = arith.cmpi slt, %rem3A_164, %lt3A_169 : vector<16xi32>
    %lt3A_171 = arith.constant 0 : i32
    %lt3A_172 = arith.cmpi slt, %select_n3A_162, %lt3A_171 : i32
    %ne3A_173 = vector.broadcast %lt3A_172 : i1 to vector<16xi1>
    %ne3A_174 = vector.broadcast %ne3A_173 : vector<16xi1> to vector<16xi1>
    %ne3A_175 = arith.xori %lt3A_170, %ne3A_174 : vector<16xi1>
    %and3A_176 = arith.andi %ne3A_175, %ne3A_167 : vector<16xi1>
    %add3A_177 = vector.broadcast %select_n3A_162 : i32 to vector<16xi32>
    %add3A_178 = arith.addi %rem3A_164, %add3A_177 : vector<16xi32>
    %select_n3A_179 = arith.select %and3A_176, %add3A_178, %rem3A_164 : vector<16xi1>, vector<16xi32>
    %iota3A_180 = tpu.iota {dimensions = array<i32: 0>} : vector<16xi32>
    %add3A_181 = arith.constant 7 : i32
    %add3A_182 = vector.broadcast %add3A_181 : i32 to vector<16xi32>
    %add3A_183 = arith.addi %iota3A_180, %add3A_182 : vector<16xi32>
    %jit3A_184 = arith.constant 32 : i32
    %eq3A_185 = arith.constant 0 : i32
    %eq3A_186 = arith.cmpi eq, %jit3A_184, %eq3A_185 : i32
    %jit3A_187 = arith.constant 1 : i32
    %select_n3A_188 = arith.select %eq3A_186, %jit3A_187, %jit3A_184 : i32
    %rem3A_189 = vector.broadcast %select_n3A_188 : i32 to vector<16xi32>
    %rem3A_190 = arith.remsi %add3A_183, %rem3A_189 : vector<16xi32>
    %ne3A_191 = arith.constant 0 : i32
    %ne3A_192 = vector.broadcast %ne3A_191 : i32 to vector<16xi32>
    %ne3A_193 = arith.cmpi ne, %rem3A_190, %ne3A_192 : vector<16xi32>
    %lt3A_194 = arith.constant 0 : i32
    %lt3A_195 = vector.broadcast %lt3A_194 : i32 to vector<16xi32>
    %lt3A_196 = arith.cmpi slt, %rem3A_190, %lt3A_195 : vector<16xi32>
    %lt3A_197 = arith.constant 0 : i32
    %lt3A_198 = arith.cmpi slt, %select_n3A_188, %lt3A_197 : i32
    %ne3A_199 = vector.broadcast %lt3A_198 : i1 to vector<16xi1>
    %ne3A_200 = vector.broadcast %ne3A_199 : vector<16xi1> to vector<16xi1>
    %ne3A_201 = arith.xori %lt3A_196, %ne3A_200 : vector<16xi1>
    %and3A_202 = arith.andi %ne3A_201, %ne3A_193 : vector<16xi1>
    %add3A_203 = vector.broadcast %select_n3A_188 : i32 to vector<16xi32>
    %add3A_204 = arith.addi %rem3A_190, %add3A_203 : vector<16xi32>
    %select_n3A_205 = arith.select %and3A_202, %add3A_204, %rem3A_190 : vector<16xi1>, vector<16xi32>
    %iota3A_206 = tpu.iota {dimensions = array<i32: 0>} : vector<16xi32>
    %add3A_207 = arith.constant 8 : i32
    %add3A_208 = vector.broadcast %add3A_207 : i32 to vector<16xi32>
    %add3A_209 = arith.addi %iota3A_206, %add3A_208 : vector<16xi32>
    %jit3A_210 = arith.constant 32 : i32
    %eq3A_211 = arith.constant 0 : i32
    %eq3A_212 = arith.cmpi eq, %jit3A_210, %eq3A_211 : i32
    %jit3A_213 = arith.constant 1 : i32
    %select_n3A_214 = arith.select %eq3A_212, %jit3A_213, %jit3A_210 : i32
    %rem3A_215 = vector.broadcast %select_n3A_214 : i32 to vector<16xi32>
    %rem3A_216 = arith.remsi %add3A_209, %rem3A_215 : vector<16xi32>
    %ne3A_217 = arith.constant 0 : i32
    %ne3A_218 = vector.broadcast %ne3A_217 : i32 to vector<16xi32>
    %ne3A_219 = arith.cmpi ne, %rem3A_216, %ne3A_218 : vector<16xi32>
    %lt3A_220 = arith.constant 0 : i32
    %lt3A_221 = vector.broadcast %lt3A_220 : i32 to vector<16xi32>
    %lt3A_222 = arith.cmpi slt, %rem3A_216, %lt3A_221 : vector<16xi32>
    %lt3A_223 = arith.constant 0 : i32
    %lt3A_224 = arith.cmpi slt, %select_n3A_214, %lt3A_223 : i32
    %ne3A_225 = vector.broadcast %lt3A_224 : i1 to vector<16xi1>
    %ne3A_226 = vector.broadcast %ne3A_225 : vector<16xi1> to vector<16xi1>
    %ne3A_227 = arith.xori %lt3A_222, %ne3A_226 : vector<16xi1>
    %and3A_228 = arith.andi %ne3A_227, %ne3A_219 : vector<16xi1>
    %add3A_229 = vector.broadcast %select_n3A_214 : i32 to vector<16xi32>
    %add3A_230 = arith.addi %rem3A_216, %add3A_229 : vector<16xi32>
    %select_n3A_231 = arith.select %and3A_228, %add3A_230, %rem3A_216 : vector<16xi1>, vector<16xi32>
    %iota3A_232 = tpu.iota {dimensions = array<i32: 0>} : vector<16xi32>
    %add3A_233 = arith.constant 9 : i32
    %add3A_234 = vector.broadcast %add3A_233 : i32 to vector<16xi32>
    %add3A_235 = arith.addi %iota3A_232, %add3A_234 : vector<16xi32>
    %jit3A_236 = arith.constant 32 : i32
    %eq3A_237 = arith.constant 0 : i32
    %eq3A_238 = arith.cmpi eq, %jit3A_236, %eq3A_237 : i32
    %jit3A_239 = arith.constant 1 : i32
    %select_n3A_240 = arith.select %eq3A_238, %jit3A_239, %jit3A_236 : i32
    %rem3A_241 = vector.broadcast %select_n3A_240 : i32 to vector<16xi32>
    %rem3A_242 = arith.remsi %add3A_235, %rem3A_241 : vector<16xi32>
    %ne3A_243 = arith.constant 0 : i32
    %ne3A_244 = vector.broadcast %ne3A_243 : i32 to vector<16xi32>
    %ne3A_245 = arith.cmpi ne, %rem3A_242, %ne3A_244 : vector<16xi32>
    %lt3A_246 = arith.constant 0 : i32
    %lt3A_247 = vector.broadcast %lt3A_246 : i32 to vector<16xi32>
    %lt3A_248 = arith.cmpi slt, %rem3A_242, %lt3A_247 : vector<16xi32>
    %lt3A_249 = arith.constant 0 : i32
    %lt3A_250 = arith.cmpi slt, %select_n3A_240, %lt3A_249 : i32
    %ne3A_251 = vector.broadcast %lt3A_250 : i1 to vector<16xi1>
    %ne3A_252 = vector.broadcast %ne3A_251 : vector<16xi1> to vector<16xi1>
    %ne3A_253 = arith.xori %lt3A_248, %ne3A_252 : vector<16xi1>
    %and3A_254 = arith.andi %ne3A_253, %ne3A_245 : vector<16xi1>
    %add3A_255 = vector.broadcast %select_n3A_240 : i32 to vector<16xi32>
    %add3A_256 = arith.addi %rem3A_242, %add3A_255 : vector<16xi32>
    %select_n3A_257 = arith.select %and3A_254, %add3A_256, %rem3A_242 : vector<16xi1>, vector<16xi32>
    %iota3A_258 = tpu.iota {dimensions = array<i32: 0>} : vector<16xi32>
    %add3A_259 = arith.constant 10 : i32
    %add3A_260 = vector.broadcast %add3A_259 : i32 to vector<16xi32>
    %add3A_261 = arith.addi %iota3A_258, %add3A_260 : vector<16xi32>
    %jit3A_262 = arith.constant 32 : i32
    %eq3A_263 = arith.constant 0 : i32
    %eq3A_264 = arith.cmpi eq, %jit3A_262, %eq3A_263 : i32
    %jit3A_265 = arith.constant 1 : i32
    %select_n3A_266 = arith.select %eq3A_264, %jit3A_265, %jit3A_262 : i32
    %rem3A_267 = vector.broadcast %select_n3A_266 : i32 to vector<16xi32>
    %rem3A_268 = arith.remsi %add3A_261, %rem3A_267 : vector<16xi32>
    %ne3A_269 = arith.constant 0 : i32
    %ne3A_270 = vector.broadcast %ne3A_269 : i32 to vector<16xi32>
    %ne3A_271 = arith.cmpi ne, %rem3A_268, %ne3A_270 : vector<16xi32>
    %lt3A_272 = arith.constant 0 : i32
    %lt3A_273 = vector.broadcast %lt3A_272 : i32 to vector<16xi32>
    %lt3A_274 = arith.cmpi slt, %rem3A_268, %lt3A_273 : vector<16xi32>
    %lt3A_275 = arith.constant 0 : i32
    %lt3A_276 = arith.cmpi slt, %select_n3A_266, %lt3A_275 : i32
    %ne3A_277 = vector.broadcast %lt3A_276 : i1 to vector<16xi1>
    %ne3A_278 = vector.broadcast %ne3A_277 : vector<16xi1> to vector<16xi1>
    %ne3A_279 = arith.xori %lt3A_274, %ne3A_278 : vector<16xi1>
    %and3A_280 = arith.andi %ne3A_279, %ne3A_271 : vector<16xi1>
    %add3A_281 = vector.broadcast %select_n3A_266 : i32 to vector<16xi32>
    %add3A_282 = arith.addi %rem3A_268, %add3A_281 : vector<16xi32>
    %select_n3A_283 = arith.select %and3A_280, %add3A_282, %rem3A_268 : vector<16xi1>, vector<16xi32>
    %iota3A_284 = tpu.iota {dimensions = array<i32: 0>} : vector<16xi32>
    %add3A_285 = arith.constant 11 : i32
    %add3A_286 = vector.broadcast %add3A_285 : i32 to vector<16xi32>
    %add3A_287 = arith.addi %iota3A_284, %add3A_286 : vector<16xi32>
    %jit3A_288 = arith.constant 32 : i32
    %eq3A_289 = arith.constant 0 : i32
    %eq3A_290 = arith.cmpi eq, %jit3A_288, %eq3A_289 : i32
    %jit3A_291 = arith.constant 1 : i32
    %select_n3A_292 = arith.select %eq3A_290, %jit3A_291, %jit3A_288 : i32
    %rem3A_293 = vector.broadcast %select_n3A_292 : i32 to vector<16xi32>
    %rem3A_294 = arith.remsi %add3A_287, %rem3A_293 : vector<16xi32>
    %ne3A_295 = arith.constant 0 : i32
    %ne3A_296 = vector.broadcast %ne3A_295 : i32 to vector<16xi32>
    %ne3A_297 = arith.cmpi ne, %rem3A_294, %ne3A_296 : vector<16xi32>
    %lt3A_298 = arith.constant 0 : i32
    %lt3A_299 = vector.broadcast %lt3A_298 : i32 to vector<16xi32>
    %lt3A_300 = arith.cmpi slt, %rem3A_294, %lt3A_299 : vector<16xi32>
    %lt3A_301 = arith.constant 0 : i32
    %lt3A_302 = arith.cmpi slt, %select_n3A_292, %lt3A_301 : i32
    %ne3A_303 = vector.broadcast %lt3A_302 : i1 to vector<16xi1>
    %ne3A_304 = vector.broadcast %ne3A_303 : vector<16xi1> to vector<16xi1>
    %ne3A_305 = arith.xori %lt3A_300, %ne3A_304 : vector<16xi1>
    %and3A_306 = arith.andi %ne3A_305, %ne3A_297 : vector<16xi1>
    %add3A_307 = vector.broadcast %select_n3A_292 : i32 to vector<16xi32>
    %add3A_308 = arith.addi %rem3A_294, %add3A_307 : vector<16xi32>
    %select_n3A_309 = arith.select %and3A_306, %add3A_308, %rem3A_294 : vector<16xi1>, vector<16xi32>
    %iota3A_310 = tpu.iota {dimensions = array<i32: 0>} : vector<16xi32>
    %add3A_311 = arith.constant 12 : i32
    %add3A_312 = vector.broadcast %add3A_311 : i32 to vector<16xi32>
    %add3A_313 = arith.addi %iota3A_310, %add3A_312 : vector<16xi32>
    %jit3A_314 = arith.constant 32 : i32
    %eq3A_315 = arith.constant 0 : i32
    %eq3A_316 = arith.cmpi eq, %jit3A_314, %eq3A_315 : i32
    %jit3A_317 = arith.constant 1 : i32
    %select_n3A_318 = arith.select %eq3A_316, %jit3A_317, %jit3A_314 : i32
    %rem3A_319 = vector.broadcast %select_n3A_318 : i32 to vector<16xi32>
    %rem3A_320 = arith.remsi %add3A_313, %rem3A_319 : vector<16xi32>
    %ne3A_321 = arith.constant 0 : i32
    %ne3A_322 = vector.broadcast %ne3A_321 : i32 to vector<16xi32>
    %ne3A_323 = arith.cmpi ne, %rem3A_320, %ne3A_322 : vector<16xi32>
    %lt3A_324 = arith.constant 0 : i32
    %lt3A_325 = vector.broadcast %lt3A_324 : i32 to vector<16xi32>
    %lt3A_326 = arith.cmpi slt, %rem3A_320, %lt3A_325 : vector<16xi32>
    %lt3A_327 = arith.constant 0 : i32
    %lt3A_328 = arith.cmpi slt, %select_n3A_318, %lt3A_327 : i32
    %ne3A_329 = vector.broadcast %lt3A_328 : i1 to vector<16xi1>
    %ne3A_330 = vector.broadcast %ne3A_329 : vector<16xi1> to vector<16xi1>
    %ne3A_331 = arith.xori %lt3A_326, %ne3A_330 : vector<16xi1>
    %and3A_332 = arith.andi %ne3A_331, %ne3A_323 : vector<16xi1>
    %add3A_333 = vector.broadcast %select_n3A_318 : i32 to vector<16xi32>
    %add3A_334 = arith.addi %rem3A_320, %add3A_333 : vector<16xi32>
    %select_n3A_335 = arith.select %and3A_332, %add3A_334, %rem3A_320 : vector<16xi1>, vector<16xi32>
    %iota3A_336 = tpu.iota {dimensions = array<i32: 0>} : vector<16xi32>
    %add3A_337 = arith.constant 13 : i32
    %add3A_338 = vector.broadcast %add3A_337 : i32 to vector<16xi32>
    %add3A_339 = arith.addi %iota3A_336, %add3A_338 : vector<16xi32>
    %jit3A_340 = arith.constant 32 : i32
    %eq3A_341 = arith.constant 0 : i32
    %eq3A_342 = arith.cmpi eq, %jit3A_340, %eq3A_341 : i32
    %jit3A_343 = arith.constant 1 : i32
    %select_n3A_344 = arith.select %eq3A_342, %jit3A_343, %jit3A_340 : i32
    %rem3A_345 = vector.broadcast %select_n3A_344 : i32 to vector<16xi32>
    %rem3A_346 = arith.remsi %add3A_339, %rem3A_345 : vector<16xi32>
    %ne3A_347 = arith.constant 0 : i32
    %ne3A_348 = vector.broadcast %ne3A_347 : i32 to vector<16xi32>
    %ne3A_349 = arith.cmpi ne, %rem3A_346, %ne3A_348 : vector<16xi32>
    %lt3A_350 = arith.constant 0 : i32
    %lt3A_351 = vector.broadcast %lt3A_350 : i32 to vector<16xi32>
    %lt3A_352 = arith.cmpi slt, %rem3A_346, %lt3A_351 : vector<16xi32>
    %lt3A_353 = arith.constant 0 : i32
    %lt3A_354 = arith.cmpi slt, %select_n3A_344, %lt3A_353 : i32
    %ne3A_355 = vector.broadcast %lt3A_354 : i1 to vector<16xi1>
    %ne3A_356 = vector.broadcast %ne3A_355 : vector<16xi1> to vector<16xi1>
    %ne3A_357 = arith.xori %lt3A_352, %ne3A_356 : vector<16xi1>
    %and3A_358 = arith.andi %ne3A_357, %ne3A_349 : vector<16xi1>
    %add3A_359 = vector.broadcast %select_n3A_344 : i32 to vector<16xi32>
    %add3A_360 = arith.addi %rem3A_346, %add3A_359 : vector<16xi32>
    %select_n3A_361 = arith.select %and3A_358, %add3A_360, %rem3A_346 : vector<16xi1>, vector<16xi32>
    %iota3A_362 = tpu.iota {dimensions = array<i32: 0>} : vector<16xi32>
    %add3A_363 = arith.constant 14 : i32
    %add3A_364 = vector.broadcast %add3A_363 : i32 to vector<16xi32>
    %add3A_365 = arith.addi %iota3A_362, %add3A_364 : vector<16xi32>
    %jit3A_366 = arith.constant 32 : i32
    %eq3A_367 = arith.constant 0 : i32
    %eq3A_368 = arith.cmpi eq, %jit3A_366, %eq3A_367 : i32
    %jit3A_369 = arith.constant 1 : i32
    %select_n3A_370 = arith.select %eq3A_368, %jit3A_369, %jit3A_366 : i32
    %rem3A_371 = vector.broadcast %select_n3A_370 : i32 to vector<16xi32>
    %rem3A_372 = arith.remsi %add3A_365, %rem3A_371 : vector<16xi32>
    %ne3A_373 = arith.constant 0 : i32
    %ne3A_374 = vector.broadcast %ne3A_373 : i32 to vector<16xi32>
    %ne3A_375 = arith.cmpi ne, %rem3A_372, %ne3A_374 : vector<16xi32>
    %lt3A_376 = arith.constant 0 : i32
    %lt3A_377 = vector.broadcast %lt3A_376 : i32 to vector<16xi32>
    %lt3A_378 = arith.cmpi slt, %rem3A_372, %lt3A_377 : vector<16xi32>
    %lt3A_379 = arith.constant 0 : i32
    %lt3A_380 = arith.cmpi slt, %select_n3A_370, %lt3A_379 : i32
    %ne3A_381 = vector.broadcast %lt3A_380 : i1 to vector<16xi1>
    %ne3A_382 = vector.broadcast %ne3A_381 : vector<16xi1> to vector<16xi1>
    %ne3A_383 = arith.xori %lt3A_378, %ne3A_382 : vector<16xi1>
    %and3A_384 = arith.andi %ne3A_383, %ne3A_375 : vector<16xi1>
    %add3A_385 = vector.broadcast %select_n3A_370 : i32 to vector<16xi32>
    %add3A_386 = arith.addi %rem3A_372, %add3A_385 : vector<16xi32>
    %select_n3A_387 = arith.select %and3A_384, %add3A_386, %rem3A_372 : vector<16xi1>, vector<16xi32>
    %iota3A_388 = tpu.iota {dimensions = array<i32: 0>} : vector<16xi32>
    %add3A_389 = arith.constant 15 : i32
    %add3A_390 = vector.broadcast %add3A_389 : i32 to vector<16xi32>
    %add3A_391 = arith.addi %iota3A_388, %add3A_390 : vector<16xi32>
    %jit3A_392 = arith.constant 32 : i32
    %eq3A_393 = arith.constant 0 : i32
    %eq3A_394 = arith.cmpi eq, %jit3A_392, %eq3A_393 : i32
    %jit3A_395 = arith.constant 1 : i32
    %select_n3A_396 = arith.select %eq3A_394, %jit3A_395, %jit3A_392 : i32
    %rem3A_397 = vector.broadcast %select_n3A_396 : i32 to vector<16xi32>
    %rem3A_398 = arith.remsi %add3A_391, %rem3A_397 : vector<16xi32>
    %ne3A_399 = arith.constant 0 : i32
    %ne3A_400 = vector.broadcast %ne3A_399 : i32 to vector<16xi32>
    %ne3A_401 = arith.cmpi ne, %rem3A_398, %ne3A_400 : vector<16xi32>
    %lt3A_402 = arith.constant 0 : i32
    %lt3A_403 = vector.broadcast %lt3A_402 : i32 to vector<16xi32>
    %lt3A_404 = arith.cmpi slt, %rem3A_398, %lt3A_403 : vector<16xi32>
    %lt3A_405 = arith.constant 0 : i32
    %lt3A_406 = arith.cmpi slt, %select_n3A_396, %lt3A_405 : i32
    %ne3A_407 = vector.broadcast %lt3A_406 : i1 to vector<16xi1>
    %ne3A_408 = vector.broadcast %ne3A_407 : vector<16xi1> to vector<16xi1>
    %ne3A_409 = arith.xori %lt3A_404, %ne3A_408 : vector<16xi1>
    %and3A_410 = arith.andi %ne3A_409, %ne3A_401 : vector<16xi1>
    %add3A_411 = vector.broadcast %select_n3A_396 : i32 to vector<16xi32>
    %add3A_412 = arith.addi %rem3A_398, %add3A_411 : vector<16xi32>
    %select_n3A_413 = arith.select %and3A_410, %add3A_412, %rem3A_398 : vector<16xi1>, vector<16xi32>
    %iota3A_414 = tpu.iota {dimensions = array<i32: 0>} : vector<16xi32>
    %add3A_415 = arith.constant 16 : i32
    %add3A_416 = vector.broadcast %add3A_415 : i32 to vector<16xi32>
    %add3A_417 = arith.addi %iota3A_414, %add3A_416 : vector<16xi32>
    %jit3A_418 = arith.constant 32 : i32
    %eq3A_419 = arith.constant 0 : i32
    %eq3A_420 = arith.cmpi eq, %jit3A_418, %eq3A_419 : i32
    %jit3A_421 = arith.constant 1 : i32
    %select_n3A_422 = arith.select %eq3A_420, %jit3A_421, %jit3A_418 : i32
    %rem3A_423 = vector.broadcast %select_n3A_422 : i32 to vector<16xi32>
    %rem3A_424 = arith.remsi %add3A_417, %rem3A_423 : vector<16xi32>
    %ne3A_425 = arith.constant 0 : i32
    %ne3A_426 = vector.broadcast %ne3A_425 : i32 to vector<16xi32>
    %ne3A_427 = arith.cmpi ne, %rem3A_424, %ne3A_426 : vector<16xi32>
    %lt3A_428 = arith.constant 0 : i32
    %lt3A_429 = vector.broadcast %lt3A_428 : i32 to vector<16xi32>
    %lt3A_430 = arith.cmpi slt, %rem3A_424, %lt3A_429 : vector<16xi32>
    %lt3A_431 = arith.constant 0 : i32
    %lt3A_432 = arith.cmpi slt, %select_n3A_422, %lt3A_431 : i32
    %ne3A_433 = vector.broadcast %lt3A_432 : i1 to vector<16xi1>
    %ne3A_434 = vector.broadcast %ne3A_433 : vector<16xi1> to vector<16xi1>
    %ne3A_435 = arith.xori %lt3A_430, %ne3A_434 : vector<16xi1>
    %and3A_436 = arith.andi %ne3A_435, %ne3A_427 : vector<16xi1>
    %add3A_437 = vector.broadcast %select_n3A_422 : i32 to vector<16xi32>
    %add3A_438 = arith.addi %rem3A_424, %add3A_437 : vector<16xi32>
    %select_n3A_439 = arith.select %and3A_436, %add3A_438, %rem3A_424 : vector<16xi1>, vector<16xi32>
    %iota3A_440 = tpu.iota {dimensions = array<i32: 0>} : vector<16xi32>
    %add3A_441 = arith.constant 17 : i32
    %add3A_442 = vector.broadcast %add3A_441 : i32 to vector<16xi32>
    %add3A_443 = arith.addi %iota3A_440, %add3A_442 : vector<16xi32>
    %jit3A_444 = arith.constant 32 : i32
    %eq3A_445 = arith.constant 0 : i32
    %eq3A_446 = arith.cmpi eq, %jit3A_444, %eq3A_445 : i32
    %jit3A_447 = arith.constant 1 : i32
    %select_n3A_448 = arith.select %eq3A_446, %jit3A_447, %jit3A_444 : i32
    %rem3A_449 = vector.broadcast %select_n3A_448 : i32 to vector<16xi32>
    %rem3A_450 = arith.remsi %add3A_443, %rem3A_449 : vector<16xi32>
    %ne3A_451 = arith.constant 0 : i32
    %ne3A_452 = vector.broadcast %ne3A_451 : i32 to vector<16xi32>
    %ne3A_453 = arith.cmpi ne, %rem3A_450, %ne3A_452 : vector<16xi32>
    %lt3A_454 = arith.constant 0 : i32
    %lt3A_455 = vector.broadcast %lt3A_454 : i32 to vector<16xi32>
    %lt3A_456 = arith.cmpi slt, %rem3A_450, %lt3A_455 : vector<16xi32>
    %lt3A_457 = arith.constant 0 : i32
    %lt3A_458 = arith.cmpi slt, %select_n3A_448, %lt3A_457 : i32
    %ne3A_459 = vector.broadcast %lt3A_458 : i1 to vector<16xi1>
    %ne3A_460 = vector.broadcast %ne3A_459 : vector<16xi1> to vector<16xi1>
    %ne3A_461 = arith.xori %lt3A_456, %ne3A_460 : vector<16xi1>
    %and3A_462 = arith.andi %ne3A_461, %ne3A_453 : vector<16xi1>
    %add3A_463 = vector.broadcast %select_n3A_448 : i32 to vector<16xi32>
    %add3A_464 = arith.addi %rem3A_450, %add3A_463 : vector<16xi32>
    %select_n3A_465 = arith.select %and3A_462, %add3A_464, %rem3A_450 : vector<16xi1>, vector<16xi32>
    %iota3A_466 = tpu.iota {dimensions = array<i32: 0>} : vector<16xi32>
    %add3A_467 = arith.constant 18 : i32
    %add3A_468 = vector.broadcast %add3A_467 : i32 to vector<16xi32>
    %add3A_469 = arith.addi %iota3A_466, %add3A_468 : vector<16xi32>
    %jit3A_470 = arith.constant 32 : i32
    %eq3A_471 = arith.constant 0 : i32
    %eq3A_472 = arith.cmpi eq, %jit3A_470, %eq3A_471 : i32
    %jit3A_473 = arith.constant 1 : i32
    %select_n3A_474 = arith.select %eq3A_472, %jit3A_473, %jit3A_470 : i32
    %rem3A_475 = vector.broadcast %select_n3A_474 : i32 to vector<16xi32>
    %rem3A_476 = arith.remsi %add3A_469, %rem3A_475 : vector<16xi32>
    %ne3A_477 = arith.constant 0 : i32
    %ne3A_478 = vector.broadcast %ne3A_477 : i32 to vector<16xi32>
    %ne3A_479 = arith.cmpi ne, %rem3A_476, %ne3A_478 : vector<16xi32>
    %lt3A_480 = arith.constant 0 : i32
    %lt3A_481 = vector.broadcast %lt3A_480 : i32 to vector<16xi32>
    %lt3A_482 = arith.cmpi slt, %rem3A_476, %lt3A_481 : vector<16xi32>
    %lt3A_483 = arith.constant 0 : i32
    %lt3A_484 = arith.cmpi slt, %select_n3A_474, %lt3A_483 : i32
    %ne3A_485 = vector.broadcast %lt3A_484 : i1 to vector<16xi1>
    %ne3A_486 = vector.broadcast %ne3A_485 : vector<16xi1> to vector<16xi1>
    %ne3A_487 = arith.xori %lt3A_482, %ne3A_486 : vector<16xi1>
    %and3A_488 = arith.andi %ne3A_487, %ne3A_479 : vector<16xi1>
    %add3A_489 = vector.broadcast %select_n3A_474 : i32 to vector<16xi32>
    %add3A_490 = arith.addi %rem3A_476, %add3A_489 : vector<16xi32>
    %select_n3A_491 = arith.select %and3A_488, %add3A_490, %rem3A_476 : vector<16xi1>, vector<16xi32>
    %iota3A_492 = tpu.iota {dimensions = array<i32: 0>} : vector<16xi32>
    %add3A_493 = arith.constant 19 : i32
    %add3A_494 = vector.broadcast %add3A_493 : i32 to vector<16xi32>
    %add3A_495 = arith.addi %iota3A_492, %add3A_494 : vector<16xi32>
    %jit3A_496 = arith.constant 32 : i32
    %eq3A_497 = arith.constant 0 : i32
    %eq3A_498 = arith.cmpi eq, %jit3A_496, %eq3A_497 : i32
    %jit3A_499 = arith.constant 1 : i32
    %select_n3A_500 = arith.select %eq3A_498, %jit3A_499, %jit3A_496 : i32
    %rem3A_501 = vector.broadcast %select_n3A_500 : i32 to vector<16xi32>
    %rem3A_502 = arith.remsi %add3A_495, %rem3A_501 : vector<16xi32>
    %ne3A_503 = arith.constant 0 : i32
    %ne3A_504 = vector.broadcast %ne3A_503 : i32 to vector<16xi32>
    %ne3A_505 = arith.cmpi ne, %rem3A_502, %ne3A_504 : vector<16xi32>
    %lt3A_506 = arith.constant 0 : i32
    %lt3A_507 = vector.broadcast %lt3A_506 : i32 to vector<16xi32>
    %lt3A_508 = arith.cmpi slt, %rem3A_502, %lt3A_507 : vector<16xi32>
    %lt3A_509 = arith.constant 0 : i32
    %lt3A_510 = arith.cmpi slt, %select_n3A_500, %lt3A_509 : i32
    %ne3A_511 = vector.broadcast %lt3A_510 : i1 to vector<16xi1>
    %ne3A_512 = vector.broadcast %ne3A_511 : vector<16xi1> to vector<16xi1>
    %ne3A_513 = arith.xori %lt3A_508, %ne3A_512 : vector<16xi1>
    %and3A_514 = arith.andi %ne3A_513, %ne3A_505 : vector<16xi1>
    %add3A_515 = vector.broadcast %select_n3A_500 : i32 to vector<16xi32>
    %add3A_516 = arith.addi %rem3A_502, %add3A_515 : vector<16xi32>
    %select_n3A_517 = arith.select %and3A_514, %add3A_516, %rem3A_502 : vector<16xi1>, vector<16xi32>
    %iota3A_518 = tpu.iota {dimensions = array<i32: 0>} : vector<16xi32>
    %add3A_519 = arith.constant 20 : i32
    %add3A_520 = vector.broadcast %add3A_519 : i32 to vector<16xi32>
    %add3A_521 = arith.addi %iota3A_518, %add3A_520 : vector<16xi32>
    %jit3A_522 = arith.constant 32 : i32
    %eq3A_523 = arith.constant 0 : i32
    %eq3A_524 = arith.cmpi eq, %jit3A_522, %eq3A_523 : i32
    %jit3A_525 = arith.constant 1 : i32
    %select_n3A_526 = arith.select %eq3A_524, %jit3A_525, %jit3A_522 : i32
    %rem3A_527 = vector.broadcast %select_n3A_526 : i32 to vector<16xi32>
    %rem3A_528 = arith.remsi %add3A_521, %rem3A_527 : vector<16xi32>
    %ne3A_529 = arith.constant 0 : i32
    %ne3A_530 = vector.broadcast %ne3A_529 : i32 to vector<16xi32>
    %ne3A_531 = arith.cmpi ne, %rem3A_528, %ne3A_530 : vector<16xi32>
    %lt3A_532 = arith.constant 0 : i32
    %lt3A_533 = vector.broadcast %lt3A_532 : i32 to vector<16xi32>
    %lt3A_534 = arith.cmpi slt, %rem3A_528, %lt3A_533 : vector<16xi32>
    %lt3A_535 = arith.constant 0 : i32
    %lt3A_536 = arith.cmpi slt, %select_n3A_526, %lt3A_535 : i32
    %ne3A_537 = vector.broadcast %lt3A_536 : i1 to vector<16xi1>
    %ne3A_538 = vector.broadcast %ne3A_537 : vector<16xi1> to vector<16xi1>
    %ne3A_539 = arith.xori %lt3A_534, %ne3A_538 : vector<16xi1>
    %and3A_540 = arith.andi %ne3A_539, %ne3A_531 : vector<16xi1>
    %add3A_541 = vector.broadcast %select_n3A_526 : i32 to vector<16xi32>
    %add3A_542 = arith.addi %rem3A_528, %add3A_541 : vector<16xi32>
    %select_n3A_543 = arith.select %and3A_540, %add3A_542, %rem3A_528 : vector<16xi1>, vector<16xi32>
    %iota3A_544 = tpu.iota {dimensions = array<i32: 0>} : vector<16xi32>
    %add3A_545 = arith.constant 21 : i32
    %add3A_546 = vector.broadcast %add3A_545 : i32 to vector<16xi32>
    %add3A_547 = arith.addi %iota3A_544, %add3A_546 : vector<16xi32>
    %jit3A_548 = arith.constant 32 : i32
    %eq3A_549 = arith.constant 0 : i32
    %eq3A_550 = arith.cmpi eq, %jit3A_548, %eq3A_549 : i32
    %jit3A_551 = arith.constant 1 : i32
    %select_n3A_552 = arith.select %eq3A_550, %jit3A_551, %jit3A_548 : i32
    %rem3A_553 = vector.broadcast %select_n3A_552 : i32 to vector<16xi32>
    %rem3A_554 = arith.remsi %add3A_547, %rem3A_553 : vector<16xi32>
    %ne3A_555 = arith.constant 0 : i32
    %ne3A_556 = vector.broadcast %ne3A_555 : i32 to vector<16xi32>
    %ne3A_557 = arith.cmpi ne, %rem3A_554, %ne3A_556 : vector<16xi32>
    %lt3A_558 = arith.constant 0 : i32
    %lt3A_559 = vector.broadcast %lt3A_558 : i32 to vector<16xi32>
    %lt3A_560 = arith.cmpi slt, %rem3A_554, %lt3A_559 : vector<16xi32>
    %lt3A_561 = arith.constant 0 : i32
    %lt3A_562 = arith.cmpi slt, %select_n3A_552, %lt3A_561 : i32
    %ne3A_563 = vector.broadcast %lt3A_562 : i1 to vector<16xi1>
    %ne3A_564 = vector.broadcast %ne3A_563 : vector<16xi1> to vector<16xi1>
    %ne3A_565 = arith.xori %lt3A_560, %ne3A_564 : vector<16xi1>
    %and3A_566 = arith.andi %ne3A_565, %ne3A_557 : vector<16xi1>
    %add3A_567 = vector.broadcast %select_n3A_552 : i32 to vector<16xi32>
    %add3A_568 = arith.addi %rem3A_554, %add3A_567 : vector<16xi32>
    %select_n3A_569 = arith.select %and3A_566, %add3A_568, %rem3A_554 : vector<16xi1>, vector<16xi32>
    %iota3A_570 = tpu.iota {dimensions = array<i32: 0>} : vector<16xi32>
    %add3A_571 = arith.constant 22 : i32
    %add3A_572 = vector.broadcast %add3A_571 : i32 to vector<16xi32>
    %add3A_573 = arith.addi %iota3A_570, %add3A_572 : vector<16xi32>
    %jit3A_574 = arith.constant 32 : i32
    %eq3A_575 = arith.constant 0 : i32
    %eq3A_576 = arith.cmpi eq, %jit3A_574, %eq3A_575 : i32
    %jit3A_577 = arith.constant 1 : i32
    %select_n3A_578 = arith.select %eq3A_576, %jit3A_577, %jit3A_574 : i32
    %rem3A_579 = vector.broadcast %select_n3A_578 : i32 to vector<16xi32>
    %rem3A_580 = arith.remsi %add3A_573, %rem3A_579 : vector<16xi32>
    %ne3A_581 = arith.constant 0 : i32
    %ne3A_582 = vector.broadcast %ne3A_581 : i32 to vector<16xi32>
    %ne3A_583 = arith.cmpi ne, %rem3A_580, %ne3A_582 : vector<16xi32>
    %lt3A_584 = arith.constant 0 : i32
    %lt3A_585 = vector.broadcast %lt3A_584 : i32 to vector<16xi32>
    %lt3A_586 = arith.cmpi slt, %rem3A_580, %lt3A_585 : vector<16xi32>
    %lt3A_587 = arith.constant 0 : i32
    %lt3A_588 = arith.cmpi slt, %select_n3A_578, %lt3A_587 : i32
    %ne3A_589 = vector.broadcast %lt3A_588 : i1 to vector<16xi1>
    %ne3A_590 = vector.broadcast %ne3A_589 : vector<16xi1> to vector<16xi1>
    %ne3A_591 = arith.xori %lt3A_586, %ne3A_590 : vector<16xi1>
    %and3A_592 = arith.andi %ne3A_591, %ne3A_583 : vector<16xi1>
    %add3A_593 = vector.broadcast %select_n3A_578 : i32 to vector<16xi32>
    %add3A_594 = arith.addi %rem3A_580, %add3A_593 : vector<16xi32>
    %select_n3A_595 = arith.select %and3A_592, %add3A_594, %rem3A_580 : vector<16xi1>, vector<16xi32>
    %iota3A_596 = tpu.iota {dimensions = array<i32: 0>} : vector<16xi32>
    %add3A_597 = arith.constant 23 : i32
    %add3A_598 = vector.broadcast %add3A_597 : i32 to vector<16xi32>
    %add3A_599 = arith.addi %iota3A_596, %add3A_598 : vector<16xi32>
    %jit3A_600 = arith.constant 32 : i32
    %eq3A_601 = arith.constant 0 : i32
    %eq3A_602 = arith.cmpi eq, %jit3A_600, %eq3A_601 : i32
    %jit3A_603 = arith.constant 1 : i32
    %select_n3A_604 = arith.select %eq3A_602, %jit3A_603, %jit3A_600 : i32
    %rem3A_605 = vector.broadcast %select_n3A_604 : i32 to vector<16xi32>
    %rem3A_606 = arith.remsi %add3A_599, %rem3A_605 : vector<16xi32>
    %ne3A_607 = arith.constant 0 : i32
    %ne3A_608 = vector.broadcast %ne3A_607 : i32 to vector<16xi32>
    %ne3A_609 = arith.cmpi ne, %rem3A_606, %ne3A_608 : vector<16xi32>
    %lt3A_610 = arith.constant 0 : i32
    %lt3A_611 = vector.broadcast %lt3A_610 : i32 to vector<16xi32>
    %lt3A_612 = arith.cmpi slt, %rem3A_606, %lt3A_611 : vector<16xi32>
    %lt3A_613 = arith.constant 0 : i32
    %lt3A_614 = arith.cmpi slt, %select_n3A_604, %lt3A_613 : i32
    %ne3A_615 = vector.broadcast %lt3A_614 : i1 to vector<16xi1>
    %ne3A_616 = vector.broadcast %ne3A_615 : vector<16xi1> to vector<16xi1>
    %ne3A_617 = arith.xori %lt3A_612, %ne3A_616 : vector<16xi1>
    %and3A_618 = arith.andi %ne3A_617, %ne3A_609 : vector<16xi1>
    %add3A_619 = vector.broadcast %select_n3A_604 : i32 to vector<16xi32>
    %add3A_620 = arith.addi %rem3A_606, %add3A_619 : vector<16xi32>
    %select_n3A_621 = arith.select %and3A_618, %add3A_620, %rem3A_606 : vector<16xi1>, vector<16xi32>
    %iota3A_622 = tpu.iota {dimensions = array<i32: 0>} : vector<16xi32>
    %add3A_623 = arith.constant 24 : i32
    %add3A_624 = vector.broadcast %add3A_623 : i32 to vector<16xi32>
    %add3A_625 = arith.addi %iota3A_622, %add3A_624 : vector<16xi32>
    %jit3A_626 = arith.constant 32 : i32
    %eq3A_627 = arith.constant 0 : i32
    %eq3A_628 = arith.cmpi eq, %jit3A_626, %eq3A_627 : i32
    %jit3A_629 = arith.constant 1 : i32
    %select_n3A_630 = arith.select %eq3A_628, %jit3A_629, %jit3A_626 : i32
    %rem3A_631 = vector.broadcast %select_n3A_630 : i32 to vector<16xi32>
    %rem3A_632 = arith.remsi %add3A_625, %rem3A_631 : vector<16xi32>
    %ne3A_633 = arith.constant 0 : i32
    %ne3A_634 = vector.broadcast %ne3A_633 : i32 to vector<16xi32>
    %ne3A_635 = arith.cmpi ne, %rem3A_632, %ne3A_634 : vector<16xi32>
    %lt3A_636 = arith.constant 0 : i32
    %lt3A_637 = vector.broadcast %lt3A_636 : i32 to vector<16xi32>
    %lt3A_638 = arith.cmpi slt, %rem3A_632, %lt3A_637 : vector<16xi32>
    %lt3A_639 = arith.constant 0 : i32
    %lt3A_640 = arith.cmpi slt, %select_n3A_630, %lt3A_639 : i32
    %ne3A_641 = vector.broadcast %lt3A_640 : i1 to vector<16xi1>
    %ne3A_642 = vector.broadcast %ne3A_641 : vector<16xi1> to vector<16xi1>
    %ne3A_643 = arith.xori %lt3A_638, %ne3A_642 : vector<16xi1>
    %and3A_644 = arith.andi %ne3A_643, %ne3A_635 : vector<16xi1>
    %add3A_645 = vector.broadcast %select_n3A_630 : i32 to vector<16xi32>
    %add3A_646 = arith.addi %rem3A_632, %add3A_645 : vector<16xi32>
    %select_n3A_647 = arith.select %and3A_644, %add3A_646, %rem3A_632 : vector<16xi1>, vector<16xi32>
    %iota3A_648 = tpu.iota {dimensions = array<i32: 0>} : vector<16xi32>
    %add3A_649 = arith.constant 25 : i32
    %add3A_650 = vector.broadcast %add3A_649 : i32 to vector<16xi32>
    %add3A_651 = arith.addi %iota3A_648, %add3A_650 : vector<16xi32>
    %jit3A_652 = arith.constant 32 : i32
    %eq3A_653 = arith.constant 0 : i32
    %eq3A_654 = arith.cmpi eq, %jit3A_652, %eq3A_653 : i32
    %jit3A_655 = arith.constant 1 : i32
    %select_n3A_656 = arith.select %eq3A_654, %jit3A_655, %jit3A_652 : i32
    %rem3A_657 = vector.broadcast %select_n3A_656 : i32 to vector<16xi32>
    %rem3A_658 = arith.remsi %add3A_651, %rem3A_657 : vector<16xi32>
    %ne3A_659 = arith.constant 0 : i32
    %ne3A_660 = vector.broadcast %ne3A_659 : i32 to vector<16xi32>
    %ne3A_661 = arith.cmpi ne, %rem3A_658, %ne3A_660 : vector<16xi32>
    %lt3A_662 = arith.constant 0 : i32
    %lt3A_663 = vector.broadcast %lt3A_662 : i32 to vector<16xi32>
    %lt3A_664 = arith.cmpi slt, %rem3A_658, %lt3A_663 : vector<16xi32>
    %lt3A_665 = arith.constant 0 : i32
    %lt3A_666 = arith.cmpi slt, %select_n3A_656, %lt3A_665 : i32
    %ne3A_667 = vector.broadcast %lt3A_666 : i1 to vector<16xi1>
    %ne3A_668 = vector.broadcast %ne3A_667 : vector<16xi1> to vector<16xi1>
    %ne3A_669 = arith.xori %lt3A_664, %ne3A_668 : vector<16xi1>
    %and3A_670 = arith.andi %ne3A_669, %ne3A_661 : vector<16xi1>
    %add3A_671 = vector.broadcast %select_n3A_656 : i32 to vector<16xi32>
    %add3A_672 = arith.addi %rem3A_658, %add3A_671 : vector<16xi32>
    %select_n3A_673 = arith.select %and3A_670, %add3A_672, %rem3A_658 : vector<16xi1>, vector<16xi32>
    %iota3A_674 = tpu.iota {dimensions = array<i32: 0>} : vector<16xi32>
    %add3A_675 = arith.constant 26 : i32
    %add3A_676 = vector.broadcast %add3A_675 : i32 to vector<16xi32>
    %add3A_677 = arith.addi %iota3A_674, %add3A_676 : vector<16xi32>
    %jit3A_678 = arith.constant 32 : i32
    %eq3A_679 = arith.constant 0 : i32
    %eq3A_680 = arith.cmpi eq, %jit3A_678, %eq3A_679 : i32
    %jit3A_681 = arith.constant 1 : i32
    %select_n3A_682 = arith.select %eq3A_680, %jit3A_681, %jit3A_678 : i32
    %rem3A_683 = vector.broadcast %select_n3A_682 : i32 to vector<16xi32>
    %rem3A_684 = arith.remsi %add3A_677, %rem3A_683 : vector<16xi32>
    %ne3A_685 = arith.constant 0 : i32
    %ne3A_686 = vector.broadcast %ne3A_685 : i32 to vector<16xi32>
    %ne3A_687 = arith.cmpi ne, %rem3A_684, %ne3A_686 : vector<16xi32>
    %lt3A_688 = arith.constant 0 : i32
    %lt3A_689 = vector.broadcast %lt3A_688 : i32 to vector<16xi32>
    %lt3A_690 = arith.cmpi slt, %rem3A_684, %lt3A_689 : vector<16xi32>
    %lt3A_691 = arith.constant 0 : i32
    %lt3A_692 = arith.cmpi slt, %select_n3A_682, %lt3A_691 : i32
    %ne3A_693 = vector.broadcast %lt3A_692 : i1 to vector<16xi1>
    %ne3A_694 = vector.broadcast %ne3A_693 : vector<16xi1> to vector<16xi1>
    %ne3A_695 = arith.xori %lt3A_690, %ne3A_694 : vector<16xi1>
    %and3A_696 = arith.andi %ne3A_695, %ne3A_687 : vector<16xi1>
    %add3A_697 = vector.broadcast %select_n3A_682 : i32 to vector<16xi32>
    %add3A_698 = arith.addi %rem3A_684, %add3A_697 : vector<16xi32>
    %select_n3A_699 = arith.select %and3A_696, %add3A_698, %rem3A_684 : vector<16xi1>, vector<16xi32>
    %iota3A_700 = tpu.iota {dimensions = array<i32: 0>} : vector<16xi32>
    %add3A_701 = arith.constant 27 : i32
    %add3A_702 = vector.broadcast %add3A_701 : i32 to vector<16xi32>
    %add3A_703 = arith.addi %iota3A_700, %add3A_702 : vector<16xi32>
    %jit3A_704 = arith.constant 32 : i32
    %eq3A_705 = arith.constant 0 : i32
    %eq3A_706 = arith.cmpi eq, %jit3A_704, %eq3A_705 : i32
    %jit3A_707 = arith.constant 1 : i32
    %select_n3A_708 = arith.select %eq3A_706, %jit3A_707, %jit3A_704 : i32
    %rem3A_709 = vector.broadcast %select_n3A_708 : i32 to vector<16xi32>
    %rem3A_710 = arith.remsi %add3A_703, %rem3A_709 : vector<16xi32>
    %ne3A_711 = arith.constant 0 : i32
    %ne3A_712 = vector.broadcast %ne3A_711 : i32 to vector<16xi32>
    %ne3A_713 = arith.cmpi ne, %rem3A_710, %ne3A_712 : vector<16xi32>
    %lt3A_714 = arith.constant 0 : i32
    %lt3A_715 = vector.broadcast %lt3A_714 : i32 to vector<16xi32>
    %lt3A_716 = arith.cmpi slt, %rem3A_710, %lt3A_715 : vector<16xi32>
    %lt3A_717 = arith.constant 0 : i32
    %lt3A_718 = arith.cmpi slt, %select_n3A_708, %lt3A_717 : i32
    %ne3A_719 = vector.broadcast %lt3A_718 : i1 to vector<16xi1>
    %ne3A_720 = vector.broadcast %ne3A_719 : vector<16xi1> to vector<16xi1>
    %ne3A_721 = arith.xori %lt3A_716, %ne3A_720 : vector<16xi1>
    %and3A_722 = arith.andi %ne3A_721, %ne3A_713 : vector<16xi1>
    %add3A_723 = vector.broadcast %select_n3A_708 : i32 to vector<16xi32>
    %add3A_724 = arith.addi %rem3A_710, %add3A_723 : vector<16xi32>
    %select_n3A_725 = arith.select %and3A_722, %add3A_724, %rem3A_710 : vector<16xi1>, vector<16xi32>
    %iota3A_726 = tpu.iota {dimensions = array<i32: 0>} : vector<16xi32>
    %add3A_727 = arith.constant 28 : i32
    %add3A_728 = vector.broadcast %add3A_727 : i32 to vector<16xi32>
    %add3A_729 = arith.addi %iota3A_726, %add3A_728 : vector<16xi32>
    %jit3A_730 = arith.constant 32 : i32
    %eq3A_731 = arith.constant 0 : i32
    %eq3A_732 = arith.cmpi eq, %jit3A_730, %eq3A_731 : i32
    %jit3A_733 = arith.constant 1 : i32
    %select_n3A_734 = arith.select %eq3A_732, %jit3A_733, %jit3A_730 : i32
    %rem3A_735 = vector.broadcast %select_n3A_734 : i32 to vector<16xi32>
    %rem3A_736 = arith.remsi %add3A_729, %rem3A_735 : vector<16xi32>
    %ne3A_737 = arith.constant 0 : i32
    %ne3A_738 = vector.broadcast %ne3A_737 : i32 to vector<16xi32>
    %ne3A_739 = arith.cmpi ne, %rem3A_736, %ne3A_738 : vector<16xi32>
    %lt3A_740 = arith.constant 0 : i32
    %lt3A_741 = vector.broadcast %lt3A_740 : i32 to vector<16xi32>
    %lt3A_742 = arith.cmpi slt, %rem3A_736, %lt3A_741 : vector<16xi32>
    %lt3A_743 = arith.constant 0 : i32
    %lt3A_744 = arith.cmpi slt, %select_n3A_734, %lt3A_743 : i32
    %ne3A_745 = vector.broadcast %lt3A_744 : i1 to vector<16xi1>
    %ne3A_746 = vector.broadcast %ne3A_745 : vector<16xi1> to vector<16xi1>
    %ne3A_747 = arith.xori %lt3A_742, %ne3A_746 : vector<16xi1>
    %and3A_748 = arith.andi %ne3A_747, %ne3A_739 : vector<16xi1>
    %add3A_749 = vector.broadcast %select_n3A_734 : i32 to vector<16xi32>
    %add3A_750 = arith.addi %rem3A_736, %add3A_749 : vector<16xi32>
    %select_n3A_751 = arith.select %and3A_748, %add3A_750, %rem3A_736 : vector<16xi1>, vector<16xi32>
    %iota3A_752 = tpu.iota {dimensions = array<i32: 0>} : vector<16xi32>
    %add3A_753 = arith.constant 29 : i32
    %add3A_754 = vector.broadcast %add3A_753 : i32 to vector<16xi32>
    %add3A_755 = arith.addi %iota3A_752, %add3A_754 : vector<16xi32>
    %jit3A_756 = arith.constant 32 : i32
    %eq3A_757 = arith.constant 0 : i32
    %eq3A_758 = arith.cmpi eq, %jit3A_756, %eq3A_757 : i32
    %jit3A_759 = arith.constant 1 : i32
    %select_n3A_760 = arith.select %eq3A_758, %jit3A_759, %jit3A_756 : i32
    %rem3A_761 = vector.broadcast %select_n3A_760 : i32 to vector<16xi32>
    %rem3A_762 = arith.remsi %add3A_755, %rem3A_761 : vector<16xi32>
    %ne3A_763 = arith.constant 0 : i32
    %ne3A_764 = vector.broadcast %ne3A_763 : i32 to vector<16xi32>
    %ne3A_765 = arith.cmpi ne, %rem3A_762, %ne3A_764 : vector<16xi32>
    %lt3A_766 = arith.constant 0 : i32
    %lt3A_767 = vector.broadcast %lt3A_766 : i32 to vector<16xi32>
    %lt3A_768 = arith.cmpi slt, %rem3A_762, %lt3A_767 : vector<16xi32>
    %lt3A_769 = arith.constant 0 : i32
    %lt3A_770 = arith.cmpi slt, %select_n3A_760, %lt3A_769 : i32
    %ne3A_771 = vector.broadcast %lt3A_770 : i1 to vector<16xi1>
    %ne3A_772 = vector.broadcast %ne3A_771 : vector<16xi1> to vector<16xi1>
    %ne3A_773 = arith.xori %lt3A_768, %ne3A_772 : vector<16xi1>
    %and3A_774 = arith.andi %ne3A_773, %ne3A_765 : vector<16xi1>
    %add3A_775 = vector.broadcast %select_n3A_760 : i32 to vector<16xi32>
    %add3A_776 = arith.addi %rem3A_762, %add3A_775 : vector<16xi32>
    %select_n3A_777 = arith.select %and3A_774, %add3A_776, %rem3A_762 : vector<16xi1>, vector<16xi32>
    %iota3A_778 = tpu.iota {dimensions = array<i32: 0>} : vector<16xi32>
    %add3A_779 = arith.constant 30 : i32
    %add3A_780 = vector.broadcast %add3A_779 : i32 to vector<16xi32>
    %add3A_781 = arith.addi %iota3A_778, %add3A_780 : vector<16xi32>
    %jit3A_782 = arith.constant 32 : i32
    %eq3A_783 = arith.constant 0 : i32
    %eq3A_784 = arith.cmpi eq, %jit3A_782, %eq3A_783 : i32
    %jit3A_785 = arith.constant 1 : i32
    %select_n3A_786 = arith.select %eq3A_784, %jit3A_785, %jit3A_782 : i32
    %rem3A_787 = vector.broadcast %select_n3A_786 : i32 to vector<16xi32>
    %rem3A_788 = arith.remsi %add3A_781, %rem3A_787 : vector<16xi32>
    %ne3A_789 = arith.constant 0 : i32
    %ne3A_790 = vector.broadcast %ne3A_789 : i32 to vector<16xi32>
    %ne3A_791 = arith.cmpi ne, %rem3A_788, %ne3A_790 : vector<16xi32>
    %lt3A_792 = arith.constant 0 : i32
    %lt3A_793 = vector.broadcast %lt3A_792 : i32 to vector<16xi32>
    %lt3A_794 = arith.cmpi slt, %rem3A_788, %lt3A_793 : vector<16xi32>
    %lt3A_795 = arith.constant 0 : i32
    %lt3A_796 = arith.cmpi slt, %select_n3A_786, %lt3A_795 : i32
    %ne3A_797 = vector.broadcast %lt3A_796 : i1 to vector<16xi1>
    %ne3A_798 = vector.broadcast %ne3A_797 : vector<16xi1> to vector<16xi1>
    %ne3A_799 = arith.xori %lt3A_794, %ne3A_798 : vector<16xi1>
    %and3A_800 = arith.andi %ne3A_799, %ne3A_791 : vector<16xi1>
    %add3A_801 = vector.broadcast %select_n3A_786 : i32 to vector<16xi32>
    %add3A_802 = arith.addi %rem3A_788, %add3A_801 : vector<16xi32>
    %select_n3A_803 = arith.select %and3A_800, %add3A_802, %rem3A_788 : vector<16xi1>, vector<16xi32>
    %iota3A_804 = tpu.iota {dimensions = array<i32: 0>} : vector<16xi32>
    %add3A_805 = arith.constant 31 : i32
    %add3A_806 = vector.broadcast %add3A_805 : i32 to vector<16xi32>
    %add3A_807 = arith.addi %iota3A_804, %add3A_806 : vector<16xi32>
    %jit3A_808 = arith.constant 32 : i32
    %eq3A_809 = arith.constant 0 : i32
    %eq3A_810 = arith.cmpi eq, %jit3A_808, %eq3A_809 : i32
    %jit3A_811 = arith.constant 1 : i32
    %select_n3A_812 = arith.select %eq3A_810, %jit3A_811, %jit3A_808 : i32
    %rem3A_813 = vector.broadcast %select_n3A_812 : i32 to vector<16xi32>
    %rem3A_814 = arith.remsi %add3A_807, %rem3A_813 : vector<16xi32>
    %ne3A_815 = arith.constant 0 : i32
    %ne3A_816 = vector.broadcast %ne3A_815 : i32 to vector<16xi32>
    %ne3A_817 = arith.cmpi ne, %rem3A_814, %ne3A_816 : vector<16xi32>
    %lt3A_818 = arith.constant 0 : i32
    %lt3A_819 = vector.broadcast %lt3A_818 : i32 to vector<16xi32>
    %lt3A_820 = arith.cmpi slt, %rem3A_814, %lt3A_819 : vector<16xi32>
    %lt3A_821 = arith.constant 0 : i32
    %lt3A_822 = arith.cmpi slt, %select_n3A_812, %lt3A_821 : i32
    %ne3A_823 = vector.broadcast %lt3A_822 : i1 to vector<16xi1>
    %ne3A_824 = vector.broadcast %ne3A_823 : vector<16xi1> to vector<16xi1>
    %ne3A_825 = arith.xori %lt3A_820, %ne3A_824 : vector<16xi1>
    %and3A_826 = arith.andi %ne3A_825, %ne3A_817 : vector<16xi1>
    %add3A_827 = vector.broadcast %select_n3A_812 : i32 to vector<16xi32>
    %add3A_828 = arith.addi %rem3A_814, %add3A_827 : vector<16xi32>
    %select_n3A_829 = arith.select %and3A_826, %add3A_828, %rem3A_814 : vector<16xi1>, vector<16xi32>
    %jit3A_830 = arith.constant 8 : i32
    %div3A = vector.broadcast %jit3A_830 : i32 to vector<16xi32>
    %div3A_831 = arith.divsi %select_n3A_23, %div3A : vector<16xi32>
    %sign3A = arith.constant 0 : i32
    %sign3A_832 = vector.broadcast %sign3A : i32 to vector<16xi32>
    %sign3A_833 = arith.cmpi sgt, %select_n3A_23, %sign3A_832 : vector<16xi32>
    %sign3A_834 = arith.extui %sign3A_833 : vector<16xi1> to vector<16xi32>
    %sign3A_835 = arith.constant 0 : i32
    %sign3A_836 = vector.broadcast %sign3A_835 : i32 to vector<16xi32>
    %sign3A_837 = arith.cmpi slt, %select_n3A_23, %sign3A_836 : vector<16xi32>
    %sign3A_838 = arith.extui %sign3A_837 : vector<16xi1> to vector<16xi32>
    %sign3A_839 = arith.subi %sign3A_834, %sign3A_838 : vector<16xi32>
    %sign3A_840 = arith.constant 0 : i32
    %sign3A_841 = arith.cmpi sgt, %jit3A_830, %sign3A_840 : i32
    %sign3A_842 = arith.extui %sign3A_841 : i1 to i32
    %sign3A_843 = arith.constant 0 : i32
    %sign3A_844 = arith.cmpi slt, %jit3A_830, %sign3A_843 : i32
    %sign3A_845 = arith.extui %sign3A_844 : i1 to i32
    %sign3A_846 = arith.subi %sign3A_842, %sign3A_845 : i32
    %ne3A_847 = vector.broadcast %sign3A_846 : i32 to vector<16xi32>
    %ne3A_848 = arith.cmpi ne, %sign3A_839, %ne3A_847 : vector<16xi32>
    %rem3A_849 = vector.broadcast %jit3A_830 : i32 to vector<16xi32>
    %rem3A_850 = arith.remsi %select_n3A_23, %rem3A_849 : vector<16xi32>
    %ne3A_851 = arith.constant 0 : i32
    %ne3A_852 = vector.broadcast %ne3A_851 : i32 to vector<16xi32>
    %ne3A_853 = arith.cmpi ne, %rem3A_850, %ne3A_852 : vector<16xi32>
    %and3A_854 = arith.andi %ne3A_848, %ne3A_853 : vector<16xi1>
    %sub3A = arith.constant 1 : i32
    %sub3A_855 = vector.broadcast %sub3A : i32 to vector<16xi32>
    %sub3A_856 = arith.subi %div3A_831, %sub3A_855 : vector<16xi32>
    %select_n3A_857 = arith.select %and3A_854, %sub3A_856, %div3A_831 : vector<16xi1>, vector<16xi32>
    %mul3A_858 = arith.constant 4096 : i32
    %mul3A_859 = vector.broadcast %mul3A_858 : i32 to vector<16xi32>
    %mul3A_860 = arith.muli %select_n3A_857, %mul3A_859 : vector<16xi32>
    %jit3A_861 = arith.constant 8 : i32
    %eq3A_862 = arith.constant 0 : i32
    %eq3A_863 = arith.cmpi eq, %jit3A_861, %eq3A_862 : i32
    %jit3A_864 = arith.constant 1 : i32
    %select_n3A_865 = arith.select %eq3A_863, %jit3A_864, %jit3A_861 : i32
    %rem3A_866 = vector.broadcast %select_n3A_865 : i32 to vector<16xi32>
    %rem3A_867 = arith.remsi %select_n3A_23, %rem3A_866 : vector<16xi32>
    %ne3A_868 = arith.constant 0 : i32
    %ne3A_869 = vector.broadcast %ne3A_868 : i32 to vector<16xi32>
    %ne3A_870 = arith.cmpi ne, %rem3A_867, %ne3A_869 : vector<16xi32>
    %lt3A_871 = arith.constant 0 : i32
    %lt3A_872 = vector.broadcast %lt3A_871 : i32 to vector<16xi32>
    %lt3A_873 = arith.cmpi slt, %rem3A_867, %lt3A_872 : vector<16xi32>
    %lt3A_874 = arith.constant 0 : i32
    %lt3A_875 = arith.cmpi slt, %select_n3A_865, %lt3A_874 : i32
    %ne3A_876 = vector.broadcast %lt3A_875 : i1 to vector<16xi1>
    %ne3A_877 = vector.broadcast %ne3A_876 : vector<16xi1> to vector<16xi1>
    %ne3A_878 = arith.xori %lt3A_873, %ne3A_877 : vector<16xi1>
    %and3A_879 = arith.andi %ne3A_878, %ne3A_870 : vector<16xi1>
    %add3A_880 = vector.broadcast %select_n3A_865 : i32 to vector<16xi32>
    %add3A_881 = arith.addi %rem3A_867, %add3A_880 : vector<16xi32>
    %select_n3A_882 = arith.select %and3A_879, %add3A_881, %rem3A_867 : vector<16xi1>, vector<16xi32>
    %mul3A_883 = arith.constant 128 : i32
    %mul3A_884 = vector.broadcast %mul3A_883 : i32 to vector<16xi32>
    %mul3A_885 = arith.muli %select_n3A_882, %mul3A_884 : vector<16xi32>
    %add3A_886 = arith.addi %mul3A_860, %mul3A_885 : vector<16xi32>
    %add3A_887 = arith.addi %add3A_886, %iota3A : vector<16xi32>
    %jit3A_888 = arith.constant 8 : i32
    %div3A_889 = vector.broadcast %jit3A_888 : i32 to vector<16xi32>
    %div3A_890 = arith.divsi %select_n3A_49, %div3A_889 : vector<16xi32>
    %sign3A_891 = arith.constant 0 : i32
    %sign3A_892 = vector.broadcast %sign3A_891 : i32 to vector<16xi32>
    %sign3A_893 = arith.cmpi sgt, %select_n3A_49, %sign3A_892 : vector<16xi32>
    %sign3A_894 = arith.extui %sign3A_893 : vector<16xi1> to vector<16xi32>
    %sign3A_895 = arith.constant 0 : i32
    %sign3A_896 = vector.broadcast %sign3A_895 : i32 to vector<16xi32>
    %sign3A_897 = arith.cmpi slt, %select_n3A_49, %sign3A_896 : vector<16xi32>
    %sign3A_898 = arith.extui %sign3A_897 : vector<16xi1> to vector<16xi32>
    %sign3A_899 = arith.subi %sign3A_894, %sign3A_898 : vector<16xi32>
    %sign3A_900 = arith.constant 0 : i32
    %sign3A_901 = arith.cmpi sgt, %jit3A_888, %sign3A_900 : i32
    %sign3A_902 = arith.extui %sign3A_901 : i1 to i32
    %sign3A_903 = arith.constant 0 : i32
    %sign3A_904 = arith.cmpi slt, %jit3A_888, %sign3A_903 : i32
    %sign3A_905 = arith.extui %sign3A_904 : i1 to i32
    %sign3A_906 = arith.subi %sign3A_902, %sign3A_905 : i32
    %ne3A_907 = vector.broadcast %sign3A_906 : i32 to vector<16xi32>
    %ne3A_908 = arith.cmpi ne, %sign3A_899, %ne3A_907 : vector<16xi32>
    %rem3A_909 = vector.broadcast %jit3A_888 : i32 to vector<16xi32>
    %rem3A_910 = arith.remsi %select_n3A_49, %rem3A_909 : vector<16xi32>
    %ne3A_911 = arith.constant 0 : i32
    %ne3A_912 = vector.broadcast %ne3A_911 : i32 to vector<16xi32>
    %ne3A_913 = arith.cmpi ne, %rem3A_910, %ne3A_912 : vector<16xi32>
    %and3A_914 = arith.andi %ne3A_908, %ne3A_913 : vector<16xi1>
    %sub3A_915 = arith.constant 1 : i32
    %sub3A_916 = vector.broadcast %sub3A_915 : i32 to vector<16xi32>
    %sub3A_917 = arith.subi %div3A_890, %sub3A_916 : vector<16xi32>
    %select_n3A_918 = arith.select %and3A_914, %sub3A_917, %div3A_890 : vector<16xi1>, vector<16xi32>
    %mul3A_919 = arith.constant 4096 : i32
    %mul3A_920 = vector.broadcast %mul3A_919 : i32 to vector<16xi32>
    %mul3A_921 = arith.muli %select_n3A_918, %mul3A_920 : vector<16xi32>
    %jit3A_922 = arith.constant 8 : i32
    %eq3A_923 = arith.constant 0 : i32
    %eq3A_924 = arith.cmpi eq, %jit3A_922, %eq3A_923 : i32
    %jit3A_925 = arith.constant 1 : i32
    %select_n3A_926 = arith.select %eq3A_924, %jit3A_925, %jit3A_922 : i32
    %rem3A_927 = vector.broadcast %select_n3A_926 : i32 to vector<16xi32>
    %rem3A_928 = arith.remsi %select_n3A_49, %rem3A_927 : vector<16xi32>
    %ne3A_929 = arith.constant 0 : i32
    %ne3A_930 = vector.broadcast %ne3A_929 : i32 to vector<16xi32>
    %ne3A_931 = arith.cmpi ne, %rem3A_928, %ne3A_930 : vector<16xi32>
    %lt3A_932 = arith.constant 0 : i32
    %lt3A_933 = vector.broadcast %lt3A_932 : i32 to vector<16xi32>
    %lt3A_934 = arith.cmpi slt, %rem3A_928, %lt3A_933 : vector<16xi32>
    %lt3A_935 = arith.constant 0 : i32
    %lt3A_936 = arith.cmpi slt, %select_n3A_926, %lt3A_935 : i32
    %ne3A_937 = vector.broadcast %lt3A_936 : i1 to vector<16xi1>
    %ne3A_938 = vector.broadcast %ne3A_937 : vector<16xi1> to vector<16xi1>
    %ne3A_939 = arith.xori %lt3A_934, %ne3A_938 : vector<16xi1>
    %and3A_940 = arith.andi %ne3A_939, %ne3A_931 : vector<16xi1>
    %add3A_941 = vector.broadcast %select_n3A_926 : i32 to vector<16xi32>
    %add3A_942 = arith.addi %rem3A_928, %add3A_941 : vector<16xi32>
    %select_n3A_943 = arith.select %and3A_940, %add3A_942, %rem3A_928 : vector<16xi1>, vector<16xi32>
    %mul3A_944 = arith.constant 128 : i32
    %mul3A_945 = vector.broadcast %mul3A_944 : i32 to vector<16xi32>
    %mul3A_946 = arith.muli %select_n3A_943, %mul3A_945 : vector<16xi32>
    %add3A_947 = arith.addi %mul3A_921, %mul3A_946 : vector<16xi32>
    %add3A_948 = arith.addi %add3A_947, %iota3A : vector<16xi32>
    %jit3A_949 = arith.constant 8 : i32
    %div3A_950 = vector.broadcast %jit3A_949 : i32 to vector<16xi32>
    %div3A_951 = arith.divsi %select_n3A_75, %div3A_950 : vector<16xi32>
    %sign3A_952 = arith.constant 0 : i32
    %sign3A_953 = vector.broadcast %sign3A_952 : i32 to vector<16xi32>
    %sign3A_954 = arith.cmpi sgt, %select_n3A_75, %sign3A_953 : vector<16xi32>
    %sign3A_955 = arith.extui %sign3A_954 : vector<16xi1> to vector<16xi32>
    %sign3A_956 = arith.constant 0 : i32
    %sign3A_957 = vector.broadcast %sign3A_956 : i32 to vector<16xi32>
    %sign3A_958 = arith.cmpi slt, %select_n3A_75, %sign3A_957 : vector<16xi32>
    %sign3A_959 = arith.extui %sign3A_958 : vector<16xi1> to vector<16xi32>
    %sign3A_960 = arith.subi %sign3A_955, %sign3A_959 : vector<16xi32>
    %sign3A_961 = arith.constant 0 : i32
    %sign3A_962 = arith.cmpi sgt, %jit3A_949, %sign3A_961 : i32
    %sign3A_963 = arith.extui %sign3A_962 : i1 to i32
    %sign3A_964 = arith.constant 0 : i32
    %sign3A_965 = arith.cmpi slt, %jit3A_949, %sign3A_964 : i32
    %sign3A_966 = arith.extui %sign3A_965 : i1 to i32
    %sign3A_967 = arith.subi %sign3A_963, %sign3A_966 : i32
    %ne3A_968 = vector.broadcast %sign3A_967 : i32 to vector<16xi32>
    %ne3A_969 = arith.cmpi ne, %sign3A_960, %ne3A_968 : vector<16xi32>
    %rem3A_970 = vector.broadcast %jit3A_949 : i32 to vector<16xi32>
    %rem3A_971 = arith.remsi %select_n3A_75, %rem3A_970 : vector<16xi32>
    %ne3A_972 = arith.constant 0 : i32
    %ne3A_973 = vector.broadcast %ne3A_972 : i32 to vector<16xi32>
    %ne3A_974 = arith.cmpi ne, %rem3A_971, %ne3A_973 : vector<16xi32>
    %and3A_975 = arith.andi %ne3A_969, %ne3A_974 : vector<16xi1>
    %sub3A_976 = arith.constant 1 : i32
    %sub3A_977 = vector.broadcast %sub3A_976 : i32 to vector<16xi32>
    %sub3A_978 = arith.subi %div3A_951, %sub3A_977 : vector<16xi32>
    %select_n3A_979 = arith.select %and3A_975, %sub3A_978, %div3A_951 : vector<16xi1>, vector<16xi32>
    %mul3A_980 = arith.constant 4096 : i32
    %mul3A_981 = vector.broadcast %mul3A_980 : i32 to vector<16xi32>
    %mul3A_982 = arith.muli %select_n3A_979, %mul3A_981 : vector<16xi32>
    %jit3A_983 = arith.constant 8 : i32
    %eq3A_984 = arith.constant 0 : i32
    %eq3A_985 = arith.cmpi eq, %jit3A_983, %eq3A_984 : i32
    %jit3A_986 = arith.constant 1 : i32
    %select_n3A_987 = arith.select %eq3A_985, %jit3A_986, %jit3A_983 : i32
    %rem3A_988 = vector.broadcast %select_n3A_987 : i32 to vector<16xi32>
    %rem3A_989 = arith.remsi %select_n3A_75, %rem3A_988 : vector<16xi32>
    %ne3A_990 = arith.constant 0 : i32
    %ne3A_991 = vector.broadcast %ne3A_990 : i32 to vector<16xi32>
    %ne3A_992 = arith.cmpi ne, %rem3A_989, %ne3A_991 : vector<16xi32>
    %lt3A_993 = arith.constant 0 : i32
    %lt3A_994 = vector.broadcast %lt3A_993 : i32 to vector<16xi32>
    %lt3A_995 = arith.cmpi slt, %rem3A_989, %lt3A_994 : vector<16xi32>
    %lt3A_996 = arith.constant 0 : i32
    %lt3A_997 = arith.cmpi slt, %select_n3A_987, %lt3A_996 : i32
    %ne3A_998 = vector.broadcast %lt3A_997 : i1 to vector<16xi1>
    %ne3A_999 = vector.broadcast %ne3A_998 : vector<16xi1> to vector<16xi1>
    %ne3A_1000 = arith.xori %lt3A_995, %ne3A_999 : vector<16xi1>
    %and3A_1001 = arith.andi %ne3A_1000, %ne3A_992 : vector<16xi1>
    %add3A_1002 = vector.broadcast %select_n3A_987 : i32 to vector<16xi32>
    %add3A_1003 = arith.addi %rem3A_989, %add3A_1002 : vector<16xi32>
    %select_n3A_1004 = arith.select %and3A_1001, %add3A_1003, %rem3A_989 : vector<16xi1>, vector<16xi32>
    %mul3A_1005 = arith.constant 128 : i32
    %mul3A_1006 = vector.broadcast %mul3A_1005 : i32 to vector<16xi32>
    %mul3A_1007 = arith.muli %select_n3A_1004, %mul3A_1006 : vector<16xi32>
    %add3A_1008 = arith.addi %mul3A_982, %mul3A_1007 : vector<16xi32>
    %add3A_1009 = arith.addi %add3A_1008, %iota3A : vector<16xi32>
    %jit3A_1010 = arith.constant 8 : i32
    %div3A_1011 = vector.broadcast %jit3A_1010 : i32 to vector<16xi32>
    %div3A_1012 = arith.divsi %select_n3A_101, %div3A_1011 : vector<16xi32>
    %sign3A_1013 = arith.constant 0 : i32
    %sign3A_1014 = vector.broadcast %sign3A_1013 : i32 to vector<16xi32>
    %sign3A_1015 = arith.cmpi sgt, %select_n3A_101, %sign3A_1014 : vector<16xi32>
    %sign3A_1016 = arith.extui %sign3A_1015 : vector<16xi1> to vector<16xi32>
    %sign3A_1017 = arith.constant 0 : i32
    %sign3A_1018 = vector.broadcast %sign3A_1017 : i32 to vector<16xi32>
    %sign3A_1019 = arith.cmpi slt, %select_n3A_101, %sign3A_1018 : vector<16xi32>
    %sign3A_1020 = arith.extui %sign3A_1019 : vector<16xi1> to vector<16xi32>
    %sign3A_1021 = arith.subi %sign3A_1016, %sign3A_1020 : vector<16xi32>
    %sign3A_1022 = arith.constant 0 : i32
    %sign3A_1023 = arith.cmpi sgt, %jit3A_1010, %sign3A_1022 : i32
    %sign3A_1024 = arith.extui %sign3A_1023 : i1 to i32
    %sign3A_1025 = arith.constant 0 : i32
    %sign3A_1026 = arith.cmpi slt, %jit3A_1010, %sign3A_1025 : i32
    %sign3A_1027 = arith.extui %sign3A_1026 : i1 to i32
    %sign3A_1028 = arith.subi %sign3A_1024, %sign3A_1027 : i32
    %ne3A_1029 = vector.broadcast %sign3A_1028 : i32 to vector<16xi32>
    %ne3A_1030 = arith.cmpi ne, %sign3A_1021, %ne3A_1029 : vector<16xi32>
    %rem3A_1031 = vector.broadcast %jit3A_1010 : i32 to vector<16xi32>
    %rem3A_1032 = arith.remsi %select_n3A_101, %rem3A_1031 : vector<16xi32>
    %ne3A_1033 = arith.constant 0 : i32
    %ne3A_1034 = vector.broadcast %ne3A_1033 : i32 to vector<16xi32>
    %ne3A_1035 = arith.cmpi ne, %rem3A_1032, %ne3A_1034 : vector<16xi32>
    %and3A_1036 = arith.andi %ne3A_1030, %ne3A_1035 : vector<16xi1>
    %sub3A_1037 = arith.constant 1 : i32
    %sub3A_1038 = vector.broadcast %sub3A_1037 : i32 to vector<16xi32>
    %sub3A_1039 = arith.subi %div3A_1012, %sub3A_1038 : vector<16xi32>
    %select_n3A_1040 = arith.select %and3A_1036, %sub3A_1039, %div3A_1012 : vector<16xi1>, vector<16xi32>
    %mul3A_1041 = arith.constant 4096 : i32
    %mul3A_1042 = vector.broadcast %mul3A_1041 : i32 to vector<16xi32>
    %mul3A_1043 = arith.muli %select_n3A_1040, %mul3A_1042 : vector<16xi32>
    %jit3A_1044 = arith.constant 8 : i32
    %eq3A_1045 = arith.constant 0 : i32
    %eq3A_1046 = arith.cmpi eq, %jit3A_1044, %eq3A_1045 : i32
    %jit3A_1047 = arith.constant 1 : i32
    %select_n3A_1048 = arith.select %eq3A_1046, %jit3A_1047, %jit3A_1044 : i32
    %rem3A_1049 = vector.broadcast %select_n3A_1048 : i32 to vector<16xi32>
    %rem3A_1050 = arith.remsi %select_n3A_101, %rem3A_1049 : vector<16xi32>
    %ne3A_1051 = arith.constant 0 : i32
    %ne3A_1052 = vector.broadcast %ne3A_1051 : i32 to vector<16xi32>
    %ne3A_1053 = arith.cmpi ne, %rem3A_1050, %ne3A_1052 : vector<16xi32>
    %lt3A_1054 = arith.constant 0 : i32
    %lt3A_1055 = vector.broadcast %lt3A_1054 : i32 to vector<16xi32>
    %lt3A_1056 = arith.cmpi slt, %rem3A_1050, %lt3A_1055 : vector<16xi32>
    %lt3A_1057 = arith.constant 0 : i32
    %lt3A_1058 = arith.cmpi slt, %select_n3A_1048, %lt3A_1057 : i32
    %ne3A_1059 = vector.broadcast %lt3A_1058 : i1 to vector<16xi1>
    %ne3A_1060 = vector.broadcast %ne3A_1059 : vector<16xi1> to vector<16xi1>
    %ne3A_1061 = arith.xori %lt3A_1056, %ne3A_1060 : vector<16xi1>
    %and3A_1062 = arith.andi %ne3A_1061, %ne3A_1053 : vector<16xi1>
    %add3A_1063 = vector.broadcast %select_n3A_1048 : i32 to vector<16xi32>
    %add3A_1064 = arith.addi %rem3A_1050, %add3A_1063 : vector<16xi32>
    %select_n3A_1065 = arith.select %and3A_1062, %add3A_1064, %rem3A_1050 : vector<16xi1>, vector<16xi32>
    %mul3A_1066 = arith.constant 128 : i32
    %mul3A_1067 = vector.broadcast %mul3A_1066 : i32 to vector<16xi32>
    %mul3A_1068 = arith.muli %select_n3A_1065, %mul3A_1067 : vector<16xi32>
    %add3A_1069 = arith.addi %mul3A_1043, %mul3A_1068 : vector<16xi32>
    %add3A_1070 = arith.addi %add3A_1069, %iota3A : vector<16xi32>
    %jit3A_1071 = arith.constant 8 : i32
    %div3A_1072 = vector.broadcast %jit3A_1071 : i32 to vector<16xi32>
    %div3A_1073 = arith.divsi %select_n3A_127, %div3A_1072 : vector<16xi32>
    %sign3A_1074 = arith.constant 0 : i32
    %sign3A_1075 = vector.broadcast %sign3A_1074 : i32 to vector<16xi32>
    %sign3A_1076 = arith.cmpi sgt, %select_n3A_127, %sign3A_1075 : vector<16xi32>
    %sign3A_1077 = arith.extui %sign3A_1076 : vector<16xi1> to vector<16xi32>
    %sign3A_1078 = arith.constant 0 : i32
    %sign3A_1079 = vector.broadcast %sign3A_1078 : i32 to vector<16xi32>
    %sign3A_1080 = arith.cmpi slt, %select_n3A_127, %sign3A_1079 : vector<16xi32>
    %sign3A_1081 = arith.extui %sign3A_1080 : vector<16xi1> to vector<16xi32>
    %sign3A_1082 = arith.subi %sign3A_1077, %sign3A_1081 : vector<16xi32>
    %sign3A_1083 = arith.constant 0 : i32
    %sign3A_1084 = arith.cmpi sgt, %jit3A_1071, %sign3A_1083 : i32
    %sign3A_1085 = arith.extui %sign3A_1084 : i1 to i32
    %sign3A_1086 = arith.constant 0 : i32
    %sign3A_1087 = arith.cmpi slt, %jit3A_1071, %sign3A_1086 : i32
    %sign3A_1088 = arith.extui %sign3A_1087 : i1 to i32
    %sign3A_1089 = arith.subi %sign3A_1085, %sign3A_1088 : i32
    %ne3A_1090 = vector.broadcast %sign3A_1089 : i32 to vector<16xi32>
    %ne3A_1091 = arith.cmpi ne, %sign3A_1082, %ne3A_1090 : vector<16xi32>
    %rem3A_1092 = vector.broadcast %jit3A_1071 : i32 to vector<16xi32>
    %rem3A_1093 = arith.remsi %select_n3A_127, %rem3A_1092 : vector<16xi32>
    %ne3A_1094 = arith.constant 0 : i32
    %ne3A_1095 = vector.broadcast %ne3A_1094 : i32 to vector<16xi32>
    %ne3A_1096 = arith.cmpi ne, %rem3A_1093, %ne3A_1095 : vector<16xi32>
    %and3A_1097 = arith.andi %ne3A_1091, %ne3A_1096 : vector<16xi1>
    %sub3A_1098 = arith.constant 1 : i32
    %sub3A_1099 = vector.broadcast %sub3A_1098 : i32 to vector<16xi32>
    %sub3A_1100 = arith.subi %div3A_1073, %sub3A_1099 : vector<16xi32>
    %select_n3A_1101 = arith.select %and3A_1097, %sub3A_1100, %div3A_1073 : vector<16xi1>, vector<16xi32>
    %mul3A_1102 = arith.constant 4096 : i32
    %mul3A_1103 = vector.broadcast %mul3A_1102 : i32 to vector<16xi32>
    %mul3A_1104 = arith.muli %select_n3A_1101, %mul3A_1103 : vector<16xi32>
    %jit3A_1105 = arith.constant 8 : i32
    %eq3A_1106 = arith.constant 0 : i32
    %eq3A_1107 = arith.cmpi eq, %jit3A_1105, %eq3A_1106 : i32
    %jit3A_1108 = arith.constant 1 : i32
    %select_n3A_1109 = arith.select %eq3A_1107, %jit3A_1108, %jit3A_1105 : i32
    %rem3A_1110 = vector.broadcast %select_n3A_1109 : i32 to vector<16xi32>
    %rem3A_1111 = arith.remsi %select_n3A_127, %rem3A_1110 : vector<16xi32>
    %ne3A_1112 = arith.constant 0 : i32
    %ne3A_1113 = vector.broadcast %ne3A_1112 : i32 to vector<16xi32>
    %ne3A_1114 = arith.cmpi ne, %rem3A_1111, %ne3A_1113 : vector<16xi32>
    %lt3A_1115 = arith.constant 0 : i32
    %lt3A_1116 = vector.broadcast %lt3A_1115 : i32 to vector<16xi32>
    %lt3A_1117 = arith.cmpi slt, %rem3A_1111, %lt3A_1116 : vector<16xi32>
    %lt3A_1118 = arith.constant 0 : i32
    %lt3A_1119 = arith.cmpi slt, %select_n3A_1109, %lt3A_1118 : i32
    %ne3A_1120 = vector.broadcast %lt3A_1119 : i1 to vector<16xi1>
    %ne3A_1121 = vector.broadcast %ne3A_1120 : vector<16xi1> to vector<16xi1>
    %ne3A_1122 = arith.xori %lt3A_1117, %ne3A_1121 : vector<16xi1>
    %and3A_1123 = arith.andi %ne3A_1122, %ne3A_1114 : vector<16xi1>
    %add3A_1124 = vector.broadcast %select_n3A_1109 : i32 to vector<16xi32>
    %add3A_1125 = arith.addi %rem3A_1111, %add3A_1124 : vector<16xi32>
    %select_n3A_1126 = arith.select %and3A_1123, %add3A_1125, %rem3A_1111 : vector<16xi1>, vector<16xi32>
    %mul3A_1127 = arith.constant 128 : i32
    %mul3A_1128 = vector.broadcast %mul3A_1127 : i32 to vector<16xi32>
    %mul3A_1129 = arith.muli %select_n3A_1126, %mul3A_1128 : vector<16xi32>
    %add3A_1130 = arith.addi %mul3A_1104, %mul3A_1129 : vector<16xi32>
    %add3A_1131 = arith.addi %add3A_1130, %iota3A : vector<16xi32>
    %jit3A_1132 = arith.constant 8 : i32
    %div3A_1133 = vector.broadcast %jit3A_1132 : i32 to vector<16xi32>
    %div3A_1134 = arith.divsi %select_n3A_153, %div3A_1133 : vector<16xi32>
    %sign3A_1135 = arith.constant 0 : i32
    %sign3A_1136 = vector.broadcast %sign3A_1135 : i32 to vector<16xi32>
    %sign3A_1137 = arith.cmpi sgt, %select_n3A_153, %sign3A_1136 : vector<16xi32>
    %sign3A_1138 = arith.extui %sign3A_1137 : vector<16xi1> to vector<16xi32>
    %sign3A_1139 = arith.constant 0 : i32
    %sign3A_1140 = vector.broadcast %sign3A_1139 : i32 to vector<16xi32>
    %sign3A_1141 = arith.cmpi slt, %select_n3A_153, %sign3A_1140 : vector<16xi32>
    %sign3A_1142 = arith.extui %sign3A_1141 : vector<16xi1> to vector<16xi32>
    %sign3A_1143 = arith.subi %sign3A_1138, %sign3A_1142 : vector<16xi32>
    %sign3A_1144 = arith.constant 0 : i32
    %sign3A_1145 = arith.cmpi sgt, %jit3A_1132, %sign3A_1144 : i32
    %sign3A_1146 = arith.extui %sign3A_1145 : i1 to i32
    %sign3A_1147 = arith.constant 0 : i32
    %sign3A_1148 = arith.cmpi slt, %jit3A_1132, %sign3A_1147 : i32
    %sign3A_1149 = arith.extui %sign3A_1148 : i1 to i32
    %sign3A_1150 = arith.subi %sign3A_1146, %sign3A_1149 : i32
    %ne3A_1151 = vector.broadcast %sign3A_1150 : i32 to vector<16xi32>
    %ne3A_1152 = arith.cmpi ne, %sign3A_1143, %ne3A_1151 : vector<16xi32>
    %rem3A_1153 = vector.broadcast %jit3A_1132 : i32 to vector<16xi32>
    %rem3A_1154 = arith.remsi %select_n3A_153, %rem3A_1153 : vector<16xi32>
    %ne3A_1155 = arith.constant 0 : i32
    %ne3A_1156 = vector.broadcast %ne3A_1155 : i32 to vector<16xi32>
    %ne3A_1157 = arith.cmpi ne, %rem3A_1154, %ne3A_1156 : vector<16xi32>
    %and3A_1158 = arith.andi %ne3A_1152, %ne3A_1157 : vector<16xi1>
    %sub3A_1159 = arith.constant 1 : i32
    %sub3A_1160 = vector.broadcast %sub3A_1159 : i32 to vector<16xi32>
    %sub3A_1161 = arith.subi %div3A_1134, %sub3A_1160 : vector<16xi32>
    %select_n3A_1162 = arith.select %and3A_1158, %sub3A_1161, %div3A_1134 : vector<16xi1>, vector<16xi32>
    %mul3A_1163 = arith.constant 4096 : i32
    %mul3A_1164 = vector.broadcast %mul3A_1163 : i32 to vector<16xi32>
    %mul3A_1165 = arith.muli %select_n3A_1162, %mul3A_1164 : vector<16xi32>
    %jit3A_1166 = arith.constant 8 : i32
    %eq3A_1167 = arith.constant 0 : i32
    %eq3A_1168 = arith.cmpi eq, %jit3A_1166, %eq3A_1167 : i32
    %jit3A_1169 = arith.constant 1 : i32
    %select_n3A_1170 = arith.select %eq3A_1168, %jit3A_1169, %jit3A_1166 : i32
    %rem3A_1171 = vector.broadcast %select_n3A_1170 : i32 to vector<16xi32>
    %rem3A_1172 = arith.remsi %select_n3A_153, %rem3A_1171 : vector<16xi32>
    %ne3A_1173 = arith.constant 0 : i32
    %ne3A_1174 = vector.broadcast %ne3A_1173 : i32 to vector<16xi32>
    %ne3A_1175 = arith.cmpi ne, %rem3A_1172, %ne3A_1174 : vector<16xi32>
    %lt3A_1176 = arith.constant 0 : i32
    %lt3A_1177 = vector.broadcast %lt3A_1176 : i32 to vector<16xi32>
    %lt3A_1178 = arith.cmpi slt, %rem3A_1172, %lt3A_1177 : vector<16xi32>
    %lt3A_1179 = arith.constant 0 : i32
    %lt3A_1180 = arith.cmpi slt, %select_n3A_1170, %lt3A_1179 : i32
    %ne3A_1181 = vector.broadcast %lt3A_1180 : i1 to vector<16xi1>
    %ne3A_1182 = vector.broadcast %ne3A_1181 : vector<16xi1> to vector<16xi1>
    %ne3A_1183 = arith.xori %lt3A_1178, %ne3A_1182 : vector<16xi1>
    %and3A_1184 = arith.andi %ne3A_1183, %ne3A_1175 : vector<16xi1>
    %add3A_1185 = vector.broadcast %select_n3A_1170 : i32 to vector<16xi32>
    %add3A_1186 = arith.addi %rem3A_1172, %add3A_1185 : vector<16xi32>
    %select_n3A_1187 = arith.select %and3A_1184, %add3A_1186, %rem3A_1172 : vector<16xi1>, vector<16xi32>
    %mul3A_1188 = arith.constant 128 : i32
    %mul3A_1189 = vector.broadcast %mul3A_1188 : i32 to vector<16xi32>
    %mul3A_1190 = arith.muli %select_n3A_1187, %mul3A_1189 : vector<16xi32>
    %add3A_1191 = arith.addi %mul3A_1165, %mul3A_1190 : vector<16xi32>
    %add3A_1192 = arith.addi %add3A_1191, %iota3A : vector<16xi32>
    %jit3A_1193 = arith.constant 8 : i32
    %div3A_1194 = vector.broadcast %jit3A_1193 : i32 to vector<16xi32>
    %div3A_1195 = arith.divsi %select_n3A_179, %div3A_1194 : vector<16xi32>
    %sign3A_1196 = arith.constant 0 : i32
    %sign3A_1197 = vector.broadcast %sign3A_1196 : i32 to vector<16xi32>
    %sign3A_1198 = arith.cmpi sgt, %select_n3A_179, %sign3A_1197 : vector<16xi32>
    %sign3A_1199 = arith.extui %sign3A_1198 : vector<16xi1> to vector<16xi32>
    %sign3A_1200 = arith.constant 0 : i32
    %sign3A_1201 = vector.broadcast %sign3A_1200 : i32 to vector<16xi32>
    %sign3A_1202 = arith.cmpi slt, %select_n3A_179, %sign3A_1201 : vector<16xi32>
    %sign3A_1203 = arith.extui %sign3A_1202 : vector<16xi1> to vector<16xi32>
    %sign3A_1204 = arith.subi %sign3A_1199, %sign3A_1203 : vector<16xi32>
    %sign3A_1205 = arith.constant 0 : i32
    %sign3A_1206 = arith.cmpi sgt, %jit3A_1193, %sign3A_1205 : i32
    %sign3A_1207 = arith.extui %sign3A_1206 : i1 to i32
    %sign3A_1208 = arith.constant 0 : i32
    %sign3A_1209 = arith.cmpi slt, %jit3A_1193, %sign3A_1208 : i32
    %sign3A_1210 = arith.extui %sign3A_1209 : i1 to i32
    %sign3A_1211 = arith.subi %sign3A_1207, %sign3A_1210 : i32
    %ne3A_1212 = vector.broadcast %sign3A_1211 : i32 to vector<16xi32>
    %ne3A_1213 = arith.cmpi ne, %sign3A_1204, %ne3A_1212 : vector<16xi32>
    %rem3A_1214 = vector.broadcast %jit3A_1193 : i32 to vector<16xi32>
    %rem3A_1215 = arith.remsi %select_n3A_179, %rem3A_1214 : vector<16xi32>
    %ne3A_1216 = arith.constant 0 : i32
    %ne3A_1217 = vector.broadcast %ne3A_1216 : i32 to vector<16xi32>
    %ne3A_1218 = arith.cmpi ne, %rem3A_1215, %ne3A_1217 : vector<16xi32>
    %and3A_1219 = arith.andi %ne3A_1213, %ne3A_1218 : vector<16xi1>
    %sub3A_1220 = arith.constant 1 : i32
    %sub3A_1221 = vector.broadcast %sub3A_1220 : i32 to vector<16xi32>
    %sub3A_1222 = arith.subi %div3A_1195, %sub3A_1221 : vector<16xi32>
    %select_n3A_1223 = arith.select %and3A_1219, %sub3A_1222, %div3A_1195 : vector<16xi1>, vector<16xi32>
    %mul3A_1224 = arith.constant 4096 : i32
    %mul3A_1225 = vector.broadcast %mul3A_1224 : i32 to vector<16xi32>
    %mul3A_1226 = arith.muli %select_n3A_1223, %mul3A_1225 : vector<16xi32>
    %jit3A_1227 = arith.constant 8 : i32
    %eq3A_1228 = arith.constant 0 : i32
    %eq3A_1229 = arith.cmpi eq, %jit3A_1227, %eq3A_1228 : i32
    %jit3A_1230 = arith.constant 1 : i32
    %select_n3A_1231 = arith.select %eq3A_1229, %jit3A_1230, %jit3A_1227 : i32
    %rem3A_1232 = vector.broadcast %select_n3A_1231 : i32 to vector<16xi32>
    %rem3A_1233 = arith.remsi %select_n3A_179, %rem3A_1232 : vector<16xi32>
    %ne3A_1234 = arith.constant 0 : i32
    %ne3A_1235 = vector.broadcast %ne3A_1234 : i32 to vector<16xi32>
    %ne3A_1236 = arith.cmpi ne, %rem3A_1233, %ne3A_1235 : vector<16xi32>
    %lt3A_1237 = arith.constant 0 : i32
    %lt3A_1238 = vector.broadcast %lt3A_1237 : i32 to vector<16xi32>
    %lt3A_1239 = arith.cmpi slt, %rem3A_1233, %lt3A_1238 : vector<16xi32>
    %lt3A_1240 = arith.constant 0 : i32
    %lt3A_1241 = arith.cmpi slt, %select_n3A_1231, %lt3A_1240 : i32
    %ne3A_1242 = vector.broadcast %lt3A_1241 : i1 to vector<16xi1>
    %ne3A_1243 = vector.broadcast %ne3A_1242 : vector<16xi1> to vector<16xi1>
    %ne3A_1244 = arith.xori %lt3A_1239, %ne3A_1243 : vector<16xi1>
    %and3A_1245 = arith.andi %ne3A_1244, %ne3A_1236 : vector<16xi1>
    %add3A_1246 = vector.broadcast %select_n3A_1231 : i32 to vector<16xi32>
    %add3A_1247 = arith.addi %rem3A_1233, %add3A_1246 : vector<16xi32>
    %select_n3A_1248 = arith.select %and3A_1245, %add3A_1247, %rem3A_1233 : vector<16xi1>, vector<16xi32>
    %mul3A_1249 = arith.constant 128 : i32
    %mul3A_1250 = vector.broadcast %mul3A_1249 : i32 to vector<16xi32>
    %mul3A_1251 = arith.muli %select_n3A_1248, %mul3A_1250 : vector<16xi32>
    %add3A_1252 = arith.addi %mul3A_1226, %mul3A_1251 : vector<16xi32>
    %add3A_1253 = arith.addi %add3A_1252, %iota3A : vector<16xi32>
    %jit3A_1254 = arith.constant 8 : i32
    %div3A_1255 = vector.broadcast %jit3A_1254 : i32 to vector<16xi32>
    %div3A_1256 = arith.divsi %select_n3A_205, %div3A_1255 : vector<16xi32>
    %sign3A_1257 = arith.constant 0 : i32
    %sign3A_1258 = vector.broadcast %sign3A_1257 : i32 to vector<16xi32>
    %sign3A_1259 = arith.cmpi sgt, %select_n3A_205, %sign3A_1258 : vector<16xi32>
    %sign3A_1260 = arith.extui %sign3A_1259 : vector<16xi1> to vector<16xi32>
    %sign3A_1261 = arith.constant 0 : i32
    %sign3A_1262 = vector.broadcast %sign3A_1261 : i32 to vector<16xi32>
    %sign3A_1263 = arith.cmpi slt, %select_n3A_205, %sign3A_1262 : vector<16xi32>
    %sign3A_1264 = arith.extui %sign3A_1263 : vector<16xi1> to vector<16xi32>
    %sign3A_1265 = arith.subi %sign3A_1260, %sign3A_1264 : vector<16xi32>
    %sign3A_1266 = arith.constant 0 : i32
    %sign3A_1267 = arith.cmpi sgt, %jit3A_1254, %sign3A_1266 : i32
    %sign3A_1268 = arith.extui %sign3A_1267 : i1 to i32
    %sign3A_1269 = arith.constant 0 : i32
    %sign3A_1270 = arith.cmpi slt, %jit3A_1254, %sign3A_1269 : i32
    %sign3A_1271 = arith.extui %sign3A_1270 : i1 to i32
    %sign3A_1272 = arith.subi %sign3A_1268, %sign3A_1271 : i32
    %ne3A_1273 = vector.broadcast %sign3A_1272 : i32 to vector<16xi32>
    %ne3A_1274 = arith.cmpi ne, %sign3A_1265, %ne3A_1273 : vector<16xi32>
    %rem3A_1275 = vector.broadcast %jit3A_1254 : i32 to vector<16xi32>
    %rem3A_1276 = arith.remsi %select_n3A_205, %rem3A_1275 : vector<16xi32>
    %ne3A_1277 = arith.constant 0 : i32
    %ne3A_1278 = vector.broadcast %ne3A_1277 : i32 to vector<16xi32>
    %ne3A_1279 = arith.cmpi ne, %rem3A_1276, %ne3A_1278 : vector<16xi32>
    %and3A_1280 = arith.andi %ne3A_1274, %ne3A_1279 : vector<16xi1>
    %sub3A_1281 = arith.constant 1 : i32
    %sub3A_1282 = vector.broadcast %sub3A_1281 : i32 to vector<16xi32>
    %sub3A_1283 = arith.subi %div3A_1256, %sub3A_1282 : vector<16xi32>
    %select_n3A_1284 = arith.select %and3A_1280, %sub3A_1283, %div3A_1256 : vector<16xi1>, vector<16xi32>
    %mul3A_1285 = arith.constant 4096 : i32
    %mul3A_1286 = vector.broadcast %mul3A_1285 : i32 to vector<16xi32>
    %mul3A_1287 = arith.muli %select_n3A_1284, %mul3A_1286 : vector<16xi32>
    %jit3A_1288 = arith.constant 8 : i32
    %eq3A_1289 = arith.constant 0 : i32
    %eq3A_1290 = arith.cmpi eq, %jit3A_1288, %eq3A_1289 : i32
    %jit3A_1291 = arith.constant 1 : i32
    %select_n3A_1292 = arith.select %eq3A_1290, %jit3A_1291, %jit3A_1288 : i32
    %rem3A_1293 = vector.broadcast %select_n3A_1292 : i32 to vector<16xi32>
    %rem3A_1294 = arith.remsi %select_n3A_205, %rem3A_1293 : vector<16xi32>
    %ne3A_1295 = arith.constant 0 : i32
    %ne3A_1296 = vector.broadcast %ne3A_1295 : i32 to vector<16xi32>
    %ne3A_1297 = arith.cmpi ne, %rem3A_1294, %ne3A_1296 : vector<16xi32>
    %lt3A_1298 = arith.constant 0 : i32
    %lt3A_1299 = vector.broadcast %lt3A_1298 : i32 to vector<16xi32>
    %lt3A_1300 = arith.cmpi slt, %rem3A_1294, %lt3A_1299 : vector<16xi32>
    %lt3A_1301 = arith.constant 0 : i32
    %lt3A_1302 = arith.cmpi slt, %select_n3A_1292, %lt3A_1301 : i32
    %ne3A_1303 = vector.broadcast %lt3A_1302 : i1 to vector<16xi1>
    %ne3A_1304 = vector.broadcast %ne3A_1303 : vector<16xi1> to vector<16xi1>
    %ne3A_1305 = arith.xori %lt3A_1300, %ne3A_1304 : vector<16xi1>
    %and3A_1306 = arith.andi %ne3A_1305, %ne3A_1297 : vector<16xi1>
    %add3A_1307 = vector.broadcast %select_n3A_1292 : i32 to vector<16xi32>
    %add3A_1308 = arith.addi %rem3A_1294, %add3A_1307 : vector<16xi32>
    %select_n3A_1309 = arith.select %and3A_1306, %add3A_1308, %rem3A_1294 : vector<16xi1>, vector<16xi32>
    %mul3A_1310 = arith.constant 128 : i32
    %mul3A_1311 = vector.broadcast %mul3A_1310 : i32 to vector<16xi32>
    %mul3A_1312 = arith.muli %select_n3A_1309, %mul3A_1311 : vector<16xi32>
    %add3A_1313 = arith.addi %mul3A_1287, %mul3A_1312 : vector<16xi32>
    %add3A_1314 = arith.addi %add3A_1313, %iota3A : vector<16xi32>
    %jit3A_1315 = arith.constant 8 : i32
    %div3A_1316 = vector.broadcast %jit3A_1315 : i32 to vector<16xi32>
    %div3A_1317 = arith.divsi %select_n3A_231, %div3A_1316 : vector<16xi32>
    %sign3A_1318 = arith.constant 0 : i32
    %sign3A_1319 = vector.broadcast %sign3A_1318 : i32 to vector<16xi32>
    %sign3A_1320 = arith.cmpi sgt, %select_n3A_231, %sign3A_1319 : vector<16xi32>
    %sign3A_1321 = arith.extui %sign3A_1320 : vector<16xi1> to vector<16xi32>
    %sign3A_1322 = arith.constant 0 : i32
    %sign3A_1323 = vector.broadcast %sign3A_1322 : i32 to vector<16xi32>
    %sign3A_1324 = arith.cmpi slt, %select_n3A_231, %sign3A_1323 : vector<16xi32>
    %sign3A_1325 = arith.extui %sign3A_1324 : vector<16xi1> to vector<16xi32>
    %sign3A_1326 = arith.subi %sign3A_1321, %sign3A_1325 : vector<16xi32>
    %sign3A_1327 = arith.constant 0 : i32
    %sign3A_1328 = arith.cmpi sgt, %jit3A_1315, %sign3A_1327 : i32
    %sign3A_1329 = arith.extui %sign3A_1328 : i1 to i32
    %sign3A_1330 = arith.constant 0 : i32
    %sign3A_1331 = arith.cmpi slt, %jit3A_1315, %sign3A_1330 : i32
    %sign3A_1332 = arith.extui %sign3A_1331 : i1 to i32
    %sign3A_1333 = arith.subi %sign3A_1329, %sign3A_1332 : i32
    %ne3A_1334 = vector.broadcast %sign3A_1333 : i32 to vector<16xi32>
    %ne3A_1335 = arith.cmpi ne, %sign3A_1326, %ne3A_1334 : vector<16xi32>
    %rem3A_1336 = vector.broadcast %jit3A_1315 : i32 to vector<16xi32>
    %rem3A_1337 = arith.remsi %select_n3A_231, %rem3A_1336 : vector<16xi32>
    %ne3A_1338 = arith.constant 0 : i32
    %ne3A_1339 = vector.broadcast %ne3A_1338 : i32 to vector<16xi32>
    %ne3A_1340 = arith.cmpi ne, %rem3A_1337, %ne3A_1339 : vector<16xi32>
    %and3A_1341 = arith.andi %ne3A_1335, %ne3A_1340 : vector<16xi1>
    %sub3A_1342 = arith.constant 1 : i32
    %sub3A_1343 = vector.broadcast %sub3A_1342 : i32 to vector<16xi32>
    %sub3A_1344 = arith.subi %div3A_1317, %sub3A_1343 : vector<16xi32>
    %select_n3A_1345 = arith.select %and3A_1341, %sub3A_1344, %div3A_1317 : vector<16xi1>, vector<16xi32>
    %mul3A_1346 = arith.constant 4096 : i32
    %mul3A_1347 = vector.broadcast %mul3A_1346 : i32 to vector<16xi32>
    %mul3A_1348 = arith.muli %select_n3A_1345, %mul3A_1347 : vector<16xi32>
    %jit3A_1349 = arith.constant 8 : i32
    %eq3A_1350 = arith.constant 0 : i32
    %eq3A_1351 = arith.cmpi eq, %jit3A_1349, %eq3A_1350 : i32
    %jit3A_1352 = arith.constant 1 : i32
    %select_n3A_1353 = arith.select %eq3A_1351, %jit3A_1352, %jit3A_1349 : i32
    %rem3A_1354 = vector.broadcast %select_n3A_1353 : i32 to vector<16xi32>
    %rem3A_1355 = arith.remsi %select_n3A_231, %rem3A_1354 : vector<16xi32>
    %ne3A_1356 = arith.constant 0 : i32
    %ne3A_1357 = vector.broadcast %ne3A_1356 : i32 to vector<16xi32>
    %ne3A_1358 = arith.cmpi ne, %rem3A_1355, %ne3A_1357 : vector<16xi32>
    %lt3A_1359 = arith.constant 0 : i32
    %lt3A_1360 = vector.broadcast %lt3A_1359 : i32 to vector<16xi32>
    %lt3A_1361 = arith.cmpi slt, %rem3A_1355, %lt3A_1360 : vector<16xi32>
    %lt3A_1362 = arith.constant 0 : i32
    %lt3A_1363 = arith.cmpi slt, %select_n3A_1353, %lt3A_1362 : i32
    %ne3A_1364 = vector.broadcast %lt3A_1363 : i1 to vector<16xi1>
    %ne3A_1365 = vector.broadcast %ne3A_1364 : vector<16xi1> to vector<16xi1>
    %ne3A_1366 = arith.xori %lt3A_1361, %ne3A_1365 : vector<16xi1>
    %and3A_1367 = arith.andi %ne3A_1366, %ne3A_1358 : vector<16xi1>
    %add3A_1368 = vector.broadcast %select_n3A_1353 : i32 to vector<16xi32>
    %add3A_1369 = arith.addi %rem3A_1355, %add3A_1368 : vector<16xi32>
    %select_n3A_1370 = arith.select %and3A_1367, %add3A_1369, %rem3A_1355 : vector<16xi1>, vector<16xi32>
    %mul3A_1371 = arith.constant 128 : i32
    %mul3A_1372 = vector.broadcast %mul3A_1371 : i32 to vector<16xi32>
    %mul3A_1373 = arith.muli %select_n3A_1370, %mul3A_1372 : vector<16xi32>
    %add3A_1374 = arith.addi %mul3A_1348, %mul3A_1373 : vector<16xi32>
    %add3A_1375 = arith.addi %add3A_1374, %iota3A : vector<16xi32>
    %jit3A_1376 = arith.constant 8 : i32
    %div3A_1377 = vector.broadcast %jit3A_1376 : i32 to vector<16xi32>
    %div3A_1378 = arith.divsi %select_n3A_257, %div3A_1377 : vector<16xi32>
    %sign3A_1379 = arith.constant 0 : i32
    %sign3A_1380 = vector.broadcast %sign3A_1379 : i32 to vector<16xi32>
    %sign3A_1381 = arith.cmpi sgt, %select_n3A_257, %sign3A_1380 : vector<16xi32>
    %sign3A_1382 = arith.extui %sign3A_1381 : vector<16xi1> to vector<16xi32>
    %sign3A_1383 = arith.constant 0 : i32
    %sign3A_1384 = vector.broadcast %sign3A_1383 : i32 to vector<16xi32>
    %sign3A_1385 = arith.cmpi slt, %select_n3A_257, %sign3A_1384 : vector<16xi32>
    %sign3A_1386 = arith.extui %sign3A_1385 : vector<16xi1> to vector<16xi32>
    %sign3A_1387 = arith.subi %sign3A_1382, %sign3A_1386 : vector<16xi32>
    %sign3A_1388 = arith.constant 0 : i32
    %sign3A_1389 = arith.cmpi sgt, %jit3A_1376, %sign3A_1388 : i32
    %sign3A_1390 = arith.extui %sign3A_1389 : i1 to i32
    %sign3A_1391 = arith.constant 0 : i32
    %sign3A_1392 = arith.cmpi slt, %jit3A_1376, %sign3A_1391 : i32
    %sign3A_1393 = arith.extui %sign3A_1392 : i1 to i32
    %sign3A_1394 = arith.subi %sign3A_1390, %sign3A_1393 : i32
    %ne3A_1395 = vector.broadcast %sign3A_1394 : i32 to vector<16xi32>
    %ne3A_1396 = arith.cmpi ne, %sign3A_1387, %ne3A_1395 : vector<16xi32>
    %rem3A_1397 = vector.broadcast %jit3A_1376 : i32 to vector<16xi32>
    %rem3A_1398 = arith.remsi %select_n3A_257, %rem3A_1397 : vector<16xi32>
    %ne3A_1399 = arith.constant 0 : i32
    %ne3A_1400 = vector.broadcast %ne3A_1399 : i32 to vector<16xi32>
    %ne3A_1401 = arith.cmpi ne, %rem3A_1398, %ne3A_1400 : vector<16xi32>
    %and3A_1402 = arith.andi %ne3A_1396, %ne3A_1401 : vector<16xi1>
    %sub3A_1403 = arith.constant 1 : i32
    %sub3A_1404 = vector.broadcast %sub3A_1403 : i32 to vector<16xi32>
    %sub3A_1405 = arith.subi %div3A_1378, %sub3A_1404 : vector<16xi32>
    %select_n3A_1406 = arith.select %and3A_1402, %sub3A_1405, %div3A_1378 : vector<16xi1>, vector<16xi32>
    %mul3A_1407 = arith.constant 4096 : i32
    %mul3A_1408 = vector.broadcast %mul3A_1407 : i32 to vector<16xi32>
    %mul3A_1409 = arith.muli %select_n3A_1406, %mul3A_1408 : vector<16xi32>
    %jit3A_1410 = arith.constant 8 : i32
    %eq3A_1411 = arith.constant 0 : i32
    %eq3A_1412 = arith.cmpi eq, %jit3A_1410, %eq3A_1411 : i32
    %jit3A_1413 = arith.constant 1 : i32
    %select_n3A_1414 = arith.select %eq3A_1412, %jit3A_1413, %jit3A_1410 : i32
    %rem3A_1415 = vector.broadcast %select_n3A_1414 : i32 to vector<16xi32>
    %rem3A_1416 = arith.remsi %select_n3A_257, %rem3A_1415 : vector<16xi32>
    %ne3A_1417 = arith.constant 0 : i32
    %ne3A_1418 = vector.broadcast %ne3A_1417 : i32 to vector<16xi32>
    %ne3A_1419 = arith.cmpi ne, %rem3A_1416, %ne3A_1418 : vector<16xi32>
    %lt3A_1420 = arith.constant 0 : i32
    %lt3A_1421 = vector.broadcast %lt3A_1420 : i32 to vector<16xi32>
    %lt3A_1422 = arith.cmpi slt, %rem3A_1416, %lt3A_1421 : vector<16xi32>
    %lt3A_1423 = arith.constant 0 : i32
    %lt3A_1424 = arith.cmpi slt, %select_n3A_1414, %lt3A_1423 : i32
    %ne3A_1425 = vector.broadcast %lt3A_1424 : i1 to vector<16xi1>
    %ne3A_1426 = vector.broadcast %ne3A_1425 : vector<16xi1> to vector<16xi1>
    %ne3A_1427 = arith.xori %lt3A_1422, %ne3A_1426 : vector<16xi1>
    %and3A_1428 = arith.andi %ne3A_1427, %ne3A_1419 : vector<16xi1>
    %add3A_1429 = vector.broadcast %select_n3A_1414 : i32 to vector<16xi32>
    %add3A_1430 = arith.addi %rem3A_1416, %add3A_1429 : vector<16xi32>
    %select_n3A_1431 = arith.select %and3A_1428, %add3A_1430, %rem3A_1416 : vector<16xi1>, vector<16xi32>
    %mul3A_1432 = arith.constant 128 : i32
    %mul3A_1433 = vector.broadcast %mul3A_1432 : i32 to vector<16xi32>
    %mul3A_1434 = arith.muli %select_n3A_1431, %mul3A_1433 : vector<16xi32>
    %add3A_1435 = arith.addi %mul3A_1409, %mul3A_1434 : vector<16xi32>
    %add3A_1436 = arith.addi %add3A_1435, %iota3A : vector<16xi32>
    %jit3A_1437 = arith.constant 8 : i32
    %div3A_1438 = vector.broadcast %jit3A_1437 : i32 to vector<16xi32>
    %div3A_1439 = arith.divsi %select_n3A_283, %div3A_1438 : vector<16xi32>
    %sign3A_1440 = arith.constant 0 : i32
    %sign3A_1441 = vector.broadcast %sign3A_1440 : i32 to vector<16xi32>
    %sign3A_1442 = arith.cmpi sgt, %select_n3A_283, %sign3A_1441 : vector<16xi32>
    %sign3A_1443 = arith.extui %sign3A_1442 : vector<16xi1> to vector<16xi32>
    %sign3A_1444 = arith.constant 0 : i32
    %sign3A_1445 = vector.broadcast %sign3A_1444 : i32 to vector<16xi32>
    %sign3A_1446 = arith.cmpi slt, %select_n3A_283, %sign3A_1445 : vector<16xi32>
    %sign3A_1447 = arith.extui %sign3A_1446 : vector<16xi1> to vector<16xi32>
    %sign3A_1448 = arith.subi %sign3A_1443, %sign3A_1447 : vector<16xi32>
    %sign3A_1449 = arith.constant 0 : i32
    %sign3A_1450 = arith.cmpi sgt, %jit3A_1437, %sign3A_1449 : i32
    %sign3A_1451 = arith.extui %sign3A_1450 : i1 to i32
    %sign3A_1452 = arith.constant 0 : i32
    %sign3A_1453 = arith.cmpi slt, %jit3A_1437, %sign3A_1452 : i32
    %sign3A_1454 = arith.extui %sign3A_1453 : i1 to i32
    %sign3A_1455 = arith.subi %sign3A_1451, %sign3A_1454 : i32
    %ne3A_1456 = vector.broadcast %sign3A_1455 : i32 to vector<16xi32>
    %ne3A_1457 = arith.cmpi ne, %sign3A_1448, %ne3A_1456 : vector<16xi32>
    %rem3A_1458 = vector.broadcast %jit3A_1437 : i32 to vector<16xi32>
    %rem3A_1459 = arith.remsi %select_n3A_283, %rem3A_1458 : vector<16xi32>
    %ne3A_1460 = arith.constant 0 : i32
    %ne3A_1461 = vector.broadcast %ne3A_1460 : i32 to vector<16xi32>
    %ne3A_1462 = arith.cmpi ne, %rem3A_1459, %ne3A_1461 : vector<16xi32>
    %and3A_1463 = arith.andi %ne3A_1457, %ne3A_1462 : vector<16xi1>
    %sub3A_1464 = arith.constant 1 : i32
    %sub3A_1465 = vector.broadcast %sub3A_1464 : i32 to vector<16xi32>
    %sub3A_1466 = arith.subi %div3A_1439, %sub3A_1465 : vector<16xi32>
    %select_n3A_1467 = arith.select %and3A_1463, %sub3A_1466, %div3A_1439 : vector<16xi1>, vector<16xi32>
    %mul3A_1468 = arith.constant 4096 : i32
    %mul3A_1469 = vector.broadcast %mul3A_1468 : i32 to vector<16xi32>
    %mul3A_1470 = arith.muli %select_n3A_1467, %mul3A_1469 : vector<16xi32>
    %jit3A_1471 = arith.constant 8 : i32
    %eq3A_1472 = arith.constant 0 : i32
    %eq3A_1473 = arith.cmpi eq, %jit3A_1471, %eq3A_1472 : i32
    %jit3A_1474 = arith.constant 1 : i32
    %select_n3A_1475 = arith.select %eq3A_1473, %jit3A_1474, %jit3A_1471 : i32
    %rem3A_1476 = vector.broadcast %select_n3A_1475 : i32 to vector<16xi32>
    %rem3A_1477 = arith.remsi %select_n3A_283, %rem3A_1476 : vector<16xi32>
    %ne3A_1478 = arith.constant 0 : i32
    %ne3A_1479 = vector.broadcast %ne3A_1478 : i32 to vector<16xi32>
    %ne3A_1480 = arith.cmpi ne, %rem3A_1477, %ne3A_1479 : vector<16xi32>
    %lt3A_1481 = arith.constant 0 : i32
    %lt3A_1482 = vector.broadcast %lt3A_1481 : i32 to vector<16xi32>
    %lt3A_1483 = arith.cmpi slt, %rem3A_1477, %lt3A_1482 : vector<16xi32>
    %lt3A_1484 = arith.constant 0 : i32
    %lt3A_1485 = arith.cmpi slt, %select_n3A_1475, %lt3A_1484 : i32
    %ne3A_1486 = vector.broadcast %lt3A_1485 : i1 to vector<16xi1>
    %ne3A_1487 = vector.broadcast %ne3A_1486 : vector<16xi1> to vector<16xi1>
    %ne3A_1488 = arith.xori %lt3A_1483, %ne3A_1487 : vector<16xi1>
    %and3A_1489 = arith.andi %ne3A_1488, %ne3A_1480 : vector<16xi1>
    %add3A_1490 = vector.broadcast %select_n3A_1475 : i32 to vector<16xi32>
    %add3A_1491 = arith.addi %rem3A_1477, %add3A_1490 : vector<16xi32>
    %select_n3A_1492 = arith.select %and3A_1489, %add3A_1491, %rem3A_1477 : vector<16xi1>, vector<16xi32>
    %mul3A_1493 = arith.constant 128 : i32
    %mul3A_1494 = vector.broadcast %mul3A_1493 : i32 to vector<16xi32>
    %mul3A_1495 = arith.muli %select_n3A_1492, %mul3A_1494 : vector<16xi32>
    %add3A_1496 = arith.addi %mul3A_1470, %mul3A_1495 : vector<16xi32>
    %add3A_1497 = arith.addi %add3A_1496, %iota3A : vector<16xi32>
    %jit3A_1498 = arith.constant 8 : i32
    %div3A_1499 = vector.broadcast %jit3A_1498 : i32 to vector<16xi32>
    %div3A_1500 = arith.divsi %select_n3A_309, %div3A_1499 : vector<16xi32>
    %sign3A_1501 = arith.constant 0 : i32
    %sign3A_1502 = vector.broadcast %sign3A_1501 : i32 to vector<16xi32>
    %sign3A_1503 = arith.cmpi sgt, %select_n3A_309, %sign3A_1502 : vector<16xi32>
    %sign3A_1504 = arith.extui %sign3A_1503 : vector<16xi1> to vector<16xi32>
    %sign3A_1505 = arith.constant 0 : i32
    %sign3A_1506 = vector.broadcast %sign3A_1505 : i32 to vector<16xi32>
    %sign3A_1507 = arith.cmpi slt, %select_n3A_309, %sign3A_1506 : vector<16xi32>
    %sign3A_1508 = arith.extui %sign3A_1507 : vector<16xi1> to vector<16xi32>
    %sign3A_1509 = arith.subi %sign3A_1504, %sign3A_1508 : vector<16xi32>
    %sign3A_1510 = arith.constant 0 : i32
    %sign3A_1511 = arith.cmpi sgt, %jit3A_1498, %sign3A_1510 : i32
    %sign3A_1512 = arith.extui %sign3A_1511 : i1 to i32
    %sign3A_1513 = arith.constant 0 : i32
    %sign3A_1514 = arith.cmpi slt, %jit3A_1498, %sign3A_1513 : i32
    %sign3A_1515 = arith.extui %sign3A_1514 : i1 to i32
    %sign3A_1516 = arith.subi %sign3A_1512, %sign3A_1515 : i32
    %ne3A_1517 = vector.broadcast %sign3A_1516 : i32 to vector<16xi32>
    %ne3A_1518 = arith.cmpi ne, %sign3A_1509, %ne3A_1517 : vector<16xi32>
    %rem3A_1519 = vector.broadcast %jit3A_1498 : i32 to vector<16xi32>
    %rem3A_1520 = arith.remsi %select_n3A_309, %rem3A_1519 : vector<16xi32>
    %ne3A_1521 = arith.constant 0 : i32
    %ne3A_1522 = vector.broadcast %ne3A_1521 : i32 to vector<16xi32>
    %ne3A_1523 = arith.cmpi ne, %rem3A_1520, %ne3A_1522 : vector<16xi32>
    %and3A_1524 = arith.andi %ne3A_1518, %ne3A_1523 : vector<16xi1>
    %sub3A_1525 = arith.constant 1 : i32
    %sub3A_1526 = vector.broadcast %sub3A_1525 : i32 to vector<16xi32>
    %sub3A_1527 = arith.subi %div3A_1500, %sub3A_1526 : vector<16xi32>
    %select_n3A_1528 = arith.select %and3A_1524, %sub3A_1527, %div3A_1500 : vector<16xi1>, vector<16xi32>
    %mul3A_1529 = arith.constant 4096 : i32
    %mul3A_1530 = vector.broadcast %mul3A_1529 : i32 to vector<16xi32>
    %mul3A_1531 = arith.muli %select_n3A_1528, %mul3A_1530 : vector<16xi32>
    %jit3A_1532 = arith.constant 8 : i32
    %eq3A_1533 = arith.constant 0 : i32
    %eq3A_1534 = arith.cmpi eq, %jit3A_1532, %eq3A_1533 : i32
    %jit3A_1535 = arith.constant 1 : i32
    %select_n3A_1536 = arith.select %eq3A_1534, %jit3A_1535, %jit3A_1532 : i32
    %rem3A_1537 = vector.broadcast %select_n3A_1536 : i32 to vector<16xi32>
    %rem3A_1538 = arith.remsi %select_n3A_309, %rem3A_1537 : vector<16xi32>
    %ne3A_1539 = arith.constant 0 : i32
    %ne3A_1540 = vector.broadcast %ne3A_1539 : i32 to vector<16xi32>
    %ne3A_1541 = arith.cmpi ne, %rem3A_1538, %ne3A_1540 : vector<16xi32>
    %lt3A_1542 = arith.constant 0 : i32
    %lt3A_1543 = vector.broadcast %lt3A_1542 : i32 to vector<16xi32>
    %lt3A_1544 = arith.cmpi slt, %rem3A_1538, %lt3A_1543 : vector<16xi32>
    %lt3A_1545 = arith.constant 0 : i32
    %lt3A_1546 = arith.cmpi slt, %select_n3A_1536, %lt3A_1545 : i32
    %ne3A_1547 = vector.broadcast %lt3A_1546 : i1 to vector<16xi1>
    %ne3A_1548 = vector.broadcast %ne3A_1547 : vector<16xi1> to vector<16xi1>
    %ne3A_1549 = arith.xori %lt3A_1544, %ne3A_1548 : vector<16xi1>
    %and3A_1550 = arith.andi %ne3A_1549, %ne3A_1541 : vector<16xi1>
    %add3A_1551 = vector.broadcast %select_n3A_1536 : i32 to vector<16xi32>
    %add3A_1552 = arith.addi %rem3A_1538, %add3A_1551 : vector<16xi32>
    %select_n3A_1553 = arith.select %and3A_1550, %add3A_1552, %rem3A_1538 : vector<16xi1>, vector<16xi32>
    %mul3A_1554 = arith.constant 128 : i32
    %mul3A_1555 = vector.broadcast %mul3A_1554 : i32 to vector<16xi32>
    %mul3A_1556 = arith.muli %select_n3A_1553, %mul3A_1555 : vector<16xi32>
    %add3A_1557 = arith.addi %mul3A_1531, %mul3A_1556 : vector<16xi32>
    %add3A_1558 = arith.addi %add3A_1557, %iota3A : vector<16xi32>
    %jit3A_1559 = arith.constant 8 : i32
    %div3A_1560 = vector.broadcast %jit3A_1559 : i32 to vector<16xi32>
    %div3A_1561 = arith.divsi %select_n3A_335, %div3A_1560 : vector<16xi32>
    %sign3A_1562 = arith.constant 0 : i32
    %sign3A_1563 = vector.broadcast %sign3A_1562 : i32 to vector<16xi32>
    %sign3A_1564 = arith.cmpi sgt, %select_n3A_335, %sign3A_1563 : vector<16xi32>
    %sign3A_1565 = arith.extui %sign3A_1564 : vector<16xi1> to vector<16xi32>
    %sign3A_1566 = arith.constant 0 : i32
    %sign3A_1567 = vector.broadcast %sign3A_1566 : i32 to vector<16xi32>
    %sign3A_1568 = arith.cmpi slt, %select_n3A_335, %sign3A_1567 : vector<16xi32>
    %sign3A_1569 = arith.extui %sign3A_1568 : vector<16xi1> to vector<16xi32>
    %sign3A_1570 = arith.subi %sign3A_1565, %sign3A_1569 : vector<16xi32>
    %sign3A_1571 = arith.constant 0 : i32
    %sign3A_1572 = arith.cmpi sgt, %jit3A_1559, %sign3A_1571 : i32
    %sign3A_1573 = arith.extui %sign3A_1572 : i1 to i32
    %sign3A_1574 = arith.constant 0 : i32
    %sign3A_1575 = arith.cmpi slt, %jit3A_1559, %sign3A_1574 : i32
    %sign3A_1576 = arith.extui %sign3A_1575 : i1 to i32
    %sign3A_1577 = arith.subi %sign3A_1573, %sign3A_1576 : i32
    %ne3A_1578 = vector.broadcast %sign3A_1577 : i32 to vector<16xi32>
    %ne3A_1579 = arith.cmpi ne, %sign3A_1570, %ne3A_1578 : vector<16xi32>
    %rem3A_1580 = vector.broadcast %jit3A_1559 : i32 to vector<16xi32>
    %rem3A_1581 = arith.remsi %select_n3A_335, %rem3A_1580 : vector<16xi32>
    %ne3A_1582 = arith.constant 0 : i32
    %ne3A_1583 = vector.broadcast %ne3A_1582 : i32 to vector<16xi32>
    %ne3A_1584 = arith.cmpi ne, %rem3A_1581, %ne3A_1583 : vector<16xi32>
    %and3A_1585 = arith.andi %ne3A_1579, %ne3A_1584 : vector<16xi1>
    %sub3A_1586 = arith.constant 1 : i32
    %sub3A_1587 = vector.broadcast %sub3A_1586 : i32 to vector<16xi32>
    %sub3A_1588 = arith.subi %div3A_1561, %sub3A_1587 : vector<16xi32>
    %select_n3A_1589 = arith.select %and3A_1585, %sub3A_1588, %div3A_1561 : vector<16xi1>, vector<16xi32>
    %mul3A_1590 = arith.constant 4096 : i32
    %mul3A_1591 = vector.broadcast %mul3A_1590 : i32 to vector<16xi32>
    %mul3A_1592 = arith.muli %select_n3A_1589, %mul3A_1591 : vector<16xi32>
    %jit3A_1593 = arith.constant 8 : i32
    %eq3A_1594 = arith.constant 0 : i32
    %eq3A_1595 = arith.cmpi eq, %jit3A_1593, %eq3A_1594 : i32
    %jit3A_1596 = arith.constant 1 : i32
    %select_n3A_1597 = arith.select %eq3A_1595, %jit3A_1596, %jit3A_1593 : i32
    %rem3A_1598 = vector.broadcast %select_n3A_1597 : i32 to vector<16xi32>
    %rem3A_1599 = arith.remsi %select_n3A_335, %rem3A_1598 : vector<16xi32>
    %ne3A_1600 = arith.constant 0 : i32
    %ne3A_1601 = vector.broadcast %ne3A_1600 : i32 to vector<16xi32>
    %ne3A_1602 = arith.cmpi ne, %rem3A_1599, %ne3A_1601 : vector<16xi32>
    %lt3A_1603 = arith.constant 0 : i32
    %lt3A_1604 = vector.broadcast %lt3A_1603 : i32 to vector<16xi32>
    %lt3A_1605 = arith.cmpi slt, %rem3A_1599, %lt3A_1604 : vector<16xi32>
    %lt3A_1606 = arith.constant 0 : i32
    %lt3A_1607 = arith.cmpi slt, %select_n3A_1597, %lt3A_1606 : i32
    %ne3A_1608 = vector.broadcast %lt3A_1607 : i1 to vector<16xi1>
    %ne3A_1609 = vector.broadcast %ne3A_1608 : vector<16xi1> to vector<16xi1>
    %ne3A_1610 = arith.xori %lt3A_1605, %ne3A_1609 : vector<16xi1>
    %and3A_1611 = arith.andi %ne3A_1610, %ne3A_1602 : vector<16xi1>
    %add3A_1612 = vector.broadcast %select_n3A_1597 : i32 to vector<16xi32>
    %add3A_1613 = arith.addi %rem3A_1599, %add3A_1612 : vector<16xi32>
    %select_n3A_1614 = arith.select %and3A_1611, %add3A_1613, %rem3A_1599 : vector<16xi1>, vector<16xi32>
    %mul3A_1615 = arith.constant 128 : i32
    %mul3A_1616 = vector.broadcast %mul3A_1615 : i32 to vector<16xi32>
    %mul3A_1617 = arith.muli %select_n3A_1614, %mul3A_1616 : vector<16xi32>
    %add3A_1618 = arith.addi %mul3A_1592, %mul3A_1617 : vector<16xi32>
    %add3A_1619 = arith.addi %add3A_1618, %iota3A : vector<16xi32>
    %jit3A_1620 = arith.constant 8 : i32
    %div3A_1621 = vector.broadcast %jit3A_1620 : i32 to vector<16xi32>
    %div3A_1622 = arith.divsi %select_n3A_361, %div3A_1621 : vector<16xi32>
    %sign3A_1623 = arith.constant 0 : i32
    %sign3A_1624 = vector.broadcast %sign3A_1623 : i32 to vector<16xi32>
    %sign3A_1625 = arith.cmpi sgt, %select_n3A_361, %sign3A_1624 : vector<16xi32>
    %sign3A_1626 = arith.extui %sign3A_1625 : vector<16xi1> to vector<16xi32>
    %sign3A_1627 = arith.constant 0 : i32
    %sign3A_1628 = vector.broadcast %sign3A_1627 : i32 to vector<16xi32>
    %sign3A_1629 = arith.cmpi slt, %select_n3A_361, %sign3A_1628 : vector<16xi32>
    %sign3A_1630 = arith.extui %sign3A_1629 : vector<16xi1> to vector<16xi32>
    %sign3A_1631 = arith.subi %sign3A_1626, %sign3A_1630 : vector<16xi32>
    %sign3A_1632 = arith.constant 0 : i32
    %sign3A_1633 = arith.cmpi sgt, %jit3A_1620, %sign3A_1632 : i32
    %sign3A_1634 = arith.extui %sign3A_1633 : i1 to i32
    %sign3A_1635 = arith.constant 0 : i32
    %sign3A_1636 = arith.cmpi slt, %jit3A_1620, %sign3A_1635 : i32
    %sign3A_1637 = arith.extui %sign3A_1636 : i1 to i32
    %sign3A_1638 = arith.subi %sign3A_1634, %sign3A_1637 : i32
    %ne3A_1639 = vector.broadcast %sign3A_1638 : i32 to vector<16xi32>
    %ne3A_1640 = arith.cmpi ne, %sign3A_1631, %ne3A_1639 : vector<16xi32>
    %rem3A_1641 = vector.broadcast %jit3A_1620 : i32 to vector<16xi32>
    %rem3A_1642 = arith.remsi %select_n3A_361, %rem3A_1641 : vector<16xi32>
    %ne3A_1643 = arith.constant 0 : i32
    %ne3A_1644 = vector.broadcast %ne3A_1643 : i32 to vector<16xi32>
    %ne3A_1645 = arith.cmpi ne, %rem3A_1642, %ne3A_1644 : vector<16xi32>
    %and3A_1646 = arith.andi %ne3A_1640, %ne3A_1645 : vector<16xi1>
    %sub3A_1647 = arith.constant 1 : i32
    %sub3A_1648 = vector.broadcast %sub3A_1647 : i32 to vector<16xi32>
    %sub3A_1649 = arith.subi %div3A_1622, %sub3A_1648 : vector<16xi32>
    %select_n3A_1650 = arith.select %and3A_1646, %sub3A_1649, %div3A_1622 : vector<16xi1>, vector<16xi32>
    %mul3A_1651 = arith.constant 4096 : i32
    %mul3A_1652 = vector.broadcast %mul3A_1651 : i32 to vector<16xi32>
    %mul3A_1653 = arith.muli %select_n3A_1650, %mul3A_1652 : vector<16xi32>
    %jit3A_1654 = arith.constant 8 : i32
    %eq3A_1655 = arith.constant 0 : i32
    %eq3A_1656 = arith.cmpi eq, %jit3A_1654, %eq3A_1655 : i32
    %jit3A_1657 = arith.constant 1 : i32
    %select_n3A_1658 = arith.select %eq3A_1656, %jit3A_1657, %jit3A_1654 : i32
    %rem3A_1659 = vector.broadcast %select_n3A_1658 : i32 to vector<16xi32>
    %rem3A_1660 = arith.remsi %select_n3A_361, %rem3A_1659 : vector<16xi32>
    %ne3A_1661 = arith.constant 0 : i32
    %ne3A_1662 = vector.broadcast %ne3A_1661 : i32 to vector<16xi32>
    %ne3A_1663 = arith.cmpi ne, %rem3A_1660, %ne3A_1662 : vector<16xi32>
    %lt3A_1664 = arith.constant 0 : i32
    %lt3A_1665 = vector.broadcast %lt3A_1664 : i32 to vector<16xi32>
    %lt3A_1666 = arith.cmpi slt, %rem3A_1660, %lt3A_1665 : vector<16xi32>
    %lt3A_1667 = arith.constant 0 : i32
    %lt3A_1668 = arith.cmpi slt, %select_n3A_1658, %lt3A_1667 : i32
    %ne3A_1669 = vector.broadcast %lt3A_1668 : i1 to vector<16xi1>
    %ne3A_1670 = vector.broadcast %ne3A_1669 : vector<16xi1> to vector<16xi1>
    %ne3A_1671 = arith.xori %lt3A_1666, %ne3A_1670 : vector<16xi1>
    %and3A_1672 = arith.andi %ne3A_1671, %ne3A_1663 : vector<16xi1>
    %add3A_1673 = vector.broadcast %select_n3A_1658 : i32 to vector<16xi32>
    %add3A_1674 = arith.addi %rem3A_1660, %add3A_1673 : vector<16xi32>
    %select_n3A_1675 = arith.select %and3A_1672, %add3A_1674, %rem3A_1660 : vector<16xi1>, vector<16xi32>
    %mul3A_1676 = arith.constant 128 : i32
    %mul3A_1677 = vector.broadcast %mul3A_1676 : i32 to vector<16xi32>
    %mul3A_1678 = arith.muli %select_n3A_1675, %mul3A_1677 : vector<16xi32>
    %add3A_1679 = arith.addi %mul3A_1653, %mul3A_1678 : vector<16xi32>
    %add3A_1680 = arith.addi %add3A_1679, %iota3A : vector<16xi32>
    %jit3A_1681 = arith.constant 8 : i32
    %div3A_1682 = vector.broadcast %jit3A_1681 : i32 to vector<16xi32>
    %div3A_1683 = arith.divsi %select_n3A_387, %div3A_1682 : vector<16xi32>
    %sign3A_1684 = arith.constant 0 : i32
    %sign3A_1685 = vector.broadcast %sign3A_1684 : i32 to vector<16xi32>
    %sign3A_1686 = arith.cmpi sgt, %select_n3A_387, %sign3A_1685 : vector<16xi32>
    %sign3A_1687 = arith.extui %sign3A_1686 : vector<16xi1> to vector<16xi32>
    %sign3A_1688 = arith.constant 0 : i32
    %sign3A_1689 = vector.broadcast %sign3A_1688 : i32 to vector<16xi32>
    %sign3A_1690 = arith.cmpi slt, %select_n3A_387, %sign3A_1689 : vector<16xi32>
    %sign3A_1691 = arith.extui %sign3A_1690 : vector<16xi1> to vector<16xi32>
    %sign3A_1692 = arith.subi %sign3A_1687, %sign3A_1691 : vector<16xi32>
    %sign3A_1693 = arith.constant 0 : i32
    %sign3A_1694 = arith.cmpi sgt, %jit3A_1681, %sign3A_1693 : i32
    %sign3A_1695 = arith.extui %sign3A_1694 : i1 to i32
    %sign3A_1696 = arith.constant 0 : i32
    %sign3A_1697 = arith.cmpi slt, %jit3A_1681, %sign3A_1696 : i32
    %sign3A_1698 = arith.extui %sign3A_1697 : i1 to i32
    %sign3A_1699 = arith.subi %sign3A_1695, %sign3A_1698 : i32
    %ne3A_1700 = vector.broadcast %sign3A_1699 : i32 to vector<16xi32>
    %ne3A_1701 = arith.cmpi ne, %sign3A_1692, %ne3A_1700 : vector<16xi32>
    %rem3A_1702 = vector.broadcast %jit3A_1681 : i32 to vector<16xi32>
    %rem3A_1703 = arith.remsi %select_n3A_387, %rem3A_1702 : vector<16xi32>
    %ne3A_1704 = arith.constant 0 : i32
    %ne3A_1705 = vector.broadcast %ne3A_1704 : i32 to vector<16xi32>
    %ne3A_1706 = arith.cmpi ne, %rem3A_1703, %ne3A_1705 : vector<16xi32>
    %and3A_1707 = arith.andi %ne3A_1701, %ne3A_1706 : vector<16xi1>
    %sub3A_1708 = arith.constant 1 : i32
    %sub3A_1709 = vector.broadcast %sub3A_1708 : i32 to vector<16xi32>
    %sub3A_1710 = arith.subi %div3A_1683, %sub3A_1709 : vector<16xi32>
    %select_n3A_1711 = arith.select %and3A_1707, %sub3A_1710, %div3A_1683 : vector<16xi1>, vector<16xi32>
    %mul3A_1712 = arith.constant 4096 : i32
    %mul3A_1713 = vector.broadcast %mul3A_1712 : i32 to vector<16xi32>
    %mul3A_1714 = arith.muli %select_n3A_1711, %mul3A_1713 : vector<16xi32>
    %jit3A_1715 = arith.constant 8 : i32
    %eq3A_1716 = arith.constant 0 : i32
    %eq3A_1717 = arith.cmpi eq, %jit3A_1715, %eq3A_1716 : i32
    %jit3A_1718 = arith.constant 1 : i32
    %select_n3A_1719 = arith.select %eq3A_1717, %jit3A_1718, %jit3A_1715 : i32
    %rem3A_1720 = vector.broadcast %select_n3A_1719 : i32 to vector<16xi32>
    %rem3A_1721 = arith.remsi %select_n3A_387, %rem3A_1720 : vector<16xi32>
    %ne3A_1722 = arith.constant 0 : i32
    %ne3A_1723 = vector.broadcast %ne3A_1722 : i32 to vector<16xi32>
    %ne3A_1724 = arith.cmpi ne, %rem3A_1721, %ne3A_1723 : vector<16xi32>
    %lt3A_1725 = arith.constant 0 : i32
    %lt3A_1726 = vector.broadcast %lt3A_1725 : i32 to vector<16xi32>
    %lt3A_1727 = arith.cmpi slt, %rem3A_1721, %lt3A_1726 : vector<16xi32>
    %lt3A_1728 = arith.constant 0 : i32
    %lt3A_1729 = arith.cmpi slt, %select_n3A_1719, %lt3A_1728 : i32
    %ne3A_1730 = vector.broadcast %lt3A_1729 : i1 to vector<16xi1>
    %ne3A_1731 = vector.broadcast %ne3A_1730 : vector<16xi1> to vector<16xi1>
    %ne3A_1732 = arith.xori %lt3A_1727, %ne3A_1731 : vector<16xi1>
    %and3A_1733 = arith.andi %ne3A_1732, %ne3A_1724 : vector<16xi1>
    %add3A_1734 = vector.broadcast %select_n3A_1719 : i32 to vector<16xi32>
    %add3A_1735 = arith.addi %rem3A_1721, %add3A_1734 : vector<16xi32>
    %select_n3A_1736 = arith.select %and3A_1733, %add3A_1735, %rem3A_1721 : vector<16xi1>, vector<16xi32>
    %mul3A_1737 = arith.constant 128 : i32
    %mul3A_1738 = vector.broadcast %mul3A_1737 : i32 to vector<16xi32>
    %mul3A_1739 = arith.muli %select_n3A_1736, %mul3A_1738 : vector<16xi32>
    %add3A_1740 = arith.addi %mul3A_1714, %mul3A_1739 : vector<16xi32>
    %add3A_1741 = arith.addi %add3A_1740, %iota3A : vector<16xi32>
    %jit3A_1742 = arith.constant 8 : i32
    %div3A_1743 = vector.broadcast %jit3A_1742 : i32 to vector<16xi32>
    %div3A_1744 = arith.divsi %select_n3A_413, %div3A_1743 : vector<16xi32>
    %sign3A_1745 = arith.constant 0 : i32
    %sign3A_1746 = vector.broadcast %sign3A_1745 : i32 to vector<16xi32>
    %sign3A_1747 = arith.cmpi sgt, %select_n3A_413, %sign3A_1746 : vector<16xi32>
    %sign3A_1748 = arith.extui %sign3A_1747 : vector<16xi1> to vector<16xi32>
    %sign3A_1749 = arith.constant 0 : i32
    %sign3A_1750 = vector.broadcast %sign3A_1749 : i32 to vector<16xi32>
    %sign3A_1751 = arith.cmpi slt, %select_n3A_413, %sign3A_1750 : vector<16xi32>
    %sign3A_1752 = arith.extui %sign3A_1751 : vector<16xi1> to vector<16xi32>
    %sign3A_1753 = arith.subi %sign3A_1748, %sign3A_1752 : vector<16xi32>
    %sign3A_1754 = arith.constant 0 : i32
    %sign3A_1755 = arith.cmpi sgt, %jit3A_1742, %sign3A_1754 : i32
    %sign3A_1756 = arith.extui %sign3A_1755 : i1 to i32
    %sign3A_1757 = arith.constant 0 : i32
    %sign3A_1758 = arith.cmpi slt, %jit3A_1742, %sign3A_1757 : i32
    %sign3A_1759 = arith.extui %sign3A_1758 : i1 to i32
    %sign3A_1760 = arith.subi %sign3A_1756, %sign3A_1759 : i32
    %ne3A_1761 = vector.broadcast %sign3A_1760 : i32 to vector<16xi32>
    %ne3A_1762 = arith.cmpi ne, %sign3A_1753, %ne3A_1761 : vector<16xi32>
    %rem3A_1763 = vector.broadcast %jit3A_1742 : i32 to vector<16xi32>
    %rem3A_1764 = arith.remsi %select_n3A_413, %rem3A_1763 : vector<16xi32>
    %ne3A_1765 = arith.constant 0 : i32
    %ne3A_1766 = vector.broadcast %ne3A_1765 : i32 to vector<16xi32>
    %ne3A_1767 = arith.cmpi ne, %rem3A_1764, %ne3A_1766 : vector<16xi32>
    %and3A_1768 = arith.andi %ne3A_1762, %ne3A_1767 : vector<16xi1>
    %sub3A_1769 = arith.constant 1 : i32
    %sub3A_1770 = vector.broadcast %sub3A_1769 : i32 to vector<16xi32>
    %sub3A_1771 = arith.subi %div3A_1744, %sub3A_1770 : vector<16xi32>
    %select_n3A_1772 = arith.select %and3A_1768, %sub3A_1771, %div3A_1744 : vector<16xi1>, vector<16xi32>
    %mul3A_1773 = arith.constant 4096 : i32
    %mul3A_1774 = vector.broadcast %mul3A_1773 : i32 to vector<16xi32>
    %mul3A_1775 = arith.muli %select_n3A_1772, %mul3A_1774 : vector<16xi32>
    %jit3A_1776 = arith.constant 8 : i32
    %eq3A_1777 = arith.constant 0 : i32
    %eq3A_1778 = arith.cmpi eq, %jit3A_1776, %eq3A_1777 : i32
    %jit3A_1779 = arith.constant 1 : i32
    %select_n3A_1780 = arith.select %eq3A_1778, %jit3A_1779, %jit3A_1776 : i32
    %rem3A_1781 = vector.broadcast %select_n3A_1780 : i32 to vector<16xi32>
    %rem3A_1782 = arith.remsi %select_n3A_413, %rem3A_1781 : vector<16xi32>
    %ne3A_1783 = arith.constant 0 : i32
    %ne3A_1784 = vector.broadcast %ne3A_1783 : i32 to vector<16xi32>
    %ne3A_1785 = arith.cmpi ne, %rem3A_1782, %ne3A_1784 : vector<16xi32>
    %lt3A_1786 = arith.constant 0 : i32
    %lt3A_1787 = vector.broadcast %lt3A_1786 : i32 to vector<16xi32>
    %lt3A_1788 = arith.cmpi slt, %rem3A_1782, %lt3A_1787 : vector<16xi32>
    %lt3A_1789 = arith.constant 0 : i32
    %lt3A_1790 = arith.cmpi slt, %select_n3A_1780, %lt3A_1789 : i32
    %ne3A_1791 = vector.broadcast %lt3A_1790 : i1 to vector<16xi1>
    %ne3A_1792 = vector.broadcast %ne3A_1791 : vector<16xi1> to vector<16xi1>
    %ne3A_1793 = arith.xori %lt3A_1788, %ne3A_1792 : vector<16xi1>
    %and3A_1794 = arith.andi %ne3A_1793, %ne3A_1785 : vector<16xi1>
    %add3A_1795 = vector.broadcast %select_n3A_1780 : i32 to vector<16xi32>
    %add3A_1796 = arith.addi %rem3A_1782, %add3A_1795 : vector<16xi32>
    %select_n3A_1797 = arith.select %and3A_1794, %add3A_1796, %rem3A_1782 : vector<16xi1>, vector<16xi32>
    %mul3A_1798 = arith.constant 128 : i32
    %mul3A_1799 = vector.broadcast %mul3A_1798 : i32 to vector<16xi32>
    %mul3A_1800 = arith.muli %select_n3A_1797, %mul3A_1799 : vector<16xi32>
    %add3A_1801 = arith.addi %mul3A_1775, %mul3A_1800 : vector<16xi32>
    %add3A_1802 = arith.addi %add3A_1801, %iota3A : vector<16xi32>
    %jit3A_1803 = arith.constant 8 : i32
    %div3A_1804 = vector.broadcast %jit3A_1803 : i32 to vector<16xi32>
    %div3A_1805 = arith.divsi %select_n3A_439, %div3A_1804 : vector<16xi32>
    %sign3A_1806 = arith.constant 0 : i32
    %sign3A_1807 = vector.broadcast %sign3A_1806 : i32 to vector<16xi32>
    %sign3A_1808 = arith.cmpi sgt, %select_n3A_439, %sign3A_1807 : vector<16xi32>
    %sign3A_1809 = arith.extui %sign3A_1808 : vector<16xi1> to vector<16xi32>
    %sign3A_1810 = arith.constant 0 : i32
    %sign3A_1811 = vector.broadcast %sign3A_1810 : i32 to vector<16xi32>
    %sign3A_1812 = arith.cmpi slt, %select_n3A_439, %sign3A_1811 : vector<16xi32>
    %sign3A_1813 = arith.extui %sign3A_1812 : vector<16xi1> to vector<16xi32>
    %sign3A_1814 = arith.subi %sign3A_1809, %sign3A_1813 : vector<16xi32>
    %sign3A_1815 = arith.constant 0 : i32
    %sign3A_1816 = arith.cmpi sgt, %jit3A_1803, %sign3A_1815 : i32
    %sign3A_1817 = arith.extui %sign3A_1816 : i1 to i32
    %sign3A_1818 = arith.constant 0 : i32
    %sign3A_1819 = arith.cmpi slt, %jit3A_1803, %sign3A_1818 : i32
    %sign3A_1820 = arith.extui %sign3A_1819 : i1 to i32
    %sign3A_1821 = arith.subi %sign3A_1817, %sign3A_1820 : i32
    %ne3A_1822 = vector.broadcast %sign3A_1821 : i32 to vector<16xi32>
    %ne3A_1823 = arith.cmpi ne, %sign3A_1814, %ne3A_1822 : vector<16xi32>
    %rem3A_1824 = vector.broadcast %jit3A_1803 : i32 to vector<16xi32>
    %rem3A_1825 = arith.remsi %select_n3A_439, %rem3A_1824 : vector<16xi32>
    %ne3A_1826 = arith.constant 0 : i32
    %ne3A_1827 = vector.broadcast %ne3A_1826 : i32 to vector<16xi32>
    %ne3A_1828 = arith.cmpi ne, %rem3A_1825, %ne3A_1827 : vector<16xi32>
    %and3A_1829 = arith.andi %ne3A_1823, %ne3A_1828 : vector<16xi1>
    %sub3A_1830 = arith.constant 1 : i32
    %sub3A_1831 = vector.broadcast %sub3A_1830 : i32 to vector<16xi32>
    %sub3A_1832 = arith.subi %div3A_1805, %sub3A_1831 : vector<16xi32>
    %select_n3A_1833 = arith.select %and3A_1829, %sub3A_1832, %div3A_1805 : vector<16xi1>, vector<16xi32>
    %mul3A_1834 = arith.constant 4096 : i32
    %mul3A_1835 = vector.broadcast %mul3A_1834 : i32 to vector<16xi32>
    %mul3A_1836 = arith.muli %select_n3A_1833, %mul3A_1835 : vector<16xi32>
    %jit3A_1837 = arith.constant 8 : i32
    %eq3A_1838 = arith.constant 0 : i32
    %eq3A_1839 = arith.cmpi eq, %jit3A_1837, %eq3A_1838 : i32
    %jit3A_1840 = arith.constant 1 : i32
    %select_n3A_1841 = arith.select %eq3A_1839, %jit3A_1840, %jit3A_1837 : i32
    %rem3A_1842 = vector.broadcast %select_n3A_1841 : i32 to vector<16xi32>
    %rem3A_1843 = arith.remsi %select_n3A_439, %rem3A_1842 : vector<16xi32>
    %ne3A_1844 = arith.constant 0 : i32
    %ne3A_1845 = vector.broadcast %ne3A_1844 : i32 to vector<16xi32>
    %ne3A_1846 = arith.cmpi ne, %rem3A_1843, %ne3A_1845 : vector<16xi32>
    %lt3A_1847 = arith.constant 0 : i32
    %lt3A_1848 = vector.broadcast %lt3A_1847 : i32 to vector<16xi32>
    %lt3A_1849 = arith.cmpi slt, %rem3A_1843, %lt3A_1848 : vector<16xi32>
    %lt3A_1850 = arith.constant 0 : i32
    %lt3A_1851 = arith.cmpi slt, %select_n3A_1841, %lt3A_1850 : i32
    %ne3A_1852 = vector.broadcast %lt3A_1851 : i1 to vector<16xi1>
    %ne3A_1853 = vector.broadcast %ne3A_1852 : vector<16xi1> to vector<16xi1>
    %ne3A_1854 = arith.xori %lt3A_1849, %ne3A_1853 : vector<16xi1>
    %and3A_1855 = arith.andi %ne3A_1854, %ne3A_1846 : vector<16xi1>
    %add3A_1856 = vector.broadcast %select_n3A_1841 : i32 to vector<16xi32>
    %add3A_1857 = arith.addi %rem3A_1843, %add3A_1856 : vector<16xi32>
    %select_n3A_1858 = arith.select %and3A_1855, %add3A_1857, %rem3A_1843 : vector<16xi1>, vector<16xi32>
    %mul3A_1859 = arith.constant 128 : i32
    %mul3A_1860 = vector.broadcast %mul3A_1859 : i32 to vector<16xi32>
    %mul3A_1861 = arith.muli %select_n3A_1858, %mul3A_1860 : vector<16xi32>
    %add3A_1862 = arith.addi %mul3A_1836, %mul3A_1861 : vector<16xi32>
    %add3A_1863 = arith.addi %add3A_1862, %iota3A : vector<16xi32>
    %jit3A_1864 = arith.constant 8 : i32
    %div3A_1865 = vector.broadcast %jit3A_1864 : i32 to vector<16xi32>
    %div3A_1866 = arith.divsi %select_n3A_465, %div3A_1865 : vector<16xi32>
    %sign3A_1867 = arith.constant 0 : i32
    %sign3A_1868 = vector.broadcast %sign3A_1867 : i32 to vector<16xi32>
    %sign3A_1869 = arith.cmpi sgt, %select_n3A_465, %sign3A_1868 : vector<16xi32>
    %sign3A_1870 = arith.extui %sign3A_1869 : vector<16xi1> to vector<16xi32>
    %sign3A_1871 = arith.constant 0 : i32
    %sign3A_1872 = vector.broadcast %sign3A_1871 : i32 to vector<16xi32>
    %sign3A_1873 = arith.cmpi slt, %select_n3A_465, %sign3A_1872 : vector<16xi32>
    %sign3A_1874 = arith.extui %sign3A_1873 : vector<16xi1> to vector<16xi32>
    %sign3A_1875 = arith.subi %sign3A_1870, %sign3A_1874 : vector<16xi32>
    %sign3A_1876 = arith.constant 0 : i32
    %sign3A_1877 = arith.cmpi sgt, %jit3A_1864, %sign3A_1876 : i32
    %sign3A_1878 = arith.extui %sign3A_1877 : i1 to i32
    %sign3A_1879 = arith.constant 0 : i32
    %sign3A_1880 = arith.cmpi slt, %jit3A_1864, %sign3A_1879 : i32
    %sign3A_1881 = arith.extui %sign3A_1880 : i1 to i32
    %sign3A_1882 = arith.subi %sign3A_1878, %sign3A_1881 : i32
    %ne3A_1883 = vector.broadcast %sign3A_1882 : i32 to vector<16xi32>
    %ne3A_1884 = arith.cmpi ne, %sign3A_1875, %ne3A_1883 : vector<16xi32>
    %rem3A_1885 = vector.broadcast %jit3A_1864 : i32 to vector<16xi32>
    %rem3A_1886 = arith.remsi %select_n3A_465, %rem3A_1885 : vector<16xi32>
    %ne3A_1887 = arith.constant 0 : i32
    %ne3A_1888 = vector.broadcast %ne3A_1887 : i32 to vector<16xi32>
    %ne3A_1889 = arith.cmpi ne, %rem3A_1886, %ne3A_1888 : vector<16xi32>
    %and3A_1890 = arith.andi %ne3A_1884, %ne3A_1889 : vector<16xi1>
    %sub3A_1891 = arith.constant 1 : i32
    %sub3A_1892 = vector.broadcast %sub3A_1891 : i32 to vector<16xi32>
    %sub3A_1893 = arith.subi %div3A_1866, %sub3A_1892 : vector<16xi32>
    %select_n3A_1894 = arith.select %and3A_1890, %sub3A_1893, %div3A_1866 : vector<16xi1>, vector<16xi32>
    %mul3A_1895 = arith.constant 4096 : i32
    %mul3A_1896 = vector.broadcast %mul3A_1895 : i32 to vector<16xi32>
    %mul3A_1897 = arith.muli %select_n3A_1894, %mul3A_1896 : vector<16xi32>
    %jit3A_1898 = arith.constant 8 : i32
    %eq3A_1899 = arith.constant 0 : i32
    %eq3A_1900 = arith.cmpi eq, %jit3A_1898, %eq3A_1899 : i32
    %jit3A_1901 = arith.constant 1 : i32
    %select_n3A_1902 = arith.select %eq3A_1900, %jit3A_1901, %jit3A_1898 : i32
    %rem3A_1903 = vector.broadcast %select_n3A_1902 : i32 to vector<16xi32>
    %rem3A_1904 = arith.remsi %select_n3A_465, %rem3A_1903 : vector<16xi32>
    %ne3A_1905 = arith.constant 0 : i32
    %ne3A_1906 = vector.broadcast %ne3A_1905 : i32 to vector<16xi32>
    %ne3A_1907 = arith.cmpi ne, %rem3A_1904, %ne3A_1906 : vector<16xi32>
    %lt3A_1908 = arith.constant 0 : i32
    %lt3A_1909 = vector.broadcast %lt3A_1908 : i32 to vector<16xi32>
    %lt3A_1910 = arith.cmpi slt, %rem3A_1904, %lt3A_1909 : vector<16xi32>
    %lt3A_1911 = arith.constant 0 : i32
    %lt3A_1912 = arith.cmpi slt, %select_n3A_1902, %lt3A_1911 : i32
    %ne3A_1913 = vector.broadcast %lt3A_1912 : i1 to vector<16xi1>
    %ne3A_1914 = vector.broadcast %ne3A_1913 : vector<16xi1> to vector<16xi1>
    %ne3A_1915 = arith.xori %lt3A_1910, %ne3A_1914 : vector<16xi1>
    %and3A_1916 = arith.andi %ne3A_1915, %ne3A_1907 : vector<16xi1>
    %add3A_1917 = vector.broadcast %select_n3A_1902 : i32 to vector<16xi32>
    %add3A_1918 = arith.addi %rem3A_1904, %add3A_1917 : vector<16xi32>
    %select_n3A_1919 = arith.select %and3A_1916, %add3A_1918, %rem3A_1904 : vector<16xi1>, vector<16xi32>
    %mul3A_1920 = arith.constant 128 : i32
    %mul3A_1921 = vector.broadcast %mul3A_1920 : i32 to vector<16xi32>
    %mul3A_1922 = arith.muli %select_n3A_1919, %mul3A_1921 : vector<16xi32>
    %add3A_1923 = arith.addi %mul3A_1897, %mul3A_1922 : vector<16xi32>
    %add3A_1924 = arith.addi %add3A_1923, %iota3A : vector<16xi32>
    %jit3A_1925 = arith.constant 8 : i32
    %div3A_1926 = vector.broadcast %jit3A_1925 : i32 to vector<16xi32>
    %div3A_1927 = arith.divsi %select_n3A_491, %div3A_1926 : vector<16xi32>
    %sign3A_1928 = arith.constant 0 : i32
    %sign3A_1929 = vector.broadcast %sign3A_1928 : i32 to vector<16xi32>
    %sign3A_1930 = arith.cmpi sgt, %select_n3A_491, %sign3A_1929 : vector<16xi32>
    %sign3A_1931 = arith.extui %sign3A_1930 : vector<16xi1> to vector<16xi32>
    %sign3A_1932 = arith.constant 0 : i32
    %sign3A_1933 = vector.broadcast %sign3A_1932 : i32 to vector<16xi32>
    %sign3A_1934 = arith.cmpi slt, %select_n3A_491, %sign3A_1933 : vector<16xi32>
    %sign3A_1935 = arith.extui %sign3A_1934 : vector<16xi1> to vector<16xi32>
    %sign3A_1936 = arith.subi %sign3A_1931, %sign3A_1935 : vector<16xi32>
    %sign3A_1937 = arith.constant 0 : i32
    %sign3A_1938 = arith.cmpi sgt, %jit3A_1925, %sign3A_1937 : i32
    %sign3A_1939 = arith.extui %sign3A_1938 : i1 to i32
    %sign3A_1940 = arith.constant 0 : i32
    %sign3A_1941 = arith.cmpi slt, %jit3A_1925, %sign3A_1940 : i32
    %sign3A_1942 = arith.extui %sign3A_1941 : i1 to i32
    %sign3A_1943 = arith.subi %sign3A_1939, %sign3A_1942 : i32
    %ne3A_1944 = vector.broadcast %sign3A_1943 : i32 to vector<16xi32>
    %ne3A_1945 = arith.cmpi ne, %sign3A_1936, %ne3A_1944 : vector<16xi32>
    %rem3A_1946 = vector.broadcast %jit3A_1925 : i32 to vector<16xi32>
    %rem3A_1947 = arith.remsi %select_n3A_491, %rem3A_1946 : vector<16xi32>
    %ne3A_1948 = arith.constant 0 : i32
    %ne3A_1949 = vector.broadcast %ne3A_1948 : i32 to vector<16xi32>
    %ne3A_1950 = arith.cmpi ne, %rem3A_1947, %ne3A_1949 : vector<16xi32>
    %and3A_1951 = arith.andi %ne3A_1945, %ne3A_1950 : vector<16xi1>
    %sub3A_1952 = arith.constant 1 : i32
    %sub3A_1953 = vector.broadcast %sub3A_1952 : i32 to vector<16xi32>
    %sub3A_1954 = arith.subi %div3A_1927, %sub3A_1953 : vector<16xi32>
    %select_n3A_1955 = arith.select %and3A_1951, %sub3A_1954, %div3A_1927 : vector<16xi1>, vector<16xi32>
    %mul3A_1956 = arith.constant 4096 : i32
    %mul3A_1957 = vector.broadcast %mul3A_1956 : i32 to vector<16xi32>
    %mul3A_1958 = arith.muli %select_n3A_1955, %mul3A_1957 : vector<16xi32>
    %jit3A_1959 = arith.constant 8 : i32
    %eq3A_1960 = arith.constant 0 : i32
    %eq3A_1961 = arith.cmpi eq, %jit3A_1959, %eq3A_1960 : i32
    %jit3A_1962 = arith.constant 1 : i32
    %select_n3A_1963 = arith.select %eq3A_1961, %jit3A_1962, %jit3A_1959 : i32
    %rem3A_1964 = vector.broadcast %select_n3A_1963 : i32 to vector<16xi32>
    %rem3A_1965 = arith.remsi %select_n3A_491, %rem3A_1964 : vector<16xi32>
    %ne3A_1966 = arith.constant 0 : i32
    %ne3A_1967 = vector.broadcast %ne3A_1966 : i32 to vector<16xi32>
    %ne3A_1968 = arith.cmpi ne, %rem3A_1965, %ne3A_1967 : vector<16xi32>
    %lt3A_1969 = arith.constant 0 : i32
    %lt3A_1970 = vector.broadcast %lt3A_1969 : i32 to vector<16xi32>
    %lt3A_1971 = arith.cmpi slt, %rem3A_1965, %lt3A_1970 : vector<16xi32>
    %lt3A_1972 = arith.constant 0 : i32
    %lt3A_1973 = arith.cmpi slt, %select_n3A_1963, %lt3A_1972 : i32
    %ne3A_1974 = vector.broadcast %lt3A_1973 : i1 to vector<16xi1>
    %ne3A_1975 = vector.broadcast %ne3A_1974 : vector<16xi1> to vector<16xi1>
    %ne3A_1976 = arith.xori %lt3A_1971, %ne3A_1975 : vector<16xi1>
    %and3A_1977 = arith.andi %ne3A_1976, %ne3A_1968 : vector<16xi1>
    %add3A_1978 = vector.broadcast %select_n3A_1963 : i32 to vector<16xi32>
    %add3A_1979 = arith.addi %rem3A_1965, %add3A_1978 : vector<16xi32>
    %select_n3A_1980 = arith.select %and3A_1977, %add3A_1979, %rem3A_1965 : vector<16xi1>, vector<16xi32>
    %mul3A_1981 = arith.constant 128 : i32
    %mul3A_1982 = vector.broadcast %mul3A_1981 : i32 to vector<16xi32>
    %mul3A_1983 = arith.muli %select_n3A_1980, %mul3A_1982 : vector<16xi32>
    %add3A_1984 = arith.addi %mul3A_1958, %mul3A_1983 : vector<16xi32>
    %add3A_1985 = arith.addi %add3A_1984, %iota3A : vector<16xi32>
    %jit3A_1986 = arith.constant 8 : i32
    %div3A_1987 = vector.broadcast %jit3A_1986 : i32 to vector<16xi32>
    %div3A_1988 = arith.divsi %select_n3A_517, %div3A_1987 : vector<16xi32>
    %sign3A_1989 = arith.constant 0 : i32
    %sign3A_1990 = vector.broadcast %sign3A_1989 : i32 to vector<16xi32>
    %sign3A_1991 = arith.cmpi sgt, %select_n3A_517, %sign3A_1990 : vector<16xi32>
    %sign3A_1992 = arith.extui %sign3A_1991 : vector<16xi1> to vector<16xi32>
    %sign3A_1993 = arith.constant 0 : i32
    %sign3A_1994 = vector.broadcast %sign3A_1993 : i32 to vector<16xi32>
    %sign3A_1995 = arith.cmpi slt, %select_n3A_517, %sign3A_1994 : vector<16xi32>
    %sign3A_1996 = arith.extui %sign3A_1995 : vector<16xi1> to vector<16xi32>
    %sign3A_1997 = arith.subi %sign3A_1992, %sign3A_1996 : vector<16xi32>
    %sign3A_1998 = arith.constant 0 : i32
    %sign3A_1999 = arith.cmpi sgt, %jit3A_1986, %sign3A_1998 : i32
    %sign3A_2000 = arith.extui %sign3A_1999 : i1 to i32
    %sign3A_2001 = arith.constant 0 : i32
    %sign3A_2002 = arith.cmpi slt, %jit3A_1986, %sign3A_2001 : i32
    %sign3A_2003 = arith.extui %sign3A_2002 : i1 to i32
    %sign3A_2004 = arith.subi %sign3A_2000, %sign3A_2003 : i32
    %ne3A_2005 = vector.broadcast %sign3A_2004 : i32 to vector<16xi32>
    %ne3A_2006 = arith.cmpi ne, %sign3A_1997, %ne3A_2005 : vector<16xi32>
    %rem3A_2007 = vector.broadcast %jit3A_1986 : i32 to vector<16xi32>
    %rem3A_2008 = arith.remsi %select_n3A_517, %rem3A_2007 : vector<16xi32>
    %ne3A_2009 = arith.constant 0 : i32
    %ne3A_2010 = vector.broadcast %ne3A_2009 : i32 to vector<16xi32>
    %ne3A_2011 = arith.cmpi ne, %rem3A_2008, %ne3A_2010 : vector<16xi32>
    %and3A_2012 = arith.andi %ne3A_2006, %ne3A_2011 : vector<16xi1>
    %sub3A_2013 = arith.constant 1 : i32
    %sub3A_2014 = vector.broadcast %sub3A_2013 : i32 to vector<16xi32>
    %sub3A_2015 = arith.subi %div3A_1988, %sub3A_2014 : vector<16xi32>
    %select_n3A_2016 = arith.select %and3A_2012, %sub3A_2015, %div3A_1988 : vector<16xi1>, vector<16xi32>
    %mul3A_2017 = arith.constant 4096 : i32
    %mul3A_2018 = vector.broadcast %mul3A_2017 : i32 to vector<16xi32>
    %mul3A_2019 = arith.muli %select_n3A_2016, %mul3A_2018 : vector<16xi32>
    %jit3A_2020 = arith.constant 8 : i32
    %eq3A_2021 = arith.constant 0 : i32
    %eq3A_2022 = arith.cmpi eq, %jit3A_2020, %eq3A_2021 : i32
    %jit3A_2023 = arith.constant 1 : i32
    %select_n3A_2024 = arith.select %eq3A_2022, %jit3A_2023, %jit3A_2020 : i32
    %rem3A_2025 = vector.broadcast %select_n3A_2024 : i32 to vector<16xi32>
    %rem3A_2026 = arith.remsi %select_n3A_517, %rem3A_2025 : vector<16xi32>
    %ne3A_2027 = arith.constant 0 : i32
    %ne3A_2028 = vector.broadcast %ne3A_2027 : i32 to vector<16xi32>
    %ne3A_2029 = arith.cmpi ne, %rem3A_2026, %ne3A_2028 : vector<16xi32>
    %lt3A_2030 = arith.constant 0 : i32
    %lt3A_2031 = vector.broadcast %lt3A_2030 : i32 to vector<16xi32>
    %lt3A_2032 = arith.cmpi slt, %rem3A_2026, %lt3A_2031 : vector<16xi32>
    %lt3A_2033 = arith.constant 0 : i32
    %lt3A_2034 = arith.cmpi slt, %select_n3A_2024, %lt3A_2033 : i32
    %ne3A_2035 = vector.broadcast %lt3A_2034 : i1 to vector<16xi1>
    %ne3A_2036 = vector.broadcast %ne3A_2035 : vector<16xi1> to vector<16xi1>
    %ne3A_2037 = arith.xori %lt3A_2032, %ne3A_2036 : vector<16xi1>
    %and3A_2038 = arith.andi %ne3A_2037, %ne3A_2029 : vector<16xi1>
    %add3A_2039 = vector.broadcast %select_n3A_2024 : i32 to vector<16xi32>
    %add3A_2040 = arith.addi %rem3A_2026, %add3A_2039 : vector<16xi32>
    %select_n3A_2041 = arith.select %and3A_2038, %add3A_2040, %rem3A_2026 : vector<16xi1>, vector<16xi32>
    %mul3A_2042 = arith.constant 128 : i32
    %mul3A_2043 = vector.broadcast %mul3A_2042 : i32 to vector<16xi32>
    %mul3A_2044 = arith.muli %select_n3A_2041, %mul3A_2043 : vector<16xi32>
    %add3A_2045 = arith.addi %mul3A_2019, %mul3A_2044 : vector<16xi32>
    %add3A_2046 = arith.addi %add3A_2045, %iota3A : vector<16xi32>
    %jit3A_2047 = arith.constant 8 : i32
    %div3A_2048 = vector.broadcast %jit3A_2047 : i32 to vector<16xi32>
    %div3A_2049 = arith.divsi %select_n3A_543, %div3A_2048 : vector<16xi32>
    %sign3A_2050 = arith.constant 0 : i32
    %sign3A_2051 = vector.broadcast %sign3A_2050 : i32 to vector<16xi32>
    %sign3A_2052 = arith.cmpi sgt, %select_n3A_543, %sign3A_2051 : vector<16xi32>
    %sign3A_2053 = arith.extui %sign3A_2052 : vector<16xi1> to vector<16xi32>
    %sign3A_2054 = arith.constant 0 : i32
    %sign3A_2055 = vector.broadcast %sign3A_2054 : i32 to vector<16xi32>
    %sign3A_2056 = arith.cmpi slt, %select_n3A_543, %sign3A_2055 : vector<16xi32>
    %sign3A_2057 = arith.extui %sign3A_2056 : vector<16xi1> to vector<16xi32>
    %sign3A_2058 = arith.subi %sign3A_2053, %sign3A_2057 : vector<16xi32>
    %sign3A_2059 = arith.constant 0 : i32
    %sign3A_2060 = arith.cmpi sgt, %jit3A_2047, %sign3A_2059 : i32
    %sign3A_2061 = arith.extui %sign3A_2060 : i1 to i32
    %sign3A_2062 = arith.constant 0 : i32
    %sign3A_2063 = arith.cmpi slt, %jit3A_2047, %sign3A_2062 : i32
    %sign3A_2064 = arith.extui %sign3A_2063 : i1 to i32
    %sign3A_2065 = arith.subi %sign3A_2061, %sign3A_2064 : i32
    %ne3A_2066 = vector.broadcast %sign3A_2065 : i32 to vector<16xi32>
    %ne3A_2067 = arith.cmpi ne, %sign3A_2058, %ne3A_2066 : vector<16xi32>
    %rem3A_2068 = vector.broadcast %jit3A_2047 : i32 to vector<16xi32>
    %rem3A_2069 = arith.remsi %select_n3A_543, %rem3A_2068 : vector<16xi32>
    %ne3A_2070 = arith.constant 0 : i32
    %ne3A_2071 = vector.broadcast %ne3A_2070 : i32 to vector<16xi32>
    %ne3A_2072 = arith.cmpi ne, %rem3A_2069, %ne3A_2071 : vector<16xi32>
    %and3A_2073 = arith.andi %ne3A_2067, %ne3A_2072 : vector<16xi1>
    %sub3A_2074 = arith.constant 1 : i32
    %sub3A_2075 = vector.broadcast %sub3A_2074 : i32 to vector<16xi32>
    %sub3A_2076 = arith.subi %div3A_2049, %sub3A_2075 : vector<16xi32>
    %select_n3A_2077 = arith.select %and3A_2073, %sub3A_2076, %div3A_2049 : vector<16xi1>, vector<16xi32>
    %mul3A_2078 = arith.constant 4096 : i32
    %mul3A_2079 = vector.broadcast %mul3A_2078 : i32 to vector<16xi32>
    %mul3A_2080 = arith.muli %select_n3A_2077, %mul3A_2079 : vector<16xi32>
    %jit3A_2081 = arith.constant 8 : i32
    %eq3A_2082 = arith.constant 0 : i32
    %eq3A_2083 = arith.cmpi eq, %jit3A_2081, %eq3A_2082 : i32
    %jit3A_2084 = arith.constant 1 : i32
    %select_n3A_2085 = arith.select %eq3A_2083, %jit3A_2084, %jit3A_2081 : i32
    %rem3A_2086 = vector.broadcast %select_n3A_2085 : i32 to vector<16xi32>
    %rem3A_2087 = arith.remsi %select_n3A_543, %rem3A_2086 : vector<16xi32>
    %ne3A_2088 = arith.constant 0 : i32
    %ne3A_2089 = vector.broadcast %ne3A_2088 : i32 to vector<16xi32>
    %ne3A_2090 = arith.cmpi ne, %rem3A_2087, %ne3A_2089 : vector<16xi32>
    %lt3A_2091 = arith.constant 0 : i32
    %lt3A_2092 = vector.broadcast %lt3A_2091 : i32 to vector<16xi32>
    %lt3A_2093 = arith.cmpi slt, %rem3A_2087, %lt3A_2092 : vector<16xi32>
    %lt3A_2094 = arith.constant 0 : i32
    %lt3A_2095 = arith.cmpi slt, %select_n3A_2085, %lt3A_2094 : i32
    %ne3A_2096 = vector.broadcast %lt3A_2095 : i1 to vector<16xi1>
    %ne3A_2097 = vector.broadcast %ne3A_2096 : vector<16xi1> to vector<16xi1>
    %ne3A_2098 = arith.xori %lt3A_2093, %ne3A_2097 : vector<16xi1>
    %and3A_2099 = arith.andi %ne3A_2098, %ne3A_2090 : vector<16xi1>
    %add3A_2100 = vector.broadcast %select_n3A_2085 : i32 to vector<16xi32>
    %add3A_2101 = arith.addi %rem3A_2087, %add3A_2100 : vector<16xi32>
    %select_n3A_2102 = arith.select %and3A_2099, %add3A_2101, %rem3A_2087 : vector<16xi1>, vector<16xi32>
    %mul3A_2103 = arith.constant 128 : i32
    %mul3A_2104 = vector.broadcast %mul3A_2103 : i32 to vector<16xi32>
    %mul3A_2105 = arith.muli %select_n3A_2102, %mul3A_2104 : vector<16xi32>
    %add3A_2106 = arith.addi %mul3A_2080, %mul3A_2105 : vector<16xi32>
    %add3A_2107 = arith.addi %add3A_2106, %iota3A : vector<16xi32>
    %jit3A_2108 = arith.constant 8 : i32
    %div3A_2109 = vector.broadcast %jit3A_2108 : i32 to vector<16xi32>
    %div3A_2110 = arith.divsi %select_n3A_569, %div3A_2109 : vector<16xi32>
    %sign3A_2111 = arith.constant 0 : i32
    %sign3A_2112 = vector.broadcast %sign3A_2111 : i32 to vector<16xi32>
    %sign3A_2113 = arith.cmpi sgt, %select_n3A_569, %sign3A_2112 : vector<16xi32>
    %sign3A_2114 = arith.extui %sign3A_2113 : vector<16xi1> to vector<16xi32>
    %sign3A_2115 = arith.constant 0 : i32
    %sign3A_2116 = vector.broadcast %sign3A_2115 : i32 to vector<16xi32>
    %sign3A_2117 = arith.cmpi slt, %select_n3A_569, %sign3A_2116 : vector<16xi32>
    %sign3A_2118 = arith.extui %sign3A_2117 : vector<16xi1> to vector<16xi32>
    %sign3A_2119 = arith.subi %sign3A_2114, %sign3A_2118 : vector<16xi32>
    %sign3A_2120 = arith.constant 0 : i32
    %sign3A_2121 = arith.cmpi sgt, %jit3A_2108, %sign3A_2120 : i32
    %sign3A_2122 = arith.extui %sign3A_2121 : i1 to i32
    %sign3A_2123 = arith.constant 0 : i32
    %sign3A_2124 = arith.cmpi slt, %jit3A_2108, %sign3A_2123 : i32
    %sign3A_2125 = arith.extui %sign3A_2124 : i1 to i32
    %sign3A_2126 = arith.subi %sign3A_2122, %sign3A_2125 : i32
    %ne3A_2127 = vector.broadcast %sign3A_2126 : i32 to vector<16xi32>
    %ne3A_2128 = arith.cmpi ne, %sign3A_2119, %ne3A_2127 : vector<16xi32>
    %rem3A_2129 = vector.broadcast %jit3A_2108 : i32 to vector<16xi32>
    %rem3A_2130 = arith.remsi %select_n3A_569, %rem3A_2129 : vector<16xi32>
    %ne3A_2131 = arith.constant 0 : i32
    %ne3A_2132 = vector.broadcast %ne3A_2131 : i32 to vector<16xi32>
    %ne3A_2133 = arith.cmpi ne, %rem3A_2130, %ne3A_2132 : vector<16xi32>
    %and3A_2134 = arith.andi %ne3A_2128, %ne3A_2133 : vector<16xi1>
    %sub3A_2135 = arith.constant 1 : i32
    %sub3A_2136 = vector.broadcast %sub3A_2135 : i32 to vector<16xi32>
    %sub3A_2137 = arith.subi %div3A_2110, %sub3A_2136 : vector<16xi32>
    %select_n3A_2138 = arith.select %and3A_2134, %sub3A_2137, %div3A_2110 : vector<16xi1>, vector<16xi32>
    %mul3A_2139 = arith.constant 4096 : i32
    %mul3A_2140 = vector.broadcast %mul3A_2139 : i32 to vector<16xi32>
    %mul3A_2141 = arith.muli %select_n3A_2138, %mul3A_2140 : vector<16xi32>
    %jit3A_2142 = arith.constant 8 : i32
    %eq3A_2143 = arith.constant 0 : i32
    %eq3A_2144 = arith.cmpi eq, %jit3A_2142, %eq3A_2143 : i32
    %jit3A_2145 = arith.constant 1 : i32
    %select_n3A_2146 = arith.select %eq3A_2144, %jit3A_2145, %jit3A_2142 : i32
    %rem3A_2147 = vector.broadcast %select_n3A_2146 : i32 to vector<16xi32>
    %rem3A_2148 = arith.remsi %select_n3A_569, %rem3A_2147 : vector<16xi32>
    %ne3A_2149 = arith.constant 0 : i32
    %ne3A_2150 = vector.broadcast %ne3A_2149 : i32 to vector<16xi32>
    %ne3A_2151 = arith.cmpi ne, %rem3A_2148, %ne3A_2150 : vector<16xi32>
    %lt3A_2152 = arith.constant 0 : i32
    %lt3A_2153 = vector.broadcast %lt3A_2152 : i32 to vector<16xi32>
    %lt3A_2154 = arith.cmpi slt, %rem3A_2148, %lt3A_2153 : vector<16xi32>
    %lt3A_2155 = arith.constant 0 : i32
    %lt3A_2156 = arith.cmpi slt, %select_n3A_2146, %lt3A_2155 : i32
    %ne3A_2157 = vector.broadcast %lt3A_2156 : i1 to vector<16xi1>
    %ne3A_2158 = vector.broadcast %ne3A_2157 : vector<16xi1> to vector<16xi1>
    %ne3A_2159 = arith.xori %lt3A_2154, %ne3A_2158 : vector<16xi1>
    %and3A_2160 = arith.andi %ne3A_2159, %ne3A_2151 : vector<16xi1>
    %add3A_2161 = vector.broadcast %select_n3A_2146 : i32 to vector<16xi32>
    %add3A_2162 = arith.addi %rem3A_2148, %add3A_2161 : vector<16xi32>
    %select_n3A_2163 = arith.select %and3A_2160, %add3A_2162, %rem3A_2148 : vector<16xi1>, vector<16xi32>
    %mul3A_2164 = arith.constant 128 : i32
    %mul3A_2165 = vector.broadcast %mul3A_2164 : i32 to vector<16xi32>
    %mul3A_2166 = arith.muli %select_n3A_2163, %mul3A_2165 : vector<16xi32>
    %add3A_2167 = arith.addi %mul3A_2141, %mul3A_2166 : vector<16xi32>
    %add3A_2168 = arith.addi %add3A_2167, %iota3A : vector<16xi32>
    %jit3A_2169 = arith.constant 8 : i32
    %div3A_2170 = vector.broadcast %jit3A_2169 : i32 to vector<16xi32>
    %div3A_2171 = arith.divsi %select_n3A_595, %div3A_2170 : vector<16xi32>
    %sign3A_2172 = arith.constant 0 : i32
    %sign3A_2173 = vector.broadcast %sign3A_2172 : i32 to vector<16xi32>
    %sign3A_2174 = arith.cmpi sgt, %select_n3A_595, %sign3A_2173 : vector<16xi32>
    %sign3A_2175 = arith.extui %sign3A_2174 : vector<16xi1> to vector<16xi32>
    %sign3A_2176 = arith.constant 0 : i32
    %sign3A_2177 = vector.broadcast %sign3A_2176 : i32 to vector<16xi32>
    %sign3A_2178 = arith.cmpi slt, %select_n3A_595, %sign3A_2177 : vector<16xi32>
    %sign3A_2179 = arith.extui %sign3A_2178 : vector<16xi1> to vector<16xi32>
    %sign3A_2180 = arith.subi %sign3A_2175, %sign3A_2179 : vector<16xi32>
    %sign3A_2181 = arith.constant 0 : i32
    %sign3A_2182 = arith.cmpi sgt, %jit3A_2169, %sign3A_2181 : i32
    %sign3A_2183 = arith.extui %sign3A_2182 : i1 to i32
    %sign3A_2184 = arith.constant 0 : i32
    %sign3A_2185 = arith.cmpi slt, %jit3A_2169, %sign3A_2184 : i32
    %sign3A_2186 = arith.extui %sign3A_2185 : i1 to i32
    %sign3A_2187 = arith.subi %sign3A_2183, %sign3A_2186 : i32
    %ne3A_2188 = vector.broadcast %sign3A_2187 : i32 to vector<16xi32>
    %ne3A_2189 = arith.cmpi ne, %sign3A_2180, %ne3A_2188 : vector<16xi32>
    %rem3A_2190 = vector.broadcast %jit3A_2169 : i32 to vector<16xi32>
    %rem3A_2191 = arith.remsi %select_n3A_595, %rem3A_2190 : vector<16xi32>
    %ne3A_2192 = arith.constant 0 : i32
    %ne3A_2193 = vector.broadcast %ne3A_2192 : i32 to vector<16xi32>
    %ne3A_2194 = arith.cmpi ne, %rem3A_2191, %ne3A_2193 : vector<16xi32>
    %and3A_2195 = arith.andi %ne3A_2189, %ne3A_2194 : vector<16xi1>
    %sub3A_2196 = arith.constant 1 : i32
    %sub3A_2197 = vector.broadcast %sub3A_2196 : i32 to vector<16xi32>
    %sub3A_2198 = arith.subi %div3A_2171, %sub3A_2197 : vector<16xi32>
    %select_n3A_2199 = arith.select %and3A_2195, %sub3A_2198, %div3A_2171 : vector<16xi1>, vector<16xi32>
    %mul3A_2200 = arith.constant 4096 : i32
    %mul3A_2201 = vector.broadcast %mul3A_2200 : i32 to vector<16xi32>
    %mul3A_2202 = arith.muli %select_n3A_2199, %mul3A_2201 : vector<16xi32>
    %jit3A_2203 = arith.constant 8 : i32
    %eq3A_2204 = arith.constant 0 : i32
    %eq3A_2205 = arith.cmpi eq, %jit3A_2203, %eq3A_2204 : i32
    %jit3A_2206 = arith.constant 1 : i32
    %select_n3A_2207 = arith.select %eq3A_2205, %jit3A_2206, %jit3A_2203 : i32
    %rem3A_2208 = vector.broadcast %select_n3A_2207 : i32 to vector<16xi32>
    %rem3A_2209 = arith.remsi %select_n3A_595, %rem3A_2208 : vector<16xi32>
    %ne3A_2210 = arith.constant 0 : i32
    %ne3A_2211 = vector.broadcast %ne3A_2210 : i32 to vector<16xi32>
    %ne3A_2212 = arith.cmpi ne, %rem3A_2209, %ne3A_2211 : vector<16xi32>
    %lt3A_2213 = arith.constant 0 : i32
    %lt3A_2214 = vector.broadcast %lt3A_2213 : i32 to vector<16xi32>
    %lt3A_2215 = arith.cmpi slt, %rem3A_2209, %lt3A_2214 : vector<16xi32>
    %lt3A_2216 = arith.constant 0 : i32
    %lt3A_2217 = arith.cmpi slt, %select_n3A_2207, %lt3A_2216 : i32
    %ne3A_2218 = vector.broadcast %lt3A_2217 : i1 to vector<16xi1>
    %ne3A_2219 = vector.broadcast %ne3A_2218 : vector<16xi1> to vector<16xi1>
    %ne3A_2220 = arith.xori %lt3A_2215, %ne3A_2219 : vector<16xi1>
    %and3A_2221 = arith.andi %ne3A_2220, %ne3A_2212 : vector<16xi1>
    %add3A_2222 = vector.broadcast %select_n3A_2207 : i32 to vector<16xi32>
    %add3A_2223 = arith.addi %rem3A_2209, %add3A_2222 : vector<16xi32>
    %select_n3A_2224 = arith.select %and3A_2221, %add3A_2223, %rem3A_2209 : vector<16xi1>, vector<16xi32>
    %mul3A_2225 = arith.constant 128 : i32
    %mul3A_2226 = vector.broadcast %mul3A_2225 : i32 to vector<16xi32>
    %mul3A_2227 = arith.muli %select_n3A_2224, %mul3A_2226 : vector<16xi32>
    %add3A_2228 = arith.addi %mul3A_2202, %mul3A_2227 : vector<16xi32>
    %add3A_2229 = arith.addi %add3A_2228, %iota3A : vector<16xi32>
    %jit3A_2230 = arith.constant 8 : i32
    %div3A_2231 = vector.broadcast %jit3A_2230 : i32 to vector<16xi32>
    %div3A_2232 = arith.divsi %select_n3A_621, %div3A_2231 : vector<16xi32>
    %sign3A_2233 = arith.constant 0 : i32
    %sign3A_2234 = vector.broadcast %sign3A_2233 : i32 to vector<16xi32>
    %sign3A_2235 = arith.cmpi sgt, %select_n3A_621, %sign3A_2234 : vector<16xi32>
    %sign3A_2236 = arith.extui %sign3A_2235 : vector<16xi1> to vector<16xi32>
    %sign3A_2237 = arith.constant 0 : i32
    %sign3A_2238 = vector.broadcast %sign3A_2237 : i32 to vector<16xi32>
    %sign3A_2239 = arith.cmpi slt, %select_n3A_621, %sign3A_2238 : vector<16xi32>
    %sign3A_2240 = arith.extui %sign3A_2239 : vector<16xi1> to vector<16xi32>
    %sign3A_2241 = arith.subi %sign3A_2236, %sign3A_2240 : vector<16xi32>
    %sign3A_2242 = arith.constant 0 : i32
    %sign3A_2243 = arith.cmpi sgt, %jit3A_2230, %sign3A_2242 : i32
    %sign3A_2244 = arith.extui %sign3A_2243 : i1 to i32
    %sign3A_2245 = arith.constant 0 : i32
    %sign3A_2246 = arith.cmpi slt, %jit3A_2230, %sign3A_2245 : i32
    %sign3A_2247 = arith.extui %sign3A_2246 : i1 to i32
    %sign3A_2248 = arith.subi %sign3A_2244, %sign3A_2247 : i32
    %ne3A_2249 = vector.broadcast %sign3A_2248 : i32 to vector<16xi32>
    %ne3A_2250 = arith.cmpi ne, %sign3A_2241, %ne3A_2249 : vector<16xi32>
    %rem3A_2251 = vector.broadcast %jit3A_2230 : i32 to vector<16xi32>
    %rem3A_2252 = arith.remsi %select_n3A_621, %rem3A_2251 : vector<16xi32>
    %ne3A_2253 = arith.constant 0 : i32
    %ne3A_2254 = vector.broadcast %ne3A_2253 : i32 to vector<16xi32>
    %ne3A_2255 = arith.cmpi ne, %rem3A_2252, %ne3A_2254 : vector<16xi32>
    %and3A_2256 = arith.andi %ne3A_2250, %ne3A_2255 : vector<16xi1>
    %sub3A_2257 = arith.constant 1 : i32
    %sub3A_2258 = vector.broadcast %sub3A_2257 : i32 to vector<16xi32>
    %sub3A_2259 = arith.subi %div3A_2232, %sub3A_2258 : vector<16xi32>
    %select_n3A_2260 = arith.select %and3A_2256, %sub3A_2259, %div3A_2232 : vector<16xi1>, vector<16xi32>
    %mul3A_2261 = arith.constant 4096 : i32
    %mul3A_2262 = vector.broadcast %mul3A_2261 : i32 to vector<16xi32>
    %mul3A_2263 = arith.muli %select_n3A_2260, %mul3A_2262 : vector<16xi32>
    %jit3A_2264 = arith.constant 8 : i32
    %eq3A_2265 = arith.constant 0 : i32
    %eq3A_2266 = arith.cmpi eq, %jit3A_2264, %eq3A_2265 : i32
    %jit3A_2267 = arith.constant 1 : i32
    %select_n3A_2268 = arith.select %eq3A_2266, %jit3A_2267, %jit3A_2264 : i32
    %rem3A_2269 = vector.broadcast %select_n3A_2268 : i32 to vector<16xi32>
    %rem3A_2270 = arith.remsi %select_n3A_621, %rem3A_2269 : vector<16xi32>
    %ne3A_2271 = arith.constant 0 : i32
    %ne3A_2272 = vector.broadcast %ne3A_2271 : i32 to vector<16xi32>
    %ne3A_2273 = arith.cmpi ne, %rem3A_2270, %ne3A_2272 : vector<16xi32>
    %lt3A_2274 = arith.constant 0 : i32
    %lt3A_2275 = vector.broadcast %lt3A_2274 : i32 to vector<16xi32>
    %lt3A_2276 = arith.cmpi slt, %rem3A_2270, %lt3A_2275 : vector<16xi32>
    %lt3A_2277 = arith.constant 0 : i32
    %lt3A_2278 = arith.cmpi slt, %select_n3A_2268, %lt3A_2277 : i32
    %ne3A_2279 = vector.broadcast %lt3A_2278 : i1 to vector<16xi1>
    %ne3A_2280 = vector.broadcast %ne3A_2279 : vector<16xi1> to vector<16xi1>
    %ne3A_2281 = arith.xori %lt3A_2276, %ne3A_2280 : vector<16xi1>
    %and3A_2282 = arith.andi %ne3A_2281, %ne3A_2273 : vector<16xi1>
    %add3A_2283 = vector.broadcast %select_n3A_2268 : i32 to vector<16xi32>
    %add3A_2284 = arith.addi %rem3A_2270, %add3A_2283 : vector<16xi32>
    %select_n3A_2285 = arith.select %and3A_2282, %add3A_2284, %rem3A_2270 : vector<16xi1>, vector<16xi32>
    %mul3A_2286 = arith.constant 128 : i32
    %mul3A_2287 = vector.broadcast %mul3A_2286 : i32 to vector<16xi32>
    %mul3A_2288 = arith.muli %select_n3A_2285, %mul3A_2287 : vector<16xi32>
    %add3A_2289 = arith.addi %mul3A_2263, %mul3A_2288 : vector<16xi32>
    %add3A_2290 = arith.addi %add3A_2289, %iota3A : vector<16xi32>
    %jit3A_2291 = arith.constant 8 : i32
    %div3A_2292 = vector.broadcast %jit3A_2291 : i32 to vector<16xi32>
    %div3A_2293 = arith.divsi %select_n3A_647, %div3A_2292 : vector<16xi32>
    %sign3A_2294 = arith.constant 0 : i32
    %sign3A_2295 = vector.broadcast %sign3A_2294 : i32 to vector<16xi32>
    %sign3A_2296 = arith.cmpi sgt, %select_n3A_647, %sign3A_2295 : vector<16xi32>
    %sign3A_2297 = arith.extui %sign3A_2296 : vector<16xi1> to vector<16xi32>
    %sign3A_2298 = arith.constant 0 : i32
    %sign3A_2299 = vector.broadcast %sign3A_2298 : i32 to vector<16xi32>
    %sign3A_2300 = arith.cmpi slt, %select_n3A_647, %sign3A_2299 : vector<16xi32>
    %sign3A_2301 = arith.extui %sign3A_2300 : vector<16xi1> to vector<16xi32>
    %sign3A_2302 = arith.subi %sign3A_2297, %sign3A_2301 : vector<16xi32>
    %sign3A_2303 = arith.constant 0 : i32
    %sign3A_2304 = arith.cmpi sgt, %jit3A_2291, %sign3A_2303 : i32
    %sign3A_2305 = arith.extui %sign3A_2304 : i1 to i32
    %sign3A_2306 = arith.constant 0 : i32
    %sign3A_2307 = arith.cmpi slt, %jit3A_2291, %sign3A_2306 : i32
    %sign3A_2308 = arith.extui %sign3A_2307 : i1 to i32
    %sign3A_2309 = arith.subi %sign3A_2305, %sign3A_2308 : i32
    %ne3A_2310 = vector.broadcast %sign3A_2309 : i32 to vector<16xi32>
    %ne3A_2311 = arith.cmpi ne, %sign3A_2302, %ne3A_2310 : vector<16xi32>
    %rem3A_2312 = vector.broadcast %jit3A_2291 : i32 to vector<16xi32>
    %rem3A_2313 = arith.remsi %select_n3A_647, %rem3A_2312 : vector<16xi32>
    %ne3A_2314 = arith.constant 0 : i32
    %ne3A_2315 = vector.broadcast %ne3A_2314 : i32 to vector<16xi32>
    %ne3A_2316 = arith.cmpi ne, %rem3A_2313, %ne3A_2315 : vector<16xi32>
    %and3A_2317 = arith.andi %ne3A_2311, %ne3A_2316 : vector<16xi1>
    %sub3A_2318 = arith.constant 1 : i32
    %sub3A_2319 = vector.broadcast %sub3A_2318 : i32 to vector<16xi32>
    %sub3A_2320 = arith.subi %div3A_2293, %sub3A_2319 : vector<16xi32>
    %select_n3A_2321 = arith.select %and3A_2317, %sub3A_2320, %div3A_2293 : vector<16xi1>, vector<16xi32>
    %mul3A_2322 = arith.constant 4096 : i32
    %mul3A_2323 = vector.broadcast %mul3A_2322 : i32 to vector<16xi32>
    %mul3A_2324 = arith.muli %select_n3A_2321, %mul3A_2323 : vector<16xi32>
    %jit3A_2325 = arith.constant 8 : i32
    %eq3A_2326 = arith.constant 0 : i32
    %eq3A_2327 = arith.cmpi eq, %jit3A_2325, %eq3A_2326 : i32
    %jit3A_2328 = arith.constant 1 : i32
    %select_n3A_2329 = arith.select %eq3A_2327, %jit3A_2328, %jit3A_2325 : i32
    %rem3A_2330 = vector.broadcast %select_n3A_2329 : i32 to vector<16xi32>
    %rem3A_2331 = arith.remsi %select_n3A_647, %rem3A_2330 : vector<16xi32>
    %ne3A_2332 = arith.constant 0 : i32
    %ne3A_2333 = vector.broadcast %ne3A_2332 : i32 to vector<16xi32>
    %ne3A_2334 = arith.cmpi ne, %rem3A_2331, %ne3A_2333 : vector<16xi32>
    %lt3A_2335 = arith.constant 0 : i32
    %lt3A_2336 = vector.broadcast %lt3A_2335 : i32 to vector<16xi32>
    %lt3A_2337 = arith.cmpi slt, %rem3A_2331, %lt3A_2336 : vector<16xi32>
    %lt3A_2338 = arith.constant 0 : i32
    %lt3A_2339 = arith.cmpi slt, %select_n3A_2329, %lt3A_2338 : i32
    %ne3A_2340 = vector.broadcast %lt3A_2339 : i1 to vector<16xi1>
    %ne3A_2341 = vector.broadcast %ne3A_2340 : vector<16xi1> to vector<16xi1>
    %ne3A_2342 = arith.xori %lt3A_2337, %ne3A_2341 : vector<16xi1>
    %and3A_2343 = arith.andi %ne3A_2342, %ne3A_2334 : vector<16xi1>
    %add3A_2344 = vector.broadcast %select_n3A_2329 : i32 to vector<16xi32>
    %add3A_2345 = arith.addi %rem3A_2331, %add3A_2344 : vector<16xi32>
    %select_n3A_2346 = arith.select %and3A_2343, %add3A_2345, %rem3A_2331 : vector<16xi1>, vector<16xi32>
    %mul3A_2347 = arith.constant 128 : i32
    %mul3A_2348 = vector.broadcast %mul3A_2347 : i32 to vector<16xi32>
    %mul3A_2349 = arith.muli %select_n3A_2346, %mul3A_2348 : vector<16xi32>
    %add3A_2350 = arith.addi %mul3A_2324, %mul3A_2349 : vector<16xi32>
    %add3A_2351 = arith.addi %add3A_2350, %iota3A : vector<16xi32>
    %jit3A_2352 = arith.constant 8 : i32
    %div3A_2353 = vector.broadcast %jit3A_2352 : i32 to vector<16xi32>
    %div3A_2354 = arith.divsi %select_n3A_673, %div3A_2353 : vector<16xi32>
    %sign3A_2355 = arith.constant 0 : i32
    %sign3A_2356 = vector.broadcast %sign3A_2355 : i32 to vector<16xi32>
    %sign3A_2357 = arith.cmpi sgt, %select_n3A_673, %sign3A_2356 : vector<16xi32>
    %sign3A_2358 = arith.extui %sign3A_2357 : vector<16xi1> to vector<16xi32>
    %sign3A_2359 = arith.constant 0 : i32
    %sign3A_2360 = vector.broadcast %sign3A_2359 : i32 to vector<16xi32>
    %sign3A_2361 = arith.cmpi slt, %select_n3A_673, %sign3A_2360 : vector<16xi32>
    %sign3A_2362 = arith.extui %sign3A_2361 : vector<16xi1> to vector<16xi32>
    %sign3A_2363 = arith.subi %sign3A_2358, %sign3A_2362 : vector<16xi32>
    %sign3A_2364 = arith.constant 0 : i32
    %sign3A_2365 = arith.cmpi sgt, %jit3A_2352, %sign3A_2364 : i32
    %sign3A_2366 = arith.extui %sign3A_2365 : i1 to i32
    %sign3A_2367 = arith.constant 0 : i32
    %sign3A_2368 = arith.cmpi slt, %jit3A_2352, %sign3A_2367 : i32
    %sign3A_2369 = arith.extui %sign3A_2368 : i1 to i32
    %sign3A_2370 = arith.subi %sign3A_2366, %sign3A_2369 : i32
    %ne3A_2371 = vector.broadcast %sign3A_2370 : i32 to vector<16xi32>
    %ne3A_2372 = arith.cmpi ne, %sign3A_2363, %ne3A_2371 : vector<16xi32>
    %rem3A_2373 = vector.broadcast %jit3A_2352 : i32 to vector<16xi32>
    %rem3A_2374 = arith.remsi %select_n3A_673, %rem3A_2373 : vector<16xi32>
    %ne3A_2375 = arith.constant 0 : i32
    %ne3A_2376 = vector.broadcast %ne3A_2375 : i32 to vector<16xi32>
    %ne3A_2377 = arith.cmpi ne, %rem3A_2374, %ne3A_2376 : vector<16xi32>
    %and3A_2378 = arith.andi %ne3A_2372, %ne3A_2377 : vector<16xi1>
    %sub3A_2379 = arith.constant 1 : i32
    %sub3A_2380 = vector.broadcast %sub3A_2379 : i32 to vector<16xi32>
    %sub3A_2381 = arith.subi %div3A_2354, %sub3A_2380 : vector<16xi32>
    %select_n3A_2382 = arith.select %and3A_2378, %sub3A_2381, %div3A_2354 : vector<16xi1>, vector<16xi32>
    %mul3A_2383 = arith.constant 4096 : i32
    %mul3A_2384 = vector.broadcast %mul3A_2383 : i32 to vector<16xi32>
    %mul3A_2385 = arith.muli %select_n3A_2382, %mul3A_2384 : vector<16xi32>
    %jit3A_2386 = arith.constant 8 : i32
    %eq3A_2387 = arith.constant 0 : i32
    %eq3A_2388 = arith.cmpi eq, %jit3A_2386, %eq3A_2387 : i32
    %jit3A_2389 = arith.constant 1 : i32
    %select_n3A_2390 = arith.select %eq3A_2388, %jit3A_2389, %jit3A_2386 : i32
    %rem3A_2391 = vector.broadcast %select_n3A_2390 : i32 to vector<16xi32>
    %rem3A_2392 = arith.remsi %select_n3A_673, %rem3A_2391 : vector<16xi32>
    %ne3A_2393 = arith.constant 0 : i32
    %ne3A_2394 = vector.broadcast %ne3A_2393 : i32 to vector<16xi32>
    %ne3A_2395 = arith.cmpi ne, %rem3A_2392, %ne3A_2394 : vector<16xi32>
    %lt3A_2396 = arith.constant 0 : i32
    %lt3A_2397 = vector.broadcast %lt3A_2396 : i32 to vector<16xi32>
    %lt3A_2398 = arith.cmpi slt, %rem3A_2392, %lt3A_2397 : vector<16xi32>
    %lt3A_2399 = arith.constant 0 : i32
    %lt3A_2400 = arith.cmpi slt, %select_n3A_2390, %lt3A_2399 : i32
    %ne3A_2401 = vector.broadcast %lt3A_2400 : i1 to vector<16xi1>
    %ne3A_2402 = vector.broadcast %ne3A_2401 : vector<16xi1> to vector<16xi1>
    %ne3A_2403 = arith.xori %lt3A_2398, %ne3A_2402 : vector<16xi1>
    %and3A_2404 = arith.andi %ne3A_2403, %ne3A_2395 : vector<16xi1>
    %add3A_2405 = vector.broadcast %select_n3A_2390 : i32 to vector<16xi32>
    %add3A_2406 = arith.addi %rem3A_2392, %add3A_2405 : vector<16xi32>
    %select_n3A_2407 = arith.select %and3A_2404, %add3A_2406, %rem3A_2392 : vector<16xi1>, vector<16xi32>
    %mul3A_2408 = arith.constant 128 : i32
    %mul3A_2409 = vector.broadcast %mul3A_2408 : i32 to vector<16xi32>
    %mul3A_2410 = arith.muli %select_n3A_2407, %mul3A_2409 : vector<16xi32>
    %add3A_2411 = arith.addi %mul3A_2385, %mul3A_2410 : vector<16xi32>
    %add3A_2412 = arith.addi %add3A_2411, %iota3A : vector<16xi32>
    %jit3A_2413 = arith.constant 8 : i32
    %div3A_2414 = vector.broadcast %jit3A_2413 : i32 to vector<16xi32>
    %div3A_2415 = arith.divsi %select_n3A_699, %div3A_2414 : vector<16xi32>
    %sign3A_2416 = arith.constant 0 : i32
    %sign3A_2417 = vector.broadcast %sign3A_2416 : i32 to vector<16xi32>
    %sign3A_2418 = arith.cmpi sgt, %select_n3A_699, %sign3A_2417 : vector<16xi32>
    %sign3A_2419 = arith.extui %sign3A_2418 : vector<16xi1> to vector<16xi32>
    %sign3A_2420 = arith.constant 0 : i32
    %sign3A_2421 = vector.broadcast %sign3A_2420 : i32 to vector<16xi32>
    %sign3A_2422 = arith.cmpi slt, %select_n3A_699, %sign3A_2421 : vector<16xi32>
    %sign3A_2423 = arith.extui %sign3A_2422 : vector<16xi1> to vector<16xi32>
    %sign3A_2424 = arith.subi %sign3A_2419, %sign3A_2423 : vector<16xi32>
    %sign3A_2425 = arith.constant 0 : i32
    %sign3A_2426 = arith.cmpi sgt, %jit3A_2413, %sign3A_2425 : i32
    %sign3A_2427 = arith.extui %sign3A_2426 : i1 to i32
    %sign3A_2428 = arith.constant 0 : i32
    %sign3A_2429 = arith.cmpi slt, %jit3A_2413, %sign3A_2428 : i32
    %sign3A_2430 = arith.extui %sign3A_2429 : i1 to i32
    %sign3A_2431 = arith.subi %sign3A_2427, %sign3A_2430 : i32
    %ne3A_2432 = vector.broadcast %sign3A_2431 : i32 to vector<16xi32>
    %ne3A_2433 = arith.cmpi ne, %sign3A_2424, %ne3A_2432 : vector<16xi32>
    %rem3A_2434 = vector.broadcast %jit3A_2413 : i32 to vector<16xi32>
    %rem3A_2435 = arith.remsi %select_n3A_699, %rem3A_2434 : vector<16xi32>
    %ne3A_2436 = arith.constant 0 : i32
    %ne3A_2437 = vector.broadcast %ne3A_2436 : i32 to vector<16xi32>
    %ne3A_2438 = arith.cmpi ne, %rem3A_2435, %ne3A_2437 : vector<16xi32>
    %and3A_2439 = arith.andi %ne3A_2433, %ne3A_2438 : vector<16xi1>
    %sub3A_2440 = arith.constant 1 : i32
    %sub3A_2441 = vector.broadcast %sub3A_2440 : i32 to vector<16xi32>
    %sub3A_2442 = arith.subi %div3A_2415, %sub3A_2441 : vector<16xi32>
    %select_n3A_2443 = arith.select %and3A_2439, %sub3A_2442, %div3A_2415 : vector<16xi1>, vector<16xi32>
    %mul3A_2444 = arith.constant 4096 : i32
    %mul3A_2445 = vector.broadcast %mul3A_2444 : i32 to vector<16xi32>
    %mul3A_2446 = arith.muli %select_n3A_2443, %mul3A_2445 : vector<16xi32>
    %jit3A_2447 = arith.constant 8 : i32
    %eq3A_2448 = arith.constant 0 : i32
    %eq3A_2449 = arith.cmpi eq, %jit3A_2447, %eq3A_2448 : i32
    %jit3A_2450 = arith.constant 1 : i32
    %select_n3A_2451 = arith.select %eq3A_2449, %jit3A_2450, %jit3A_2447 : i32
    %rem3A_2452 = vector.broadcast %select_n3A_2451 : i32 to vector<16xi32>
    %rem3A_2453 = arith.remsi %select_n3A_699, %rem3A_2452 : vector<16xi32>
    %ne3A_2454 = arith.constant 0 : i32
    %ne3A_2455 = vector.broadcast %ne3A_2454 : i32 to vector<16xi32>
    %ne3A_2456 = arith.cmpi ne, %rem3A_2453, %ne3A_2455 : vector<16xi32>
    %lt3A_2457 = arith.constant 0 : i32
    %lt3A_2458 = vector.broadcast %lt3A_2457 : i32 to vector<16xi32>
    %lt3A_2459 = arith.cmpi slt, %rem3A_2453, %lt3A_2458 : vector<16xi32>
    %lt3A_2460 = arith.constant 0 : i32
    %lt3A_2461 = arith.cmpi slt, %select_n3A_2451, %lt3A_2460 : i32
    %ne3A_2462 = vector.broadcast %lt3A_2461 : i1 to vector<16xi1>
    %ne3A_2463 = vector.broadcast %ne3A_2462 : vector<16xi1> to vector<16xi1>
    %ne3A_2464 = arith.xori %lt3A_2459, %ne3A_2463 : vector<16xi1>
    %and3A_2465 = arith.andi %ne3A_2464, %ne3A_2456 : vector<16xi1>
    %add3A_2466 = vector.broadcast %select_n3A_2451 : i32 to vector<16xi32>
    %add3A_2467 = arith.addi %rem3A_2453, %add3A_2466 : vector<16xi32>
    %select_n3A_2468 = arith.select %and3A_2465, %add3A_2467, %rem3A_2453 : vector<16xi1>, vector<16xi32>
    %mul3A_2469 = arith.constant 128 : i32
    %mul3A_2470 = vector.broadcast %mul3A_2469 : i32 to vector<16xi32>
    %mul3A_2471 = arith.muli %select_n3A_2468, %mul3A_2470 : vector<16xi32>
    %add3A_2472 = arith.addi %mul3A_2446, %mul3A_2471 : vector<16xi32>
    %add3A_2473 = arith.addi %add3A_2472, %iota3A : vector<16xi32>
    %jit3A_2474 = arith.constant 8 : i32
    %div3A_2475 = vector.broadcast %jit3A_2474 : i32 to vector<16xi32>
    %div3A_2476 = arith.divsi %select_n3A_725, %div3A_2475 : vector<16xi32>
    %sign3A_2477 = arith.constant 0 : i32
    %sign3A_2478 = vector.broadcast %sign3A_2477 : i32 to vector<16xi32>
    %sign3A_2479 = arith.cmpi sgt, %select_n3A_725, %sign3A_2478 : vector<16xi32>
    %sign3A_2480 = arith.extui %sign3A_2479 : vector<16xi1> to vector<16xi32>
    %sign3A_2481 = arith.constant 0 : i32
    %sign3A_2482 = vector.broadcast %sign3A_2481 : i32 to vector<16xi32>
    %sign3A_2483 = arith.cmpi slt, %select_n3A_725, %sign3A_2482 : vector<16xi32>
    %sign3A_2484 = arith.extui %sign3A_2483 : vector<16xi1> to vector<16xi32>
    %sign3A_2485 = arith.subi %sign3A_2480, %sign3A_2484 : vector<16xi32>
    %sign3A_2486 = arith.constant 0 : i32
    %sign3A_2487 = arith.cmpi sgt, %jit3A_2474, %sign3A_2486 : i32
    %sign3A_2488 = arith.extui %sign3A_2487 : i1 to i32
    %sign3A_2489 = arith.constant 0 : i32
    %sign3A_2490 = arith.cmpi slt, %jit3A_2474, %sign3A_2489 : i32
    %sign3A_2491 = arith.extui %sign3A_2490 : i1 to i32
    %sign3A_2492 = arith.subi %sign3A_2488, %sign3A_2491 : i32
    %ne3A_2493 = vector.broadcast %sign3A_2492 : i32 to vector<16xi32>
    %ne3A_2494 = arith.cmpi ne, %sign3A_2485, %ne3A_2493 : vector<16xi32>
    %rem3A_2495 = vector.broadcast %jit3A_2474 : i32 to vector<16xi32>
    %rem3A_2496 = arith.remsi %select_n3A_725, %rem3A_2495 : vector<16xi32>
    %ne3A_2497 = arith.constant 0 : i32
    %ne3A_2498 = vector.broadcast %ne3A_2497 : i32 to vector<16xi32>
    %ne3A_2499 = arith.cmpi ne, %rem3A_2496, %ne3A_2498 : vector<16xi32>
    %and3A_2500 = arith.andi %ne3A_2494, %ne3A_2499 : vector<16xi1>
    %sub3A_2501 = arith.constant 1 : i32
    %sub3A_2502 = vector.broadcast %sub3A_2501 : i32 to vector<16xi32>
    %sub3A_2503 = arith.subi %div3A_2476, %sub3A_2502 : vector<16xi32>
    %select_n3A_2504 = arith.select %and3A_2500, %sub3A_2503, %div3A_2476 : vector<16xi1>, vector<16xi32>
    %mul3A_2505 = arith.constant 4096 : i32
    %mul3A_2506 = vector.broadcast %mul3A_2505 : i32 to vector<16xi32>
    %mul3A_2507 = arith.muli %select_n3A_2504, %mul3A_2506 : vector<16xi32>
    %jit3A_2508 = arith.constant 8 : i32
    %eq3A_2509 = arith.constant 0 : i32
    %eq3A_2510 = arith.cmpi eq, %jit3A_2508, %eq3A_2509 : i32
    %jit3A_2511 = arith.constant 1 : i32
    %select_n3A_2512 = arith.select %eq3A_2510, %jit3A_2511, %jit3A_2508 : i32
    %rem3A_2513 = vector.broadcast %select_n3A_2512 : i32 to vector<16xi32>
    %rem3A_2514 = arith.remsi %select_n3A_725, %rem3A_2513 : vector<16xi32>
    %ne3A_2515 = arith.constant 0 : i32
    %ne3A_2516 = vector.broadcast %ne3A_2515 : i32 to vector<16xi32>
    %ne3A_2517 = arith.cmpi ne, %rem3A_2514, %ne3A_2516 : vector<16xi32>
    %lt3A_2518 = arith.constant 0 : i32
    %lt3A_2519 = vector.broadcast %lt3A_2518 : i32 to vector<16xi32>
    %lt3A_2520 = arith.cmpi slt, %rem3A_2514, %lt3A_2519 : vector<16xi32>
    %lt3A_2521 = arith.constant 0 : i32
    %lt3A_2522 = arith.cmpi slt, %select_n3A_2512, %lt3A_2521 : i32
    %ne3A_2523 = vector.broadcast %lt3A_2522 : i1 to vector<16xi1>
    %ne3A_2524 = vector.broadcast %ne3A_2523 : vector<16xi1> to vector<16xi1>
    %ne3A_2525 = arith.xori %lt3A_2520, %ne3A_2524 : vector<16xi1>
    %and3A_2526 = arith.andi %ne3A_2525, %ne3A_2517 : vector<16xi1>
    %add3A_2527 = vector.broadcast %select_n3A_2512 : i32 to vector<16xi32>
    %add3A_2528 = arith.addi %rem3A_2514, %add3A_2527 : vector<16xi32>
    %select_n3A_2529 = arith.select %and3A_2526, %add3A_2528, %rem3A_2514 : vector<16xi1>, vector<16xi32>
    %mul3A_2530 = arith.constant 128 : i32
    %mul3A_2531 = vector.broadcast %mul3A_2530 : i32 to vector<16xi32>
    %mul3A_2532 = arith.muli %select_n3A_2529, %mul3A_2531 : vector<16xi32>
    %add3A_2533 = arith.addi %mul3A_2507, %mul3A_2532 : vector<16xi32>
    %add3A_2534 = arith.addi %add3A_2533, %iota3A : vector<16xi32>
    %jit3A_2535 = arith.constant 8 : i32
    %div3A_2536 = vector.broadcast %jit3A_2535 : i32 to vector<16xi32>
    %div3A_2537 = arith.divsi %select_n3A_751, %div3A_2536 : vector<16xi32>
    %sign3A_2538 = arith.constant 0 : i32
    %sign3A_2539 = vector.broadcast %sign3A_2538 : i32 to vector<16xi32>
    %sign3A_2540 = arith.cmpi sgt, %select_n3A_751, %sign3A_2539 : vector<16xi32>
    %sign3A_2541 = arith.extui %sign3A_2540 : vector<16xi1> to vector<16xi32>
    %sign3A_2542 = arith.constant 0 : i32
    %sign3A_2543 = vector.broadcast %sign3A_2542 : i32 to vector<16xi32>
    %sign3A_2544 = arith.cmpi slt, %select_n3A_751, %sign3A_2543 : vector<16xi32>
    %sign3A_2545 = arith.extui %sign3A_2544 : vector<16xi1> to vector<16xi32>
    %sign3A_2546 = arith.subi %sign3A_2541, %sign3A_2545 : vector<16xi32>
    %sign3A_2547 = arith.constant 0 : i32
    %sign3A_2548 = arith.cmpi sgt, %jit3A_2535, %sign3A_2547 : i32
    %sign3A_2549 = arith.extui %sign3A_2548 : i1 to i32
    %sign3A_2550 = arith.constant 0 : i32
    %sign3A_2551 = arith.cmpi slt, %jit3A_2535, %sign3A_2550 : i32
    %sign3A_2552 = arith.extui %sign3A_2551 : i1 to i32
    %sign3A_2553 = arith.subi %sign3A_2549, %sign3A_2552 : i32
    %ne3A_2554 = vector.broadcast %sign3A_2553 : i32 to vector<16xi32>
    %ne3A_2555 = arith.cmpi ne, %sign3A_2546, %ne3A_2554 : vector<16xi32>
    %rem3A_2556 = vector.broadcast %jit3A_2535 : i32 to vector<16xi32>
    %rem3A_2557 = arith.remsi %select_n3A_751, %rem3A_2556 : vector<16xi32>
    %ne3A_2558 = arith.constant 0 : i32
    %ne3A_2559 = vector.broadcast %ne3A_2558 : i32 to vector<16xi32>
    %ne3A_2560 = arith.cmpi ne, %rem3A_2557, %ne3A_2559 : vector<16xi32>
    %and3A_2561 = arith.andi %ne3A_2555, %ne3A_2560 : vector<16xi1>
    %sub3A_2562 = arith.constant 1 : i32
    %sub3A_2563 = vector.broadcast %sub3A_2562 : i32 to vector<16xi32>
    %sub3A_2564 = arith.subi %div3A_2537, %sub3A_2563 : vector<16xi32>
    %select_n3A_2565 = arith.select %and3A_2561, %sub3A_2564, %div3A_2537 : vector<16xi1>, vector<16xi32>
    %mul3A_2566 = arith.constant 4096 : i32
    %mul3A_2567 = vector.broadcast %mul3A_2566 : i32 to vector<16xi32>
    %mul3A_2568 = arith.muli %select_n3A_2565, %mul3A_2567 : vector<16xi32>
    %jit3A_2569 = arith.constant 8 : i32
    %eq3A_2570 = arith.constant 0 : i32
    %eq3A_2571 = arith.cmpi eq, %jit3A_2569, %eq3A_2570 : i32
    %jit3A_2572 = arith.constant 1 : i32
    %select_n3A_2573 = arith.select %eq3A_2571, %jit3A_2572, %jit3A_2569 : i32
    %rem3A_2574 = vector.broadcast %select_n3A_2573 : i32 to vector<16xi32>
    %rem3A_2575 = arith.remsi %select_n3A_751, %rem3A_2574 : vector<16xi32>
    %ne3A_2576 = arith.constant 0 : i32
    %ne3A_2577 = vector.broadcast %ne3A_2576 : i32 to vector<16xi32>
    %ne3A_2578 = arith.cmpi ne, %rem3A_2575, %ne3A_2577 : vector<16xi32>
    %lt3A_2579 = arith.constant 0 : i32
    %lt3A_2580 = vector.broadcast %lt3A_2579 : i32 to vector<16xi32>
    %lt3A_2581 = arith.cmpi slt, %rem3A_2575, %lt3A_2580 : vector<16xi32>
    %lt3A_2582 = arith.constant 0 : i32
    %lt3A_2583 = arith.cmpi slt, %select_n3A_2573, %lt3A_2582 : i32
    %ne3A_2584 = vector.broadcast %lt3A_2583 : i1 to vector<16xi1>
    %ne3A_2585 = vector.broadcast %ne3A_2584 : vector<16xi1> to vector<16xi1>
    %ne3A_2586 = arith.xori %lt3A_2581, %ne3A_2585 : vector<16xi1>
    %and3A_2587 = arith.andi %ne3A_2586, %ne3A_2578 : vector<16xi1>
    %add3A_2588 = vector.broadcast %select_n3A_2573 : i32 to vector<16xi32>
    %add3A_2589 = arith.addi %rem3A_2575, %add3A_2588 : vector<16xi32>
    %select_n3A_2590 = arith.select %and3A_2587, %add3A_2589, %rem3A_2575 : vector<16xi1>, vector<16xi32>
    %mul3A_2591 = arith.constant 128 : i32
    %mul3A_2592 = vector.broadcast %mul3A_2591 : i32 to vector<16xi32>
    %mul3A_2593 = arith.muli %select_n3A_2590, %mul3A_2592 : vector<16xi32>
    %add3A_2594 = arith.addi %mul3A_2568, %mul3A_2593 : vector<16xi32>
    %add3A_2595 = arith.addi %add3A_2594, %iota3A : vector<16xi32>
    %jit3A_2596 = arith.constant 8 : i32
    %div3A_2597 = vector.broadcast %jit3A_2596 : i32 to vector<16xi32>
    %div3A_2598 = arith.divsi %select_n3A_777, %div3A_2597 : vector<16xi32>
    %sign3A_2599 = arith.constant 0 : i32
    %sign3A_2600 = vector.broadcast %sign3A_2599 : i32 to vector<16xi32>
    %sign3A_2601 = arith.cmpi sgt, %select_n3A_777, %sign3A_2600 : vector<16xi32>
    %sign3A_2602 = arith.extui %sign3A_2601 : vector<16xi1> to vector<16xi32>
    %sign3A_2603 = arith.constant 0 : i32
    %sign3A_2604 = vector.broadcast %sign3A_2603 : i32 to vector<16xi32>
    %sign3A_2605 = arith.cmpi slt, %select_n3A_777, %sign3A_2604 : vector<16xi32>
    %sign3A_2606 = arith.extui %sign3A_2605 : vector<16xi1> to vector<16xi32>
    %sign3A_2607 = arith.subi %sign3A_2602, %sign3A_2606 : vector<16xi32>
    %sign3A_2608 = arith.constant 0 : i32
    %sign3A_2609 = arith.cmpi sgt, %jit3A_2596, %sign3A_2608 : i32
    %sign3A_2610 = arith.extui %sign3A_2609 : i1 to i32
    %sign3A_2611 = arith.constant 0 : i32
    %sign3A_2612 = arith.cmpi slt, %jit3A_2596, %sign3A_2611 : i32
    %sign3A_2613 = arith.extui %sign3A_2612 : i1 to i32
    %sign3A_2614 = arith.subi %sign3A_2610, %sign3A_2613 : i32
    %ne3A_2615 = vector.broadcast %sign3A_2614 : i32 to vector<16xi32>
    %ne3A_2616 = arith.cmpi ne, %sign3A_2607, %ne3A_2615 : vector<16xi32>
    %rem3A_2617 = vector.broadcast %jit3A_2596 : i32 to vector<16xi32>
    %rem3A_2618 = arith.remsi %select_n3A_777, %rem3A_2617 : vector<16xi32>
    %ne3A_2619 = arith.constant 0 : i32
    %ne3A_2620 = vector.broadcast %ne3A_2619 : i32 to vector<16xi32>
    %ne3A_2621 = arith.cmpi ne, %rem3A_2618, %ne3A_2620 : vector<16xi32>
    %and3A_2622 = arith.andi %ne3A_2616, %ne3A_2621 : vector<16xi1>
    %sub3A_2623 = arith.constant 1 : i32
    %sub3A_2624 = vector.broadcast %sub3A_2623 : i32 to vector<16xi32>
    %sub3A_2625 = arith.subi %div3A_2598, %sub3A_2624 : vector<16xi32>
    %select_n3A_2626 = arith.select %and3A_2622, %sub3A_2625, %div3A_2598 : vector<16xi1>, vector<16xi32>
    %mul3A_2627 = arith.constant 4096 : i32
    %mul3A_2628 = vector.broadcast %mul3A_2627 : i32 to vector<16xi32>
    %mul3A_2629 = arith.muli %select_n3A_2626, %mul3A_2628 : vector<16xi32>
    %jit3A_2630 = arith.constant 8 : i32
    %eq3A_2631 = arith.constant 0 : i32
    %eq3A_2632 = arith.cmpi eq, %jit3A_2630, %eq3A_2631 : i32
    %jit3A_2633 = arith.constant 1 : i32
    %select_n3A_2634 = arith.select %eq3A_2632, %jit3A_2633, %jit3A_2630 : i32
    %rem3A_2635 = vector.broadcast %select_n3A_2634 : i32 to vector<16xi32>
    %rem3A_2636 = arith.remsi %select_n3A_777, %rem3A_2635 : vector<16xi32>
    %ne3A_2637 = arith.constant 0 : i32
    %ne3A_2638 = vector.broadcast %ne3A_2637 : i32 to vector<16xi32>
    %ne3A_2639 = arith.cmpi ne, %rem3A_2636, %ne3A_2638 : vector<16xi32>
    %lt3A_2640 = arith.constant 0 : i32
    %lt3A_2641 = vector.broadcast %lt3A_2640 : i32 to vector<16xi32>
    %lt3A_2642 = arith.cmpi slt, %rem3A_2636, %lt3A_2641 : vector<16xi32>
    %lt3A_2643 = arith.constant 0 : i32
    %lt3A_2644 = arith.cmpi slt, %select_n3A_2634, %lt3A_2643 : i32
    %ne3A_2645 = vector.broadcast %lt3A_2644 : i1 to vector<16xi1>
    %ne3A_2646 = vector.broadcast %ne3A_2645 : vector<16xi1> to vector<16xi1>
    %ne3A_2647 = arith.xori %lt3A_2642, %ne3A_2646 : vector<16xi1>
    %and3A_2648 = arith.andi %ne3A_2647, %ne3A_2639 : vector<16xi1>
    %add3A_2649 = vector.broadcast %select_n3A_2634 : i32 to vector<16xi32>
    %add3A_2650 = arith.addi %rem3A_2636, %add3A_2649 : vector<16xi32>
    %select_n3A_2651 = arith.select %and3A_2648, %add3A_2650, %rem3A_2636 : vector<16xi1>, vector<16xi32>
    %mul3A_2652 = arith.constant 128 : i32
    %mul3A_2653 = vector.broadcast %mul3A_2652 : i32 to vector<16xi32>
    %mul3A_2654 = arith.muli %select_n3A_2651, %mul3A_2653 : vector<16xi32>
    %add3A_2655 = arith.addi %mul3A_2629, %mul3A_2654 : vector<16xi32>
    %add3A_2656 = arith.addi %add3A_2655, %iota3A : vector<16xi32>
    %jit3A_2657 = arith.constant 8 : i32
    %div3A_2658 = vector.broadcast %jit3A_2657 : i32 to vector<16xi32>
    %div3A_2659 = arith.divsi %select_n3A_803, %div3A_2658 : vector<16xi32>
    %sign3A_2660 = arith.constant 0 : i32
    %sign3A_2661 = vector.broadcast %sign3A_2660 : i32 to vector<16xi32>
    %sign3A_2662 = arith.cmpi sgt, %select_n3A_803, %sign3A_2661 : vector<16xi32>
    %sign3A_2663 = arith.extui %sign3A_2662 : vector<16xi1> to vector<16xi32>
    %sign3A_2664 = arith.constant 0 : i32
    %sign3A_2665 = vector.broadcast %sign3A_2664 : i32 to vector<16xi32>
    %sign3A_2666 = arith.cmpi slt, %select_n3A_803, %sign3A_2665 : vector<16xi32>
    %sign3A_2667 = arith.extui %sign3A_2666 : vector<16xi1> to vector<16xi32>
    %sign3A_2668 = arith.subi %sign3A_2663, %sign3A_2667 : vector<16xi32>
    %sign3A_2669 = arith.constant 0 : i32
    %sign3A_2670 = arith.cmpi sgt, %jit3A_2657, %sign3A_2669 : i32
    %sign3A_2671 = arith.extui %sign3A_2670 : i1 to i32
    %sign3A_2672 = arith.constant 0 : i32
    %sign3A_2673 = arith.cmpi slt, %jit3A_2657, %sign3A_2672 : i32
    %sign3A_2674 = arith.extui %sign3A_2673 : i1 to i32
    %sign3A_2675 = arith.subi %sign3A_2671, %sign3A_2674 : i32
    %ne3A_2676 = vector.broadcast %sign3A_2675 : i32 to vector<16xi32>
    %ne3A_2677 = arith.cmpi ne, %sign3A_2668, %ne3A_2676 : vector<16xi32>
    %rem3A_2678 = vector.broadcast %jit3A_2657 : i32 to vector<16xi32>
    %rem3A_2679 = arith.remsi %select_n3A_803, %rem3A_2678 : vector<16xi32>
    %ne3A_2680 = arith.constant 0 : i32
    %ne3A_2681 = vector.broadcast %ne3A_2680 : i32 to vector<16xi32>
    %ne3A_2682 = arith.cmpi ne, %rem3A_2679, %ne3A_2681 : vector<16xi32>
    %and3A_2683 = arith.andi %ne3A_2677, %ne3A_2682 : vector<16xi1>
    %sub3A_2684 = arith.constant 1 : i32
    %sub3A_2685 = vector.broadcast %sub3A_2684 : i32 to vector<16xi32>
    %sub3A_2686 = arith.subi %div3A_2659, %sub3A_2685 : vector<16xi32>
    %select_n3A_2687 = arith.select %and3A_2683, %sub3A_2686, %div3A_2659 : vector<16xi1>, vector<16xi32>
    %mul3A_2688 = arith.constant 4096 : i32
    %mul3A_2689 = vector.broadcast %mul3A_2688 : i32 to vector<16xi32>
    %mul3A_2690 = arith.muli %select_n3A_2687, %mul3A_2689 : vector<16xi32>
    %jit3A_2691 = arith.constant 8 : i32
    %eq3A_2692 = arith.constant 0 : i32
    %eq3A_2693 = arith.cmpi eq, %jit3A_2691, %eq3A_2692 : i32
    %jit3A_2694 = arith.constant 1 : i32
    %select_n3A_2695 = arith.select %eq3A_2693, %jit3A_2694, %jit3A_2691 : i32
    %rem3A_2696 = vector.broadcast %select_n3A_2695 : i32 to vector<16xi32>
    %rem3A_2697 = arith.remsi %select_n3A_803, %rem3A_2696 : vector<16xi32>
    %ne3A_2698 = arith.constant 0 : i32
    %ne3A_2699 = vector.broadcast %ne3A_2698 : i32 to vector<16xi32>
    %ne3A_2700 = arith.cmpi ne, %rem3A_2697, %ne3A_2699 : vector<16xi32>
    %lt3A_2701 = arith.constant 0 : i32
    %lt3A_2702 = vector.broadcast %lt3A_2701 : i32 to vector<16xi32>
    %lt3A_2703 = arith.cmpi slt, %rem3A_2697, %lt3A_2702 : vector<16xi32>
    %lt3A_2704 = arith.constant 0 : i32
    %lt3A_2705 = arith.cmpi slt, %select_n3A_2695, %lt3A_2704 : i32
    %ne3A_2706 = vector.broadcast %lt3A_2705 : i1 to vector<16xi1>
    %ne3A_2707 = vector.broadcast %ne3A_2706 : vector<16xi1> to vector<16xi1>
    %ne3A_2708 = arith.xori %lt3A_2703, %ne3A_2707 : vector<16xi1>
    %and3A_2709 = arith.andi %ne3A_2708, %ne3A_2700 : vector<16xi1>
    %add3A_2710 = vector.broadcast %select_n3A_2695 : i32 to vector<16xi32>
    %add3A_2711 = arith.addi %rem3A_2697, %add3A_2710 : vector<16xi32>
    %select_n3A_2712 = arith.select %and3A_2709, %add3A_2711, %rem3A_2697 : vector<16xi1>, vector<16xi32>
    %mul3A_2713 = arith.constant 128 : i32
    %mul3A_2714 = vector.broadcast %mul3A_2713 : i32 to vector<16xi32>
    %mul3A_2715 = arith.muli %select_n3A_2712, %mul3A_2714 : vector<16xi32>
    %add3A_2716 = arith.addi %mul3A_2690, %mul3A_2715 : vector<16xi32>
    %add3A_2717 = arith.addi %add3A_2716, %iota3A : vector<16xi32>
    %jit3A_2718 = arith.constant 8 : i32
    %div3A_2719 = vector.broadcast %jit3A_2718 : i32 to vector<16xi32>
    %div3A_2720 = arith.divsi %select_n3A_829, %div3A_2719 : vector<16xi32>
    %sign3A_2721 = arith.constant 0 : i32
    %sign3A_2722 = vector.broadcast %sign3A_2721 : i32 to vector<16xi32>
    %sign3A_2723 = arith.cmpi sgt, %select_n3A_829, %sign3A_2722 : vector<16xi32>
    %sign3A_2724 = arith.extui %sign3A_2723 : vector<16xi1> to vector<16xi32>
    %sign3A_2725 = arith.constant 0 : i32
    %sign3A_2726 = vector.broadcast %sign3A_2725 : i32 to vector<16xi32>
    %sign3A_2727 = arith.cmpi slt, %select_n3A_829, %sign3A_2726 : vector<16xi32>
    %sign3A_2728 = arith.extui %sign3A_2727 : vector<16xi1> to vector<16xi32>
    %sign3A_2729 = arith.subi %sign3A_2724, %sign3A_2728 : vector<16xi32>
    %sign3A_2730 = arith.constant 0 : i32
    %sign3A_2731 = arith.cmpi sgt, %jit3A_2718, %sign3A_2730 : i32
    %sign3A_2732 = arith.extui %sign3A_2731 : i1 to i32
    %sign3A_2733 = arith.constant 0 : i32
    %sign3A_2734 = arith.cmpi slt, %jit3A_2718, %sign3A_2733 : i32
    %sign3A_2735 = arith.extui %sign3A_2734 : i1 to i32
    %sign3A_2736 = arith.subi %sign3A_2732, %sign3A_2735 : i32
    %ne3A_2737 = vector.broadcast %sign3A_2736 : i32 to vector<16xi32>
    %ne3A_2738 = arith.cmpi ne, %sign3A_2729, %ne3A_2737 : vector<16xi32>
    %rem3A_2739 = vector.broadcast %jit3A_2718 : i32 to vector<16xi32>
    %rem3A_2740 = arith.remsi %select_n3A_829, %rem3A_2739 : vector<16xi32>
    %ne3A_2741 = arith.constant 0 : i32
    %ne3A_2742 = vector.broadcast %ne3A_2741 : i32 to vector<16xi32>
    %ne3A_2743 = arith.cmpi ne, %rem3A_2740, %ne3A_2742 : vector<16xi32>
    %and3A_2744 = arith.andi %ne3A_2738, %ne3A_2743 : vector<16xi1>
    %sub3A_2745 = arith.constant 1 : i32
    %sub3A_2746 = vector.broadcast %sub3A_2745 : i32 to vector<16xi32>
    %sub3A_2747 = arith.subi %div3A_2720, %sub3A_2746 : vector<16xi32>
    %select_n3A_2748 = arith.select %and3A_2744, %sub3A_2747, %div3A_2720 : vector<16xi1>, vector<16xi32>
    %mul3A_2749 = arith.constant 4096 : i32
    %mul3A_2750 = vector.broadcast %mul3A_2749 : i32 to vector<16xi32>
    %mul3A_2751 = arith.muli %select_n3A_2748, %mul3A_2750 : vector<16xi32>
    %jit3A_2752 = arith.constant 8 : i32
    %eq3A_2753 = arith.constant 0 : i32
    %eq3A_2754 = arith.cmpi eq, %jit3A_2752, %eq3A_2753 : i32
    %jit3A_2755 = arith.constant 1 : i32
    %select_n3A_2756 = arith.select %eq3A_2754, %jit3A_2755, %jit3A_2752 : i32
    %rem3A_2757 = vector.broadcast %select_n3A_2756 : i32 to vector<16xi32>
    %rem3A_2758 = arith.remsi %select_n3A_829, %rem3A_2757 : vector<16xi32>
    %ne3A_2759 = arith.constant 0 : i32
    %ne3A_2760 = vector.broadcast %ne3A_2759 : i32 to vector<16xi32>
    %ne3A_2761 = arith.cmpi ne, %rem3A_2758, %ne3A_2760 : vector<16xi32>
    %lt3A_2762 = arith.constant 0 : i32
    %lt3A_2763 = vector.broadcast %lt3A_2762 : i32 to vector<16xi32>
    %lt3A_2764 = arith.cmpi slt, %rem3A_2758, %lt3A_2763 : vector<16xi32>
    %lt3A_2765 = arith.constant 0 : i32
    %lt3A_2766 = arith.cmpi slt, %select_n3A_2756, %lt3A_2765 : i32
    %ne3A_2767 = vector.broadcast %lt3A_2766 : i1 to vector<16xi1>
    %ne3A_2768 = vector.broadcast %ne3A_2767 : vector<16xi1> to vector<16xi1>
    %ne3A_2769 = arith.xori %lt3A_2764, %ne3A_2768 : vector<16xi1>
    %and3A_2770 = arith.andi %ne3A_2769, %ne3A_2761 : vector<16xi1>
    %add3A_2771 = vector.broadcast %select_n3A_2756 : i32 to vector<16xi32>
    %add3A_2772 = arith.addi %rem3A_2758, %add3A_2771 : vector<16xi32>
    %select_n3A_2773 = arith.select %and3A_2770, %add3A_2772, %rem3A_2758 : vector<16xi1>, vector<16xi32>
    %mul3A_2774 = arith.constant 128 : i32
    %mul3A_2775 = vector.broadcast %mul3A_2774 : i32 to vector<16xi32>
    %mul3A_2776 = arith.muli %select_n3A_2773, %mul3A_2775 : vector<16xi32>
    %add3A_2777 = arith.addi %mul3A_2751, %mul3A_2776 : vector<16xi32>
    %add3A_2778 = arith.addi %add3A_2777, %iota3A : vector<16xi32>
    %run_scoped3A = arith.constant 0 : i32
    "tpu.region"() ({
      %run_scoped3A_2884 = tpu.sem_alloc : memref<!tpu.dma_semaphore, #tpu.memory_space<semaphore_mem>>
      %dma_start3A_2885 = tpu.memref_slice %arg2[%run_scoped3A, %mul3A_2] : memref<200x16384xi32, #tpu.memory_space<hbm>> -> memref<1x512xi32, #tpu.memory_space<hbm>>
      %dma_start3A_2886 = tpu.memref_squeeze %dma_start3A_2885 : memref<1x512xi32, #tpu.memory_space<hbm>> -> memref<512xi32, #tpu.memory_space<hbm>>
      %dma_start3A_2887 = tpu.memref_slice %arg2[%run_scoped3A, %mul3A_2] : memref<200x16384xi32, #tpu.memory_space<hbm>> -> memref<1x512xi32, #tpu.memory_space<hbm>>
      %dma_start3A_2888 = tpu.memref_squeeze %dma_start3A_2887 : memref<1x512xi32, #tpu.memory_space<hbm>> -> memref<512xi32, #tpu.memory_space<hbm>>
      tpu.enqueue_dma source(%dma_start3A_2888 : memref<512xi32, #tpu.memory_space<hbm>>) target(%arg5 : memref<512xi32, #tpu.memory_space<vmem>>) target_semaphore(%run_scoped3A_2884 : memref<!tpu.dma_semaphore, #tpu.memory_space<semaphore_mem>>)
      %dma_wait3A_2889 = tpu.memref_slice %arg2[%run_scoped3A, %mul3A_2] : memref<200x16384xi32, #tpu.memory_space<hbm>> -> memref<1x512xi32, #tpu.memory_space<hbm>>
      %dma_wait3A_2890 = tpu.memref_squeeze %dma_wait3A_2889 : memref<1x512xi32, #tpu.memory_space<hbm>> -> memref<512xi32, #tpu.memory_space<hbm>>
      %dma_wait3A_2891 = tpu.memref_slice %arg2[%run_scoped3A, %mul3A_2] : memref<200x16384xi32, #tpu.memory_space<hbm>> -> memref<1x512xi32, #tpu.memory_space<hbm>>
      %dma_wait3A_2892 = tpu.memref_squeeze %dma_wait3A_2891 : memref<1x512xi32, #tpu.memory_space<hbm>> -> memref<512xi32, #tpu.memory_space<hbm>>
      tpu.wait_dma2 semaphore(%run_scoped3A_2884 : memref<!tpu.dma_semaphore, #tpu.memory_space<semaphore_mem>>) src(%dma_wait3A_2892 : memref<512xi32, #tpu.memory_space<hbm>>) dst(%arg5 : memref<512xi32, #tpu.memory_space<vmem>>)
      tpu.yield
    }) : () -> ()
    %dma_start3A = arith.constant 0 : i32
    %dma_start3A_2779 = arith.constant 0 : i32
    %dma_start3A_2780 = tpu.memref_slice %arg3[%dma_start3A, %dma_start3A_2779] : memref<4000000x32xf32, #tpu.memory_space<hbm>> -> memref<4000000x32xf32, #tpu.memory_space<hbm>>
    tpu.enqueue_indirect_dma source(%dma_start3A_2780 : memref<4000000x32xf32, #tpu.memory_space<hbm>>) target(%arg7 : memref<512x32xf32, #tpu.memory_space<vmem>>) offsets(%arg5 : memref<512xi32, #tpu.memory_space<vmem>>) semaphore(%arg11 : memref<!tpu.dma_semaphore, #tpu.memory_space<semaphore_mem>>)
    %run_scoped3A_2781 = arith.constant 1 : i32
    "tpu.region"() ({
      %run_scoped3A_2884 = tpu.sem_alloc : memref<!tpu.dma_semaphore, #tpu.memory_space<semaphore_mem>>
      %dma_start3A_2885 = tpu.memref_slice %arg2[%run_scoped3A_2781, %mul3A_2] : memref<200x16384xi32, #tpu.memory_space<hbm>> -> memref<1x512xi32, #tpu.memory_space<hbm>>
      %dma_start3A_2886 = tpu.memref_squeeze %dma_start3A_2885 : memref<1x512xi32, #tpu.memory_space<hbm>> -> memref<512xi32, #tpu.memory_space<hbm>>
      %dma_start3A_2887 = tpu.memref_slice %arg2[%run_scoped3A_2781, %mul3A_2] : memref<200x16384xi32, #tpu.memory_space<hbm>> -> memref<1x512xi32, #tpu.memory_space<hbm>>
      %dma_start3A_2888 = tpu.memref_squeeze %dma_start3A_2887 : memref<1x512xi32, #tpu.memory_space<hbm>> -> memref<512xi32, #tpu.memory_space<hbm>>
      tpu.enqueue_dma source(%dma_start3A_2888 : memref<512xi32, #tpu.memory_space<hbm>>) target(%arg6 : memref<512xi32, #tpu.memory_space<vmem>>) target_semaphore(%run_scoped3A_2884 : memref<!tpu.dma_semaphore, #tpu.memory_space<semaphore_mem>>)
      %dma_wait3A_2889 = tpu.memref_slice %arg2[%run_scoped3A_2781, %mul3A_2] : memref<200x16384xi32, #tpu.memory_space<hbm>> -> memref<1x512xi32, #tpu.memory_space<hbm>>
      %dma_wait3A_2890 = tpu.memref_squeeze %dma_wait3A_2889 : memref<1x512xi32, #tpu.memory_space<hbm>> -> memref<512xi32, #tpu.memory_space<hbm>>
      %dma_wait3A_2891 = tpu.memref_slice %arg2[%run_scoped3A_2781, %mul3A_2] : memref<200x16384xi32, #tpu.memory_space<hbm>> -> memref<1x512xi32, #tpu.memory_space<hbm>>
      %dma_wait3A_2892 = tpu.memref_squeeze %dma_wait3A_2891 : memref<1x512xi32, #tpu.memory_space<hbm>> -> memref<512xi32, #tpu.memory_space<hbm>>
      tpu.wait_dma2 semaphore(%run_scoped3A_2884 : memref<!tpu.dma_semaphore, #tpu.memory_space<semaphore_mem>>) src(%dma_wait3A_2892 : memref<512xi32, #tpu.memory_space<hbm>>) dst(%arg6 : memref<512xi32, #tpu.memory_space<vmem>>)
      tpu.yield
    }) : () -> ()
    %dma_start3A_2782 = arith.constant 0 : i32
    %dma_start3A_2783 = arith.constant 0 : i32
    %dma_start3A_2784 = tpu.memref_slice %arg3[%dma_start3A_2782, %dma_start3A_2783] : memref<4000000x32xf32, #tpu.memory_space<hbm>> -> memref<4000000x32xf32, #tpu.memory_space<hbm>>
    tpu.enqueue_indirect_dma source(%dma_start3A_2784 : memref<4000000x32xf32, #tpu.memory_space<hbm>>) target(%arg8 : memref<512x32xf32, #tpu.memory_space<vmem>>) offsets(%arg6 : memref<512xi32, #tpu.memory_space<vmem>>) semaphore(%arg12 : memref<!tpu.dma_semaphore, #tpu.memory_space<semaphore_mem>>)
    %scan3A = arith.constant 0 : i32
    %scan3A_2785 = arith.constant 100 : i32
    %scan3A_2786 = arith.addi %scan3A, %scan3A_2785 : i32
    %scan3A_2787 = arith.constant 1 : i32
    scf.for %scan3A_2884 = %scan3A to %scan3A_2786 step %scan3A_2787  : i32 {
      %mul3A_2885 = arith.constant 2 : i32
      %mul3A_2886 = arith.muli %mul3A_2885, %scan3A_2884 : i32
      %gt3A = arith.constant 0 : i32
      %gt3A_2887 = arith.cmpi sgt, %scan3A_2884, %gt3A : i32
      %convert_element_type3A = arith.extui %gt3A_2887 : i1 to i32
      %cond3A = arith.constant 0 : i32
      %cond3A_2888 = arith.cmpi ne, %convert_element_type3A, %cond3A : i32
      scf.if %cond3A_2888 {
        %mul3A_3010 = arith.constant 1024 : i32
        %mul3A_3011 = arith.muli %mul3A_4, %mul3A_3010 : i32
        %dma_wait3A_3012 = arith.constant 0 : i32
        %dma_wait3A_3013 = arith.constant 0 : i32
        %dma_wait3A_3014 = arith.constant 0 : i32
        %dma_wait3A_3015 = tpu.memref_slice %arg9[%dma_wait3A_3014] : memref<16384xf32, #tpu.memory_space<vmem>> -> memref<4096xf32, #tpu.memory_space<vmem>>
        %dma_wait3A_3016 = tpu.memref_slice %arg4[%dma_wait3A_3012, %dma_wait3A_3013, %mul3A_3011] : memref<200x4x131072xf32, #tpu.memory_space<hbm>> -> memref<1x1x4096xf32, #tpu.memory_space<hbm>>
        %dma_wait3A_3017 = tpu.memref_squeeze %dma_wait3A_3016 : memref<1x1x4096xf32, #tpu.memory_space<hbm>> -> memref<4096xf32, #tpu.memory_space<hbm>>
        %dma_wait3A_3018 = tpu.memref_slice %arg4[%dma_wait3A_3012, %dma_wait3A_3013, %mul3A_3011] : memref<200x4x131072xf32, #tpu.memory_space<hbm>> -> memref<1x1x4096xf32, #tpu.memory_space<hbm>>
        %dma_wait3A_3019 = tpu.memref_squeeze %dma_wait3A_3018 : memref<1x1x4096xf32, #tpu.memory_space<hbm>> -> memref<4096xf32, #tpu.memory_space<hbm>>
        %dma_wait3A_3020 = arith.constant 0 : i32
        %dma_wait3A_3021 = tpu.memref_slice %arg9[%dma_wait3A_3020] : memref<16384xf32, #tpu.memory_space<vmem>> -> memref<4096xf32, #tpu.memory_space<vmem>>
        tpu.wait_dma2 semaphore(%arg13 : memref<!tpu.dma_semaphore, #tpu.memory_space<semaphore_mem>>) src(%dma_wait3A_3021 : memref<4096xf32, #tpu.memory_space<vmem>>) dst(%dma_wait3A_3019 : memref<4096xf32, #tpu.memory_space<hbm>>)
        %mul3A_3022 = arith.constant 1024 : i32
        %mul3A_3023 = arith.muli %mul3A_4, %mul3A_3022 : i32
        %dma_wait3A_3024 = arith.constant 0 : i32
        %dma_wait3A_3025 = arith.constant 1 : i32
        %dma_wait3A_3026 = arith.constant 4096 : i32
        %dma_wait3A_3027 = tpu.memref_slice %arg9[%dma_wait3A_3026] : memref<16384xf32, #tpu.memory_space<vmem>> -> memref<4096xf32, #tpu.memory_space<vmem>>
        %dma_wait3A_3028 = tpu.memref_slice %arg4[%dma_wait3A_3024, %dma_wait3A_3025, %mul3A_3023] : memref<200x4x131072xf32, #tpu.memory_space<hbm>> -> memref<1x1x4096xf32, #tpu.memory_space<hbm>>
        %dma_wait3A_3029 = tpu.memref_squeeze %dma_wait3A_3028 : memref<1x1x4096xf32, #tpu.memory_space<hbm>> -> memref<4096xf32, #tpu.memory_space<hbm>>
        %dma_wait3A_3030 = tpu.memref_slice %arg4[%dma_wait3A_3024, %dma_wait3A_3025, %mul3A_3023] : memref<200x4x131072xf32, #tpu.memory_space<hbm>> -> memref<1x1x4096xf32, #tpu.memory_space<hbm>>
        %dma_wait3A_3031 = tpu.memref_squeeze %dma_wait3A_3030 : memref<1x1x4096xf32, #tpu.memory_space<hbm>> -> memref<4096xf32, #tpu.memory_space<hbm>>
        %dma_wait3A_3032 = arith.constant 4096 : i32
        %dma_wait3A_3033 = tpu.memref_slice %arg9[%dma_wait3A_3032] : memref<16384xf32, #tpu.memory_space<vmem>> -> memref<4096xf32, #tpu.memory_space<vmem>>
        tpu.wait_dma2 semaphore(%arg13 : memref<!tpu.dma_semaphore, #tpu.memory_space<semaphore_mem>>) src(%dma_wait3A_3033 : memref<4096xf32, #tpu.memory_space<vmem>>) dst(%dma_wait3A_3031 : memref<4096xf32, #tpu.memory_space<hbm>>)
        %mul3A_3034 = arith.constant 1024 : i32
        %mul3A_3035 = arith.muli %mul3A_4, %mul3A_3034 : i32
        %dma_wait3A_3036 = arith.constant 0 : i32
        %dma_wait3A_3037 = arith.constant 2 : i32
        %dma_wait3A_3038 = arith.constant 8192 : i32
        %dma_wait3A_3039 = tpu.memref_slice %arg9[%dma_wait3A_3038] : memref<16384xf32, #tpu.memory_space<vmem>> -> memref<4096xf32, #tpu.memory_space<vmem>>
        %dma_wait3A_3040 = tpu.memref_slice %arg4[%dma_wait3A_3036, %dma_wait3A_3037, %mul3A_3035] : memref<200x4x131072xf32, #tpu.memory_space<hbm>> -> memref<1x1x4096xf32, #tpu.memory_space<hbm>>
        %dma_wait3A_3041 = tpu.memref_squeeze %dma_wait3A_3040 : memref<1x1x4096xf32, #tpu.memory_space<hbm>> -> memref<4096xf32, #tpu.memory_space<hbm>>
        %dma_wait3A_3042 = tpu.memref_slice %arg4[%dma_wait3A_3036, %dma_wait3A_3037, %mul3A_3035] : memref<200x4x131072xf32, #tpu.memory_space<hbm>> -> memref<1x1x4096xf32, #tpu.memory_space<hbm>>
        %dma_wait3A_3043 = tpu.memref_squeeze %dma_wait3A_3042 : memref<1x1x4096xf32, #tpu.memory_space<hbm>> -> memref<4096xf32, #tpu.memory_space<hbm>>
        %dma_wait3A_3044 = arith.constant 8192 : i32
        %dma_wait3A_3045 = tpu.memref_slice %arg9[%dma_wait3A_3044] : memref<16384xf32, #tpu.memory_space<vmem>> -> memref<4096xf32, #tpu.memory_space<vmem>>
        tpu.wait_dma2 semaphore(%arg13 : memref<!tpu.dma_semaphore, #tpu.memory_space<semaphore_mem>>) src(%dma_wait3A_3045 : memref<4096xf32, #tpu.memory_space<vmem>>) dst(%dma_wait3A_3043 : memref<4096xf32, #tpu.memory_space<hbm>>)
        %mul3A_3046 = arith.constant 1024 : i32
        %mul3A_3047 = arith.muli %mul3A_4, %mul3A_3046 : i32
        %dma_wait3A_3048 = arith.constant 0 : i32
        %dma_wait3A_3049 = arith.constant 3 : i32
        %dma_wait3A_3050 = arith.constant 12288 : i32
        %dma_wait3A_3051 = tpu.memref_slice %arg9[%dma_wait3A_3050] : memref<16384xf32, #tpu.memory_space<vmem>> -> memref<4096xf32, #tpu.memory_space<vmem>>
        %dma_wait3A_3052 = tpu.memref_slice %arg4[%dma_wait3A_3048, %dma_wait3A_3049, %mul3A_3047] : memref<200x4x131072xf32, #tpu.memory_space<hbm>> -> memref<1x1x4096xf32, #tpu.memory_space<hbm>>
        %dma_wait3A_3053 = tpu.memref_squeeze %dma_wait3A_3052 : memref<1x1x4096xf32, #tpu.memory_space<hbm>> -> memref<4096xf32, #tpu.memory_space<hbm>>
        %dma_wait3A_3054 = tpu.memref_slice %arg4[%dma_wait3A_3048, %dma_wait3A_3049, %mul3A_3047] : memref<200x4x131072xf32, #tpu.memory_space<hbm>> -> memref<1x1x4096xf32, #tpu.memory_space<hbm>>
        %dma_wait3A_3055 = tpu.memref_squeeze %dma_wait3A_3054 : memref<1x1x4096xf32, #tpu.memory_space<hbm>> -> memref<4096xf32, #tpu.memory_space<hbm>>
        %dma_wait3A_3056 = arith.constant 12288 : i32
        %dma_wait3A_3057 = tpu.memref_slice %arg9[%dma_wait3A_3056] : memref<16384xf32, #tpu.memory_space<vmem>> -> memref<4096xf32, #tpu.memory_space<vmem>>
        tpu.wait_dma2 semaphore(%arg13 : memref<!tpu.dma_semaphore, #tpu.memory_space<semaphore_mem>>) src(%dma_wait3A_3057 : memref<4096xf32, #tpu.memory_space<vmem>>) dst(%dma_wait3A_3055 : memref<4096xf32, #tpu.memory_space<hbm>>)
      } else {
      }
      %dma_wait3A_2889 = arith.constant 0 : i32
      %dma_wait3A_2890 = arith.constant 0 : i32
      %dma_wait3A_2891 = tpu.memref_slice %arg3[%dma_wait3A_2889, %dma_wait3A_2890] : memref<4000000x32xf32, #tpu.memory_space<hbm>> -> memref<4000000x32xf32, #tpu.memory_space<hbm>>
      tpu.wait_indirect_dma semaphore(%arg11 : memref<!tpu.dma_semaphore, #tpu.memory_space<semaphore_mem>>) src(%dma_wait3A_2891 : memref<4000000x32xf32, #tpu.memory_space<hbm>>) dst(%arg7 : memref<512x32xf32, #tpu.memory_space<vmem>>)
      %scan3A_2892 = arith.constant 0 : i32
      %scan3A_2893 = arith.constant 16 : i32
      %scan3A_2894 = arith.addi %scan3A_2892, %scan3A_2893 : i32
      %scan3A_2895 = arith.constant 1 : i32
      scf.for %scan3A_3010 = %scan3A_2892 to %scan3A_2894 step %scan3A_2895  : i32 {
        %mul3A_3011 = arith.constant 2 : i32
        %mul3A_3012 = arith.muli %scan3A_3010, %mul3A_3011 : i32
        %add3A_3013 = arith.constant 0 : i32
        %add3A_3014 = arith.addi %mul3A_3012, %add3A_3013 : i32
        %mul3A_3015 = arith.constant 16 : i32
        %mul3A_3016 = arith.muli %add3A_3014, %mul3A_3015 : i32
        %add3A_3017 = vector.broadcast %mul3A_3016 : i32 to vector<16xi32>
        %add3A_3018 = arith.addi %iota3A, %add3A_3017 : vector<16xi32>
        %jit3A_3019 = arith.constant 8 : i32
        %div3A_3020 = arith.divsi %add3A_3014, %jit3A_3019 : i32
        %sign3A_3021 = arith.constant 0 : i32
        %sign3A_3022 = arith.cmpi sgt, %add3A_3014, %sign3A_3021 : i32
        %sign3A_3023 = arith.extui %sign3A_3022 : i1 to i32
        %sign3A_3024 = arith.constant 0 : i32
        %sign3A_3025 = arith.cmpi slt, %add3A_3014, %sign3A_3024 : i32
        %sign3A_3026 = arith.extui %sign3A_3025 : i1 to i32
        %sign3A_3027 = arith.subi %sign3A_3023, %sign3A_3026 : i32
        %sign3A_3028 = arith.constant 0 : i32
        %sign3A_3029 = arith.cmpi sgt, %jit3A_3019, %sign3A_3028 : i32
        %sign3A_3030 = arith.extui %sign3A_3029 : i1 to i32
        %sign3A_3031 = arith.constant 0 : i32
        %sign3A_3032 = arith.cmpi slt, %jit3A_3019, %sign3A_3031 : i32
        %sign3A_3033 = arith.extui %sign3A_3032 : i1 to i32
        %sign3A_3034 = arith.subi %sign3A_3030, %sign3A_3033 : i32
        %ne3A_3035 = arith.cmpi ne, %sign3A_3027, %sign3A_3034 : i32
        %rem3A_3036 = arith.remsi %add3A_3014, %jit3A_3019 : i32
        %ne3A_3037 = arith.constant 0 : i32
        %ne3A_3038 = arith.cmpi ne, %rem3A_3036, %ne3A_3037 : i32
        %and3A_3039 = arith.andi %ne3A_3035, %ne3A_3038 : i1
        %sub3A_3040 = arith.constant 1 : i32
        %sub3A_3041 = arith.subi %div3A_3020, %sub3A_3040 : i32
        %select_n3A_3042 = arith.select %and3A_3039, %sub3A_3041, %div3A_3020 : i32
        %mul3A_3043 = arith.constant 1024 : i32
        %mul3A_3044 = arith.muli %select_n3A_3042, %mul3A_3043 : i32
        %jit3A_3045 = arith.constant 8 : i32
        %eq3A_3046 = arith.constant 0 : i32
        %eq3A_3047 = arith.cmpi eq, %jit3A_3045, %eq3A_3046 : i32
        %jit3A_3048 = arith.constant 1 : i32
        %select_n3A_3049 = arith.select %eq3A_3047, %jit3A_3048, %jit3A_3045 : i32
        %rem3A_3050 = arith.remsi %add3A_3014, %select_n3A_3049 : i32
        %ne3A_3051 = arith.constant 0 : i32
        %ne3A_3052 = arith.cmpi ne, %rem3A_3050, %ne3A_3051 : i32
        %lt3A_3053 = arith.constant 0 : i32
        %lt3A_3054 = arith.cmpi slt, %rem3A_3050, %lt3A_3053 : i32
        %lt3A_3055 = arith.constant 0 : i32
        %lt3A_3056 = arith.cmpi slt, %select_n3A_3049, %lt3A_3055 : i32
        %ne3A_3057 = arith.xori %lt3A_3054, %lt3A_3056 : i1
        %and3A_3058 = arith.andi %ne3A_3057, %ne3A_3052 : i1
        %add3A_3059 = arith.addi %rem3A_3050, %select_n3A_3049 : i32
        %select_n3A_3060 = arith.select %and3A_3058, %add3A_3059, %rem3A_3050 : i32
        %mul3A_3061 = arith.constant 16 : i32
        %mul3A_3062 = arith.muli %select_n3A_3060, %mul3A_3061 : i32
        %add3A_3063 = arith.addi %mul3A_3044, %mul3A_3062 : i32
        %gather3A = tpu.vector_load_idx %arg7[%add3A_3018, %select_n3A_23] : memref<512x32xf32, #tpu.memory_space<vmem>>[vector<16xi32>, vector<16xi32>], vector<16xf32>,
        %add3A_3064 = vector.broadcast %add3A_3063 : i32 to vector<16xi32>
        %add3A_3065 = arith.addi %add3A_887, %add3A_3064 : vector<16xi32>
        tpu.vector_store_idx %arg9[%add3A_3065], %gather3A : memref<16384xf32, #tpu.memory_space<vmem>>[vector<16xi32>], vector<16xf32>,
        %gather3A_3066 = tpu.vector_load_idx %arg7[%add3A_3018, %select_n3A_49] : memref<512x32xf32, #tpu.memory_space<vmem>>[vector<16xi32>, vector<16xi32>], vector<16xf32>,
        %add3A_3067 = vector.broadcast %add3A_3063 : i32 to vector<16xi32>
        %add3A_3068 = arith.addi %add3A_948, %add3A_3067 : vector<16xi32>
        tpu.vector_store_idx %arg9[%add3A_3068], %gather3A_3066 : memref<16384xf32, #tpu.memory_space<vmem>>[vector<16xi32>], vector<16xf32>,
        %gather3A_3069 = tpu.vector_load_idx %arg7[%add3A_3018, %select_n3A_75] : memref<512x32xf32, #tpu.memory_space<vmem>>[vector<16xi32>, vector<16xi32>], vector<16xf32>,
        %add3A_3070 = vector.broadcast %add3A_3063 : i32 to vector<16xi32>
        %add3A_3071 = arith.addi %add3A_1009, %add3A_3070 : vector<16xi32>
        tpu.vector_store_idx %arg9[%add3A_3071], %gather3A_3069 : memref<16384xf32, #tpu.memory_space<vmem>>[vector<16xi32>], vector<16xf32>,
        %gather3A_3072 = tpu.vector_load_idx %arg7[%add3A_3018, %select_n3A_101] : memref<512x32xf32, #tpu.memory_space<vmem>>[vector<16xi32>, vector<16xi32>], vector<16xf32>,
        %add3A_3073 = vector.broadcast %add3A_3063 : i32 to vector<16xi32>
        %add3A_3074 = arith.addi %add3A_1070, %add3A_3073 : vector<16xi32>
        tpu.vector_store_idx %arg9[%add3A_3074], %gather3A_3072 : memref<16384xf32, #tpu.memory_space<vmem>>[vector<16xi32>], vector<16xf32>,
        %gather3A_3075 = tpu.vector_load_idx %arg7[%add3A_3018, %select_n3A_127] : memref<512x32xf32, #tpu.memory_space<vmem>>[vector<16xi32>, vector<16xi32>], vector<16xf32>,
        %add3A_3076 = vector.broadcast %add3A_3063 : i32 to vector<16xi32>
        %add3A_3077 = arith.addi %add3A_1131, %add3A_3076 : vector<16xi32>
        tpu.vector_store_idx %arg9[%add3A_3077], %gather3A_3075 : memref<16384xf32, #tpu.memory_space<vmem>>[vector<16xi32>], vector<16xf32>,
        %gather3A_3078 = tpu.vector_load_idx %arg7[%add3A_3018, %select_n3A_153] : memref<512x32xf32, #tpu.memory_space<vmem>>[vector<16xi32>, vector<16xi32>], vector<16xf32>,
        %add3A_3079 = vector.broadcast %add3A_3063 : i32 to vector<16xi32>
        %add3A_3080 = arith.addi %add3A_1192, %add3A_3079 : vector<16xi32>
        tpu.vector_store_idx %arg9[%add3A_3080], %gather3A_3078 : memref<16384xf32, #tpu.memory_space<vmem>>[vector<16xi32>], vector<16xf32>,
        %gather3A_3081 = tpu.vector_load_idx %arg7[%add3A_3018, %select_n3A_179] : memref<512x32xf32, #tpu.memory_space<vmem>>[vector<16xi32>, vector<16xi32>], vector<16xf32>,
        %add3A_3082 = vector.broadcast %add3A_3063 : i32 to vector<16xi32>
        %add3A_3083 = arith.addi %add3A_1253, %add3A_3082 : vector<16xi32>
        tpu.vector_store_idx %arg9[%add3A_3083], %gather3A_3081 : memref<16384xf32, #tpu.memory_space<vmem>>[vector<16xi32>], vector<16xf32>,
        %gather3A_3084 = tpu.vector_load_idx %arg7[%add3A_3018, %select_n3A_205] : memref<512x32xf32, #tpu.memory_space<vmem>>[vector<16xi32>, vector<16xi32>], vector<16xf32>,
        %add3A_3085 = vector.broadcast %add3A_3063 : i32 to vector<16xi32>
        %add3A_3086 = arith.addi %add3A_1314, %add3A_3085 : vector<16xi32>
        tpu.vector_store_idx %arg9[%add3A_3086], %gather3A_3084 : memref<16384xf32, #tpu.memory_space<vmem>>[vector<16xi32>], vector<16xf32>,
        %gather3A_3087 = tpu.vector_load_idx %arg7[%add3A_3018, %select_n3A_231] : memref<512x32xf32, #tpu.memory_space<vmem>>[vector<16xi32>, vector<16xi32>], vector<16xf32>,
        %add3A_3088 = vector.broadcast %add3A_3063 : i32 to vector<16xi32>
        %add3A_3089 = arith.addi %add3A_1375, %add3A_3088 : vector<16xi32>
        tpu.vector_store_idx %arg9[%add3A_3089], %gather3A_3087 : memref<16384xf32, #tpu.memory_space<vmem>>[vector<16xi32>], vector<16xf32>,
        %gather3A_3090 = tpu.vector_load_idx %arg7[%add3A_3018, %select_n3A_257] : memref<512x32xf32, #tpu.memory_space<vmem>>[vector<16xi32>, vector<16xi32>], vector<16xf32>,
        %add3A_3091 = vector.broadcast %add3A_3063 : i32 to vector<16xi32>
        %add3A_3092 = arith.addi %add3A_1436, %add3A_3091 : vector<16xi32>
        tpu.vector_store_idx %arg9[%add3A_3092], %gather3A_3090 : memref<16384xf32, #tpu.memory_space<vmem>>[vector<16xi32>], vector<16xf32>,
        %gather3A_3093 = tpu.vector_load_idx %arg7[%add3A_3018, %select_n3A_283] : memref<512x32xf32, #tpu.memory_space<vmem>>[vector<16xi32>, vector<16xi32>], vector<16xf32>,
        %add3A_3094 = vector.broadcast %add3A_3063 : i32 to vector<16xi32>
        %add3A_3095 = arith.addi %add3A_1497, %add3A_3094 : vector<16xi32>
        tpu.vector_store_idx %arg9[%add3A_3095], %gather3A_3093 : memref<16384xf32, #tpu.memory_space<vmem>>[vector<16xi32>], vector<16xf32>,
        %gather3A_3096 = tpu.vector_load_idx %arg7[%add3A_3018, %select_n3A_309] : memref<512x32xf32, #tpu.memory_space<vmem>>[vector<16xi32>, vector<16xi32>], vector<16xf32>,
        %add3A_3097 = vector.broadcast %add3A_3063 : i32 to vector<16xi32>
        %add3A_3098 = arith.addi %add3A_1558, %add3A_3097 : vector<16xi32>
        tpu.vector_store_idx %arg9[%add3A_3098], %gather3A_3096 : memref<16384xf32, #tpu.memory_space<vmem>>[vector<16xi32>], vector<16xf32>,
        %gather3A_3099 = tpu.vector_load_idx %arg7[%add3A_3018, %select_n3A_335] : memref<512x32xf32, #tpu.memory_space<vmem>>[vector<16xi32>, vector<16xi32>], vector<16xf32>,
        %add3A_3100 = vector.broadcast %add3A_3063 : i32 to vector<16xi32>
        %add3A_3101 = arith.addi %add3A_1619, %add3A_3100 : vector<16xi32>
        tpu.vector_store_idx %arg9[%add3A_3101], %gather3A_3099 : memref<16384xf32, #tpu.memory_space<vmem>>[vector<16xi32>], vector<16xf32>,
        %gather3A_3102 = tpu.vector_load_idx %arg7[%add3A_3018, %select_n3A_361] : memref<512x32xf32, #tpu.memory_space<vmem>>[vector<16xi32>, vector<16xi32>], vector<16xf32>,
        %add3A_3103 = vector.broadcast %add3A_3063 : i32 to vector<16xi32>
        %add3A_3104 = arith.addi %add3A_1680, %add3A_3103 : vector<16xi32>
        tpu.vector_store_idx %arg9[%add3A_3104], %gather3A_3102 : memref<16384xf32, #tpu.memory_space<vmem>>[vector<16xi32>], vector<16xf32>,
        %gather3A_3105 = tpu.vector_load_idx %arg7[%add3A_3018, %select_n3A_387] : memref<512x32xf32, #tpu.memory_space<vmem>>[vector<16xi32>, vector<16xi32>], vector<16xf32>,
        %add3A_3106 = vector.broadcast %add3A_3063 : i32 to vector<16xi32>
        %add3A_3107 = arith.addi %add3A_1741, %add3A_3106 : vector<16xi32>
        tpu.vector_store_idx %arg9[%add3A_3107], %gather3A_3105 : memref<16384xf32, #tpu.memory_space<vmem>>[vector<16xi32>], vector<16xf32>,
        %gather3A_3108 = tpu.vector_load_idx %arg7[%add3A_3018, %select_n3A_413] : memref<512x32xf32, #tpu.memory_space<vmem>>[vector<16xi32>, vector<16xi32>], vector<16xf32>,
        %add3A_3109 = vector.broadcast %add3A_3063 : i32 to vector<16xi32>
        %add3A_3110 = arith.addi %add3A_1802, %add3A_3109 : vector<16xi32>
        tpu.vector_store_idx %arg9[%add3A_3110], %gather3A_3108 : memref<16384xf32, #tpu.memory_space<vmem>>[vector<16xi32>], vector<16xf32>,
        %gather3A_3111 = tpu.vector_load_idx %arg7[%add3A_3018, %select_n3A_439] : memref<512x32xf32, #tpu.memory_space<vmem>>[vector<16xi32>, vector<16xi32>], vector<16xf32>,
        %add3A_3112 = vector.broadcast %add3A_3063 : i32 to vector<16xi32>
        %add3A_3113 = arith.addi %add3A_1863, %add3A_3112 : vector<16xi32>
        tpu.vector_store_idx %arg9[%add3A_3113], %gather3A_3111 : memref<16384xf32, #tpu.memory_space<vmem>>[vector<16xi32>], vector<16xf32>,
        %gather3A_3114 = tpu.vector_load_idx %arg7[%add3A_3018, %select_n3A_465] : memref<512x32xf32, #tpu.memory_space<vmem>>[vector<16xi32>, vector<16xi32>], vector<16xf32>,
        %add3A_3115 = vector.broadcast %add3A_3063 : i32 to vector<16xi32>
        %add3A_3116 = arith.addi %add3A_1924, %add3A_3115 : vector<16xi32>
        tpu.vector_store_idx %arg9[%add3A_3116], %gather3A_3114 : memref<16384xf32, #tpu.memory_space<vmem>>[vector<16xi32>], vector<16xf32>,
        %gather3A_3117 = tpu.vector_load_idx %arg7[%add3A_3018, %select_n3A_491] : memref<512x32xf32, #tpu.memory_space<vmem>>[vector<16xi32>, vector<16xi32>], vector<16xf32>,
        %add3A_3118 = vector.broadcast %add3A_3063 : i32 to vector<16xi32>
        %add3A_3119 = arith.addi %add3A_1985, %add3A_3118 : vector<16xi32>
        tpu.vector_store_idx %arg9[%add3A_3119], %gather3A_3117 : memref<16384xf32, #tpu.memory_space<vmem>>[vector<16xi32>], vector<16xf32>,
        %gather3A_3120 = tpu.vector_load_idx %arg7[%add3A_3018, %select_n3A_517] : memref<512x32xf32, #tpu.memory_space<vmem>>[vector<16xi32>, vector<16xi32>], vector<16xf32>,
        %add3A_3121 = vector.broadcast %add3A_3063 : i32 to vector<16xi32>
        %add3A_3122 = arith.addi %add3A_2046, %add3A_3121 : vector<16xi32>
        tpu.vector_store_idx %arg9[%add3A_3122], %gather3A_3120 : memref<16384xf32, #tpu.memory_space<vmem>>[vector<16xi32>], vector<16xf32>,
        %gather3A_3123 = tpu.vector_load_idx %arg7[%add3A_3018, %select_n3A_543] : memref<512x32xf32, #tpu.memory_space<vmem>>[vector<16xi32>, vector<16xi32>], vector<16xf32>,
        %add3A_3124 = vector.broadcast %add3A_3063 : i32 to vector<16xi32>
        %add3A_3125 = arith.addi %add3A_2107, %add3A_3124 : vector<16xi32>
        tpu.vector_store_idx %arg9[%add3A_3125], %gather3A_3123 : memref<16384xf32, #tpu.memory_space<vmem>>[vector<16xi32>], vector<16xf32>,
        %gather3A_3126 = tpu.vector_load_idx %arg7[%add3A_3018, %select_n3A_569] : memref<512x32xf32, #tpu.memory_space<vmem>>[vector<16xi32>, vector<16xi32>], vector<16xf32>,
        %add3A_3127 = vector.broadcast %add3A_3063 : i32 to vector<16xi32>
        %add3A_3128 = arith.addi %add3A_2168, %add3A_3127 : vector<16xi32>
        tpu.vector_store_idx %arg9[%add3A_3128], %gather3A_3126 : memref<16384xf32, #tpu.memory_space<vmem>>[vector<16xi32>], vector<16xf32>,
        %gather3A_3129 = tpu.vector_load_idx %arg7[%add3A_3018, %select_n3A_595] : memref<512x32xf32, #tpu.memory_space<vmem>>[vector<16xi32>, vector<16xi32>], vector<16xf32>,
        %add3A_3130 = vector.broadcast %add3A_3063 : i32 to vector<16xi32>
        %add3A_3131 = arith.addi %add3A_2229, %add3A_3130 : vector<16xi32>
        tpu.vector_store_idx %arg9[%add3A_3131], %gather3A_3129 : memref<16384xf32, #tpu.memory_space<vmem>>[vector<16xi32>], vector<16xf32>,
        %gather3A_3132 = tpu.vector_load_idx %arg7[%add3A_3018, %select_n3A_621] : memref<512x32xf32, #tpu.memory_space<vmem>>[vector<16xi32>, vector<16xi32>], vector<16xf32>,
        %add3A_3133 = vector.broadcast %add3A_3063 : i32 to vector<16xi32>
        %add3A_3134 = arith.addi %add3A_2290, %add3A_3133 : vector<16xi32>
        tpu.vector_store_idx %arg9[%add3A_3134], %gather3A_3132 : memref<16384xf32, #tpu.memory_space<vmem>>[vector<16xi32>], vector<16xf32>,
        %gather3A_3135 = tpu.vector_load_idx %arg7[%add3A_3018, %select_n3A_647] : memref<512x32xf32, #tpu.memory_space<vmem>>[vector<16xi32>, vector<16xi32>], vector<16xf32>,
        %add3A_3136 = vector.broadcast %add3A_3063 : i32 to vector<16xi32>
        %add3A_3137 = arith.addi %add3A_2351, %add3A_3136 : vector<16xi32>
        tpu.vector_store_idx %arg9[%add3A_3137], %gather3A_3135 : memref<16384xf32, #tpu.memory_space<vmem>>[vector<16xi32>], vector<16xf32>,
        %gather3A_3138 = tpu.vector_load_idx %arg7[%add3A_3018, %select_n3A_673] : memref<512x32xf32, #tpu.memory_space<vmem>>[vector<16xi32>, vector<16xi32>], vector<16xf32>,
        %add3A_3139 = vector.broadcast %add3A_3063 : i32 to vector<16xi32>
        %add3A_3140 = arith.addi %add3A_2412, %add3A_3139 : vector<16xi32>
        tpu.vector_store_idx %arg9[%add3A_3140], %gather3A_3138 : memref<16384xf32, #tpu.memory_space<vmem>>[vector<16xi32>], vector<16xf32>,
        %gather3A_3141 = tpu.vector_load_idx %arg7[%add3A_3018, %select_n3A_699] : memref<512x32xf32, #tpu.memory_space<vmem>>[vector<16xi32>, vector<16xi32>], vector<16xf32>,
        %add3A_3142 = vector.broadcast %add3A_3063 : i32 to vector<16xi32>
        %add3A_3143 = arith.addi %add3A_2473, %add3A_3142 : vector<16xi32>
        tpu.vector_store_idx %arg9[%add3A_3143], %gather3A_3141 : memref<16384xf32, #tpu.memory_space<vmem>>[vector<16xi32>], vector<16xf32>,
        %gather3A_3144 = tpu.vector_load_idx %arg7[%add3A_3018, %select_n3A_725] : memref<512x32xf32, #tpu.memory_space<vmem>>[vector<16xi32>, vector<16xi32>], vector<16xf32>,
        %add3A_3145 = vector.broadcast %add3A_3063 : i32 to vector<16xi32>
        %add3A_3146 = arith.addi %add3A_2534, %add3A_3145 : vector<16xi32>
        tpu.vector_store_idx %arg9[%add3A_3146], %gather3A_3144 : memref<16384xf32, #tpu.memory_space<vmem>>[vector<16xi32>], vector<16xf32>,
        %gather3A_3147 = tpu.vector_load_idx %arg7[%add3A_3018, %select_n3A_751] : memref<512x32xf32, #tpu.memory_space<vmem>>[vector<16xi32>, vector<16xi32>], vector<16xf32>,
        %add3A_3148 = vector.broadcast %add3A_3063 : i32 to vector<16xi32>
        %add3A_3149 = arith.addi %add3A_2595, %add3A_3148 : vector<16xi32>
        tpu.vector_store_idx %arg9[%add3A_3149], %gather3A_3147 : memref<16384xf32, #tpu.memory_space<vmem>>[vector<16xi32>], vector<16xf32>,
        %gather3A_3150 = tpu.vector_load_idx %arg7[%add3A_3018, %select_n3A_777] : memref<512x32xf32, #tpu.memory_space<vmem>>[vector<16xi32>, vector<16xi32>], vector<16xf32>,
        %add3A_3151 = vector.broadcast %add3A_3063 : i32 to vector<16xi32>
        %add3A_3152 = arith.addi %add3A_2656, %add3A_3151 : vector<16xi32>
        tpu.vector_store_idx %arg9[%add3A_3152], %gather3A_3150 : memref<16384xf32, #tpu.memory_space<vmem>>[vector<16xi32>], vector<16xf32>,
        %gather3A_3153 = tpu.vector_load_idx %arg7[%add3A_3018, %select_n3A_803] : memref<512x32xf32, #tpu.memory_space<vmem>>[vector<16xi32>, vector<16xi32>], vector<16xf32>,
        %add3A_3154 = vector.broadcast %add3A_3063 : i32 to vector<16xi32>
        %add3A_3155 = arith.addi %add3A_2717, %add3A_3154 : vector<16xi32>
        tpu.vector_store_idx %arg9[%add3A_3155], %gather3A_3153 : memref<16384xf32, #tpu.memory_space<vmem>>[vector<16xi32>], vector<16xf32>,
        %gather3A_3156 = tpu.vector_load_idx %arg7[%add3A_3018, %select_n3A_829] : memref<512x32xf32, #tpu.memory_space<vmem>>[vector<16xi32>, vector<16xi32>], vector<16xf32>,
        %add3A_3157 = vector.broadcast %add3A_3063 : i32 to vector<16xi32>
        %add3A_3158 = arith.addi %add3A_2778, %add3A_3157 : vector<16xi32>
        tpu.vector_store_idx %arg9[%add3A_3158], %gather3A_3156 : memref<16384xf32, #tpu.memory_space<vmem>>[vector<16xi32>], vector<16xf32>,
        %mul3A_3159 = arith.constant 2 : i32
        %mul3A_3160 = arith.muli %scan3A_3010, %mul3A_3159 : i32
        %add3A_3161 = arith.constant 1 : i32
        %add3A_3162 = arith.addi %mul3A_3160, %add3A_3161 : i32
        %mul3A_3163 = arith.constant 16 : i32
        %mul3A_3164 = arith.muli %add3A_3162, %mul3A_3163 : i32
        %add3A_3165 = vector.broadcast %mul3A_3164 : i32 to vector<16xi32>
        %add3A_3166 = arith.addi %iota3A, %add3A_3165 : vector<16xi32>
        %jit3A_3167 = arith.constant 8 : i32
        %div3A_3168 = arith.divsi %add3A_3162, %jit3A_3167 : i32
        %sign3A_3169 = arith.constant 0 : i32
        %sign3A_3170 = arith.cmpi sgt, %add3A_3162, %sign3A_3169 : i32
        %sign3A_3171 = arith.extui %sign3A_3170 : i1 to i32
        %sign3A_3172 = arith.constant 0 : i32
        %sign3A_3173 = arith.cmpi slt, %add3A_3162, %sign3A_3172 : i32
        %sign3A_3174 = arith.extui %sign3A_3173 : i1 to i32
        %sign3A_3175 = arith.subi %sign3A_3171, %sign3A_3174 : i32
        %sign3A_3176 = arith.constant 0 : i32
        %sign3A_3177 = arith.cmpi sgt, %jit3A_3167, %sign3A_3176 : i32
        %sign3A_3178 = arith.extui %sign3A_3177 : i1 to i32
        %sign3A_3179 = arith.constant 0 : i32
        %sign3A_3180 = arith.cmpi slt, %jit3A_3167, %sign3A_3179 : i32
        %sign3A_3181 = arith.extui %sign3A_3180 : i1 to i32
        %sign3A_3182 = arith.subi %sign3A_3178, %sign3A_3181 : i32
        %ne3A_3183 = arith.cmpi ne, %sign3A_3175, %sign3A_3182 : i32
        %rem3A_3184 = arith.remsi %add3A_3162, %jit3A_3167 : i32
        %ne3A_3185 = arith.constant 0 : i32
        %ne3A_3186 = arith.cmpi ne, %rem3A_3184, %ne3A_3185 : i32
        %and3A_3187 = arith.andi %ne3A_3183, %ne3A_3186 : i1
        %sub3A_3188 = arith.constant 1 : i32
        %sub3A_3189 = arith.subi %div3A_3168, %sub3A_3188 : i32
        %select_n3A_3190 = arith.select %and3A_3187, %sub3A_3189, %div3A_3168 : i32
        %mul3A_3191 = arith.constant 1024 : i32
        %mul3A_3192 = arith.muli %select_n3A_3190, %mul3A_3191 : i32
        %jit3A_3193 = arith.constant 8 : i32
        %eq3A_3194 = arith.constant 0 : i32
        %eq3A_3195 = arith.cmpi eq, %jit3A_3193, %eq3A_3194 : i32
        %jit3A_3196 = arith.constant 1 : i32
        %select_n3A_3197 = arith.select %eq3A_3195, %jit3A_3196, %jit3A_3193 : i32
        %rem3A_3198 = arith.remsi %add3A_3162, %select_n3A_3197 : i32
        %ne3A_3199 = arith.constant 0 : i32
        %ne3A_3200 = arith.cmpi ne, %rem3A_3198, %ne3A_3199 : i32
        %lt3A_3201 = arith.constant 0 : i32
        %lt3A_3202 = arith.cmpi slt, %rem3A_3198, %lt3A_3201 : i32
        %lt3A_3203 = arith.constant 0 : i32
        %lt3A_3204 = arith.cmpi slt, %select_n3A_3197, %lt3A_3203 : i32
        %ne3A_3205 = arith.xori %lt3A_3202, %lt3A_3204 : i1
        %and3A_3206 = arith.andi %ne3A_3205, %ne3A_3200 : i1
        %add3A_3207 = arith.addi %rem3A_3198, %select_n3A_3197 : i32
        %select_n3A_3208 = arith.select %and3A_3206, %add3A_3207, %rem3A_3198 : i32
        %mul3A_3209 = arith.constant 16 : i32
        %mul3A_3210 = arith.muli %select_n3A_3208, %mul3A_3209 : i32
        %add3A_3211 = arith.addi %mul3A_3192, %mul3A_3210 : i32
        %gather3A_3212 = tpu.vector_load_idx %arg7[%add3A_3166, %select_n3A_23] : memref<512x32xf32, #tpu.memory_space<vmem>>[vector<16xi32>, vector<16xi32>], vector<16xf32>,
        %add3A_3213 = vector.broadcast %add3A_3211 : i32 to vector<16xi32>
        %add3A_3214 = arith.addi %add3A_887, %add3A_3213 : vector<16xi32>
        tpu.vector_store_idx %arg9[%add3A_3214], %gather3A_3212 : memref<16384xf32, #tpu.memory_space<vmem>>[vector<16xi32>], vector<16xf32>,
        %gather3A_3215 = tpu.vector_load_idx %arg7[%add3A_3166, %select_n3A_49] : memref<512x32xf32, #tpu.memory_space<vmem>>[vector<16xi32>, vector<16xi32>], vector<16xf32>,
        %add3A_3216 = vector.broadcast %add3A_3211 : i32 to vector<16xi32>
        %add3A_3217 = arith.addi %add3A_948, %add3A_3216 : vector<16xi32>
        tpu.vector_store_idx %arg9[%add3A_3217], %gather3A_3215 : memref<16384xf32, #tpu.memory_space<vmem>>[vector<16xi32>], vector<16xf32>,
        %gather3A_3218 = tpu.vector_load_idx %arg7[%add3A_3166, %select_n3A_75] : memref<512x32xf32, #tpu.memory_space<vmem>>[vector<16xi32>, vector<16xi32>], vector<16xf32>,
        %add3A_3219 = vector.broadcast %add3A_3211 : i32 to vector<16xi32>
        %add3A_3220 = arith.addi %add3A_1009, %add3A_3219 : vector<16xi32>
        tpu.vector_store_idx %arg9[%add3A_3220], %gather3A_3218 : memref<16384xf32, #tpu.memory_space<vmem>>[vector<16xi32>], vector<16xf32>,
        %gather3A_3221 = tpu.vector_load_idx %arg7[%add3A_3166, %select_n3A_101] : memref<512x32xf32, #tpu.memory_space<vmem>>[vector<16xi32>, vector<16xi32>], vector<16xf32>,
        %add3A_3222 = vector.broadcast %add3A_3211 : i32 to vector<16xi32>
        %add3A_3223 = arith.addi %add3A_1070, %add3A_3222 : vector<16xi32>
        tpu.vector_store_idx %arg9[%add3A_3223], %gather3A_3221 : memref<16384xf32, #tpu.memory_space<vmem>>[vector<16xi32>], vector<16xf32>,
        %gather3A_3224 = tpu.vector_load_idx %arg7[%add3A_3166, %select_n3A_127] : memref<512x32xf32, #tpu.memory_space<vmem>>[vector<16xi32>, vector<16xi32>], vector<16xf32>,
        %add3A_3225 = vector.broadcast %add3A_3211 : i32 to vector<16xi32>
        %add3A_3226 = arith.addi %add3A_1131, %add3A_3225 : vector<16xi32>
        tpu.vector_store_idx %arg9[%add3A_3226], %gather3A_3224 : memref<16384xf32, #tpu.memory_space<vmem>>[vector<16xi32>], vector<16xf32>,
        %gather3A_3227 = tpu.vector_load_idx %arg7[%add3A_3166, %select_n3A_153] : memref<512x32xf32, #tpu.memory_space<vmem>>[vector<16xi32>, vector<16xi32>], vector<16xf32>,
        %add3A_3228 = vector.broadcast %add3A_3211 : i32 to vector<16xi32>
        %add3A_3229 = arith.addi %add3A_1192, %add3A_3228 : vector<16xi32>
        tpu.vector_store_idx %arg9[%add3A_3229], %gather3A_3227 : memref<16384xf32, #tpu.memory_space<vmem>>[vector<16xi32>], vector<16xf32>,
        %gather3A_3230 = tpu.vector_load_idx %arg7[%add3A_3166, %select_n3A_179] : memref<512x32xf32, #tpu.memory_space<vmem>>[vector<16xi32>, vector<16xi32>], vector<16xf32>,
        %add3A_3231 = vector.broadcast %add3A_3211 : i32 to vector<16xi32>
        %add3A_3232 = arith.addi %add3A_1253, %add3A_3231 : vector<16xi32>
        tpu.vector_store_idx %arg9[%add3A_3232], %gather3A_3230 : memref<16384xf32, #tpu.memory_space<vmem>>[vector<16xi32>], vector<16xf32>,
        %gather3A_3233 = tpu.vector_load_idx %arg7[%add3A_3166, %select_n3A_205] : memref<512x32xf32, #tpu.memory_space<vmem>>[vector<16xi32>, vector<16xi32>], vector<16xf32>,
        %add3A_3234 = vector.broadcast %add3A_3211 : i32 to vector<16xi32>
        %add3A_3235 = arith.addi %add3A_1314, %add3A_3234 : vector<16xi32>
        tpu.vector_store_idx %arg9[%add3A_3235], %gather3A_3233 : memref<16384xf32, #tpu.memory_space<vmem>>[vector<16xi32>], vector<16xf32>,
        %gather3A_3236 = tpu.vector_load_idx %arg7[%add3A_3166, %select_n3A_231] : memref<512x32xf32, #tpu.memory_space<vmem>>[vector<16xi32>, vector<16xi32>], vector<16xf32>,
        %add3A_3237 = vector.broadcast %add3A_3211 : i32 to vector<16xi32>
        %add3A_3238 = arith.addi %add3A_1375, %add3A_3237 : vector<16xi32>
        tpu.vector_store_idx %arg9[%add3A_3238], %gather3A_3236 : memref<16384xf32, #tpu.memory_space<vmem>>[vector<16xi32>], vector<16xf32>,
        %gather3A_3239 = tpu.vector_load_idx %arg7[%add3A_3166, %select_n3A_257] : memref<512x32xf32, #tpu.memory_space<vmem>>[vector<16xi32>, vector<16xi32>], vector<16xf32>,
        %add3A_3240 = vector.broadcast %add3A_3211 : i32 to vector<16xi32>
        %add3A_3241 = arith.addi %add3A_1436, %add3A_3240 : vector<16xi32>
        tpu.vector_store_idx %arg9[%add3A_3241], %gather3A_3239 : memref<16384xf32, #tpu.memory_space<vmem>>[vector<16xi32>], vector<16xf32>,
        %gather3A_3242 = tpu.vector_load_idx %arg7[%add3A_3166, %select_n3A_283] : memref<512x32xf32, #tpu.memory_space<vmem>>[vector<16xi32>, vector<16xi32>], vector<16xf32>,
        %add3A_3243 = vector.broadcast %add3A_3211 : i32 to vector<16xi32>
        %add3A_3244 = arith.addi %add3A_1497, %add3A_3243 : vector<16xi32>
        tpu.vector_store_idx %arg9[%add3A_3244], %gather3A_3242 : memref<16384xf32, #tpu.memory_space<vmem>>[vector<16xi32>], vector<16xf32>,
        %gather3A_3245 = tpu.vector_load_idx %arg7[%add3A_3166, %select_n3A_309] : memref<512x32xf32, #tpu.memory_space<vmem>>[vector<16xi32>, vector<16xi32>], vector<16xf32>,
        %add3A_3246 = vector.broadcast %add3A_3211 : i32 to vector<16xi32>
        %add3A_3247 = arith.addi %add3A_1558, %add3A_3246 : vector<16xi32>
        tpu.vector_store_idx %arg9[%add3A_3247], %gather3A_3245 : memref<16384xf32, #tpu.memory_space<vmem>>[vector<16xi32>], vector<16xf32>,
        %gather3A_3248 = tpu.vector_load_idx %arg7[%add3A_3166, %select_n3A_335] : memref<512x32xf32, #tpu.memory_space<vmem>>[vector<16xi32>, vector<16xi32>], vector<16xf32>,
        %add3A_3249 = vector.broadcast %add3A_3211 : i32 to vector<16xi32>
        %add3A_3250 = arith.addi %add3A_1619, %add3A_3249 : vector<16xi32>
        tpu.vector_store_idx %arg9[%add3A_3250], %gather3A_3248 : memref<16384xf32, #tpu.memory_space<vmem>>[vector<16xi32>], vector<16xf32>,
        %gather3A_3251 = tpu.vector_load_idx %arg7[%add3A_3166, %select_n3A_361] : memref<512x32xf32, #tpu.memory_space<vmem>>[vector<16xi32>, vector<16xi32>], vector<16xf32>,
        %add3A_3252 = vector.broadcast %add3A_3211 : i32 to vector<16xi32>
        %add3A_3253 = arith.addi %add3A_1680, %add3A_3252 : vector<16xi32>
        tpu.vector_store_idx %arg9[%add3A_3253], %gather3A_3251 : memref<16384xf32, #tpu.memory_space<vmem>>[vector<16xi32>], vector<16xf32>,
        %gather3A_3254 = tpu.vector_load_idx %arg7[%add3A_3166, %select_n3A_387] : memref<512x32xf32, #tpu.memory_space<vmem>>[vector<16xi32>, vector<16xi32>], vector<16xf32>,
        %add3A_3255 = vector.broadcast %add3A_3211 : i32 to vector<16xi32>
        %add3A_3256 = arith.addi %add3A_1741, %add3A_3255 : vector<16xi32>
        tpu.vector_store_idx %arg9[%add3A_3256], %gather3A_3254 : memref<16384xf32, #tpu.memory_space<vmem>>[vector<16xi32>], vector<16xf32>,
        %gather3A_3257 = tpu.vector_load_idx %arg7[%add3A_3166, %select_n3A_413] : memref<512x32xf32, #tpu.memory_space<vmem>>[vector<16xi32>, vector<16xi32>], vector<16xf32>,
        %add3A_3258 = vector.broadcast %add3A_3211 : i32 to vector<16xi32>
        %add3A_3259 = arith.addi %add3A_1802, %add3A_3258 : vector<16xi32>
        tpu.vector_store_idx %arg9[%add3A_3259], %gather3A_3257 : memref<16384xf32, #tpu.memory_space<vmem>>[vector<16xi32>], vector<16xf32>,
        %gather3A_3260 = tpu.vector_load_idx %arg7[%add3A_3166, %select_n3A_439] : memref<512x32xf32, #tpu.memory_space<vmem>>[vector<16xi32>, vector<16xi32>], vector<16xf32>,
        %add3A_3261 = vector.broadcast %add3A_3211 : i32 to vector<16xi32>
        %add3A_3262 = arith.addi %add3A_1863, %add3A_3261 : vector<16xi32>
        tpu.vector_store_idx %arg9[%add3A_3262], %gather3A_3260 : memref<16384xf32, #tpu.memory_space<vmem>>[vector<16xi32>], vector<16xf32>,
        %gather3A_3263 = tpu.vector_load_idx %arg7[%add3A_3166, %select_n3A_465] : memref<512x32xf32, #tpu.memory_space<vmem>>[vector<16xi32>, vector<16xi32>], vector<16xf32>,
        %add3A_3264 = vector.broadcast %add3A_3211 : i32 to vector<16xi32>
        %add3A_3265 = arith.addi %add3A_1924, %add3A_3264 : vector<16xi32>
        tpu.vector_store_idx %arg9[%add3A_3265], %gather3A_3263 : memref<16384xf32, #tpu.memory_space<vmem>>[vector<16xi32>], vector<16xf32>,
        %gather3A_3266 = tpu.vector_load_idx %arg7[%add3A_3166, %select_n3A_491] : memref<512x32xf32, #tpu.memory_space<vmem>>[vector<16xi32>, vector<16xi32>], vector<16xf32>,
        %add3A_3267 = vector.broadcast %add3A_3211 : i32 to vector<16xi32>
        %add3A_3268 = arith.addi %add3A_1985, %add3A_3267 : vector<16xi32>
        tpu.vector_store_idx %arg9[%add3A_3268], %gather3A_3266 : memref<16384xf32, #tpu.memory_space<vmem>>[vector<16xi32>], vector<16xf32>,
        %gather3A_3269 = tpu.vector_load_idx %arg7[%add3A_3166, %select_n3A_517] : memref<512x32xf32, #tpu.memory_space<vmem>>[vector<16xi32>, vector<16xi32>], vector<16xf32>,
        %add3A_3270 = vector.broadcast %add3A_3211 : i32 to vector<16xi32>
        %add3A_3271 = arith.addi %add3A_2046, %add3A_3270 : vector<16xi32>
        tpu.vector_store_idx %arg9[%add3A_3271], %gather3A_3269 : memref<16384xf32, #tpu.memory_space<vmem>>[vector<16xi32>], vector<16xf32>,
        %gather3A_3272 = tpu.vector_load_idx %arg7[%add3A_3166, %select_n3A_543] : memref<512x32xf32, #tpu.memory_space<vmem>>[vector<16xi32>, vector<16xi32>], vector<16xf32>,
        %add3A_3273 = vector.broadcast %add3A_3211 : i32 to vector<16xi32>
        %add3A_3274 = arith.addi %add3A_2107, %add3A_3273 : vector<16xi32>
        tpu.vector_store_idx %arg9[%add3A_3274], %gather3A_3272 : memref<16384xf32, #tpu.memory_space<vmem>>[vector<16xi32>], vector<16xf32>,
        %gather3A_3275 = tpu.vector_load_idx %arg7[%add3A_3166, %select_n3A_569] : memref<512x32xf32, #tpu.memory_space<vmem>>[vector<16xi32>, vector<16xi32>], vector<16xf32>,
        %add3A_3276 = vector.broadcast %add3A_3211 : i32 to vector<16xi32>
        %add3A_3277 = arith.addi %add3A_2168, %add3A_3276 : vector<16xi32>
        tpu.vector_store_idx %arg9[%add3A_3277], %gather3A_3275 : memref<16384xf32, #tpu.memory_space<vmem>>[vector<16xi32>], vector<16xf32>,
        %gather3A_3278 = tpu.vector_load_idx %arg7[%add3A_3166, %select_n3A_595] : memref<512x32xf32, #tpu.memory_space<vmem>>[vector<16xi32>, vector<16xi32>], vector<16xf32>,
        %add3A_3279 = vector.broadcast %add3A_3211 : i32 to vector<16xi32>
        %add3A_3280 = arith.addi %add3A_2229, %add3A_3279 : vector<16xi32>
        tpu.vector_store_idx %arg9[%add3A_3280], %gather3A_3278 : memref<16384xf32, #tpu.memory_space<vmem>>[vector<16xi32>], vector<16xf32>,
        %gather3A_3281 = tpu.vector_load_idx %arg7[%add3A_3166, %select_n3A_621] : memref<512x32xf32, #tpu.memory_space<vmem>>[vector<16xi32>, vector<16xi32>], vector<16xf32>,
        %add3A_3282 = vector.broadcast %add3A_3211 : i32 to vector<16xi32>
        %add3A_3283 = arith.addi %add3A_2290, %add3A_3282 : vector<16xi32>
        tpu.vector_store_idx %arg9[%add3A_3283], %gather3A_3281 : memref<16384xf32, #tpu.memory_space<vmem>>[vector<16xi32>], vector<16xf32>,
        %gather3A_3284 = tpu.vector_load_idx %arg7[%add3A_3166, %select_n3A_647] : memref<512x32xf32, #tpu.memory_space<vmem>>[vector<16xi32>, vector<16xi32>], vector<16xf32>,
        %add3A_3285 = vector.broadcast %add3A_3211 : i32 to vector<16xi32>
        %add3A_3286 = arith.addi %add3A_2351, %add3A_3285 : vector<16xi32>
        tpu.vector_store_idx %arg9[%add3A_3286], %gather3A_3284 : memref<16384xf32, #tpu.memory_space<vmem>>[vector<16xi32>], vector<16xf32>,
        %gather3A_3287 = tpu.vector_load_idx %arg7[%add3A_3166, %select_n3A_673] : memref<512x32xf32, #tpu.memory_space<vmem>>[vector<16xi32>, vector<16xi32>], vector<16xf32>,
        %add3A_3288 = vector.broadcast %add3A_3211 : i32 to vector<16xi32>
        %add3A_3289 = arith.addi %add3A_2412, %add3A_3288 : vector<16xi32>
        tpu.vector_store_idx %arg9[%add3A_3289], %gather3A_3287 : memref<16384xf32, #tpu.memory_space<vmem>>[vector<16xi32>], vector<16xf32>,
        %gather3A_3290 = tpu.vector_load_idx %arg7[%add3A_3166, %select_n3A_699] : memref<512x32xf32, #tpu.memory_space<vmem>>[vector<16xi32>, vector<16xi32>], vector<16xf32>,
        %add3A_3291 = vector.broadcast %add3A_3211 : i32 to vector<16xi32>
        %add3A_3292 = arith.addi %add3A_2473, %add3A_3291 : vector<16xi32>
        tpu.vector_store_idx %arg9[%add3A_3292], %gather3A_3290 : memref<16384xf32, #tpu.memory_space<vmem>>[vector<16xi32>], vector<16xf32>,
        %gather3A_3293 = tpu.vector_load_idx %arg7[%add3A_3166, %select_n3A_725] : memref<512x32xf32, #tpu.memory_space<vmem>>[vector<16xi32>, vector<16xi32>], vector<16xf32>,
        %add3A_3294 = vector.broadcast %add3A_3211 : i32 to vector<16xi32>
        %add3A_3295 = arith.addi %add3A_2534, %add3A_3294 : vector<16xi32>
        tpu.vector_store_idx %arg9[%add3A_3295], %gather3A_3293 : memref<16384xf32, #tpu.memory_space<vmem>>[vector<16xi32>], vector<16xf32>,
        %gather3A_3296 = tpu.vector_load_idx %arg7[%add3A_3166, %select_n3A_751] : memref<512x32xf32, #tpu.memory_space<vmem>>[vector<16xi32>, vector<16xi32>], vector<16xf32>,
        %add3A_3297 = vector.broadcast %add3A_3211 : i32 to vector<16xi32>
        %add3A_3298 = arith.addi %add3A_2595, %add3A_3297 : vector<16xi32>
        tpu.vector_store_idx %arg9[%add3A_3298], %gather3A_3296 : memref<16384xf32, #tpu.memory_space<vmem>>[vector<16xi32>], vector<16xf32>,
        %gather3A_3299 = tpu.vector_load_idx %arg7[%add3A_3166, %select_n3A_777] : memref<512x32xf32, #tpu.memory_space<vmem>>[vector<16xi32>, vector<16xi32>], vector<16xf32>,
        %add3A_3300 = vector.broadcast %add3A_3211 : i32 to vector<16xi32>
        %add3A_3301 = arith.addi %add3A_2656, %add3A_3300 : vector<16xi32>
        tpu.vector_store_idx %arg9[%add3A_3301], %gather3A_3299 : memref<16384xf32, #tpu.memory_space<vmem>>[vector<16xi32>], vector<16xf32>,
        %gather3A_3302 = tpu.vector_load_idx %arg7[%add3A_3166, %select_n3A_803] : memref<512x32xf32, #tpu.memory_space<vmem>>[vector<16xi32>, vector<16xi32>], vector<16xf32>,
        %add3A_3303 = vector.broadcast %add3A_3211 : i32 to vector<16xi32>
        %add3A_3304 = arith.addi %add3A_2717, %add3A_3303 : vector<16xi32>
        tpu.vector_store_idx %arg9[%add3A_3304], %gather3A_3302 : memref<16384xf32, #tpu.memory_space<vmem>>[vector<16xi32>], vector<16xf32>,
        %gather3A_3305 = tpu.vector_load_idx %arg7[%add3A_3166, %select_n3A_829] : memref<512x32xf32, #tpu.memory_space<vmem>>[vector<16xi32>, vector<16xi32>], vector<16xf32>,
        %add3A_3306 = vector.broadcast %add3A_3211 : i32 to vector<16xi32>
        %add3A_3307 = arith.addi %add3A_2778, %add3A_3306 : vector<16xi32>
        tpu.vector_store_idx %arg9[%add3A_3307], %gather3A_3305 : memref<16384xf32, #tpu.memory_space<vmem>>[vector<16xi32>], vector<16xf32>,
      }
      %scan3A_2896 = arith.constant 16 : i32
      %mul3A_2897 = arith.constant 1024 : i32
      %mul3A_2898 = arith.muli %mul3A_4, %mul3A_2897 : i32
      %dma_start3A_2899 = arith.constant 0 : i32
      %dma_start3A_2900 = arith.constant 0 : i32
      %dma_start3A_2901 = tpu.memref_slice %arg9[%dma_start3A_2900] : memref<16384xf32, #tpu.memory_space<vmem>> -> memref<4096xf32, #tpu.memory_space<vmem>>
      %dma_start3A_2902 = tpu.memref_slice %arg4[%mul3A_2886, %dma_start3A_2899, %mul3A_2898] : memref<200x4x131072xf32, #tpu.memory_space<hbm>> -> memref<1x1x4096xf32, #tpu.memory_space<hbm>>
      %dma_start3A_2903 = tpu.memref_squeeze %dma_start3A_2902 : memref<1x1x4096xf32, #tpu.memory_space<hbm>> -> memref<4096xf32, #tpu.memory_space<hbm>>
      %dma_start3A_2904 = tpu.memref_slice %arg4[%mul3A_2886, %dma_start3A_2899, %mul3A_2898] : memref<200x4x131072xf32, #tpu.memory_space<hbm>> -> memref<1x1x4096xf32, #tpu.memory_space<hbm>>
      %dma_start3A_2905 = tpu.memref_squeeze %dma_start3A_2904 : memref<1x1x4096xf32, #tpu.memory_space<hbm>> -> memref<4096xf32, #tpu.memory_space<hbm>>
      %dma_start3A_2906 = arith.constant 0 : i32
      %dma_start3A_2907 = tpu.memref_slice %arg9[%dma_start3A_2906] : memref<16384xf32, #tpu.memory_space<vmem>> -> memref<4096xf32, #tpu.memory_space<vmem>>
      tpu.enqueue_dma source(%dma_start3A_2907 : memref<4096xf32, #tpu.memory_space<vmem>>) target(%dma_start3A_2905 : memref<4096xf32, #tpu.memory_space<hbm>>) target_semaphore(%arg13 : memref<!tpu.dma_semaphore, #tpu.memory_space<semaphore_mem>>)
      %mul3A_2908 = arith.constant 1024 : i32
      %mul3A_2909 = arith.muli %mul3A_4, %mul3A_2908 : i32
      %dma_start3A_2910 = arith.constant 1 : i32
      %dma_start3A_2911 = arith.constant 4096 : i32
      %dma_start3A_2912 = tpu.memref_slice %arg9[%dma_start3A_2911] : memref<16384xf32, #tpu.memory_space<vmem>> -> memref<4096xf32, #tpu.memory_space<vmem>>
      %dma_start3A_2913 = tpu.memref_slice %arg4[%mul3A_2886, %dma_start3A_2910, %mul3A_2909] : memref<200x4x131072xf32, #tpu.memory_space<hbm>> -> memref<1x1x4096xf32, #tpu.memory_space<hbm>>
      %dma_start3A_2914 = tpu.memref_squeeze %dma_start3A_2913 : memref<1x1x4096xf32, #tpu.memory_space<hbm>> -> memref<4096xf32, #tpu.memory_space<hbm>>
      %dma_start3A_2915 = tpu.memref_slice %arg4[%mul3A_2886, %dma_start3A_2910, %mul3A_2909] : memref<200x4x131072xf32, #tpu.memory_space<hbm>> -> memref<1x1x4096xf32, #tpu.memory_space<hbm>>
      %dma_start3A_2916 = tpu.memref_squeeze %dma_start3A_2915 : memref<1x1x4096xf32, #tpu.memory_space<hbm>> -> memref<4096xf32, #tpu.memory_space<hbm>>
      %dma_start3A_2917 = arith.constant 4096 : i32
      %dma_start3A_2918 = tpu.memref_slice %arg9[%dma_start3A_2917] : memref<16384xf32, #tpu.memory_space<vmem>> -> memref<4096xf32, #tpu.memory_space<vmem>>
      tpu.enqueue_dma source(%dma_start3A_2918 : memref<4096xf32, #tpu.memory_space<vmem>>) target(%dma_start3A_2916 : memref<4096xf32, #tpu.memory_space<hbm>>) target_semaphore(%arg13 : memref<!tpu.dma_semaphore, #tpu.memory_space<semaphore_mem>>)
      %mul3A_2919 = arith.constant 1024 : i32
      %mul3A_2920 = arith.muli %mul3A_4, %mul3A_2919 : i32
      %dma_start3A_2921 = arith.constant 2 : i32
      %dma_start3A_2922 = arith.constant 8192 : i32
      %dma_start3A_2923 = tpu.memref_slice %arg9[%dma_start3A_2922] : memref<16384xf32, #tpu.memory_space<vmem>> -> memref<4096xf32, #tpu.memory_space<vmem>>
      %dma_start3A_2924 = tpu.memref_slice %arg4[%mul3A_2886, %dma_start3A_2921, %mul3A_2920] : memref<200x4x131072xf32, #tpu.memory_space<hbm>> -> memref<1x1x4096xf32, #tpu.memory_space<hbm>>
      %dma_start3A_2925 = tpu.memref_squeeze %dma_start3A_2924 : memref<1x1x4096xf32, #tpu.memory_space<hbm>> -> memref<4096xf32, #tpu.memory_space<hbm>>
      %dma_start3A_2926 = tpu.memref_slice %arg4[%mul3A_2886, %dma_start3A_2921, %mul3A_2920] : memref<200x4x131072xf32, #tpu.memory_space<hbm>> -> memref<1x1x4096xf32, #tpu.memory_space<hbm>>
      %dma_start3A_2927 = tpu.memref_squeeze %dma_start3A_2926 : memref<1x1x4096xf32, #tpu.memory_space<hbm>> -> memref<4096xf32, #tpu.memory_space<hbm>>
      %dma_start3A_2928 = arith.constant 8192 : i32
      %dma_start3A_2929 = tpu.memref_slice %arg9[%dma_start3A_2928] : memref<16384xf32, #tpu.memory_space<vmem>> -> memref<4096xf32, #tpu.memory_space<vmem>>
      tpu.enqueue_dma source(%dma_start3A_2929 : memref<4096xf32, #tpu.memory_space<vmem>>) target(%dma_start3A_2927 : memref<4096xf32, #tpu.memory_space<hbm>>) target_semaphore(%arg13 : memref<!tpu.dma_semaphore, #tpu.memory_space<semaphore_mem>>)
      %mul3A_2930 = arith.constant 1024 : i32
      %mul3A_2931 = arith.muli %mul3A_4, %mul3A_2930 : i32
      %dma_start3A_2932 = arith.constant 3 : i32
      %dma_start3A_2933 = arith.constant 12288 : i32
      %dma_start3A_2934 = tpu.memref_slice %arg9[%dma_start3A_2933] : memref<16384xf32, #tpu.memory_space<vmem>> -> memref<4096xf32, #tpu.memory_space<vmem>>
      %dma_start3A_2935 = tpu.memref_slice %arg4[%mul3A_2886, %dma_start3A_2932, %mul3A_2931] : memref<200x4x131072xf32, #tpu.memory_space<hbm>> -> memref<1x1x4096xf32, #tpu.memory_space<hbm>>
      %dma_start3A_2936 = tpu.memref_squeeze %dma_start3A_2935 : memref<1x1x4096xf32, #tpu.memory_space<hbm>> -> memref<4096xf32, #tpu.memory_space<hbm>>
      %dma_start3A_2937 = tpu.memref_slice %arg4[%mul3A_2886, %dma_start3A_2932, %mul3A_2931] : memref<200x4x131072xf32, #tpu.memory_space<hbm>> -> memref<1x1x4096xf32, #tpu.memory_space<hbm>>
      %dma_start3A_2938 = tpu.memref_squeeze %dma_start3A_2937 : memref<1x1x4096xf32, #tpu.memory_space<hbm>> -> memref<4096xf32, #tpu.memory_space<hbm>>
      %dma_start3A_2939 = arith.constant 12288 : i32
      %dma_start3A_2940 = tpu.memref_slice %arg9[%dma_start3A_2939] : memref<16384xf32, #tpu.memory_space<vmem>> -> memref<4096xf32, #tpu.memory_space<vmem>>
      tpu.enqueue_dma source(%dma_start3A_2940 : memref<4096xf32, #tpu.memory_space<vmem>>) target(%dma_start3A_2938 : memref<4096xf32, #tpu.memory_space<hbm>>) target_semaphore(%arg13 : memref<!tpu.dma_semaphore, #tpu.memory_space<semaphore_mem>>)
      %lt3A_2941 = arith.constant 99 : i32
      %lt3A_2942 = arith.cmpi slt, %scan3A_2884, %lt3A_2941 : i32
      %convert_element_type3A_2943 = arith.extui %lt3A_2942 : i1 to i32
      %cond3A_2944 = arith.constant 0 : i32
      %cond3A_2945 = arith.cmpi ne, %convert_element_type3A_2943, %cond3A_2944 : i32
      scf.if %cond3A_2945 {
        %add3A_3010 = arith.constant 2 : i32
        %add3A_3011 = arith.addi %mul3A_2886, %add3A_3010 : i32
        "tpu.region"() ({
          %run_scoped3A_3015 = tpu.sem_alloc : memref<!tpu.dma_semaphore, #tpu.memory_space<semaphore_mem>>
          %dma_start3A_3016 = tpu.memref_slice %arg2[%add3A_3011, %mul3A_2] : memref<200x16384xi32, #tpu.memory_space<hbm>> -> memref<1x512xi32, #tpu.memory_space<hbm>>
          %dma_start3A_3017 = tpu.memref_squeeze %dma_start3A_3016 : memref<1x512xi32, #tpu.memory_space<hbm>> -> memref<512xi32, #tpu.memory_space<hbm>>
          %dma_start3A_3018 = tpu.memref_slice %arg2[%add3A_3011, %mul3A_2] : memref<200x16384xi32, #tpu.memory_space<hbm>> -> memref<1x512xi32, #tpu.memory_space<hbm>>
          %dma_start3A_3019 = tpu.memref_squeeze %dma_start3A_3018 : memref<1x512xi32, #tpu.memory_space<hbm>> -> memref<512xi32, #tpu.memory_space<hbm>>
          tpu.enqueue_dma source(%dma_start3A_3019 : memref<512xi32, #tpu.memory_space<hbm>>) target(%arg5 : memref<512xi32, #tpu.memory_space<vmem>>) target_semaphore(%run_scoped3A_3015 : memref<!tpu.dma_semaphore, #tpu.memory_space<semaphore_mem>>)
          %dma_wait3A_3020 = tpu.memref_slice %arg2[%add3A_3011, %mul3A_2] : memref<200x16384xi32, #tpu.memory_space<hbm>> -> memref<1x512xi32, #tpu.memory_space<hbm>>
          %dma_wait3A_3021 = tpu.memref_squeeze %dma_wait3A_3020 : memref<1x512xi32, #tpu.memory_space<hbm>> -> memref<512xi32, #tpu.memory_space<hbm>>
          %dma_wait3A_3022 = tpu.memref_slice %arg2[%add3A_3011, %mul3A_2] : memref<200x16384xi32, #tpu.memory_space<hbm>> -> memref<1x512xi32, #tpu.memory_space<hbm>>
          %dma_wait3A_3023 = tpu.memref_squeeze %dma_wait3A_3022 : memref<1x512xi32, #tpu.memory_space<hbm>> -> memref<512xi32, #tpu.memory_space<hbm>>
          tpu.wait_dma2 semaphore(%run_scoped3A_3015 : memref<!tpu.dma_semaphore, #tpu.memory_space<semaphore_mem>>) src(%dma_wait3A_3023 : memref<512xi32, #tpu.memory_space<hbm>>) dst(%arg5 : memref<512xi32, #tpu.memory_space<vmem>>)
          tpu.yield
        }) : () -> ()
        %dma_start3A_3012 = arith.constant 0 : i32
        %dma_start3A_3013 = arith.constant 0 : i32
        %dma_start3A_3014 = tpu.memref_slice %arg3[%dma_start3A_3012, %dma_start3A_3013] : memref<4000000x32xf32, #tpu.memory_space<hbm>> -> memref<4000000x32xf32, #tpu.memory_space<hbm>>
        tpu.enqueue_indirect_dma source(%dma_start3A_3014 : memref<4000000x32xf32, #tpu.memory_space<hbm>>) target(%arg7 : memref<512x32xf32, #tpu.memory_space<vmem>>) offsets(%arg5 : memref<512xi32, #tpu.memory_space<vmem>>) semaphore(%arg11 : memref<!tpu.dma_semaphore, #tpu.memory_space<semaphore_mem>>)
      } else {
      }
      %add3A_2946 = arith.constant 1 : i32
      %add3A_2947 = arith.addi %mul3A_2886, %add3A_2946 : i32
      %gt3A_2948 = arith.constant 0 : i32
      %gt3A_2949 = arith.cmpi sgt, %scan3A_2884, %gt3A_2948 : i32
      %convert_element_type3A_2950 = arith.extui %gt3A_2949 : i1 to i32
      %cond3A_2951 = arith.constant 0 : i32
      %cond3A_2952 = arith.cmpi ne, %convert_element_type3A_2950, %cond3A_2951 : i32
      scf.if %cond3A_2952 {
        %mul3A_3010 = arith.constant 1024 : i32
        %mul3A_3011 = arith.muli %mul3A_4, %mul3A_3010 : i32
        %dma_wait3A_3012 = arith.constant 0 : i32
        %dma_wait3A_3013 = arith.constant 0 : i32
        %dma_wait3A_3014 = arith.constant 0 : i32
        %dma_wait3A_3015 = tpu.memref_slice %arg10[%dma_wait3A_3014] : memref<16384xf32, #tpu.memory_space<vmem>> -> memref<4096xf32, #tpu.memory_space<vmem>>
        %dma_wait3A_3016 = tpu.memref_slice %arg4[%dma_wait3A_3012, %dma_wait3A_3013, %mul3A_3011] : memref<200x4x131072xf32, #tpu.memory_space<hbm>> -> memref<1x1x4096xf32, #tpu.memory_space<hbm>>
        %dma_wait3A_3017 = tpu.memref_squeeze %dma_wait3A_3016 : memref<1x1x4096xf32, #tpu.memory_space<hbm>> -> memref<4096xf32, #tpu.memory_space<hbm>>
        %dma_wait3A_3018 = tpu.memref_slice %arg4[%dma_wait3A_3012, %dma_wait3A_3013, %mul3A_3011] : memref<200x4x131072xf32, #tpu.memory_space<hbm>> -> memref<1x1x4096xf32, #tpu.memory_space<hbm>>
        %dma_wait3A_3019 = tpu.memref_squeeze %dma_wait3A_3018 : memref<1x1x4096xf32, #tpu.memory_space<hbm>> -> memref<4096xf32, #tpu.memory_space<hbm>>
        %dma_wait3A_3020 = arith.constant 0 : i32
        %dma_wait3A_3021 = tpu.memref_slice %arg10[%dma_wait3A_3020] : memref<16384xf32, #tpu.memory_space<vmem>> -> memref<4096xf32, #tpu.memory_space<vmem>>
        tpu.wait_dma2 semaphore(%arg14 : memref<!tpu.dma_semaphore, #tpu.memory_space<semaphore_mem>>) src(%dma_wait3A_3021 : memref<4096xf32, #tpu.memory_space<vmem>>) dst(%dma_wait3A_3019 : memref<4096xf32, #tpu.memory_space<hbm>>)
        %mul3A_3022 = arith.constant 1024 : i32
        %mul3A_3023 = arith.muli %mul3A_4, %mul3A_3022 : i32
        %dma_wait3A_3024 = arith.constant 0 : i32
        %dma_wait3A_3025 = arith.constant 1 : i32
        %dma_wait3A_3026 = arith.constant 4096 : i32
        %dma_wait3A_3027 = tpu.memref_slice %arg10[%dma_wait3A_3026] : memref<16384xf32, #tpu.memory_space<vmem>> -> memref<4096xf32, #tpu.memory_space<vmem>>
        %dma_wait3A_3028 = tpu.memref_slice %arg4[%dma_wait3A_3024, %dma_wait3A_3025, %mul3A_3023] : memref<200x4x131072xf32, #tpu.memory_space<hbm>> -> memref<1x1x4096xf32, #tpu.memory_space<hbm>>
        %dma_wait3A_3029 = tpu.memref_squeeze %dma_wait3A_3028 : memref<1x1x4096xf32, #tpu.memory_space<hbm>> -> memref<4096xf32, #tpu.memory_space<hbm>>
        %dma_wait3A_3030 = tpu.memref_slice %arg4[%dma_wait3A_3024, %dma_wait3A_3025, %mul3A_3023] : memref<200x4x131072xf32, #tpu.memory_space<hbm>> -> memref<1x1x4096xf32, #tpu.memory_space<hbm>>
        %dma_wait3A_3031 = tpu.memref_squeeze %dma_wait3A_3030 : memref<1x1x4096xf32, #tpu.memory_space<hbm>> -> memref<4096xf32, #tpu.memory_space<hbm>>
        %dma_wait3A_3032 = arith.constant 4096 : i32
        %dma_wait3A_3033 = tpu.memref_slice %arg10[%dma_wait3A_3032] : memref<16384xf32, #tpu.memory_space<vmem>> -> memref<4096xf32, #tpu.memory_space<vmem>>
        tpu.wait_dma2 semaphore(%arg14 : memref<!tpu.dma_semaphore, #tpu.memory_space<semaphore_mem>>) src(%dma_wait3A_3033 : memref<4096xf32, #tpu.memory_space<vmem>>) dst(%dma_wait3A_3031 : memref<4096xf32, #tpu.memory_space<hbm>>)
        %mul3A_3034 = arith.constant 1024 : i32
        %mul3A_3035 = arith.muli %mul3A_4, %mul3A_3034 : i32
        %dma_wait3A_3036 = arith.constant 0 : i32
        %dma_wait3A_3037 = arith.constant 2 : i32
        %dma_wait3A_3038 = arith.constant 8192 : i32
        %dma_wait3A_3039 = tpu.memref_slice %arg10[%dma_wait3A_3038] : memref<16384xf32, #tpu.memory_space<vmem>> -> memref<4096xf32, #tpu.memory_space<vmem>>
        %dma_wait3A_3040 = tpu.memref_slice %arg4[%dma_wait3A_3036, %dma_wait3A_3037, %mul3A_3035] : memref<200x4x131072xf32, #tpu.memory_space<hbm>> -> memref<1x1x4096xf32, #tpu.memory_space<hbm>>
        %dma_wait3A_3041 = tpu.memref_squeeze %dma_wait3A_3040 : memref<1x1x4096xf32, #tpu.memory_space<hbm>> -> memref<4096xf32, #tpu.memory_space<hbm>>
        %dma_wait3A_3042 = tpu.memref_slice %arg4[%dma_wait3A_3036, %dma_wait3A_3037, %mul3A_3035] : memref<200x4x131072xf32, #tpu.memory_space<hbm>> -> memref<1x1x4096xf32, #tpu.memory_space<hbm>>
        %dma_wait3A_3043 = tpu.memref_squeeze %dma_wait3A_3042 : memref<1x1x4096xf32, #tpu.memory_space<hbm>> -> memref<4096xf32, #tpu.memory_space<hbm>>
        %dma_wait3A_3044 = arith.constant 8192 : i32
        %dma_wait3A_3045 = tpu.memref_slice %arg10[%dma_wait3A_3044] : memref<16384xf32, #tpu.memory_space<vmem>> -> memref<4096xf32, #tpu.memory_space<vmem>>
        tpu.wait_dma2 semaphore(%arg14 : memref<!tpu.dma_semaphore, #tpu.memory_space<semaphore_mem>>) src(%dma_wait3A_3045 : memref<4096xf32, #tpu.memory_space<vmem>>) dst(%dma_wait3A_3043 : memref<4096xf32, #tpu.memory_space<hbm>>)
        %mul3A_3046 = arith.constant 1024 : i32
        %mul3A_3047 = arith.muli %mul3A_4, %mul3A_3046 : i32
        %dma_wait3A_3048 = arith.constant 0 : i32
        %dma_wait3A_3049 = arith.constant 3 : i32
        %dma_wait3A_3050 = arith.constant 12288 : i32
        %dma_wait3A_3051 = tpu.memref_slice %arg10[%dma_wait3A_3050] : memref<16384xf32, #tpu.memory_space<vmem>> -> memref<4096xf32, #tpu.memory_space<vmem>>
        %dma_wait3A_3052 = tpu.memref_slice %arg4[%dma_wait3A_3048, %dma_wait3A_3049, %mul3A_3047] : memref<200x4x131072xf32, #tpu.memory_space<hbm>> -> memref<1x1x4096xf32, #tpu.memory_space<hbm>>
        %dma_wait3A_3053 = tpu.memref_squeeze %dma_wait3A_3052 : memref<1x1x4096xf32, #tpu.memory_space<hbm>> -> memref<4096xf32, #tpu.memory_space<hbm>>
        %dma_wait3A_3054 = tpu.memref_slice %arg4[%dma_wait3A_3048, %dma_wait3A_3049, %mul3A_3047] : memref<200x4x131072xf32, #tpu.memory_space<hbm>> -> memref<1x1x4096xf32, #tpu.memory_space<hbm>>
        %dma_wait3A_3055 = tpu.memref_squeeze %dma_wait3A_3054 : memref<1x1x4096xf32, #tpu.memory_space<hbm>> -> memref<4096xf32, #tpu.memory_space<hbm>>
        %dma_wait3A_3056 = arith.constant 12288 : i32
        %dma_wait3A_3057 = tpu.memref_slice %arg10[%dma_wait3A_3056] : memref<16384xf32, #tpu.memory_space<vmem>> -> memref<4096xf32, #tpu.memory_space<vmem>>
        tpu.wait_dma2 semaphore(%arg14 : memref<!tpu.dma_semaphore, #tpu.memory_space<semaphore_mem>>) src(%dma_wait3A_3057 : memref<4096xf32, #tpu.memory_space<vmem>>) dst(%dma_wait3A_3055 : memref<4096xf32, #tpu.memory_space<hbm>>)
      } else {
      }
      %dma_wait3A_2953 = arith.constant 0 : i32
      %dma_wait3A_2954 = arith.constant 0 : i32
      %dma_wait3A_2955 = tpu.memref_slice %arg3[%dma_wait3A_2953, %dma_wait3A_2954] : memref<4000000x32xf32, #tpu.memory_space<hbm>> -> memref<4000000x32xf32, #tpu.memory_space<hbm>>
      tpu.wait_indirect_dma semaphore(%arg12 : memref<!tpu.dma_semaphore, #tpu.memory_space<semaphore_mem>>) src(%dma_wait3A_2955 : memref<4000000x32xf32, #tpu.memory_space<hbm>>) dst(%arg8 : memref<512x32xf32, #tpu.memory_space<vmem>>)
      %scan3A_2956 = arith.constant 0 : i32
      %scan3A_2957 = arith.constant 16 : i32
      %scan3A_2958 = arith.addi %scan3A_2956, %scan3A_2957 : i32
      %scan3A_2959 = arith.constant 1 : i32
      scf.for %scan3A_3010 = %scan3A_2956 to %scan3A_2958 step %scan3A_2959  : i32 {
        %mul3A_3011 = arith.constant 2 : i32
        %mul3A_3012 = arith.muli %scan3A_3010, %mul3A_3011 : i32
        %add3A_3013 = arith.constant 0 : i32
        %add3A_3014 = arith.addi %mul3A_3012, %add3A_3013 : i32
        %mul3A_3015 = arith.constant 16 : i32
        %mul3A_3016 = arith.muli %add3A_3014, %mul3A_3015 : i32
        %add3A_3017 = vector.broadcast %mul3A_3016 : i32 to vector<16xi32>
        %add3A_3018 = arith.addi %iota3A, %add3A_3017 : vector<16xi32>
        %jit3A_3019 = arith.constant 8 : i32
        %div3A_3020 = arith.divsi %add3A_3014, %jit3A_3019 : i32
        %sign3A_3021 = arith.constant 0 : i32
        %sign3A_3022 = arith.cmpi sgt, %add3A_3014, %sign3A_3021 : i32
        %sign3A_3023 = arith.extui %sign3A_3022 : i1 to i32
        %sign3A_3024 = arith.constant 0 : i32
        %sign3A_3025 = arith.cmpi slt, %add3A_3014, %sign3A_3024 : i32
        %sign3A_3026 = arith.extui %sign3A_3025 : i1 to i32
        %sign3A_3027 = arith.subi %sign3A_3023, %sign3A_3026 : i32
        %sign3A_3028 = arith.constant 0 : i32
        %sign3A_3029 = arith.cmpi sgt, %jit3A_3019, %sign3A_3028 : i32
        %sign3A_3030 = arith.extui %sign3A_3029 : i1 to i32
        %sign3A_3031 = arith.constant 0 : i32
        %sign3A_3032 = arith.cmpi slt, %jit3A_3019, %sign3A_3031 : i32
        %sign3A_3033 = arith.extui %sign3A_3032 : i1 to i32
        %sign3A_3034 = arith.subi %sign3A_3030, %sign3A_3033 : i32
        %ne3A_3035 = arith.cmpi ne, %sign3A_3027, %sign3A_3034 : i32
        %rem3A_3036 = arith.remsi %add3A_3014, %jit3A_3019 : i32
        %ne3A_3037 = arith.constant 0 : i32
        %ne3A_3038 = arith.cmpi ne, %rem3A_3036, %ne3A_3037 : i32
        %and3A_3039 = arith.andi %ne3A_3035, %ne3A_3038 : i1
        %sub3A_3040 = arith.constant 1 : i32
        %sub3A_3041 = arith.subi %div3A_3020, %sub3A_3040 : i32
        %select_n3A_3042 = arith.select %and3A_3039, %sub3A_3041, %div3A_3020 : i32
        %mul3A_3043 = arith.constant 1024 : i32
        %mul3A_3044 = arith.muli %select_n3A_3042, %mul3A_3043 : i32
        %jit3A_3045 = arith.constant 8 : i32
        %eq3A_3046 = arith.constant 0 : i32
        %eq3A_3047 = arith.cmpi eq, %jit3A_3045, %eq3A_3046 : i32
        %jit3A_3048 = arith.constant 1 : i32
        %select_n3A_3049 = arith.select %eq3A_3047, %jit3A_3048, %jit3A_3045 : i32
        %rem3A_3050 = arith.remsi %add3A_3014, %select_n3A_3049 : i32
        %ne3A_3051 = arith.constant 0 : i32
        %ne3A_3052 = arith.cmpi ne, %rem3A_3050, %ne3A_3051 : i32
        %lt3A_3053 = arith.constant 0 : i32
        %lt3A_3054 = arith.cmpi slt, %rem3A_3050, %lt3A_3053 : i32
        %lt3A_3055 = arith.constant 0 : i32
        %lt3A_3056 = arith.cmpi slt, %select_n3A_3049, %lt3A_3055 : i32
        %ne3A_3057 = arith.xori %lt3A_3054, %lt3A_3056 : i1
        %and3A_3058 = arith.andi %ne3A_3057, %ne3A_3052 : i1
        %add3A_3059 = arith.addi %rem3A_3050, %select_n3A_3049 : i32
        %select_n3A_3060 = arith.select %and3A_3058, %add3A_3059, %rem3A_3050 : i32
        %mul3A_3061 = arith.constant 16 : i32
        %mul3A_3062 = arith.muli %select_n3A_3060, %mul3A_3061 : i32
        %add3A_3063 = arith.addi %mul3A_3044, %mul3A_3062 : i32
        %gather3A = tpu.vector_load_idx %arg8[%add3A_3018, %select_n3A_23] : memref<512x32xf32, #tpu.memory_space<vmem>>[vector<16xi32>, vector<16xi32>], vector<16xf32>,
        %add3A_3064 = vector.broadcast %add3A_3063 : i32 to vector<16xi32>
        %add3A_3065 = arith.addi %add3A_887, %add3A_3064 : vector<16xi32>
        tpu.vector_store_idx %arg10[%add3A_3065], %gather3A : memref<16384xf32, #tpu.memory_space<vmem>>[vector<16xi32>], vector<16xf32>,
        %gather3A_3066 = tpu.vector_load_idx %arg8[%add3A_3018, %select_n3A_49] : memref<512x32xf32, #tpu.memory_space<vmem>>[vector<16xi32>, vector<16xi32>], vector<16xf32>,
        %add3A_3067 = vector.broadcast %add3A_3063 : i32 to vector<16xi32>
        %add3A_3068 = arith.addi %add3A_948, %add3A_3067 : vector<16xi32>
        tpu.vector_store_idx %arg10[%add3A_3068], %gather3A_3066 : memref<16384xf32, #tpu.memory_space<vmem>>[vector<16xi32>], vector<16xf32>,
        %gather3A_3069 = tpu.vector_load_idx %arg8[%add3A_3018, %select_n3A_75] : memref<512x32xf32, #tpu.memory_space<vmem>>[vector<16xi32>, vector<16xi32>], vector<16xf32>,
        %add3A_3070 = vector.broadcast %add3A_3063 : i32 to vector<16xi32>
        %add3A_3071 = arith.addi %add3A_1009, %add3A_3070 : vector<16xi32>
        tpu.vector_store_idx %arg10[%add3A_3071], %gather3A_3069 : memref<16384xf32, #tpu.memory_space<vmem>>[vector<16xi32>], vector<16xf32>,
        %gather3A_3072 = tpu.vector_load_idx %arg8[%add3A_3018, %select_n3A_101] : memref<512x32xf32, #tpu.memory_space<vmem>>[vector<16xi32>, vector<16xi32>], vector<16xf32>,
        %add3A_3073 = vector.broadcast %add3A_3063 : i32 to vector<16xi32>
        %add3A_3074 = arith.addi %add3A_1070, %add3A_3073 : vector<16xi32>
        tpu.vector_store_idx %arg10[%add3A_3074], %gather3A_3072 : memref<16384xf32, #tpu.memory_space<vmem>>[vector<16xi32>], vector<16xf32>,
        %gather3A_3075 = tpu.vector_load_idx %arg8[%add3A_3018, %select_n3A_127] : memref<512x32xf32, #tpu.memory_space<vmem>>[vector<16xi32>, vector<16xi32>], vector<16xf32>,
        %add3A_3076 = vector.broadcast %add3A_3063 : i32 to vector<16xi32>
        %add3A_3077 = arith.addi %add3A_1131, %add3A_3076 : vector<16xi32>
        tpu.vector_store_idx %arg10[%add3A_3077], %gather3A_3075 : memref<16384xf32, #tpu.memory_space<vmem>>[vector<16xi32>], vector<16xf32>,
        %gather3A_3078 = tpu.vector_load_idx %arg8[%add3A_3018, %select_n3A_153] : memref<512x32xf32, #tpu.memory_space<vmem>>[vector<16xi32>, vector<16xi32>], vector<16xf32>,
        %add3A_3079 = vector.broadcast %add3A_3063 : i32 to vector<16xi32>
        %add3A_3080 = arith.addi %add3A_1192, %add3A_3079 : vector<16xi32>
        tpu.vector_store_idx %arg10[%add3A_3080], %gather3A_3078 : memref<16384xf32, #tpu.memory_space<vmem>>[vector<16xi32>], vector<16xf32>,
        %gather3A_3081 = tpu.vector_load_idx %arg8[%add3A_3018, %select_n3A_179] : memref<512x32xf32, #tpu.memory_space<vmem>>[vector<16xi32>, vector<16xi32>], vector<16xf32>,
        %add3A_3082 = vector.broadcast %add3A_3063 : i32 to vector<16xi32>
        %add3A_3083 = arith.addi %add3A_1253, %add3A_3082 : vector<16xi32>
        tpu.vector_store_idx %arg10[%add3A_3083], %gather3A_3081 : memref<16384xf32, #tpu.memory_space<vmem>>[vector<16xi32>], vector<16xf32>,
        %gather3A_3084 = tpu.vector_load_idx %arg8[%add3A_3018, %select_n3A_205] : memref<512x32xf32, #tpu.memory_space<vmem>>[vector<16xi32>, vector<16xi32>], vector<16xf32>,
        %add3A_3085 = vector.broadcast %add3A_3063 : i32 to vector<16xi32>
        %add3A_3086 = arith.addi %add3A_1314, %add3A_3085 : vector<16xi32>
        tpu.vector_store_idx %arg10[%add3A_3086], %gather3A_3084 : memref<16384xf32, #tpu.memory_space<vmem>>[vector<16xi32>], vector<16xf32>,
        %gather3A_3087 = tpu.vector_load_idx %arg8[%add3A_3018, %select_n3A_231] : memref<512x32xf32, #tpu.memory_space<vmem>>[vector<16xi32>, vector<16xi32>], vector<16xf32>,
        %add3A_3088 = vector.broadcast %add3A_3063 : i32 to vector<16xi32>
        %add3A_3089 = arith.addi %add3A_1375, %add3A_3088 : vector<16xi32>
        tpu.vector_store_idx %arg10[%add3A_3089], %gather3A_3087 : memref<16384xf32, #tpu.memory_space<vmem>>[vector<16xi32>], vector<16xf32>,
        %gather3A_3090 = tpu.vector_load_idx %arg8[%add3A_3018, %select_n3A_257] : memref<512x32xf32, #tpu.memory_space<vmem>>[vector<16xi32>, vector<16xi32>], vector<16xf32>,
        %add3A_3091 = vector.broadcast %add3A_3063 : i32 to vector<16xi32>
        %add3A_3092 = arith.addi %add3A_1436, %add3A_3091 : vector<16xi32>
        tpu.vector_store_idx %arg10[%add3A_3092], %gather3A_3090 : memref<16384xf32, #tpu.memory_space<vmem>>[vector<16xi32>], vector<16xf32>,
        %gather3A_3093 = tpu.vector_load_idx %arg8[%add3A_3018, %select_n3A_283] : memref<512x32xf32, #tpu.memory_space<vmem>>[vector<16xi32>, vector<16xi32>], vector<16xf32>,
        %add3A_3094 = vector.broadcast %add3A_3063 : i32 to vector<16xi32>
        %add3A_3095 = arith.addi %add3A_1497, %add3A_3094 : vector<16xi32>
        tpu.vector_store_idx %arg10[%add3A_3095], %gather3A_3093 : memref<16384xf32, #tpu.memory_space<vmem>>[vector<16xi32>], vector<16xf32>,
        %gather3A_3096 = tpu.vector_load_idx %arg8[%add3A_3018, %select_n3A_309] : memref<512x32xf32, #tpu.memory_space<vmem>>[vector<16xi32>, vector<16xi32>], vector<16xf32>,
        %add3A_3097 = vector.broadcast %add3A_3063 : i32 to vector<16xi32>
        %add3A_3098 = arith.addi %add3A_1558, %add3A_3097 : vector<16xi32>
        tpu.vector_store_idx %arg10[%add3A_3098], %gather3A_3096 : memref<16384xf32, #tpu.memory_space<vmem>>[vector<16xi32>], vector<16xf32>,
        %gather3A_3099 = tpu.vector_load_idx %arg8[%add3A_3018, %select_n3A_335] : memref<512x32xf32, #tpu.memory_space<vmem>>[vector<16xi32>, vector<16xi32>], vector<16xf32>,
        %add3A_3100 = vector.broadcast %add3A_3063 : i32 to vector<16xi32>
        %add3A_3101 = arith.addi %add3A_1619, %add3A_3100 : vector<16xi32>
        tpu.vector_store_idx %arg10[%add3A_3101], %gather3A_3099 : memref<16384xf32, #tpu.memory_space<vmem>>[vector<16xi32>], vector<16xf32>,
        %gather3A_3102 = tpu.vector_load_idx %arg8[%add3A_3018, %select_n3A_361] : memref<512x32xf32, #tpu.memory_space<vmem>>[vector<16xi32>, vector<16xi32>], vector<16xf32>,
        %add3A_3103 = vector.broadcast %add3A_3063 : i32 to vector<16xi32>
        %add3A_3104 = arith.addi %add3A_1680, %add3A_3103 : vector<16xi32>
        tpu.vector_store_idx %arg10[%add3A_3104], %gather3A_3102 : memref<16384xf32, #tpu.memory_space<vmem>>[vector<16xi32>], vector<16xf32>,
        %gather3A_3105 = tpu.vector_load_idx %arg8[%add3A_3018, %select_n3A_387] : memref<512x32xf32, #tpu.memory_space<vmem>>[vector<16xi32>, vector<16xi32>], vector<16xf32>,
        %add3A_3106 = vector.broadcast %add3A_3063 : i32 to vector<16xi32>
        %add3A_3107 = arith.addi %add3A_1741, %add3A_3106 : vector<16xi32>
        tpu.vector_store_idx %arg10[%add3A_3107], %gather3A_3105 : memref<16384xf32, #tpu.memory_space<vmem>>[vector<16xi32>], vector<16xf32>,
        %gather3A_3108 = tpu.vector_load_idx %arg8[%add3A_3018, %select_n3A_413] : memref<512x32xf32, #tpu.memory_space<vmem>>[vector<16xi32>, vector<16xi32>], vector<16xf32>,
        %add3A_3109 = vector.broadcast %add3A_3063 : i32 to vector<16xi32>
        %add3A_3110 = arith.addi %add3A_1802, %add3A_3109 : vector<16xi32>
        tpu.vector_store_idx %arg10[%add3A_3110], %gather3A_3108 : memref<16384xf32, #tpu.memory_space<vmem>>[vector<16xi32>], vector<16xf32>,
        %gather3A_3111 = tpu.vector_load_idx %arg8[%add3A_3018, %select_n3A_439] : memref<512x32xf32, #tpu.memory_space<vmem>>[vector<16xi32>, vector<16xi32>], vector<16xf32>,
        %add3A_3112 = vector.broadcast %add3A_3063 : i32 to vector<16xi32>
        %add3A_3113 = arith.addi %add3A_1863, %add3A_3112 : vector<16xi32>
        tpu.vector_store_idx %arg10[%add3A_3113], %gather3A_3111 : memref<16384xf32, #tpu.memory_space<vmem>>[vector<16xi32>], vector<16xf32>,
        %gather3A_3114 = tpu.vector_load_idx %arg8[%add3A_3018, %select_n3A_465] : memref<512x32xf32, #tpu.memory_space<vmem>>[vector<16xi32>, vector<16xi32>], vector<16xf32>,
        %add3A_3115 = vector.broadcast %add3A_3063 : i32 to vector<16xi32>
        %add3A_3116 = arith.addi %add3A_1924, %add3A_3115 : vector<16xi32>
        tpu.vector_store_idx %arg10[%add3A_3116], %gather3A_3114 : memref<16384xf32, #tpu.memory_space<vmem>>[vector<16xi32>], vector<16xf32>,
        %gather3A_3117 = tpu.vector_load_idx %arg8[%add3A_3018, %select_n3A_491] : memref<512x32xf32, #tpu.memory_space<vmem>>[vector<16xi32>, vector<16xi32>], vector<16xf32>,
        %add3A_3118 = vector.broadcast %add3A_3063 : i32 to vector<16xi32>
        %add3A_3119 = arith.addi %add3A_1985, %add3A_3118 : vector<16xi32>
        tpu.vector_store_idx %arg10[%add3A_3119], %gather3A_3117 : memref<16384xf32, #tpu.memory_space<vmem>>[vector<16xi32>], vector<16xf32>,
        %gather3A_3120 = tpu.vector_load_idx %arg8[%add3A_3018, %select_n3A_517] : memref<512x32xf32, #tpu.memory_space<vmem>>[vector<16xi32>, vector<16xi32>], vector<16xf32>,
        %add3A_3121 = vector.broadcast %add3A_3063 : i32 to vector<16xi32>
        %add3A_3122 = arith.addi %add3A_2046, %add3A_3121 : vector<16xi32>
        tpu.vector_store_idx %arg10[%add3A_3122], %gather3A_3120 : memref<16384xf32, #tpu.memory_space<vmem>>[vector<16xi32>], vector<16xf32>,
        %gather3A_3123 = tpu.vector_load_idx %arg8[%add3A_3018, %select_n3A_543] : memref<512x32xf32, #tpu.memory_space<vmem>>[vector<16xi32>, vector<16xi32>], vector<16xf32>,
        %add3A_3124 = vector.broadcast %add3A_3063 : i32 to vector<16xi32>
        %add3A_3125 = arith.addi %add3A_2107, %add3A_3124 : vector<16xi32>
        tpu.vector_store_idx %arg10[%add3A_3125], %gather3A_3123 : memref<16384xf32, #tpu.memory_space<vmem>>[vector<16xi32>], vector<16xf32>,
        %gather3A_3126 = tpu.vector_load_idx %arg8[%add3A_3018, %select_n3A_569] : memref<512x32xf32, #tpu.memory_space<vmem>>[vector<16xi32>, vector<16xi32>], vector<16xf32>,
        %add3A_3127 = vector.broadcast %add3A_3063 : i32 to vector<16xi32>
        %add3A_3128 = arith.addi %add3A_2168, %add3A_3127 : vector<16xi32>
        tpu.vector_store_idx %arg10[%add3A_3128], %gather3A_3126 : memref<16384xf32, #tpu.memory_space<vmem>>[vector<16xi32>], vector<16xf32>,
        %gather3A_3129 = tpu.vector_load_idx %arg8[%add3A_3018, %select_n3A_595] : memref<512x32xf32, #tpu.memory_space<vmem>>[vector<16xi32>, vector<16xi32>], vector<16xf32>,
        %add3A_3130 = vector.broadcast %add3A_3063 : i32 to vector<16xi32>
        %add3A_3131 = arith.addi %add3A_2229, %add3A_3130 : vector<16xi32>
        tpu.vector_store_idx %arg10[%add3A_3131], %gather3A_3129 : memref<16384xf32, #tpu.memory_space<vmem>>[vector<16xi32>], vector<16xf32>,
        %gather3A_3132 = tpu.vector_load_idx %arg8[%add3A_3018, %select_n3A_621] : memref<512x32xf32, #tpu.memory_space<vmem>>[vector<16xi32>, vector<16xi32>], vector<16xf32>,
        %add3A_3133 = vector.broadcast %add3A_3063 : i32 to vector<16xi32>
        %add3A_3134 = arith.addi %add3A_2290, %add3A_3133 : vector<16xi32>
        tpu.vector_store_idx %arg10[%add3A_3134], %gather3A_3132 : memref<16384xf32, #tpu.memory_space<vmem>>[vector<16xi32>], vector<16xf32>,
        %gather3A_3135 = tpu.vector_load_idx %arg8[%add3A_3018, %select_n3A_647] : memref<512x32xf32, #tpu.memory_space<vmem>>[vector<16xi32>, vector<16xi32>], vector<16xf32>,
        %add3A_3136 = vector.broadcast %add3A_3063 : i32 to vector<16xi32>
        %add3A_3137 = arith.addi %add3A_2351, %add3A_3136 : vector<16xi32>
        tpu.vector_store_idx %arg10[%add3A_3137], %gather3A_3135 : memref<16384xf32, #tpu.memory_space<vmem>>[vector<16xi32>], vector<16xf32>,
        %gather3A_3138 = tpu.vector_load_idx %arg8[%add3A_3018, %select_n3A_673] : memref<512x32xf32, #tpu.memory_space<vmem>>[vector<16xi32>, vector<16xi32>], vector<16xf32>,
        %add3A_3139 = vector.broadcast %add3A_3063 : i32 to vector<16xi32>
        %add3A_3140 = arith.addi %add3A_2412, %add3A_3139 : vector<16xi32>
        tpu.vector_store_idx %arg10[%add3A_3140], %gather3A_3138 : memref<16384xf32, #tpu.memory_space<vmem>>[vector<16xi32>], vector<16xf32>,
        %gather3A_3141 = tpu.vector_load_idx %arg8[%add3A_3018, %select_n3A_699] : memref<512x32xf32, #tpu.memory_space<vmem>>[vector<16xi32>, vector<16xi32>], vector<16xf32>,
        %add3A_3142 = vector.broadcast %add3A_3063 : i32 to vector<16xi32>
        %add3A_3143 = arith.addi %add3A_2473, %add3A_3142 : vector<16xi32>
        tpu.vector_store_idx %arg10[%add3A_3143], %gather3A_3141 : memref<16384xf32, #tpu.memory_space<vmem>>[vector<16xi32>], vector<16xf32>,
        %gather3A_3144 = tpu.vector_load_idx %arg8[%add3A_3018, %select_n3A_725] : memref<512x32xf32, #tpu.memory_space<vmem>>[vector<16xi32>, vector<16xi32>], vector<16xf32>,
        %add3A_3145 = vector.broadcast %add3A_3063 : i32 to vector<16xi32>
        %add3A_3146 = arith.addi %add3A_2534, %add3A_3145 : vector<16xi32>
        tpu.vector_store_idx %arg10[%add3A_3146], %gather3A_3144 : memref<16384xf32, #tpu.memory_space<vmem>>[vector<16xi32>], vector<16xf32>,
        %gather3A_3147 = tpu.vector_load_idx %arg8[%add3A_3018, %select_n3A_751] : memref<512x32xf32, #tpu.memory_space<vmem>>[vector<16xi32>, vector<16xi32>], vector<16xf32>,
        %add3A_3148 = vector.broadcast %add3A_3063 : i32 to vector<16xi32>
        %add3A_3149 = arith.addi %add3A_2595, %add3A_3148 : vector<16xi32>
        tpu.vector_store_idx %arg10[%add3A_3149], %gather3A_3147 : memref<16384xf32, #tpu.memory_space<vmem>>[vector<16xi32>], vector<16xf32>,
        %gather3A_3150 = tpu.vector_load_idx %arg8[%add3A_3018, %select_n3A_777] : memref<512x32xf32, #tpu.memory_space<vmem>>[vector<16xi32>, vector<16xi32>], vector<16xf32>,
        %add3A_3151 = vector.broadcast %add3A_3063 : i32 to vector<16xi32>
        %add3A_3152 = arith.addi %add3A_2656, %add3A_3151 : vector<16xi32>
        tpu.vector_store_idx %arg10[%add3A_3152], %gather3A_3150 : memref<16384xf32, #tpu.memory_space<vmem>>[vector<16xi32>], vector<16xf32>,
        %gather3A_3153 = tpu.vector_load_idx %arg8[%add3A_3018, %select_n3A_803] : memref<512x32xf32, #tpu.memory_space<vmem>>[vector<16xi32>, vector<16xi32>], vector<16xf32>,
        %add3A_3154 = vector.broadcast %add3A_3063 : i32 to vector<16xi32>
        %add3A_3155 = arith.addi %add3A_2717, %add3A_3154 : vector<16xi32>
        tpu.vector_store_idx %arg10[%add3A_3155], %gather3A_3153 : memref<16384xf32, #tpu.memory_space<vmem>>[vector<16xi32>], vector<16xf32>,
        %gather3A_3156 = tpu.vector_load_idx %arg8[%add3A_3018, %select_n3A_829] : memref<512x32xf32, #tpu.memory_space<vmem>>[vector<16xi32>, vector<16xi32>], vector<16xf32>,
        %add3A_3157 = vector.broadcast %add3A_3063 : i32 to vector<16xi32>
        %add3A_3158 = arith.addi %add3A_2778, %add3A_3157 : vector<16xi32>
        tpu.vector_store_idx %arg10[%add3A_3158], %gather3A_3156 : memref<16384xf32, #tpu.memory_space<vmem>>[vector<16xi32>], vector<16xf32>,
        %mul3A_3159 = arith.constant 2 : i32
        %mul3A_3160 = arith.muli %scan3A_3010, %mul3A_3159 : i32
        %add3A_3161 = arith.constant 1 : i32
        %add3A_3162 = arith.addi %mul3A_3160, %add3A_3161 : i32
        %mul3A_3163 = arith.constant 16 : i32
        %mul3A_3164 = arith.muli %add3A_3162, %mul3A_3163 : i32
        %add3A_3165 = vector.broadcast %mul3A_3164 : i32 to vector<16xi32>
        %add3A_3166 = arith.addi %iota3A, %add3A_3165 : vector<16xi32>
        %jit3A_3167 = arith.constant 8 : i32
        %div3A_3168 = arith.divsi %add3A_3162, %jit3A_3167 : i32
        %sign3A_3169 = arith.constant 0 : i32
        %sign3A_3170 = arith.cmpi sgt, %add3A_3162, %sign3A_3169 : i32
        %sign3A_3171 = arith.extui %sign3A_3170 : i1 to i32
        %sign3A_3172 = arith.constant 0 : i32
        %sign3A_3173 = arith.cmpi slt, %add3A_3162, %sign3A_3172 : i32
        %sign3A_3174 = arith.extui %sign3A_3173 : i1 to i32
        %sign3A_3175 = arith.subi %sign3A_3171, %sign3A_3174 : i32
        %sign3A_3176 = arith.constant 0 : i32
        %sign3A_3177 = arith.cmpi sgt, %jit3A_3167, %sign3A_3176 : i32
        %sign3A_3178 = arith.extui %sign3A_3177 : i1 to i32
        %sign3A_3179 = arith.constant 0 : i32
        %sign3A_3180 = arith.cmpi slt, %jit3A_3167, %sign3A_3179 : i32
        %sign3A_3181 = arith.extui %sign3A_3180 : i1 to i32
        %sign3A_3182 = arith.subi %sign3A_3178, %sign3A_3181 : i32
        %ne3A_3183 = arith.cmpi ne, %sign3A_3175, %sign3A_3182 : i32
        %rem3A_3184 = arith.remsi %add3A_3162, %jit3A_3167 : i32
        %ne3A_3185 = arith.constant 0 : i32
        %ne3A_3186 = arith.cmpi ne, %rem3A_3184, %ne3A_3185 : i32
        %and3A_3187 = arith.andi %ne3A_3183, %ne3A_3186 : i1
        %sub3A_3188 = arith.constant 1 : i32
        %sub3A_3189 = arith.subi %div3A_3168, %sub3A_3188 : i32
        %select_n3A_3190 = arith.select %and3A_3187, %sub3A_3189, %div3A_3168 : i32
        %mul3A_3191 = arith.constant 1024 : i32
        %mul3A_3192 = arith.muli %select_n3A_3190, %mul3A_3191 : i32
        %jit3A_3193 = arith.constant 8 : i32
        %eq3A_3194 = arith.constant 0 : i32
        %eq3A_3195 = arith.cmpi eq, %jit3A_3193, %eq3A_3194 : i32
        %jit3A_3196 = arith.constant 1 : i32
        %select_n3A_3197 = arith.select %eq3A_3195, %jit3A_3196, %jit3A_3193 : i32
        %rem3A_3198 = arith.remsi %add3A_3162, %select_n3A_3197 : i32
        %ne3A_3199 = arith.constant 0 : i32
        %ne3A_3200 = arith.cmpi ne, %rem3A_3198, %ne3A_3199 : i32
        %lt3A_3201 = arith.constant 0 : i32
        %lt3A_3202 = arith.cmpi slt, %rem3A_3198, %lt3A_3201 : i32
        %lt3A_3203 = arith.constant 0 : i32
        %lt3A_3204 = arith.cmpi slt, %select_n3A_3197, %lt3A_3203 : i32
        %ne3A_3205 = arith.xori %lt3A_3202, %lt3A_3204 : i1
        %and3A_3206 = arith.andi %ne3A_3205, %ne3A_3200 : i1
        %add3A_3207 = arith.addi %rem3A_3198, %select_n3A_3197 : i32
        %select_n3A_3208 = arith.select %and3A_3206, %add3A_3207, %rem3A_3198 : i32
        %mul3A_3209 = arith.constant 16 : i32
        %mul3A_3210 = arith.muli %select_n3A_3208, %mul3A_3209 : i32
        %add3A_3211 = arith.addi %mul3A_3192, %mul3A_3210 : i32
        %gather3A_3212 = tpu.vector_load_idx %arg8[%add3A_3166, %select_n3A_23] : memref<512x32xf32, #tpu.memory_space<vmem>>[vector<16xi32>, vector<16xi32>], vector<16xf32>,
        %add3A_3213 = vector.broadcast %add3A_3211 : i32 to vector<16xi32>
        %add3A_3214 = arith.addi %add3A_887, %add3A_3213 : vector<16xi32>
        tpu.vector_store_idx %arg10[%add3A_3214], %gather3A_3212 : memref<16384xf32, #tpu.memory_space<vmem>>[vector<16xi32>], vector<16xf32>,
        %gather3A_3215 = tpu.vector_load_idx %arg8[%add3A_3166, %select_n3A_49] : memref<512x32xf32, #tpu.memory_space<vmem>>[vector<16xi32>, vector<16xi32>], vector<16xf32>,
        %add3A_3216 = vector.broadcast %add3A_3211 : i32 to vector<16xi32>
        %add3A_3217 = arith.addi %add3A_948, %add3A_3216 : vector<16xi32>
        tpu.vector_store_idx %arg10[%add3A_3217], %gather3A_3215 : memref<16384xf32, #tpu.memory_space<vmem>>[vector<16xi32>], vector<16xf32>,
        %gather3A_3218 = tpu.vector_load_idx %arg8[%add3A_3166, %select_n3A_75] : memref<512x32xf32, #tpu.memory_space<vmem>>[vector<16xi32>, vector<16xi32>], vector<16xf32>,
        %add3A_3219 = vector.broadcast %add3A_3211 : i32 to vector<16xi32>
        %add3A_3220 = arith.addi %add3A_1009, %add3A_3219 : vector<16xi32>
        tpu.vector_store_idx %arg10[%add3A_3220], %gather3A_3218 : memref<16384xf32, #tpu.memory_space<vmem>>[vector<16xi32>], vector<16xf32>,
        %gather3A_3221 = tpu.vector_load_idx %arg8[%add3A_3166, %select_n3A_101] : memref<512x32xf32, #tpu.memory_space<vmem>>[vector<16xi32>, vector<16xi32>], vector<16xf32>,
        %add3A_3222 = vector.broadcast %add3A_3211 : i32 to vector<16xi32>
        %add3A_3223 = arith.addi %add3A_1070, %add3A_3222 : vector<16xi32>
        tpu.vector_store_idx %arg10[%add3A_3223], %gather3A_3221 : memref<16384xf32, #tpu.memory_space<vmem>>[vector<16xi32>], vector<16xf32>,
        %gather3A_3224 = tpu.vector_load_idx %arg8[%add3A_3166, %select_n3A_127] : memref<512x32xf32, #tpu.memory_space<vmem>>[vector<16xi32>, vector<16xi32>], vector<16xf32>,
        %add3A_3225 = vector.broadcast %add3A_3211 : i32 to vector<16xi32>
        %add3A_3226 = arith.addi %add3A_1131, %add3A_3225 : vector<16xi32>
        tpu.vector_store_idx %arg10[%add3A_3226], %gather3A_3224 : memref<16384xf32, #tpu.memory_space<vmem>>[vector<16xi32>], vector<16xf32>,
        %gather3A_3227 = tpu.vector_load_idx %arg8[%add3A_3166, %select_n3A_153] : memref<512x32xf32, #tpu.memory_space<vmem>>[vector<16xi32>, vector<16xi32>], vector<16xf32>,
        %add3A_3228 = vector.broadcast %add3A_3211 : i32 to vector<16xi32>
        %add3A_3229 = arith.addi %add3A_1192, %add3A_3228 : vector<16xi32>
        tpu.vector_store_idx %arg10[%add3A_3229], %gather3A_3227 : memref<16384xf32, #tpu.memory_space<vmem>>[vector<16xi32>], vector<16xf32>,
        %gather3A_3230 = tpu.vector_load_idx %arg8[%add3A_3166, %select_n3A_179] : memref<512x32xf32, #tpu.memory_space<vmem>>[vector<16xi32>, vector<16xi32>], vector<16xf32>,
        %add3A_3231 = vector.broadcast %add3A_3211 : i32 to vector<16xi32>
        %add3A_3232 = arith.addi %add3A_1253, %add3A_3231 : vector<16xi32>
        tpu.vector_store_idx %arg10[%add3A_3232], %gather3A_3230 : memref<16384xf32, #tpu.memory_space<vmem>>[vector<16xi32>], vector<16xf32>,
        %gather3A_3233 = tpu.vector_load_idx %arg8[%add3A_3166, %select_n3A_205] : memref<512x32xf32, #tpu.memory_space<vmem>>[vector<16xi32>, vector<16xi32>], vector<16xf32>,
        %add3A_3234 = vector.broadcast %add3A_3211 : i32 to vector<16xi32>
        %add3A_3235 = arith.addi %add3A_1314, %add3A_3234 : vector<16xi32>
        tpu.vector_store_idx %arg10[%add3A_3235], %gather3A_3233 : memref<16384xf32, #tpu.memory_space<vmem>>[vector<16xi32>], vector<16xf32>,
        %gather3A_3236 = tpu.vector_load_idx %arg8[%add3A_3166, %select_n3A_231] : memref<512x32xf32, #tpu.memory_space<vmem>>[vector<16xi32>, vector<16xi32>], vector<16xf32>,
        %add3A_3237 = vector.broadcast %add3A_3211 : i32 to vector<16xi32>
        %add3A_3238 = arith.addi %add3A_1375, %add3A_3237 : vector<16xi32>
        tpu.vector_store_idx %arg10[%add3A_3238], %gather3A_3236 : memref<16384xf32, #tpu.memory_space<vmem>>[vector<16xi32>], vector<16xf32>,
        %gather3A_3239 = tpu.vector_load_idx %arg8[%add3A_3166, %select_n3A_257] : memref<512x32xf32, #tpu.memory_space<vmem>>[vector<16xi32>, vector<16xi32>], vector<16xf32>,
        %add3A_3240 = vector.broadcast %add3A_3211 : i32 to vector<16xi32>
        %add3A_3241 = arith.addi %add3A_1436, %add3A_3240 : vector<16xi32>
        tpu.vector_store_idx %arg10[%add3A_3241], %gather3A_3239 : memref<16384xf32, #tpu.memory_space<vmem>>[vector<16xi32>], vector<16xf32>,
        %gather3A_3242 = tpu.vector_load_idx %arg8[%add3A_3166, %select_n3A_283] : memref<512x32xf32, #tpu.memory_space<vmem>>[vector<16xi32>, vector<16xi32>], vector<16xf32>,
        %add3A_3243 = vector.broadcast %add3A_3211 : i32 to vector<16xi32>
        %add3A_3244 = arith.addi %add3A_1497, %add3A_3243 : vector<16xi32>
        tpu.vector_store_idx %arg10[%add3A_3244], %gather3A_3242 : memref<16384xf32, #tpu.memory_space<vmem>>[vector<16xi32>], vector<16xf32>,
        %gather3A_3245 = tpu.vector_load_idx %arg8[%add3A_3166, %select_n3A_309] : memref<512x32xf32, #tpu.memory_space<vmem>>[vector<16xi32>, vector<16xi32>], vector<16xf32>,
        %add3A_3246 = vector.broadcast %add3A_3211 : i32 to vector<16xi32>
        %add3A_3247 = arith.addi %add3A_1558, %add3A_3246 : vector<16xi32>
        tpu.vector_store_idx %arg10[%add3A_3247], %gather3A_3245 : memref<16384xf32, #tpu.memory_space<vmem>>[vector<16xi32>], vector<16xf32>,
        %gather3A_3248 = tpu.vector_load_idx %arg8[%add3A_3166, %select_n3A_335] : memref<512x32xf32, #tpu.memory_space<vmem>>[vector<16xi32>, vector<16xi32>], vector<16xf32>,
        %add3A_3249 = vector.broadcast %add3A_3211 : i32 to vector<16xi32>
        %add3A_3250 = arith.addi %add3A_1619, %add3A_3249 : vector<16xi32>
        tpu.vector_store_idx %arg10[%add3A_3250], %gather3A_3248 : memref<16384xf32, #tpu.memory_space<vmem>>[vector<16xi32>], vector<16xf32>,
        %gather3A_3251 = tpu.vector_load_idx %arg8[%add3A_3166, %select_n3A_361] : memref<512x32xf32, #tpu.memory_space<vmem>>[vector<16xi32>, vector<16xi32>], vector<16xf32>,
        %add3A_3252 = vector.broadcast %add3A_3211 : i32 to vector<16xi32>
        %add3A_3253 = arith.addi %add3A_1680, %add3A_3252 : vector<16xi32>
        tpu.vector_store_idx %arg10[%add3A_3253], %gather3A_3251 : memref<16384xf32, #tpu.memory_space<vmem>>[vector<16xi32>], vector<16xf32>,
        %gather3A_3254 = tpu.vector_load_idx %arg8[%add3A_3166, %select_n3A_387] : memref<512x32xf32, #tpu.memory_space<vmem>>[vector<16xi32>, vector<16xi32>], vector<16xf32>,
        %add3A_3255 = vector.broadcast %add3A_3211 : i32 to vector<16xi32>
        %add3A_3256 = arith.addi %add3A_1741, %add3A_3255 : vector<16xi32>
        tpu.vector_store_idx %arg10[%add3A_3256], %gather3A_3254 : memref<16384xf32, #tpu.memory_space<vmem>>[vector<16xi32>], vector<16xf32>,
        %gather3A_3257 = tpu.vector_load_idx %arg8[%add3A_3166, %select_n3A_413] : memref<512x32xf32, #tpu.memory_space<vmem>>[vector<16xi32>, vector<16xi32>], vector<16xf32>,
        %add3A_3258 = vector.broadcast %add3A_3211 : i32 to vector<16xi32>
        %add3A_3259 = arith.addi %add3A_1802, %add3A_3258 : vector<16xi32>
        tpu.vector_store_idx %arg10[%add3A_3259], %gather3A_3257 : memref<16384xf32, #tpu.memory_space<vmem>>[vector<16xi32>], vector<16xf32>,
        %gather3A_3260 = tpu.vector_load_idx %arg8[%add3A_3166, %select_n3A_439] : memref<512x32xf32, #tpu.memory_space<vmem>>[vector<16xi32>, vector<16xi32>], vector<16xf32>,
        %add3A_3261 = vector.broadcast %add3A_3211 : i32 to vector<16xi32>
        %add3A_3262 = arith.addi %add3A_1863, %add3A_3261 : vector<16xi32>
        tpu.vector_store_idx %arg10[%add3A_3262], %gather3A_3260 : memref<16384xf32, #tpu.memory_space<vmem>>[vector<16xi32>], vector<16xf32>,
        %gather3A_3263 = tpu.vector_load_idx %arg8[%add3A_3166, %select_n3A_465] : memref<512x32xf32, #tpu.memory_space<vmem>>[vector<16xi32>, vector<16xi32>], vector<16xf32>,
        %add3A_3264 = vector.broadcast %add3A_3211 : i32 to vector<16xi32>
        %add3A_3265 = arith.addi %add3A_1924, %add3A_3264 : vector<16xi32>
        tpu.vector_store_idx %arg10[%add3A_3265], %gather3A_3263 : memref<16384xf32, #tpu.memory_space<vmem>>[vector<16xi32>], vector<16xf32>,
        %gather3A_3266 = tpu.vector_load_idx %arg8[%add3A_3166, %select_n3A_491] : memref<512x32xf32, #tpu.memory_space<vmem>>[vector<16xi32>, vector<16xi32>], vector<16xf32>,
        %add3A_3267 = vector.broadcast %add3A_3211 : i32 to vector<16xi32>
        %add3A_3268 = arith.addi %add3A_1985, %add3A_3267 : vector<16xi32>
        tpu.vector_store_idx %arg10[%add3A_3268], %gather3A_3266 : memref<16384xf32, #tpu.memory_space<vmem>>[vector<16xi32>], vector<16xf32>,
        %gather3A_3269 = tpu.vector_load_idx %arg8[%add3A_3166, %select_n3A_517] : memref<512x32xf32, #tpu.memory_space<vmem>>[vector<16xi32>, vector<16xi32>], vector<16xf32>,
        %add3A_3270 = vector.broadcast %add3A_3211 : i32 to vector<16xi32>
        %add3A_3271 = arith.addi %add3A_2046, %add3A_3270 : vector<16xi32>
        tpu.vector_store_idx %arg10[%add3A_3271], %gather3A_3269 : memref<16384xf32, #tpu.memory_space<vmem>>[vector<16xi32>], vector<16xf32>,
        %gather3A_3272 = tpu.vector_load_idx %arg8[%add3A_3166, %select_n3A_543] : memref<512x32xf32, #tpu.memory_space<vmem>>[vector<16xi32>, vector<16xi32>], vector<16xf32>,
        %add3A_3273 = vector.broadcast %add3A_3211 : i32 to vector<16xi32>
        %add3A_3274 = arith.addi %add3A_2107, %add3A_3273 : vector<16xi32>
        tpu.vector_store_idx %arg10[%add3A_3274], %gather3A_3272 : memref<16384xf32, #tpu.memory_space<vmem>>[vector<16xi32>], vector<16xf32>,
        %gather3A_3275 = tpu.vector_load_idx %arg8[%add3A_3166, %select_n3A_569] : memref<512x32xf32, #tpu.memory_space<vmem>>[vector<16xi32>, vector<16xi32>], vector<16xf32>,
        %add3A_3276 = vector.broadcast %add3A_3211 : i32 to vector<16xi32>
        %add3A_3277 = arith.addi %add3A_2168, %add3A_3276 : vector<16xi32>
        tpu.vector_store_idx %arg10[%add3A_3277], %gather3A_3275 : memref<16384xf32, #tpu.memory_space<vmem>>[vector<16xi32>], vector<16xf32>,
        %gather3A_3278 = tpu.vector_load_idx %arg8[%add3A_3166, %select_n3A_595] : memref<512x32xf32, #tpu.memory_space<vmem>>[vector<16xi32>, vector<16xi32>], vector<16xf32>,
        %add3A_3279 = vector.broadcast %add3A_3211 : i32 to vector<16xi32>
        %add3A_3280 = arith.addi %add3A_2229, %add3A_3279 : vector<16xi32>
        tpu.vector_store_idx %arg10[%add3A_3280], %gather3A_3278 : memref<16384xf32, #tpu.memory_space<vmem>>[vector<16xi32>], vector<16xf32>,
        %gather3A_3281 = tpu.vector_load_idx %arg8[%add3A_3166, %select_n3A_621] : memref<512x32xf32, #tpu.memory_space<vmem>>[vector<16xi32>, vector<16xi32>], vector<16xf32>,
        %add3A_3282 = vector.broadcast %add3A_3211 : i32 to vector<16xi32>
        %add3A_3283 = arith.addi %add3A_2290, %add3A_3282 : vector<16xi32>
        tpu.vector_store_idx %arg10[%add3A_3283], %gather3A_3281 : memref<16384xf32, #tpu.memory_space<vmem>>[vector<16xi32>], vector<16xf32>,
        %gather3A_3284 = tpu.vector_load_idx %arg8[%add3A_3166, %select_n3A_647] : memref<512x32xf32, #tpu.memory_space<vmem>>[vector<16xi32>, vector<16xi32>], vector<16xf32>,
        %add3A_3285 = vector.broadcast %add3A_3211 : i32 to vector<16xi32>
        %add3A_3286 = arith.addi %add3A_2351, %add3A_3285 : vector<16xi32>
        tpu.vector_store_idx %arg10[%add3A_3286], %gather3A_3284 : memref<16384xf32, #tpu.memory_space<vmem>>[vector<16xi32>], vector<16xf32>,
        %gather3A_3287 = tpu.vector_load_idx %arg8[%add3A_3166, %select_n3A_673] : memref<512x32xf32, #tpu.memory_space<vmem>>[vector<16xi32>, vector<16xi32>], vector<16xf32>,
        %add3A_3288 = vector.broadcast %add3A_3211 : i32 to vector<16xi32>
        %add3A_3289 = arith.addi %add3A_2412, %add3A_3288 : vector<16xi32>
        tpu.vector_store_idx %arg10[%add3A_3289], %gather3A_3287 : memref<16384xf32, #tpu.memory_space<vmem>>[vector<16xi32>], vector<16xf32>,
        %gather3A_3290 = tpu.vector_load_idx %arg8[%add3A_3166, %select_n3A_699] : memref<512x32xf32, #tpu.memory_space<vmem>>[vector<16xi32>, vector<16xi32>], vector<16xf32>,
        %add3A_3291 = vector.broadcast %add3A_3211 : i32 to vector<16xi32>
        %add3A_3292 = arith.addi %add3A_2473, %add3A_3291 : vector<16xi32>
        tpu.vector_store_idx %arg10[%add3A_3292], %gather3A_3290 : memref<16384xf32, #tpu.memory_space<vmem>>[vector<16xi32>], vector<16xf32>,
        %gather3A_3293 = tpu.vector_load_idx %arg8[%add3A_3166, %select_n3A_725] : memref<512x32xf32, #tpu.memory_space<vmem>>[vector<16xi32>, vector<16xi32>], vector<16xf32>,
        %add3A_3294 = vector.broadcast %add3A_3211 : i32 to vector<16xi32>
        %add3A_3295 = arith.addi %add3A_2534, %add3A_3294 : vector<16xi32>
        tpu.vector_store_idx %arg10[%add3A_3295], %gather3A_3293 : memref<16384xf32, #tpu.memory_space<vmem>>[vector<16xi32>], vector<16xf32>,
        %gather3A_3296 = tpu.vector_load_idx %arg8[%add3A_3166, %select_n3A_751] : memref<512x32xf32, #tpu.memory_space<vmem>>[vector<16xi32>, vector<16xi32>], vector<16xf32>,
        %add3A_3297 = vector.broadcast %add3A_3211 : i32 to vector<16xi32>
        %add3A_3298 = arith.addi %add3A_2595, %add3A_3297 : vector<16xi32>
        tpu.vector_store_idx %arg10[%add3A_3298], %gather3A_3296 : memref<16384xf32, #tpu.memory_space<vmem>>[vector<16xi32>], vector<16xf32>,
        %gather3A_3299 = tpu.vector_load_idx %arg8[%add3A_3166, %select_n3A_777] : memref<512x32xf32, #tpu.memory_space<vmem>>[vector<16xi32>, vector<16xi32>], vector<16xf32>,
        %add3A_3300 = vector.broadcast %add3A_3211 : i32 to vector<16xi32>
        %add3A_3301 = arith.addi %add3A_2656, %add3A_3300 : vector<16xi32>
        tpu.vector_store_idx %arg10[%add3A_3301], %gather3A_3299 : memref<16384xf32, #tpu.memory_space<vmem>>[vector<16xi32>], vector<16xf32>,
        %gather3A_3302 = tpu.vector_load_idx %arg8[%add3A_3166, %select_n3A_803] : memref<512x32xf32, #tpu.memory_space<vmem>>[vector<16xi32>, vector<16xi32>], vector<16xf32>,
        %add3A_3303 = vector.broadcast %add3A_3211 : i32 to vector<16xi32>
        %add3A_3304 = arith.addi %add3A_2717, %add3A_3303 : vector<16xi32>
        tpu.vector_store_idx %arg10[%add3A_3304], %gather3A_3302 : memref<16384xf32, #tpu.memory_space<vmem>>[vector<16xi32>], vector<16xf32>,
        %gather3A_3305 = tpu.vector_load_idx %arg8[%add3A_3166, %select_n3A_829] : memref<512x32xf32, #tpu.memory_space<vmem>>[vector<16xi32>, vector<16xi32>], vector<16xf32>,
        %add3A_3306 = vector.broadcast %add3A_3211 : i32 to vector<16xi32>
        %add3A_3307 = arith.addi %add3A_2778, %add3A_3306 : vector<16xi32>
        tpu.vector_store_idx %arg10[%add3A_3307], %gather3A_3305 : memref<16384xf32, #tpu.memory_space<vmem>>[vector<16xi32>], vector<16xf32>,
      }
      %scan3A_2960 = arith.constant 16 : i32
      %mul3A_2961 = arith.constant 1024 : i32
      %mul3A_2962 = arith.muli %mul3A_4, %mul3A_2961 : i32
      %dma_start3A_2963 = arith.constant 0 : i32
      %dma_start3A_2964 = arith.constant 0 : i32
      %dma_start3A_2965 = tpu.memref_slice %arg10[%dma_start3A_2964] : memref<16384xf32, #tpu.memory_space<vmem>> -> memref<4096xf32, #tpu.memory_space<vmem>>
      %dma_start3A_2966 = tpu.memref_slice %arg4[%add3A_2947, %dma_start3A_2963, %mul3A_2962] : memref<200x4x131072xf32, #tpu.memory_space<hbm>> -> memref<1x1x4096xf32, #tpu.memory_space<hbm>>
      %dma_start3A_2967 = tpu.memref_squeeze %dma_start3A_2966 : memref<1x1x4096xf32, #tpu.memory_space<hbm>> -> memref<4096xf32, #tpu.memory_space<hbm>>
      %dma_start3A_2968 = tpu.memref_slice %arg4[%add3A_2947, %dma_start3A_2963, %mul3A_2962] : memref<200x4x131072xf32, #tpu.memory_space<hbm>> -> memref<1x1x4096xf32, #tpu.memory_space<hbm>>
      %dma_start3A_2969 = tpu.memref_squeeze %dma_start3A_2968 : memref<1x1x4096xf32, #tpu.memory_space<hbm>> -> memref<4096xf32, #tpu.memory_space<hbm>>
      %dma_start3A_2970 = arith.constant 0 : i32
      %dma_start3A_2971 = tpu.memref_slice %arg10[%dma_start3A_2970] : memref<16384xf32, #tpu.memory_space<vmem>> -> memref<4096xf32, #tpu.memory_space<vmem>>
      tpu.enqueue_dma source(%dma_start3A_2971 : memref<4096xf32, #tpu.memory_space<vmem>>) target(%dma_start3A_2969 : memref<4096xf32, #tpu.memory_space<hbm>>) target_semaphore(%arg14 : memref<!tpu.dma_semaphore, #tpu.memory_space<semaphore_mem>>)
      %mul3A_2972 = arith.constant 1024 : i32
      %mul3A_2973 = arith.muli %mul3A_4, %mul3A_2972 : i32
      %dma_start3A_2974 = arith.constant 1 : i32
      %dma_start3A_2975 = arith.constant 4096 : i32
      %dma_start3A_2976 = tpu.memref_slice %arg10[%dma_start3A_2975] : memref<16384xf32, #tpu.memory_space<vmem>> -> memref<4096xf32, #tpu.memory_space<vmem>>
      %dma_start3A_2977 = tpu.memref_slice %arg4[%add3A_2947, %dma_start3A_2974, %mul3A_2973] : memref<200x4x131072xf32, #tpu.memory_space<hbm>> -> memref<1x1x4096xf32, #tpu.memory_space<hbm>>
      %dma_start3A_2978 = tpu.memref_squeeze %dma_start3A_2977 : memref<1x1x4096xf32, #tpu.memory_space<hbm>> -> memref<4096xf32, #tpu.memory_space<hbm>>
      %dma_start3A_2979 = tpu.memref_slice %arg4[%add3A_2947, %dma_start3A_2974, %mul3A_2973] : memref<200x4x131072xf32, #tpu.memory_space<hbm>> -> memref<1x1x4096xf32, #tpu.memory_space<hbm>>
      %dma_start3A_2980 = tpu.memref_squeeze %dma_start3A_2979 : memref<1x1x4096xf32, #tpu.memory_space<hbm>> -> memref<4096xf32, #tpu.memory_space<hbm>>
      %dma_start3A_2981 = arith.constant 4096 : i32
      %dma_start3A_2982 = tpu.memref_slice %arg10[%dma_start3A_2981] : memref<16384xf32, #tpu.memory_space<vmem>> -> memref<4096xf32, #tpu.memory_space<vmem>>
      tpu.enqueue_dma source(%dma_start3A_2982 : memref<4096xf32, #tpu.memory_space<vmem>>) target(%dma_start3A_2980 : memref<4096xf32, #tpu.memory_space<hbm>>) target_semaphore(%arg14 : memref<!tpu.dma_semaphore, #tpu.memory_space<semaphore_mem>>)
      %mul3A_2983 = arith.constant 1024 : i32
      %mul3A_2984 = arith.muli %mul3A_4, %mul3A_2983 : i32
      %dma_start3A_2985 = arith.constant 2 : i32
      %dma_start3A_2986 = arith.constant 8192 : i32
      %dma_start3A_2987 = tpu.memref_slice %arg10[%dma_start3A_2986] : memref<16384xf32, #tpu.memory_space<vmem>> -> memref<4096xf32, #tpu.memory_space<vmem>>
      %dma_start3A_2988 = tpu.memref_slice %arg4[%add3A_2947, %dma_start3A_2985, %mul3A_2984] : memref<200x4x131072xf32, #tpu.memory_space<hbm>> -> memref<1x1x4096xf32, #tpu.memory_space<hbm>>
      %dma_start3A_2989 = tpu.memref_squeeze %dma_start3A_2988 : memref<1x1x4096xf32, #tpu.memory_space<hbm>> -> memref<4096xf32, #tpu.memory_space<hbm>>
      %dma_start3A_2990 = tpu.memref_slice %arg4[%add3A_2947, %dma_start3A_2985, %mul3A_2984] : memref<200x4x131072xf32, #tpu.memory_space<hbm>> -> memref<1x1x4096xf32, #tpu.memory_space<hbm>>
      %dma_start3A_2991 = tpu.memref_squeeze %dma_start3A_2990 : memref<1x1x4096xf32, #tpu.memory_space<hbm>> -> memref<4096xf32, #tpu.memory_space<hbm>>
      %dma_start3A_2992 = arith.constant 8192 : i32
      %dma_start3A_2993 = tpu.memref_slice %arg10[%dma_start3A_2992] : memref<16384xf32, #tpu.memory_space<vmem>> -> memref<4096xf32, #tpu.memory_space<vmem>>
      tpu.enqueue_dma source(%dma_start3A_2993 : memref<4096xf32, #tpu.memory_space<vmem>>) target(%dma_start3A_2991 : memref<4096xf32, #tpu.memory_space<hbm>>) target_semaphore(%arg14 : memref<!tpu.dma_semaphore, #tpu.memory_space<semaphore_mem>>)
      %mul3A_2994 = arith.constant 1024 : i32
      %mul3A_2995 = arith.muli %mul3A_4, %mul3A_2994 : i32
      %dma_start3A_2996 = arith.constant 3 : i32
      %dma_start3A_2997 = arith.constant 12288 : i32
      %dma_start3A_2998 = tpu.memref_slice %arg10[%dma_start3A_2997] : memref<16384xf32, #tpu.memory_space<vmem>> -> memref<4096xf32, #tpu.memory_space<vmem>>
      %dma_start3A_2999 = tpu.memref_slice %arg4[%add3A_2947, %dma_start3A_2996, %mul3A_2995] : memref<200x4x131072xf32, #tpu.memory_space<hbm>> -> memref<1x1x4096xf32, #tpu.memory_space<hbm>>
      %dma_start3A_3000 = tpu.memref_squeeze %dma_start3A_2999 : memref<1x1x4096xf32, #tpu.memory_space<hbm>> -> memref<4096xf32, #tpu.memory_space<hbm>>
      %dma_start3A_3001 = tpu.memref_slice %arg4[%add3A_2947, %dma_start3A_2996, %mul3A_2995] : memref<200x4x131072xf32, #tpu.memory_space<hbm>> -> memref<1x1x4096xf32, #tpu.memory_space<hbm>>
      %dma_start3A_3002 = tpu.memref_squeeze %dma_start3A_3001 : memref<1x1x4096xf32, #tpu.memory_space<hbm>> -> memref<4096xf32, #tpu.memory_space<hbm>>
      %dma_start3A_3003 = arith.constant 12288 : i32
      %dma_start3A_3004 = tpu.memref_slice %arg10[%dma_start3A_3003] : memref<16384xf32, #tpu.memory_space<vmem>> -> memref<4096xf32, #tpu.memory_space<vmem>>
      tpu.enqueue_dma source(%dma_start3A_3004 : memref<4096xf32, #tpu.memory_space<vmem>>) target(%dma_start3A_3002 : memref<4096xf32, #tpu.memory_space<hbm>>) target_semaphore(%arg14 : memref<!tpu.dma_semaphore, #tpu.memory_space<semaphore_mem>>)
      %lt3A_3005 = arith.constant 99 : i32
      %lt3A_3006 = arith.cmpi slt, %scan3A_2884, %lt3A_3005 : i32
      %convert_element_type3A_3007 = arith.extui %lt3A_3006 : i1 to i32
      %cond3A_3008 = arith.constant 0 : i32
      %cond3A_3009 = arith.cmpi ne, %convert_element_type3A_3007, %cond3A_3008 : i32
      scf.if %cond3A_3009 {
        %add3A_3010 = arith.constant 2 : i32
        %add3A_3011 = arith.addi %add3A_2947, %add3A_3010 : i32
        "tpu.region"() ({
          %run_scoped3A_3015 = tpu.sem_alloc : memref<!tpu.dma_semaphore, #tpu.memory_space<semaphore_mem>>
          %dma_start3A_3016 = tpu.memref_slice %arg2[%add3A_3011, %mul3A_2] : memref<200x16384xi32, #tpu.memory_space<hbm>> -> memref<1x512xi32, #tpu.memory_space<hbm>>
          %dma_start3A_3017 = tpu.memref_squeeze %dma_start3A_3016 : memref<1x512xi32, #tpu.memory_space<hbm>> -> memref<512xi32, #tpu.memory_space<hbm>>
          %dma_start3A_3018 = tpu.memref_slice %arg2[%add3A_3011, %mul3A_2] : memref<200x16384xi32, #tpu.memory_space<hbm>> -> memref<1x512xi32, #tpu.memory_space<hbm>>
          %dma_start3A_3019 = tpu.memref_squeeze %dma_start3A_3018 : memref<1x512xi32, #tpu.memory_space<hbm>> -> memref<512xi32, #tpu.memory_space<hbm>>
          tpu.enqueue_dma source(%dma_start3A_3019 : memref<512xi32, #tpu.memory_space<hbm>>) target(%arg6 : memref<512xi32, #tpu.memory_space<vmem>>) target_semaphore(%run_scoped3A_3015 : memref<!tpu.dma_semaphore, #tpu.memory_space<semaphore_mem>>)
          %dma_wait3A_3020 = tpu.memref_slice %arg2[%add3A_3011, %mul3A_2] : memref<200x16384xi32, #tpu.memory_space<hbm>> -> memref<1x512xi32, #tpu.memory_space<hbm>>
          %dma_wait3A_3021 = tpu.memref_squeeze %dma_wait3A_3020 : memref<1x512xi32, #tpu.memory_space<hbm>> -> memref<512xi32, #tpu.memory_space<hbm>>
          %dma_wait3A_3022 = tpu.memref_slice %arg2[%add3A_3011, %mul3A_2] : memref<200x16384xi32, #tpu.memory_space<hbm>> -> memref<1x512xi32, #tpu.memory_space<hbm>>
          %dma_wait3A_3023 = tpu.memref_squeeze %dma_wait3A_3022 : memref<1x512xi32, #tpu.memory_space<hbm>> -> memref<512xi32, #tpu.memory_space<hbm>>
          tpu.wait_dma2 semaphore(%run_scoped3A_3015 : memref<!tpu.dma_semaphore, #tpu.memory_space<semaphore_mem>>) src(%dma_wait3A_3023 : memref<512xi32, #tpu.memory_space<hbm>>) dst(%arg6 : memref<512xi32, #tpu.memory_space<vmem>>)
          tpu.yield
        }) : () -> ()
        %dma_start3A_3012 = arith.constant 0 : i32
        %dma_start3A_3013 = arith.constant 0 : i32
        %dma_start3A_3014 = tpu.memref_slice %arg3[%dma_start3A_3012, %dma_start3A_3013] : memref<4000000x32xf32, #tpu.memory_space<hbm>> -> memref<4000000x32xf32, #tpu.memory_space<hbm>>
        tpu.enqueue_indirect_dma source(%dma_start3A_3014 : memref<4000000x32xf32, #tpu.memory_space<hbm>>) target(%arg8 : memref<512x32xf32, #tpu.memory_space<vmem>>) offsets(%arg6 : memref<512xi32, #tpu.memory_space<vmem>>) semaphore(%arg12 : memref<!tpu.dma_semaphore, #tpu.memory_space<semaphore_mem>>)
      } else {
      }
    }
    %scan3A_2788 = arith.constant 100 : i32
    %mul3A_2789 = arith.constant 1024 : i32
    %mul3A_2790 = arith.muli %mul3A_4, %mul3A_2789 : i32
    %dma_wait3A = arith.constant 0 : i32
    %dma_wait3A_2791 = arith.constant 0 : i32
    %dma_wait3A_2792 = arith.constant 0 : i32
    %dma_wait3A_2793 = tpu.memref_slice %arg9[%dma_wait3A_2792] : memref<16384xf32, #tpu.memory_space<vmem>> -> memref<4096xf32, #tpu.memory_space<vmem>>
    %dma_wait3A_2794 = tpu.memref_slice %arg4[%dma_wait3A, %dma_wait3A_2791, %mul3A_2790] : memref<200x4x131072xf32, #tpu.memory_space<hbm>> -> memref<1x1x4096xf32, #tpu.memory_space<hbm>>
    %dma_wait3A_2795 = tpu.memref_squeeze %dma_wait3A_2794 : memref<1x1x4096xf32, #tpu.memory_space<hbm>> -> memref<4096xf32, #tpu.memory_space<hbm>>
    %dma_wait3A_2796 = tpu.memref_slice %arg4[%dma_wait3A, %dma_wait3A_2791, %mul3A_2790] : memref<200x4x131072xf32, #tpu.memory_space<hbm>> -> memref<1x1x4096xf32, #tpu.memory_space<hbm>>
    %dma_wait3A_2797 = tpu.memref_squeeze %dma_wait3A_2796 : memref<1x1x4096xf32, #tpu.memory_space<hbm>> -> memref<4096xf32, #tpu.memory_space<hbm>>
    %dma_wait3A_2798 = arith.constant 0 : i32
    %dma_wait3A_2799 = tpu.memref_slice %arg9[%dma_wait3A_2798] : memref<16384xf32, #tpu.memory_space<vmem>> -> memref<4096xf32, #tpu.memory_space<vmem>>
    tpu.wait_dma2 semaphore(%arg13 : memref<!tpu.dma_semaphore, #tpu.memory_space<semaphore_mem>>) src(%dma_wait3A_2799 : memref<4096xf32, #tpu.memory_space<vmem>>) dst(%dma_wait3A_2797 : memref<4096xf32, #tpu.memory_space<hbm>>)
    %mul3A_2800 = arith.constant 1024 : i32
    %mul3A_2801 = arith.muli %mul3A_4, %mul3A_2800 : i32
    %dma_wait3A_2802 = arith.constant 0 : i32
    %dma_wait3A_2803 = arith.constant 1 : i32
    %dma_wait3A_2804 = arith.constant 4096 : i32
    %dma_wait3A_2805 = tpu.memref_slice %arg9[%dma_wait3A_2804] : memref<16384xf32, #tpu.memory_space<vmem>> -> memref<4096xf32, #tpu.memory_space<vmem>>
    %dma_wait3A_2806 = tpu.memref_slice %arg4[%dma_wait3A_2802, %dma_wait3A_2803, %mul3A_2801] : memref<200x4x131072xf32, #tpu.memory_space<hbm>> -> memref<1x1x4096xf32, #tpu.memory_space<hbm>>
    %dma_wait3A_2807 = tpu.memref_squeeze %dma_wait3A_2806 : memref<1x1x4096xf32, #tpu.memory_space<hbm>> -> memref<4096xf32, #tpu.memory_space<hbm>>
    %dma_wait3A_2808 = tpu.memref_slice %arg4[%dma_wait3A_2802, %dma_wait3A_2803, %mul3A_2801] : memref<200x4x131072xf32, #tpu.memory_space<hbm>> -> memref<1x1x4096xf32, #tpu.memory_space<hbm>>
    %dma_wait3A_2809 = tpu.memref_squeeze %dma_wait3A_2808 : memref<1x1x4096xf32, #tpu.memory_space<hbm>> -> memref<4096xf32, #tpu.memory_space<hbm>>
    %dma_wait3A_2810 = arith.constant 4096 : i32
    %dma_wait3A_2811 = tpu.memref_slice %arg9[%dma_wait3A_2810] : memref<16384xf32, #tpu.memory_space<vmem>> -> memref<4096xf32, #tpu.memory_space<vmem>>
    tpu.wait_dma2 semaphore(%arg13 : memref<!tpu.dma_semaphore, #tpu.memory_space<semaphore_mem>>) src(%dma_wait3A_2811 : memref<4096xf32, #tpu.memory_space<vmem>>) dst(%dma_wait3A_2809 : memref<4096xf32, #tpu.memory_space<hbm>>)
    %mul3A_2812 = arith.constant 1024 : i32
    %mul3A_2813 = arith.muli %mul3A_4, %mul3A_2812 : i32
    %dma_wait3A_2814 = arith.constant 0 : i32
    %dma_wait3A_2815 = arith.constant 2 : i32
    %dma_wait3A_2816 = arith.constant 8192 : i32
    %dma_wait3A_2817 = tpu.memref_slice %arg9[%dma_wait3A_2816] : memref<16384xf32, #tpu.memory_space<vmem>> -> memref<4096xf32, #tpu.memory_space<vmem>>
    %dma_wait3A_2818 = tpu.memref_slice %arg4[%dma_wait3A_2814, %dma_wait3A_2815, %mul3A_2813] : memref<200x4x131072xf32, #tpu.memory_space<hbm>> -> memref<1x1x4096xf32, #tpu.memory_space<hbm>>
    %dma_wait3A_2819 = tpu.memref_squeeze %dma_wait3A_2818 : memref<1x1x4096xf32, #tpu.memory_space<hbm>> -> memref<4096xf32, #tpu.memory_space<hbm>>
    %dma_wait3A_2820 = tpu.memref_slice %arg4[%dma_wait3A_2814, %dma_wait3A_2815, %mul3A_2813] : memref<200x4x131072xf32, #tpu.memory_space<hbm>> -> memref<1x1x4096xf32, #tpu.memory_space<hbm>>
    %dma_wait3A_2821 = tpu.memref_squeeze %dma_wait3A_2820 : memref<1x1x4096xf32, #tpu.memory_space<hbm>> -> memref<4096xf32, #tpu.memory_space<hbm>>
    %dma_wait3A_2822 = arith.constant 8192 : i32
    %dma_wait3A_2823 = tpu.memref_slice %arg9[%dma_wait3A_2822] : memref<16384xf32, #tpu.memory_space<vmem>> -> memref<4096xf32, #tpu.memory_space<vmem>>
    tpu.wait_dma2 semaphore(%arg13 : memref<!tpu.dma_semaphore, #tpu.memory_space<semaphore_mem>>) src(%dma_wait3A_2823 : memref<4096xf32, #tpu.memory_space<vmem>>) dst(%dma_wait3A_2821 : memref<4096xf32, #tpu.memory_space<hbm>>)
    %mul3A_2824 = arith.constant 1024 : i32
    %mul3A_2825 = arith.muli %mul3A_4, %mul3A_2824 : i32
    %dma_wait3A_2826 = arith.constant 0 : i32
    %dma_wait3A_2827 = arith.constant 3 : i32
    %dma_wait3A_2828 = arith.constant 12288 : i32
    %dma_wait3A_2829 = tpu.memref_slice %arg9[%dma_wait3A_2828] : memref<16384xf32, #tpu.memory_space<vmem>> -> memref<4096xf32, #tpu.memory_space<vmem>>
    %dma_wait3A_2830 = tpu.memref_slice %arg4[%dma_wait3A_2826, %dma_wait3A_2827, %mul3A_2825] : memref<200x4x131072xf32, #tpu.memory_space<hbm>> -> memref<1x1x4096xf32, #tpu.memory_space<hbm>>
    %dma_wait3A_2831 = tpu.memref_squeeze %dma_wait3A_2830 : memref<1x1x4096xf32, #tpu.memory_space<hbm>> -> memref<4096xf32, #tpu.memory_space<hbm>>
    %dma_wait3A_2832 = tpu.memref_slice %arg4[%dma_wait3A_2826, %dma_wait3A_2827, %mul3A_2825] : memref<200x4x131072xf32, #tpu.memory_space<hbm>> -> memref<1x1x4096xf32, #tpu.memory_space<hbm>>
    %dma_wait3A_2833 = tpu.memref_squeeze %dma_wait3A_2832 : memref<1x1x4096xf32, #tpu.memory_space<hbm>> -> memref<4096xf32, #tpu.memory_space<hbm>>
    %dma_wait3A_2834 = arith.constant 12288 : i32
    %dma_wait3A_2835 = tpu.memref_slice %arg9[%dma_wait3A_2834] : memref<16384xf32, #tpu.memory_space<vmem>> -> memref<4096xf32, #tpu.memory_space<vmem>>
    tpu.wait_dma2 semaphore(%arg13 : memref<!tpu.dma_semaphore, #tpu.memory_space<semaphore_mem>>) src(%dma_wait3A_2835 : memref<4096xf32, #tpu.memory_space<vmem>>) dst(%dma_wait3A_2833 : memref<4096xf32, #tpu.memory_space<hbm>>)
    %mul3A_2836 = arith.constant 1024 : i32
    %mul3A_2837 = arith.muli %mul3A_4, %mul3A_2836 : i32
    %dma_wait3A_2838 = arith.constant 0 : i32
    %dma_wait3A_2839 = arith.constant 0 : i32
    %dma_wait3A_2840 = arith.constant 0 : i32
    %dma_wait3A_2841 = tpu.memref_slice %arg10[%dma_wait3A_2840] : memref<16384xf32, #tpu.memory_space<vmem>> -> memref<4096xf32, #tpu.memory_space<vmem>>
    %dma_wait3A_2842 = tpu.memref_slice %arg4[%dma_wait3A_2838, %dma_wait3A_2839, %mul3A_2837] : memref<200x4x131072xf32, #tpu.memory_space<hbm>> -> memref<1x1x4096xf32, #tpu.memory_space<hbm>>
    %dma_wait3A_2843 = tpu.memref_squeeze %dma_wait3A_2842 : memref<1x1x4096xf32, #tpu.memory_space<hbm>> -> memref<4096xf32, #tpu.memory_space<hbm>>
    %dma_wait3A_2844 = tpu.memref_slice %arg4[%dma_wait3A_2838, %dma_wait3A_2839, %mul3A_2837] : memref<200x4x131072xf32, #tpu.memory_space<hbm>> -> memref<1x1x4096xf32, #tpu.memory_space<hbm>>
    %dma_wait3A_2845 = tpu.memref_squeeze %dma_wait3A_2844 : memref<1x1x4096xf32, #tpu.memory_space<hbm>> -> memref<4096xf32, #tpu.memory_space<hbm>>
    %dma_wait3A_2846 = arith.constant 0 : i32
    %dma_wait3A_2847 = tpu.memref_slice %arg10[%dma_wait3A_2846] : memref<16384xf32, #tpu.memory_space<vmem>> -> memref<4096xf32, #tpu.memory_space<vmem>>
    tpu.wait_dma2 semaphore(%arg14 : memref<!tpu.dma_semaphore, #tpu.memory_space<semaphore_mem>>) src(%dma_wait3A_2847 : memref<4096xf32, #tpu.memory_space<vmem>>) dst(%dma_wait3A_2845 : memref<4096xf32, #tpu.memory_space<hbm>>)
    %mul3A_2848 = arith.constant 1024 : i32
    %mul3A_2849 = arith.muli %mul3A_4, %mul3A_2848 : i32
    %dma_wait3A_2850 = arith.constant 0 : i32
    %dma_wait3A_2851 = arith.constant 1 : i32
    %dma_wait3A_2852 = arith.constant 4096 : i32
    %dma_wait3A_2853 = tpu.memref_slice %arg10[%dma_wait3A_2852] : memref<16384xf32, #tpu.memory_space<vmem>> -> memref<4096xf32, #tpu.memory_space<vmem>>
    %dma_wait3A_2854 = tpu.memref_slice %arg4[%dma_wait3A_2850, %dma_wait3A_2851, %mul3A_2849] : memref<200x4x131072xf32, #tpu.memory_space<hbm>> -> memref<1x1x4096xf32, #tpu.memory_space<hbm>>
    %dma_wait3A_2855 = tpu.memref_squeeze %dma_wait3A_2854 : memref<1x1x4096xf32, #tpu.memory_space<hbm>> -> memref<4096xf32, #tpu.memory_space<hbm>>
    %dma_wait3A_2856 = tpu.memref_slice %arg4[%dma_wait3A_2850, %dma_wait3A_2851, %mul3A_2849] : memref<200x4x131072xf32, #tpu.memory_space<hbm>> -> memref<1x1x4096xf32, #tpu.memory_space<hbm>>
    %dma_wait3A_2857 = tpu.memref_squeeze %dma_wait3A_2856 : memref<1x1x4096xf32, #tpu.memory_space<hbm>> -> memref<4096xf32, #tpu.memory_space<hbm>>
    %dma_wait3A_2858 = arith.constant 4096 : i32
    %dma_wait3A_2859 = tpu.memref_slice %arg10[%dma_wait3A_2858] : memref<16384xf32, #tpu.memory_space<vmem>> -> memref<4096xf32, #tpu.memory_space<vmem>>
    tpu.wait_dma2 semaphore(%arg14 : memref<!tpu.dma_semaphore, #tpu.memory_space<semaphore_mem>>) src(%dma_wait3A_2859 : memref<4096xf32, #tpu.memory_space<vmem>>) dst(%dma_wait3A_2857 : memref<4096xf32, #tpu.memory_space<hbm>>)
    %mul3A_2860 = arith.constant 1024 : i32
    %mul3A_2861 = arith.muli %mul3A_4, %mul3A_2860 : i32
    %dma_wait3A_2862 = arith.constant 0 : i32
    %dma_wait3A_2863 = arith.constant 2 : i32
    %dma_wait3A_2864 = arith.constant 8192 : i32
    %dma_wait3A_2865 = tpu.memref_slice %arg10[%dma_wait3A_2864] : memref<16384xf32, #tpu.memory_space<vmem>> -> memref<4096xf32, #tpu.memory_space<vmem>>
    %dma_wait3A_2866 = tpu.memref_slice %arg4[%dma_wait3A_2862, %dma_wait3A_2863, %mul3A_2861] : memref<200x4x131072xf32, #tpu.memory_space<hbm>> -> memref<1x1x4096xf32, #tpu.memory_space<hbm>>
    %dma_wait3A_2867 = tpu.memref_squeeze %dma_wait3A_2866 : memref<1x1x4096xf32, #tpu.memory_space<hbm>> -> memref<4096xf32, #tpu.memory_space<hbm>>
    %dma_wait3A_2868 = tpu.memref_slice %arg4[%dma_wait3A_2862, %dma_wait3A_2863, %mul3A_2861] : memref<200x4x131072xf32, #tpu.memory_space<hbm>> -> memref<1x1x4096xf32, #tpu.memory_space<hbm>>
    %dma_wait3A_2869 = tpu.memref_squeeze %dma_wait3A_2868 : memref<1x1x4096xf32, #tpu.memory_space<hbm>> -> memref<4096xf32, #tpu.memory_space<hbm>>
    %dma_wait3A_2870 = arith.constant 8192 : i32
    %dma_wait3A_2871 = tpu.memref_slice %arg10[%dma_wait3A_2870] : memref<16384xf32, #tpu.memory_space<vmem>> -> memref<4096xf32, #tpu.memory_space<vmem>>
    tpu.wait_dma2 semaphore(%arg14 : memref<!tpu.dma_semaphore, #tpu.memory_space<semaphore_mem>>) src(%dma_wait3A_2871 : memref<4096xf32, #tpu.memory_space<vmem>>) dst(%dma_wait3A_2869 : memref<4096xf32, #tpu.memory_space<hbm>>)
    %mul3A_2872 = arith.constant 1024 : i32
    %mul3A_2873 = arith.muli %mul3A_4, %mul3A_2872 : i32
    %dma_wait3A_2874 = arith.constant 0 : i32
    %dma_wait3A_2875 = arith.constant 3 : i32
    %dma_wait3A_2876 = arith.constant 12288 : i32
    %dma_wait3A_2877 = tpu.memref_slice %arg10[%dma_wait3A_2876] : memref<16384xf32, #tpu.memory_space<vmem>> -> memref<4096xf32, #tpu.memory_space<vmem>>
    %dma_wait3A_2878 = tpu.memref_slice %arg4[%dma_wait3A_2874, %dma_wait3A_2875, %mul3A_2873] : memref<200x4x131072xf32, #tpu.memory_space<hbm>> -> memref<1x1x4096xf32, #tpu.memory_space<hbm>>
    %dma_wait3A_2879 = tpu.memref_squeeze %dma_wait3A_2878 : memref<1x1x4096xf32, #tpu.memory_space<hbm>> -> memref<4096xf32, #tpu.memory_space<hbm>>
    %dma_wait3A_2880 = tpu.memref_slice %arg4[%dma_wait3A_2874, %dma_wait3A_2875, %mul3A_2873] : memref<200x4x131072xf32, #tpu.memory_space<hbm>> -> memref<1x1x4096xf32, #tpu.memory_space<hbm>>
    %dma_wait3A_2881 = tpu.memref_squeeze %dma_wait3A_2880 : memref<1x1x4096xf32, #tpu.memory_space<hbm>> -> memref<4096xf32, #tpu.memory_space<hbm>>
    %dma_wait3A_2882 = arith.constant 12288 : i32
    %dma_wait3A_2883 = tpu.memref_slice %arg10[%dma_wait3A_2882] : memref<16384xf32, #tpu.memory_space<vmem>> -> memref<4096xf32, #tpu.memory_space<vmem>>
    tpu.wait_dma2 semaphore(%arg14 : memref<!tpu.dma_semaphore, #tpu.memory_space<semaphore_mem>>) src(%dma_wait3A_2883 : memref<4096xf32, #tpu.memory_space<vmem>>) dst(%dma_wait3A_2881 : memref<4096xf32, #tpu.memory_space<hbm>>)
    return
  }
}

</mosaic_0001>

<sc_bundles>
// kernel: _emb.3.cloned.1.call-start
scs
__scs_entry_jumppad:
0x0: {  	(pc) =	sbr.rel $0x88, $3  }
0x1: {  	(tag) =	ssettag $0x0;
	lr =	simm.s32 $0x1  }
0x2: {  	[smem:$0x3F9F] =	sst lr;
	_ =	strace $0xD0000000  }
0x3: {  	_ = 	snop  }
0x4: {  	_ = 	snop  }
0x5: {  	_ = 	snop  }
0x6: {  	_ = 	snop  }
0x7: {  	_ = 	snop  }
__scs_overlays_trampoline_lowered:
0x8: {  	[smem:$0x3FAE] =	sst s0  }
0x9: {  	[smem:$0x3FAF] =	sst s1  }
0xa: {  	[smem:$0x3FB0] =	sst s2  }
0xb: {  	[smem:$0x3FB1] =	sst s3  }
0xc: {  	[smem:$0x3FB2] =	sst s4  }
0xd: {  	[smem:$0x3FB3] =	sst s5  }
0xe: {  	[smem:$0x3FB4] =	sst s6  }
0xf: {  	[smem:$0x3FB5] =	sst s7  }
0x10: {  	[smem:$0x3FB6] =	sst s8  }
0x11: {  	[smem:$0x3FB7] =	sst s9;
	s0 =	simm.s32 @!p0 $0x0  }
0x12: {  	s1 =	sld [smem:$0x3F9D];
	s0 =	simm.s32 @p0 $0x1  }
0x13: {  	[smem:$0x3FB8] =	sst s0;
	s0 =	simm.s32 @!p1 $0x0  }
0x14: {  	s2 =	sld [smem:$0x3F9C];
	s0 =	simm.s32 @p1 $0x1  }
0x15: {  	[smem:$0x3FB9] =	sst s0;
	s0 =	simm.s32 @!p2 $0x0  }
0x16: {  	s3 =	sld [smem:$0x3FDB];
	s0 =	simm.s32 @p2 $0x1  }
0x17: {  	s4 =	simm.s32 $0x1BF5;
	[smem:$0x3FBB] =	sst s0  }
0x18: {  	s0 =	sld [smem:$0x3F9E];
	_ =	swait.ge [sflag:s4], $0x0  }
0x19: {  	s7 =	sld [smem:$0x3F9F]  }
0x1a: {  	s8 =	sadd.s32 $0xFFFFE003, lr  }
0x1b: {  	s9 =	sadd.s32 $0xFFFFFEF7, lr;
	s5 =	simm.s32 $0xFFFFFFFF;
	p2 =	slt.u32 s8, $0xFFFFF086  }
0x1c: {  	p1 =	slt.u32 s9, $0xF7A;
	s5 =	simm.s32 @!p2 $0x0  }
0x1d: {  	s5 =	simm.s32 @p1 $0x1;
	p0 =	seq.s32 s7, s2  }
0x1e: {  	s7 =	smul.u32 @!p0 $0xF7A, s2;
	p2 =	seq.s32 @!p0 s5, $0x0  }
0x1f: {  	s9 =	smul.u32 $0xF7A, s1;
	s8 =	simm.s32 @!p0 $0x1BF5;
	p2 =	por !p2, p0  }
0x20: {  	[sflag:s8] =	ssyncset.s32 @!p0 $0xFFFFF086;
	s6 =	sadd.s32 @!p0 s3, s7;
	s7 =	simm.s32 @!p0 $0x108  }
0x21: {  	s3 =	sadd.s32 s3, s9;
	s6 =	sadd.s32 @!p0 $0x88, s6;
	s7 =	simm.s32 @p2 $0x1082  }
0x22: {  	[simem:s7], [sflag:s8] =	dma.local @!p0 [hbm:s6], $0xF7A  }
0x23: {  	s9 =	sor.u32 $0xD0000000, s2;
	s6 =	simm.s32 $0x108;
	_ =	swait.ge @!p0 [sflag:s8], $0x0  }
0x24: {  	s3 =	sadd.s32 $0x88, s3;
	s6 =	simm.s32 @!p1 $0x1082;
	[sflag:s4] =	ssyncset.s32 $0xFFFFF086  }
0x25: {  	[simem:s6], [sflag:s4] =	dma.local [hbm:s3], $0xF7A  }
0x26: {  	[smem:$0x3F9F] =	sst s1;
	(tag) =	ssettag s2;
	_ =	strace s9  }
0x27: {  	s1 =	sld [smem:$0x3FAF]  }
0x28: {  	s2 =	sld [smem:$0x3FB0]  }
0x29: {  	s4 =	sld [smem:$0x3FB2]  }
0x2a: {  	p0 =	seq.s32 s5, $0x0;
	s5 =	sld [smem:$0x3FB3]  }
0x2b: {  	s6 =	sld [smem:$0x3FB4]  }
0x2c: {  	s7 =	sld [smem:$0x3FB5]  }
0x2d: {  	s3 =	simm.s32 $0x108;
	s8 =	sld [smem:$0x3FB6]  }
0x2e: {  	s3 =	simm.s32 @!p0 $0x1082;
	s9 =	sld [smem:$0x3FB7]  }
0x2f: {  	lr =	sadd.s32 s0, s3;
	s0 =	sld [smem:$0x3FAE]  }
0x30: {  	s3 =	sld [smem:$0x3FB1]  }
0x31: {  	[smem:$0x3FBA] =	sst s10  }
0x32: {  	s10 =	sld [smem:$0x3FB8];
	_ =	sdelay $0x3  }
0x33: {  	p0 =	seq.s32 s10, $0x1;
	s10 =	sld [smem:$0x3FBA];
	_ =	sdelay $0x3  }
0x34: {  	[smem:$0x3FBA] =	sst s10  }
0x35: {  	s10 =	sld [smem:$0x3FB9];
	_ =	sdelay $0x3  }
0x36: {  	p1 =	seq.s32 s10, $0x1;
	s10 =	sld [smem:$0x3FBA];
	_ =	sdelay $0x3  }
0x37: {  	[smem:$0x3FBA] =	sst s10  }
0x38: {  	s10 =	sld [smem:$0x3FBB]  }
0x39: {  	_ = 	snop;
	(pc) =	sbr.ind lr, $3  }
0x3a: {  	_ = 	snop  }
0x3b: {  	_ = 	snop  }
0x3c: {  	p2 =	seq.s32 s10, $0x1;
	s10 =	sld [smem:$0x3FBA]  }
0x3d: {  	_ =	shalt  }
0x3e: {  	_ =	shalt  }
0x3f: {  	_ =	shalt  }
0x40: {  	_ =	shalt  }
0x41: {  	_ =	shalt  }
0x42: {  	_ =	shalt  }
0x43: {  	_ =	shalt  }
0x44: {  	_ =	shalt  }
0x45: {  	_ =	shalt  }
0x46: {  	_ =	shalt  }
0x47: {  	_ =	shalt  }
0x48: {  	_ =	shalt  }
0x49: {  	_ =	shalt  }
0x4a: {  	_ =	shalt  }
0x4b: {  	_ =	shalt  }
0x4c: {  	_ =	shalt  }
0x4d: {  	_ =	shalt  }
0x4e: {  	_ =	shalt  }
0x4f: {  	_ =	shalt  }
0x50: {  	_ =	shalt  }
0x51: {  	_ =	shalt  }
0x52: {  	_ =	shalt  }
0x53: {  	_ =	shalt  }
0x54: {  	_ =	shalt  }
0x55: {  	_ =	shalt  }
0x56: {  	_ =	shalt  }
0x57: {  	_ =	shalt  }
0x58: {  	_ =	shalt  }
0x59: {  	_ =	shalt  }
0x5a: {  	_ =	shalt  }
0x5b: {  	_ =	shalt  }
0x5c: {  	_ =	shalt  }
0x5d: {  	_ =	shalt  }
0x5e: {  	_ =	shalt  }
0x5f: {  	_ =	shalt  }
0x60: {  	_ =	shalt  }
0x61: {  	_ =	shalt  }
0x62: {  	_ =	shalt  }
0x63: {  	_ =	shalt  }
0x64: {  	_ =	shalt  }
0x65: {  	_ =	shalt  }
0x66: {  	_ =	shalt  }
0x67: {  	_ =	shalt  }
0x68: {  	_ =	shalt  }
0x69: {  	_ =	shalt  }
0x6a: {  	_ =	shalt  }
0x6b: {  	_ =	shalt  }
0x6c: {  	_ =	shalt  }
0x6d: {  	_ =	shalt  }
0x6e: {  	_ =	shalt  }
0x6f: {  	_ =	shalt  }
0x70: {  	_ =	shalt  }
0x71: {  	_ =	shalt  }
0x72: {  	_ =	shalt  }
0x73: {  	_ =	shalt  }
0x74: {  	_ =	shalt  }
0x75: {  	_ =	shalt  }
0x76: {  	_ =	shalt  }
0x77: {  	_ =	shalt  }
0x78: {  	_ =	shalt  }
0x79: {  	_ =	shalt  }
0x7a: {  	_ =	shalt  }
0x7b: {  	_ =	shalt  }
0x7c: {  	_ =	shalt  }
0x7d: {  	_ =	shalt  }
0x7e: {  	_ =	shalt  }
0x7f: {  	_ =	shalt  }
0x80: {  	_ =	shalt  }
0x81: {  	_ =	shalt  }
0x82: {  	_ =	shalt  }
0x83: {  	_ =	shalt  }
0x84: {  	_ =	shalt  }
0x85: {  	_ =	shalt  }
0x86: {  	_ =	shalt  }
0x87: {  	_ =	shalt  }
.Lfunc_end0:
.L_simem_size_0:
called_computation_lowered:
.L_overlay_start_0:
0x88: {  	s2 =	sld [smem:$0x3FD9]  }
0x89: {  	s3 =	sld [smem:$0x3FFE];
	_ =	sdelay $0x1  }
0x8a: {  	s1 =	srdreg.scid  }
0x8b: {  	s0 =	sand.u32 $0x1, s1  }
0x8c: {  	s17 =	sshll.u32 s0, $0xA;
	s2 =	sadd.s32 s3, s2  }
0x8d: {  	s2 =	sadd.s32 s2, s17  }
0x8e: {  	[smem:$0x3FC6] =	sst s2  }
0x8f: {  	_ = 	snop  }
0x90: {  	s2 =	sld [smem:$0x3FD0];
	(tm) =	ssettm $0x1  }
0x91: {  	s18 =	sld [smem:$0x3FFB];
	_ =	sdelay $0x3  }
0x92: {  	_ =	strace s18  }
0x93: {  	s3 =	sld [smem:$0x3FFC];
	_ =	sdelay $0x3  }
0x94: {  	_ =	strace s3  }
0x95: {  	s3 =	sld [smem:$0x3FFD];
	_ =	sdelay $0x3  }
0x96: {  	_ =	strace s3  }
0x97: {  	_ =	strace $0x8FFFFFFF  }
0x98: {  	s19 =	sld [smem:$0x3FDB];
	_ =	sdelay $0x1  }
0x99: {  	s4 =	simm.s32 $_scs_section_size  }
0x9a: {  	s5 =	simm.s32 $_size__tile_overlayer_lowered;
	s6 =	simm.s32 $_tile_overlayer_lowered  }
0x9b: {  	s22 =	simm.s32 $0x1BFF;
	s21 =	sshll.u32 s6, $0x1;
	s3 =	sadd.s32 s4, s19  }
0x9c: {  	s7 =	simm.s32 $0x0;
	s20 =	sshll.u32 s5, $0x1;
	s5 =	sadd.s32 s21, s3  }
0x9d: {  	[timem:s7], [sflag:s22] =	dma.local [hbm:s5], s20  }
0x9e: {  	_ =	swait.ge [sflag:s22], s20  }
0x9f: {  	s4 =	ssub.s32 $0x0, s20;
	[sflag:s22] =	ssyncset.done $0x0  }
0xa0: {  	[sflag:s22] =	ssyncadd.s32 s4;
	_ =	sdelay $0x1  }
0xa1: {  	s23 =	simm.s32 $0x1B8B  }
0xa2: {  	_ =	swait.ge [sflag:s23], $0x1  }
0xa3: {  	[sflag:s23] =	ssyncset.done $0x0  }
0xa4: {  	s25 =	simm.s32 $0x1B8E;
	s24 =	sld [smem:$0x3FFE];
	[sflag:s23] =	ssyncadd.s32 $0xFFFFFFFF  }
0xa5: {  	s26 =	simm.s32 $execute0_lowered;
	[smem:$0x3FD2] =	sst s25  }
0xa6: {  	s5 =	sshll.u32 s26, $0x1;
	_ =	strace $0x80000046;
	[dreg:$0x1] =	wrdreg $0xFFFFFFFF  }
0xa7: {  	s28 =	simm.s32 $_size_execute0_lowered;
	s3 =	sadd.s32 s3, s5;
	[dreg:$0x0] =	wrdreg $0x0  }
0xa8: {  	s5 =	sshll.u32 s28, $0x1;
	[dreg:$0x2] =	wrdreg s3  }
0xa9: {  	[dreg:$0x3] =	wrdreg s5  }
0xaa: {  	[dreg:$0x4] =	wrdreg $0xC0  }
0xab: {  	_ =	task [dreg:s7], $0x5FFFF  }
0xac: {  	[dreg:$0x1] =	wrdreg $0xFFFFFFFF  }
0xad: {  	[dreg:$0x0] =	wrdreg $0x60  }
0xae: {  	[dreg:$0x2] =	wrdreg s2  }
0xaf: {  	[dreg:$0x3] =	wrdreg s24  }
0xb0: {  	[dreg:$0x4] =	wrdreg $0x9  }
0xb1: {  	_ =	task.clear_ibuf [dreg:s7], $0x5FFFF;
	_ =	strace $0x90000046  }
0xb2: {  	s29 =	simm.s32 $0x9;
	_ =	strace $0x80000048  }
0xb3: {  	_ =	swait.ge [sflag:s29], $0x1  }
0xb4: {  	[sflag:s29] =	ssyncadd.s32 $0xFFFFFFFF  }
0xb5: {  	_ =	strace $0x90000048  }
0xb6: {  	_ =	sfence  }
0xb7: {  	s30 =	sld [smem:$0x0];
	_ =	sdelay $0x2  }
0xb8: {  	s31 =	sshll.u32 s1, $0xD;
	s1 =	sshrl.u32 s1, $0x2  }
0xb9: {  	s3 =	sand.u32 $0x4000, s31;
	s1 =	sadd.s32 s1, s30  }
0xba: {  	s0 =	sor.u32 s3, s0;
	s1 =	sshll.u32 s1, $0x11  }
0xbb: {  	s0 =	sor.u32 s1, s0  }
0xbc: {  	s0 =	sadd.s32 $0x8F2B, s0  }
0xbd: {  	[sflag:s0] =	ssyncadd.remote.s32 $0x1  }
0xbe: {  	_ =	sfence.sel $0xFFFF  }
0xbf: {  	[dreg:$0x0] =	wrdreg $0xFFFFFFFF;
	(pc) =	sbr.abs _section_cstart, $3  }
0xc0: {  	[dreg:$0x1] =	wrdreg $0xFFFFFFFF  }
0xc1: {  	_ =	task.clear_ibuf [dreg:s7], $0x2FFFF;
	_ =	strace $0x9FFFFFFF  }
0xc2: {  	(tm) =	ssettm $0x7FFFFFFF  }
0xc3: {  	_ =	shalt  }
tec
execute0_lowered:
.L_overlay_start_1:
0x0: {  	(tag) =	ssettag $0x1  }
0x1: {  	v0 =	vimm.s32 $0x14131211;
	v1 =	vimm.s32 $0x18171615  }
0x2: {  	vm0 =	vcmask $0x1F10;
	v2 =	vimm.s32 $0x1C1B1A19;
	v3 =	vimm.s32 $0x1F1E1D  }
0x3: {  	v4 =	vimm.s32 $0x15141312;
	v5 =	vimm.s32 $0x19181716;
	v6 =	vimm.s32 $0x1D1C1B1A  }
0x4: {  	v7 =	vimm.s32 $0x1001F1E;
	v8 =	vimm.s32 $0x138F;
	v9 =	vimm.s32 $0x1A191817  }
0x5: {  	v10 =	vimm.s32 $0x1E1D1C1B;
	v11 =	vimm.s32 $0x201001F;
	v12 =	vimm.s32 $0x3020100  }
0x6: {  	v13 =	vimm.s32 $0x1F1E1D1C;
	v14 =	vimm.s32 $0x17161514;
	v15 =	vimm.s32 $0x1B1A1918  }
0x7: {  	v16 =	vimm.s32 $0x4030201;
	vm11 =	vcmask $0x2F10;
	vm12 =	vcmask $0x3F30  }
0x8: {  	vm13 =	vcmask $0x300;
	v17 =	vimm.s32 $0x330F;
	v18 =	vimm.s32 $0x338F  }
0x9: {  	v19 =	vimm.s32 $0xF;
	v20 =	vimm.s32 $0x8F;
	v21 =	vimm.s32 $0x10F  }
0xa: {  	v22 =	vimm.s32 $0x18F;
	v23 =	vimm.s32 $0x20F;
	v24 =	vimm.s32 $0x28F  }
0xb: {  	v25 =	vimm.s32 $0x30F;
	v26 =	vimm.s32 $0x38F;
	v27 =	vimm.s32 $0x100F  }
0xc: {  	v28 =	vimm.s32 $0x108F;
	v29 =	vimm.s32 $0x110F;
	v30 =	vimm.s32 $0x118F  }
0xd: {  	v31 =	vimm.s32 $0x120F;
	v32 =	vimm.s32 $0x128F;
	v33 =	vimm.s32 $0x130F  }
0xe: {  	vm14 =	vcmask $0x704;
	vm15 =	vcmask $0xB08;
	vm4 =	vcmask $0xF0C  }
0xf: {  	vm5 =	vcmask $0x1310;
	vm6 =	vcmask $0x1714;
	vm7 =	vcmask $0x1B18  }
0x10: {  	vm8 =	vcmask $0x1F1C;
	vm9 =	vcmask $0x2320;
	vm10 =	vcmask $0x2724  }
0x11: {  	v0 =	vunpack.c.0.s8.s32 v0;
	v1 =	vunpack.c.0.s8.s32 v1;
	v2 =	vunpack.c.0.s8.s32 v2  }
0x12: {  	v3 =	vunpack.c.0.s8.s32 v3;
	v4 =	vunpack.c.0.s8.s32 v4;
	v5 =	vunpack.c.0.s8.s32 v5  }
0x13: {  	v6 =	vunpack.c.0.s8.s32 v6;
	v7 =	vunpack.c.0.s8.s32 v7;
	v9 =	vunpack.c.0.s8.s32 v9  }
0x14: {  	v10 =	vunpack.c.0.s8.s32 v10;
	v11 =	vunpack.c.0.s8.s32 v11;
	v12 =	vunpack.c.0.s8.s32 v12  }
0x15: {  	v13 =	vunpack.c.0.s8.s32 v13;
	v14 =	vunpack.c.0.s8.s32 v14;
	v15 =	vunpack.c.0.s8.s32 v15  }
0x16: {  	v16 =	vunpack.c.0.s8.s32 v16;
	v17 =	vsel vm13, $0x1380, v17;
	v18 =	vsel vm13, $0x2000, v18  }
0x17: {  	v19 =	vsel vm13, $0x2080, v19;
	v20 =	vsel vm13, $0x2100, v20;
	v21 =	vsel vm13, $0x2180, v21  }
0x18: {  	v22 =	vsel vm13, $0x2200, v22;
	v23 =	vsel vm13, $0x2280, v23;
	v24 =	vsel vm13, $0x2300, v24  }
0x19: {  	v25 =	vsel vm13, $0x2380, v25;
	v26 =	vsel vm13, $0x3000, v26;
	v27 =	vsel vm13, $0x3080, v27  }
0x1a: {  	v28 =	vsel vm13, $0x3100, v28;
	v29 =	vsel vm13, $0x3180, v29;
	v30 =	vsel vm13, $0x3200, v30  }
0x1b: {  	v31 =	vsel vm13, $0x3280, v31;
	v32 =	vsel vm13, $0x3300, v32;
	v33 =	vsel vm13, $0x3380, v33  }
0x1c: {  	v17 =	vsel vm14, $0x2001, v17;
	v18 =	vsel vm14, $0x2081, v18;
	v19 =	vsel vm14, $0x2101, v19  }
0x1d: {  	v20 =	vsel vm14, $0x2181, v20;
	v21 =	vsel vm14, $0x2201, v21;
	v22 =	vsel vm14, $0x2281, v22  }
0x1e: {  	v23 =	vsel vm14, $0x2301, v23;
	v24 =	vsel vm14, $0x2381, v24;
	v25 =	vsel vm14, $0x3001, v25  }
0x1f: {  	v26 =	vsel vm14, $0x3081, v26;
	v27 =	vsel vm14, $0x3101, v27;
	v28 =	vsel vm14, $0x3181, v28  }
0x20: {  	v29 =	vsel vm14, $0x3201, v29;
	v30 =	vsel vm14, $0x3281, v30;
	v31 =	vsel vm14, $0x3301, v31  }
0x21: {  	v32 =	vsel vm14, $0x3381, v32;
	v33 =	vsel vm14, $0x1, v33;
	v0 =	vsel vm0, v1, v0  }
0x22: {  	v62 =	vsel vm0, v3, v2;
	v17 =	vsel vm15, $0x2082, v17;
	v18 =	vsel vm15, $0x2102, v18  }
0x23: {  	v19 =	vsel vm15, $0x2182, v19;
	v20 =	vsel vm15, $0x2202, v20;
	v21 =	vsel vm15, $0x2282, v21  }
0x24: {  	v22 =	vsel vm15, $0x2302, v22;
	v23 =	vsel vm15, $0x2382, v23;
	v24 =	vsel vm15, $0x3002, v24  }
0x25: {  	v25 =	vsel vm15, $0x3082, v25;
	v26 =	vsel vm15, $0x3102, v26;
	v27 =	vsel vm15, $0x3182, v27  }
0x26: {  	v28 =	vsel vm15, $0x3202, v28;
	v29 =	vsel vm15, $0x3282, v29;
	v30 =	vsel vm15, $0x3302, v30  }
0x27: {  	v31 =	vsel vm15, $0x3382, v31;
	v32 =	vsel vm15, $0x2, v32;
	v33 =	vsel vm15, $0x82, v33  }
0x28: {  	[tilespmem:$0x1FBF0] =	vst v0;
	v0 =	vsel vm0, v5, v4;
	v4 =	vimm.s32 $0x16151413;
	v17 =	vsel vm4, $0x2103, v17  }
0x29: {  	v18 =	vsel vm4, $0x2183, v18;
	v19 =	vsel vm4, $0x2203, v19;
	v20 =	vsel vm4, $0x2283, v20  }
0x2a: {  	v21 =	vsel vm4, $0x2303, v21;
	v22 =	vsel vm4, $0x2383, v22;
	v23 =	vsel vm4, $0x3003, v23  }
0x2b: {  	v24 =	vsel vm4, $0x3083, v24;
	v25 =	vsel vm4, $0x3103, v25;
	v26 =	vsel vm4, $0x3183, v26  }
0x2c: {  	v27 =	vsel vm4, $0x3203, v27;
	v28 =	vsel vm4, $0x3283, v28;
	v29 =	vsel vm4, $0x3303, v29  }
0x2d: {  	v30 =	vsel vm4, $0x3383, v30;
	v31 =	vsel vm4, $0x3, v31;
	v32 =	vsel vm4, $0x83, v32  }
0x2e: {  	v33 =	vsel vm4, $0x103, v33;
	[tilespmem:$0x1FC00] =	vst v0;
	v0 =	vsel vm0, v7, v6;
	v4 =	vunpack.c.0.s8.s32 v4  }
0x2f: {  	v17 =	vsel vm5, $0x2184, v17;
	v18 =	vsel vm5, $0x2204, v18;
	v19 =	vsel vm5, $0x2284, v19  }
0x30: {  	v20 =	vsel vm5, $0x2304, v20;
	v21 =	vsel vm5, $0x2384, v21;
	v22 =	vsel vm5, $0x3004, v22  }
0x31: {  	v23 =	vsel vm5, $0x3084, v23;
	v24 =	vsel vm5, $0x3104, v24;
	v25 =	vsel vm5, $0x3184, v25  }
0x32: {  	v26 =	vsel vm5, $0x3204, v26;
	v27 =	vsel vm5, $0x3284, v27;
	v28 =	vsel vm5, $0x3304, v28  }
0x33: {  	v29 =	vsel vm5, $0x3384, v29;
	v30 =	vsel vm5, $0x4, v30;
	v31 =	vsel vm5, $0x84, v31  }
0x34: {  	v32 =	vsel vm5, $0x104, v32;
	v33 =	vsel vm5, $0x184, v33;
	v17 =	vsel vm6, $0x2205, v17  }
0x35: {  	v18 =	vsel vm6, $0x2285, v18;
	v19 =	vsel vm6, $0x2305, v19;
	v20 =	vsel vm6, $0x2385, v20  }
0x36: {  	v21 =	vsel vm6, $0x3005, v21;
	v22 =	vsel vm6, $0x3085, v22;
	v23 =	vsel vm6, $0x3105, v23  }
0x37: {  	v24 =	vsel vm6, $0x3185, v24;
	v25 =	vsel vm6, $0x3205, v25;
	v26 =	vsel vm6, $0x3285, v26  }
0x38: {  	v27 =	vsel vm6, $0x3305, v27;
	v28 =	vsel vm6, $0x3385, v28;
	v29 =	vsel vm6, $0x5, v29  }
0x39: {  	v30 =	vsel vm6, $0x85, v30;
	v31 =	vsel vm6, $0x105, v31;
	v32 =	vsel vm6, $0x185, v32  }
0x3a: {  	[tilespmem:$0x1FC10] =	vst v0;
	v33 =	vsel vm6, $0x205, v33;
	v0 =	vsel vm0, v9, v4;
	v4 =	vimm.s32 $0x5040302  }
0x3b: {  	v17 =	vsel vm7, $0x2286, v17;
	v18 =	vsel vm7, $0x2306, v18;
	v19 =	vsel vm7, $0x2386, v19  }
0x3c: {  	v20 =	vsel vm7, $0x3006, v20;
	v21 =	vsel vm7, $0x3086, v21;
	v22 =	vsel vm7, $0x3106, v22  }
0x3d: {  	v23 =	vsel vm7, $0x3186, v23;
	v24 =	vsel vm7, $0x3206, v24;
	v25 =	vsel vm7, $0x3286, v25  }
0x3e: {  	v26 =	vsel vm7, $0x3306, v26;
	v27 =	vsel vm7, $0x3386, v27;
	v28 =	vsel vm7, $0x6, v28  }
0x3f: {  	v29 =	vsel vm7, $0x86, v29;
	v30 =	vsel vm7, $0x106, v30;
	v31 =	vsel vm7, $0x186, v31  }
0x40: {  	v32 =	vsel vm7, $0x206, v32;
	v33 =	vsel vm7, $0x286, v33;
	[tilespmem:$0x1FC30] =	vst v0;
	v0 =	vsel vm0, v11, v10  }
0x41: {  	v4 =	vunpack.c.0.s8.s32 v4;
	v17 =	vsel vm8, $0x2307, v17;
	v18 =	vsel vm8, $0x2387, v18  }
0x42: {  	v19 =	vsel vm8, $0x3007, v19;
	v20 =	vsel vm8, $0x3087, v20;
	v21 =	vsel vm8, $0x3107, v21  }
0x43: {  	v22 =	vsel vm8, $0x3187, v22;
	v23 =	vsel vm8, $0x3207, v23;
	v24 =	vsel vm8, $0x3287, v24  }
0x44: {  	v25 =	vsel vm8, $0x3307, v25;
	v26 =	vsel vm8, $0x3387, v26;
	v27 =	vsel vm8, $0x7, v27  }
0x45: {  	v28 =	vsel vm8, $0x87, v28;
	v29 =	vsel vm8, $0x107, v29;
	v30 =	vsel vm8, $0x187, v30  }
0x46: {  	v31 =	vsel vm8, $0x207, v31;
	v32 =	vsel vm8, $0x287, v32;
	v33 =	vsel vm8, $0x307, v33  }
0x47: {  	[tilespmem:$0x1FC20] =	vst v0;
	v0 =	vsel vm0, v12, v13;
	v12 =	vimm.s32 $0x6050403;
	v17 =	vsel vm9, $0x2388, v17  }
0x48: {  	v18 =	vsel vm9, $0x3008, v18;
	v19 =	vsel vm9, $0x3088, v19;
	v20 =	vsel vm9, $0x3108, v20  }
0x49: {  	v21 =	vsel vm9, $0x3188, v21;
	v22 =	vsel vm9, $0x3208, v22;
	v23 =	vsel vm9, $0x3288, v23  }
0x4a: {  	v24 =	vsel vm9, $0x3308, v24;
	v25 =	vsel vm9, $0x3388, v25;
	v26 =	vsel vm9, $0x8, v26  }
0x4b: {  	v27 =	vsel vm9, $0x88, v27;
	v28 =	vsel vm9, $0x108, v28;
	v29 =	vsel vm9, $0x188, v29  }
0x4c: {  	v30 =	vsel vm9, $0x208, v30;
	v31 =	vsel vm9, $0x288, v31;
	v32 =	vsel vm9, $0x308, v32  }
0x4d: {  	v33 =	vsel vm9, $0x388, v33;
	[tilespmem:$0x1FB60] =	vst v0;
	v0 =	vsel vm0, v15, v14;
	v14 =	vimm.s32 $0x32107654  }
0x4e: {  	v17 =	vsel vm10, $0x3009, v17;
	v18 =	vsel vm10, $0x3089, v18;
	v19 =	vsel vm10, $0x3109, v19  }
0x4f: {  	v20 =	vsel vm10, $0x3189, v20;
	v21 =	vsel vm10, $0x3209, v21;
	v22 =	vsel vm10, $0x3289, v22  }
0x50: {  	v23 =	vsel vm10, $0x3309, v23;
	v24 =	vsel vm10, $0x3389, v24;
	v25 =	vsel vm10, $0x9, v25  }
0x51: {  	v26 =	vsel vm10, $0x89, v26;
	v27 =	vsel vm10, $0x109, v27;
	v28 =	vsel vm10, $0x189, v28  }
0x52: {  	v29 =	vsel vm10, $0x209, v29;
	v30 =	vsel vm10, $0x289, v30;
	v31 =	vsel vm10, $0x309, v31  }
0x53: {  	v32 =	vsel vm10, $0x389, v32;
	v33 =	vsel vm10, $0x1009, v33;
	[tilespmem:$0x1FB70] =	vst v0;
	v0 =	vsel vm0, v16, v3  }
0x54: {  	v16 =	vimm.s32 $0x328F;
	[tilespmem:$0x1FB80] =	vst v0;
	v0 =	vsel vm0, v2, v1;
	v1 =	vunpack.c.0.s8.s32 v12  }
0x55: {  	v2 =	vunpack.c.l.s4.s8 v14;
	v12 =	vimm.s32 $0x308F;
	v14 =	vimm.s32 $0x318F  }
0x56: {  	v16 =	vsel vm13, $0x1300, v16;
	[tilespmem:$0x1FB90] =	vst v0;
	v0 =	vsel vm0, v4, v7;
	v4 =	vimm.s32 $0x43218765  }
0x57: {  	v12 =	vsel vm13, $0x1100, v12;
	v14 =	vsel vm13, $0x1200, v14;
	v16 =	vsel vm14, $0x1381, v16  }
0x58: {  	[tilespmem:$0x1FBA0] =	vst v0;
	v0 =	vsel vm0, v6, v5;
	v5 =	vimm.s32 $0xB0A0908;
	v6 =	vimm.s32 $0x6543A987  }
0x59: {  	v12 =	vsel vm14, $0x1181, v12;
	v14 =	vsel vm14, $0x1281, v14;
	v16 =	vsel vm15, $0x2002, v16  }
0x5a: {  	[tilespmem:$0x1FBB0] =	vst v0;
	v0 =	vsel vm0, v1, v11;
	v1 =	vunpack.c.0.s8.s32 v2;
	v2 =	vunpack.c.l.s4.s8 v4  }
0x5b: {  	v4 =	vimm.s32 $0x54329876;
	v6 =	vunpack.c.l.s4.s8 v6;
	v5 =	vunpack.c.0.s8.s32 v5  }
0x5c: {  	v12 =	vsel vm15, $0x1202, v12;
	v14 =	vsel vm15, $0x1302, v14;
	v16 =	vsel vm4, $0x2083, v16  }
0x5d: {  	[tilespmem:$0x1FBC0] =	vst v0;
	v0 =	vsel vm0, v10, v9;
	v4 =	vunpack.c.l.s4.s8 v4;
	v9 =	vimm.s32 $0xE0D0C0B  }
0x5e: {  	v10 =	vimm.s32 $0x238F;
	v12 =	vsel vm4, $0x1283, v12;
	v14 =	vsel vm4, $0x1383, v14  }
0x5f: {  	v16 =	vsel vm5, $0x2104, v16;
	[tilespmem:$0x1FBD0] =	vst v0;
	v0 =	vsel vm0, v13, v15;
	v1 =	vand.u32 $0xF, v1  }
0x60: {  	v2 =	vunpack.c.0.s8.s32 v2;
	v6 =	vunpack.c.0.s8.s32 v6;
	v9 =	vunpack.c.0.s8.s32 v9  }
0x61: {  	v10 =	vsel vm13, $0x1000, v10;
	v15 =	vimm.s32 $0x320F;
	v12 =	vsel vm5, $0x1304, v12  }
0x62: {  	v14 =	vsel vm5, $0x2004, v14;
	v16 =	vsel vm6, $0x2185, v16;
	v4 =	vunpack.c.0.s8.s32 v4  }
0x63: {  	v1 =	vsel vm11, v1, v13;
	v13 =	vimm.s32 $0x310F;
	v15 =	vsel vm13, $0x1280, v15  }
0x64: {  	v10 =	vsel vm14, $0x1081, v10;
	v12 =	vsel vm6, $0x1385, v12;
	v14 =	vsel vm6, $0x2085, v14  }
0x65: {  	v16 =	vsel vm7, $0x2206, v16;
	v2 =	vand.u32 $0xF, v2;
	v6 =	vand.u32 $0xF, v6  }
0x66: {  	[tilespmem:$0x1FBE0] =	vst v0;
	v0 =	vsel vm12, v5, v1;
	v1 =	vimm.s32 $0x200F;
	v5 =	vimm.s32 $0x210F  }
0x67: {  	v13 =	vsel vm13, $0x1180, v13;
	v15 =	vsel vm14, $0x1301, v15;
	v10 =	vsel vm15, $0x1102, v10  }
0x68: {  	v12 =	vsel vm7, $0x2006, v12;
	v14 =	vsel vm7, $0x2106, v14;
	v16 =	vsel vm8, $0x2287, v16  }
0x69: {  	v2 =	vsel vm11, v2, v3;
	v3 =	vimm.s32 $0xC0B0A09;
	v4 =	vand.u32 $0xF, v4  }
0x6a: {  	v6 =	vsel vm11, v6, v11;
	v1 =	vsel vm13, $0x80, v1;
	v5 =	vsel vm13, $0x180, v5  }
0x6b: {  	v11 =	vimm.s32 $0x300F;
	v13 =	vsel vm14, $0x1201, v13;
	v15 =	vsel vm15, $0x1382, v15  }
0x6c: {  	v10 =	vsel vm4, $0x1183, v10;
	v12 =	vsel vm8, $0x2087, v12;
	v14 =	vsel vm8, $0x2187, v14  }
0x6d: {  	v16 =	vsel vm9, $0x2308, v16;
	v3 =	vunpack.c.0.s8.s32 v3;
	v4 =	vsel vm11, v4, v7  }
0x6e: {  	v7 =	vimm.s32 $0xD0C0B0A;
	v11 =	vsel vm13, $0x1080, v11;
	v1 =	vsel vm14, $0x101, v1  }
0x6f: {  	v5 =	vsel vm14, $0x201, v5;
	v13 =	vsel vm15, $0x1282, v13;
	v15 =	vsel vm4, $0x2003, v15  }
0x70: {  	v10 =	vsel vm5, $0x1204, v10;
	v12 =	vsel vm9, $0x2108, v12;
	v14 =	vsel vm9, $0x2208, v14  }
0x71: {  	v16 =	vsel vm10, $0x2389, v16;
	vm11 =	vcmask $0x2B28;
	v7 =	vunpack.c.0.s8.s32 v7  }
0x72: {  	v11 =	vsel vm14, $0x1101, v11;
	v1 =	vsel vm15, $0x182, v1;
	v5 =	vsel vm15, $0x282, v5  }
0x73: {  	v13 =	vsel vm4, $0x1303, v13;
	v15 =	vsel vm5, $0x2084, v15;
	v10 =	vsel vm6, $0x1285, v10  }
0x74: {  	v12 =	vsel vm10, $0x2189, v12;
	v14 =	vsel vm10, $0x2289, v14;
	v16 =	vsel vm11, $0x300A, v16  }
0x75: {  	v17 =	vsel vm11, $0x308A, v17;
	v18 =	vsel vm11, $0x310A, v18;
	v19 =	vsel vm11, $0x318A, v19  }
0x76: {  	v20 =	vsel vm11, $0x320A, v20;
	v21 =	vsel vm11, $0x328A, v21;
	v22 =	vsel vm11, $0x330A, v22  }
0x77: {  	v23 =	vsel vm11, $0x338A, v23;
	v24 =	vsel vm11, $0xA, v24;
	v25 =	vsel vm11, $0x8A, v25  }
0x78: {  	v26 =	vsel vm11, $0x10A, v26;
	v27 =	vsel vm11, $0x18A, v27;
	v28 =	vsel vm11, $0x20A, v28  }
0x79: {  	v29 =	vsel vm11, $0x28A, v29;
	v30 =	vsel vm11, $0x30A, v30;
	v31 =	vsel vm11, $0x38A, v31  }
0x7a: {  	[tilespmem:$0x1FB20] =	vst v0;
	v32 =	vsel vm11, $0x100A, v32;
	v33 =	vsel vm11, $0x108A, v33;
	v0 =	vsel vm12, v3, v2  }
0x7b: {  	v2 =	vsel vm13, $0x0, v8;
	v3 =	vimm.s32 $0x208F;
	v8 =	vimm.s32 $0x228F  }
0x7c: {  	v11 =	vsel vm15, $0x1182, v11;
	v1 =	vsel vm4, $0x203, v1;
	v5 =	vsel vm4, $0x303, v5  }
0x7d: {  	v13 =	vsel vm5, $0x1384, v13;
	v15 =	vsel vm6, $0x2105, v15;
	v10 =	vsel vm7, $0x1306, v10  }
0x7e: {  	v12 =	vsel vm11, $0x220A, v12;
	v14 =	vsel vm11, $0x230A, v14;
	[tilespmem:$0x1FB30] =	vst v0;
	v0 =	vsel vm12, v7, v4  }
0x7f: {  	v3 =	vsel vm13, $0x100, v3;
	v7 =	vimm.s32 $0x220F;
	v8 =	vsel vm13, $0x300, v8  }
0x80: {  	v2 =	vsel vm14, $0x81, v2;
	v11 =	vsel vm4, $0x1203, v11;
	v1 =	vsel vm5, $0x284, v1  }
0x81: {  	v5 =	vsel vm5, $0x384, v5;
	v13 =	vsel vm6, $0x2005, v13;
	v15 =	vsel vm7, $0x2186, v15  }
0x82: {  	v10 =	vsel vm8, $0x1387, v10;
	[tilespmem:$0x1FB40] =	vst v0;
	v0 =	vsel vm12, v9, v6;
	v6 =	vimm.s32 $0x218F  }
0x83: {  	v7 =	vsel vm13, $0x280, v7;
	v9 =	vimm.s32 $0x230F;
	v3 =	vsel vm14, $0x181, v3  }
0x84: {  	v8 =	vsel vm14, $0x381, v8;
	v2 =	vsel vm15, $0x102, v2;
	v11 =	vsel vm5, $0x1284, v11  }
0x85: {  	v1 =	vsel vm6, $0x305, v1;
	v5 =	vsel vm6, $0x1005, v5;
	v13 =	vsel vm7, $0x2086, v13  }
0x86: {  	v15 =	vsel vm8, $0x2207, v15;
	v10 =	vsel vm9, $0x2008, v10;
	vm12 =	vcmask $0x2F2C  }
0x87: {  	v6 =	vsel vm13, $0x200, v6;
	v9 =	vsel vm13, $0x380, v9;
	v7 =	vsel vm14, $0x301, v7  }
0x88: {  	v3 =	vsel vm15, $0x202, v3;
	v8 =	vsel vm15, $0x1002, v8;
	v2 =	vsel vm4, $0x183, v2  }
0x89: {  	v11 =	vsel vm6, $0x1305, v11;
	v1 =	vsel vm7, $0x386, v1;
	v5 =	vsel vm7, $0x1086, v5  }
0x8a: {  	v13 =	vsel vm8, $0x2107, v13;
	v15 =	vsel vm9, $0x2288, v15;
	v10 =	vsel vm10, $0x2089, v10  }
0x8b: {  	v12 =	vsel vm12, $0x228B, v12;
	v14 =	vsel vm12, $0x238B, v14;
	v16 =	vsel vm12, $0x308B, v16  }
0x8c: {  	v17 =	vsel vm12, $0x310B, v17;
	v18 =	vsel vm12, $0x318B, v18;
	v19 =	vsel vm12, $0x320B, v19  }
0x8d: {  	v20 =	vsel vm12, $0x328B, v20;
	v21 =	vsel vm12, $0x330B, v21;
	v22 =	vsel vm12, $0x338B, v22  }
0x8e: {  	v23 =	vsel vm12, $0xB, v23;
	v24 =	vsel vm12, $0x8B, v24;
	v25 =	vsel vm12, $0x10B, v25  }
0x8f: {  	v26 =	vsel vm12, $0x18B, v26;
	v27 =	vsel vm12, $0x20B, v27;
	v28 =	vsel vm12, $0x28B, v28  }
0x90: {  	v29 =	vsel vm12, $0x30B, v29;
	v30 =	vsel vm12, $0x38B, v30;
	v31 =	vsel vm12, $0x100B, v31  }
0x91: {  	v32 =	vsel vm12, $0x108B, v32;
	v33 =	vsel vm12, $0x110B, v33;
	vm13 =	vcmask $0x3330  }
0x92: {  	v6 =	vsel vm14, $0x281, v6;
	v9 =	vsel vm14, $0x1001, v9;
	v7 =	vsel vm15, $0x382, v7  }
0x93: {  	v3 =	vsel vm4, $0x283, v3;
	v8 =	vsel vm4, $0x1083, v8;
	v2 =	vsel vm5, $0x204, v2  }
0x94: {  	v11 =	vsel vm7, $0x1386, v11;
	v1 =	vsel vm8, $0x1007, v1;
	v5 =	vsel vm8, $0x1107, v5  }
0x95: {  	v13 =	vsel vm9, $0x2188, v13;
	v15 =	vsel vm10, $0x2309, v15;
	v10 =	vsel vm11, $0x210A, v10  }
0x96: {  	v12 =	vsel vm13, $0x230C, v12;
	v14 =	vsel vm13, $0x300C, v14;
	v16 =	vsel vm13, $0x310C, v16  }
0x97: {  	v17 =	vsel vm13, $0x318C, v17;
	v18 =	vsel vm13, $0x320C, v18;
	v19 =	vsel vm13, $0x328C, v19  }
0x98: {  	v20 =	vsel vm13, $0x330C, v20;
	v21 =	vsel vm13, $0x338C, v21;
	v22 =	vsel vm13, $0xC, v22  }
0x99: {  	v23 =	vsel vm13, $0x8C, v23;
	v24 =	vsel vm13, $0x10C, v24;
	v25 =	vsel vm13, $0x18C, v25  }
0x9a: {  	v26 =	vsel vm13, $0x20C, v26;
	v27 =	vsel vm13, $0x28C, v27;
	v28 =	vsel vm13, $0x30C, v28  }
0x9b: {  	v29 =	vsel vm13, $0x38C, v29;
	v30 =	vsel vm13, $0x100C, v30;
	v32 =	vsel vm13, $0x110C, v32  }
0x9c: {  	v33 =	vsel vm13, $0x118C, v33;
	vm14 =	vcmask $0x3734;
	v6 =	vsel vm15, $0x302, v6  }
0x9d: {  	v9 =	vsel vm15, $0x1082, v9;
	v7 =	vsel vm4, $0x1003, v7;
	v3 =	vsel vm5, $0x304, v3  }
0x9e: {  	v8 =	vsel vm5, $0x1104, v8;
	v2 =	vsel vm6, $0x285, v2;
	v11 =	vsel vm8, $0x2007, v11  }
0x9f: {  	v1 =	vsel vm9, $0x1088, v1;
	v5 =	vsel vm9, $0x1188, v5;
	v13 =	vsel vm10, $0x2209, v13  }
0xa0: {  	v15 =	vsel vm11, $0x238A, v15;
	v10 =	vsel vm12, $0x218B, v10;
	v41 =	vsel vm14, $0x238D, v12  }
0xa1: {  	v43 =	vsel vm14, $0x308D, v14;
	v46 =	vsel vm14, $0x320D, v17;
	v47 =	vsel vm14, $0x328D, v18  }
0xa2: {  	[tilespmem:$0x1FB50] =	vst v0;
	v60 =	vsel vm14, $0x330D, v19;
	v63 =	vsel vm14, $0x338D, v20;
	v0 =	vsel vm14, $0xD, v21  }
0xa3: {  	v48 =	vsel vm14, $0x8D, v22;
	v50 =	vsel vm14, $0x18D, v24;
	v51 =	vsel vm14, $0x20D, v25  }
0xa4: {  	v52 =	vsel vm14, $0x28D, v26;
	v53 =	vsel vm14, $0x30D, v27;
	v4 =	vsel vm14, $0x38D, v28  }
0xa5: {  	v59 =	vsel vm14, $0x120D, v33;
	vm15 =	vcmask $0x3B38;
	v6 =	vsel vm4, $0x383, v6  }
0xa6: {  	v9 =	vsel vm4, $0x1103, v9;
	v7 =	vsel vm5, $0x1084, v7;
	v3 =	vsel vm6, $0x385, v3  }
0xa7: {  	v8 =	vsel vm6, $0x1185, v8;
	v2 =	vsel vm7, $0x306, v2;
	v11 =	vsel vm9, $0x2088, v11  }
0xa8: {  	v1 =	vsel vm10, $0x1109, v1;
	v5 =	vsel vm10, $0x1209, v5;
	v13 =	vsel vm11, $0x228A, v13  }
0xa9: {  	v10 =	vsel vm13, $0x220C, v10;
	v19 =	vsel vm15, $0x300E, v41;
	v21 =	vsel vm15, $0x310E, v43  }
0xaa: {  	v24 =	vsel vm15, $0x328E, v46;
	v25 =	vsel vm15, $0x330E, v47;
	v26 =	vsel vm15, $0x338E, v60  }
0xab: {  	v28 =	vsel vm15, $0x8E, v0;
	v47 =	vsel vm15, $0x10E, v48;
	v60 =	vsel vm15, $0x28E, v51  }
0xac: {  	v33 =	vsel vm15, $0x30E, v52;
	v0 =	vlaneseq.u32;
	v6 =	vsel vm5, $0x1004, v6  }
0xad: {  	v9 =	vsel vm5, $0x1184, v9;
	v2 =	vsel vm8, $0x387, v2;
	v11 =	vsel vm10, $0x2109, v11  }
0xae: {  	v1 =	vsel vm11, $0x118A, v1;
	v13 =	vsel vm12, $0x230B, v13;
	v39 =	vsel vm14, $0x228D, v10  }
0xaf: {  	s0 =	rddreg [dreg:$0x0];
	s3 =	simm.s32 $0x0;
	v41 =	vmul.u32 $0x20, v0;
	v43 =	vadd.s32 $0x2, v0;
	v10 =	vadd.s32 $0x3, v0  }
0xb0: {  	[smem:$0x7FF] =	sst s3;
	v46 =	vadd.s32 $0x5, v0;
	v48 =	vadd.s32 $0x7, v0;
	v51 =	vadd.s32 $0xA, v0  }
0xb1: {  	s1 =	rddreg [dreg:$0x1];
	_ =	strace $0x80000047;
	[tilespmem:$0x1FD00] =	vst v19;
	v6 =	vsel vm6, $0x1085, v6;
	v9 =	vsel vm6, $0x1205, v9;
	v2 =	vsel vm9, $0x1008, v2  }
0xb2: {  	[tilespmem:$0x1FD20] =	vst v21;
	v11 =	vsel vm11, $0x218A, v11;
	v1 =	vsel vm12, $0x120B, v1;
	v13 =	vsel vm13, $0x238C, v13  }
0xb3: {  	[tilespmem:$0x1FD50] =	vst v24;
	v6 =	vsel vm7, $0x1106, v6;
	v9 =	vsel vm7, $0x1286, v9;
	v2 =	vsel vm10, $0x1089, v2  }
0xb4: {  	[tilespmem:$0x1FD60] =	vst v25;
	v11 =	vsel vm12, $0x220B, v11;
	v1 =	vsel vm13, $0x128C, v1;
	v42 =	vsel vm14, $0x300D, v13  }
0xb5: {  	[tilespmem:$0x1FD70] =	vst v26;
	v13 =	vadd.s32 $0x8, v0;
	v6 =	vsel vm8, $0x1187, v6;
	v9 =	vsel vm8, $0x1307, v9  }
0xb6: {  	[tilespmem:$0x1FD90] =	vst v28;
	v2 =	vsel vm11, $0x110A, v2;
	v11 =	vsel vm13, $0x228C, v11;
	v1 =	vsel vm14, $0x130D, v1  }
0xb7: {  	[tilespmem:$0x1FDA0] =	vst v47;
	v20 =	vsel vm15, $0x308E, v42;
	v6 =	vsel vm9, $0x1208, v6;
	v9 =	vsel vm9, $0x1388, v9  }
0xb8: {  	[tilespmem:$0x1FDD0] =	vst v60;
	v42 =	vsel vm15, $0x20E, v50;
	v6 =	vsel vm10, $0x1289, v6;
	v9 =	vsel vm10, $0x2009, v9  }
0xb9: {  	[tilespmem:$0x1FDE0] =	vst v33;
	v50 =	vadd.s32 $0x9, v0;
	v6 =	vsel vm11, $0x130A, v6;
	v9 =	vsel vm11, $0x208A, v9  }
0xba: {  	[tilespmem:$0x1FE80] =	vst v43;
	v40 =	vsel vm14, $0x230D, v11;
	v6 =	vsel vm12, $0x138B, v6;
	v9 =	vsel vm12, $0x210B, v9  }
0xbb: {  	[tilespmem:$0x1FE90] =	vst v10;
	v44 =	vsel vm15, $0x138E, v1;
	v6 =	vsel vm13, $0x200C, v6;
	v9 =	vsel vm13, $0x218C, v9  }
0xbc: {  	[tilespmem:$0x1FEB0] =	vst v46;
	v11 =	vadd.s32 $0x6, v0;
	v1 =	vld [tilespmem:$0x1FB70];
	v35 =	vsel vm14, $0x208D, v6;
	v38 =	vsel vm14, $0x220D, v9  }
0xbd: {  	[tilespmem:$0x1FED0] =	vst v48;
	v6 =	vsel vm14, $0x10D, v23;
	v23 =	vadd.s32 $0x1, v0;
	v9 =	vadd.s32 $0x4, v0;
	v0 =	vld [tilespmem:$0x1FB60]  }
0xbe: {  	v3 =	vsel vm7, $0x1006, v3;
	v17 =	vsel vm15, $0x230E, v39;
	[tilespmem:$0x1FF00] =	vst v51;
	v2 =	vsel vm12, $0x118B, v2  }
0xbf: {  	v7 =	vsel vm6, $0x1105, v7;
	v3 =	vsel vm8, $0x1087, v3;
	[tilespmem:$0x1FCE0] =	vst v17;
	v2 =	vsel vm13, $0x120C, v2  }
0xc0: {  	v8 =	vsel vm7, $0x1206, v8;
	v3 =	vsel vm9, $0x1108, v3;
	[tilespmem:$0x1FE60] =	vst v41;
	v2 =	vsel vm14, $0x128D, v2  }
0xc1: {  	v5 =	vsel vm11, $0x128A, v5;
	v3 =	vsel vm10, $0x1189, v3;
	[tilespmem:$0x1FEE0] =	vst v13;
	v45 =	vsel vm15, $0x130E, v2;
	v2 =	vld [tilespmem:$0x1FB90]  }
0xc2: {  	v5 =	vsel vm12, $0x130B, v5;
	v3 =	vsel vm11, $0x120A, v3;
	[tilespmem:$0x1FD10] =	vst v20;
	v52 =	vcombine.low v1, v0;
	v1 =	vld [tilespmem:$0x1FB80]  }
0xc3: {  	v8 =	vsel vm8, $0x1287, v8;
	v5 =	vsel vm13, $0x138C, v5;
	[tilespmem:$0x1FDC0] =	vst v42;
	v3 =	vsel vm12, $0x128B, v3  }
0xc4: {  	v8 =	vsel vm9, $0x1308, v8;
	v34 =	vsel vm14, $0x200D, v5;
	[tilespmem:$0x1FEF0] =	vst v50;
	v3 =	vsel vm13, $0x130C, v3  }
0xc5: {  	v5 =	vsel vm14, $0x118D, v32;
	v12 =	vsel vm15, $0x208E, v34;
	[tilespmem:$0x1FC70] =	vst v44;
	v3 =	vsel vm14, $0x138D, v3  }
0xc6: {  	v8 =	vsel vm10, $0x1389, v8;
	v39 =	vsel vm15, $0x120E, v5;
	[tilespmem:$0x1FC90] =	vst v12;
	v49 =	vsel vm15, $0x200E, v3;
	v3 =	vld [tilespmem:$0x1FBB0]  }
0xc7: {  	v8 =	vsel vm11, $0x200A, v8;
	v34 =	vsel vm15, $0x128E, v59;
	[tilespmem:$0x1FE40] =	vst v39;
	v27 =	vcombine.low v2, v1;
	v2 =	vld [tilespmem:$0x1FBA0]  }
0xc8: {  	v15 =	vsel vm12, $0x300B, v15;
	v7 =	vsel vm7, $0x1186, v7;
	v8 =	vsel vm12, $0x208B, v8;
	[tilespmem:$0x1FE50] =	vst v34  }
0xc9: {  	v7 =	vsel vm8, $0x1207, v7;
	v18 =	vsel vm15, $0x238E, v40;
	[tilespmem:$0x1FEC0] =	vst v11;
	v8 =	vsel vm13, $0x210C, v8  }
0xca: {  	v15 =	vsel vm13, $0x308C, v15;
	v7 =	vsel vm9, $0x1288, v7;
	[tilespmem:$0x1FCF0] =	vst v18;
	v37 =	vsel vm14, $0x218D, v8  }
0xcb: {  	v7 =	vsel vm10, $0x1309, v7;
	v5 =	vld [tilespmem:$0x1FBD0];
	v8 =	vsel vm14, $0x310D, v15;
	v15 =	vsel vm15, $0x220E, v37;
	[tilespmem:$0x1FC60] =	vst v45  }
0xcc: {  	[tilespmem:$0x1FC80] =	vst v49;
	v54 =	vsel vm15, $0x210E, v35;
	v35 =	vsel vm15, $0x38E, v53;
	v53 =	vcombine.low v3, v2;
	v3 =	vld [tilespmem:$0x1FBC0]  }
0xcd: {  	v31 =	vsel vm13, $0x108C, v31;
	v7 =	vsel vm11, $0x138A, v7;
	v22 =	vsel vm15, $0x318E, v8;
	[tilespmem:$0x1FCC0] =	vst v15  }
0xce: {  	v56 =	vsel vm14, $0x108D, v30;
	v7 =	vsel vm12, $0x200B, v7;
	v8 =	vsel vm15, $0x100E, v4;
	[tilespmem:$0x1FD30] =	vst v22  }
0xcf: {  	v57 =	vsel vm14, $0x110D, v31;
	v7 =	vsel vm13, $0x208C, v7;
	v37 =	vsel vm15, $0x110E, v56;
	[tilespmem:$0x1FE00] =	vst v8  }
0xd0: {  	v36 =	vsel vm14, $0x210D, v7;
	v7 =	vsel vm14, $0x318D, v16;
	v4 =	vsel vm15, $0x118E, v57;
	[tilespmem:$0x1FE20] =	vst v37  }
0xd1: {  	v14 =	vsel vm15, $0x218E, v36;
	[tilespmem:$0x1FE30] =	vst v4;
	v0 =	vimm.s32 $0x76543210;
	v56 =	vcombine.low v5, v3;
	v5 =	vld [tilespmem:$0x1FBE0]  }
0xd2: {  	v55 =	vsel vm14, $0x100D, v29;
	v61 =	vsel vm15, $0x320E, v7;
	[tilespmem:$0x1FCB0] =	vst v14;
	v0 =	vunpack.c.l.s4.s8 v0  }
0xd3: {  	v36 =	vsel vm15, $0x108E, v55;
	[tilespmem:$0x1FD40] =	vst v61;
	v2 =	vimm.s32 $0x98765432  }
0xd4: {  	[tilespmem:$0x1FE10] =	vst v36;
	v0 =	vunpack.c.0.s8.s32 v0;
	v1 =	vimm.s32 $0x87654321;
	v2 =	vunpack.c.l.s4.s8 v2  }
0xd5: {  	[tilespmem:$0x1FE70] =	vst v23;
	v1 =	vunpack.c.l.s4.s8 v1;
	v3 =	vimm.s32 $0xA9876543  }
0xd6: {  	[tilespmem:$0x1FEA0] =	vst v9;
	v57 =	vcombine.low v5, v0;
	v0 =	vunpack.c.0.s8.s32 v2;
	v2 =	vunpack.c.l.s4.s8 v3;
	v3 =	vld [tilespmem:$0x1FBF0]  }
0xd7: {  	v58 =	vsel vm15, $0x228E, v38;
	[tilespmem:$0x1FCA0] =	vst v54  }
0xd8: {  	v38 =	vsel vm15, $0xE, v63;
	[tilespmem:$0x1FCD0] =	vst v58;
	v1 =	vunpack.c.0.s8.s32 v1  }
0xd9: {  	v30 =	vsel vm15, $0x18E, v6;
	v6 =	vlaneseq.u32;
	[tilespmem:$0x1FD80] =	vst v38  }
0xda: {  	v55 =	vadd.s32 $0xB, v6;
	[tilespmem:$0x1FDB0] =	vst v30;
	v1 =	vand.u32 $0xF, v1  }
0xdb: {  	[tilespmem:$0x1FDF0] =	vst v35;
	v59 =	vcombine.low v3, v62;
	v62 =	vcombine.low v62, v1;
	v1 =	vunpack.c.0.s8.s32 v2;
	v2 =	vld [tilespmem:$0x1FC00]  }
0xdc: {  	v16 =	vadd.s32 $0xC, v6;
	[tilespmem:$0x1FF40] =	vst v55;
	v3 =	vld [tilespmem:$0x1FC10]  }
0xdd: {  	v7 =	vadd.s32 $0xD, v6;
	[tilespmem:$0x1FF70] =	vst v16  }
0xde: {  	[tilespmem:$0x1FFB0] =	vst v7  }
0xdf: {  	[tilespmem:$0x1FF10] =	vst v52  }
0xe0: {  	s2 =	srdreg.scid;
	s4 =	stileid.u32;
	[tilespmem:$0x1FF30] =	vst v27;
	v0 =	vand.u32 $0xF, v0  }
0xe1: {  	s19 =	simm.s32 $0x5;
	s20 =	simm.s32 $0x200;
	s21 =	simm.s32 $0x400;
	[tilespmem:$0x1FF20] =	vst v53;
	v31 =	vcombine.low v2, v3;
	v63 =	vcombine.low v3, v0;
	v3 =	vld [tilespmem:$0x1FC20]  }
0xe2: {  	s22 =	simm.s32 $0x4400;
	s23 =	simm.s32 $0x1;
	s24 =	simm.s32 $0x8400;
	[tilespmem:$0x1FF50] =	vst v56;
	v0 =	vld [tilespmem:$0x1FC30]  }
0xe3: {  	s29 =	simm.s32 $0x2;
	s30 =	simm.s32 $0xC400;
	s18 =	simm.s32 $0x4;
	[tilespmem:$0x1FF60] =	vst v57  }
0xe4: {  	s2 =	sand.u32 $0x1, s2;
	s4 =	sshll.u32 s4, $0x1;
	s5 =	sadd.s32 $0x600, s1;
	[tilespmem:$0x1FF80] =	vst v59  }
0xe5: {  	s11 =	sadd.s32 $0x4600, s1;
	s12 =	sadd.s32 $0x8600, s1;
	s13 =	sadd.s32 $0xC600, s1;
	[tilespmem:$0x1FF90] =	vst v62;
	v2 =	vadd.s32 $0xE, v6  }
0xe6: {  	s14 =	sadd.s32 $0x10600, s1;
	s15 =	sadd.s32 $0x14600, s1;
	s16 =	sadd.s32 $0x18600, s1;
	[tilespmem:$0x1FFD0] =	vst v2  }
0xe7: {  	s17 =	sadd.s32 $0x1C600, s1;
	s6 =	sor.u32 s2, s4;
	s2 =	ssub.s32 $0x2, s2;
	[tilespmem:$0x1FFA0] =	vst v31;
	v5 =	vcombine.low v0, v3;
	v0 =	vand.u32 $0xF, v1;
	v1 =	vlaneseq.u32  }
.Ltmp0:
0xe8: {  	s7 =	sshll.u32 s6, $0x6;
	s8 =	sshrl.u32 s2, $0x1;
	[tilespmem:$0x1FFC0] =	vst v63;
	v0 =	vcombine.low v3, v0;
	v6 =	vadd.s32 $0xF, v1;
	v1 =	vor.u32 $0x10, v1;
	(pc) =	sbr.rel .LBB2_1-.Ltmp0, $4  }
0xe9: {  	s4 =	sadd.s32 $0x3D09600, s1;
	s9 =	sadd.s32 s0, s7;
	s2 =	ssub.s32 s2, s8;
	[tilespmem:$0x1FC50] =	vst v1  }
0xea: {  	s7 =	sshll.u32 s6, $0x9;
	s28 =	sadd.s32 $0x800, s9;
	[dreg:$0x3] =	wrdreg s9;
	[tilespmem:$0x1FFE0] =	vst v6  }
0xeb: {  	s10 =	sor.u32 $0xC000, s7;
	s31 =	smax.u32 s2, $0x1;
	[dreg:$0x4] =	wrdreg s28;
	[tilespmem:$0x1FFF0] =	vst v5  }
0xec: {  	s2 =	simm.s32 $0x0;
	s9 =	sor.u32 $0x8000, s7;
	[dreg:$0x5] =	wrdreg s31;
	[tilespmem:$0x1FC40] =	vst v0;
	v0 =	vmov v2  }
.LBB2_8:
0xed: {  	s1 =	simm.s32 $0x3  }
0xee: {  	_ =	swait.ge [sflag:s1], $0x1000  }
0xef: {  	[sflag:s1] =	ssyncset.done $0x0  }
0xf0: {  	[sflag:s1] =	ssyncadd.s32 $0xFFFFF000  }
0xf1: {  	_ =	swait.ge [sflag:s1], $0x1000  }
0xf2: {  	[sflag:s1] =	ssyncset.done $0x0  }
0xf3: {  	[sflag:s1] =	ssyncadd.s32 $0xFFFFF000  }
0xf4: {  	_ =	swait.ge [sflag:s1], $0x1000  }
0xf5: {  	[sflag:s1] =	ssyncset.done $0x0  }
0xf6: {  	[sflag:s1] =	ssyncadd.s32 $0xFFFFF000  }
0xf7: {  	_ =	swait.ge [sflag:s1], $0x1000  }
0xf8: {  	[sflag:s1] =	ssyncset.done $0x0  }
0xf9: {  	[sflag:s1] =	ssyncadd.s32 $0xFFFFF000  }
0xfa: {  	_ =	swait.ge [sflag:s18], $0x1000  }
0xfb: {  	[sflag:s18] =	ssyncset.done $0x0  }
0xfc: {  	[sflag:s18] =	ssyncadd.s32 $0xFFFFF000  }
0xfd: {  	_ =	swait.ge [sflag:s18], $0x1000  }
0xfe: {  	[sflag:s18] =	ssyncset.done $0x0  }
0xff: {  	[sflag:s18] =	ssyncadd.s32 $0xFFFFF000  }
0x100: {  	_ =	swait.ge [sflag:s18], $0x1000  }
0x101: {  	[sflag:s18] =	ssyncset.done $0x0  }
0x102: {  	[sflag:s18] =	ssyncadd.s32 $0xFFFFF000  }
0x103: {  	_ =	swait.ge [sflag:s18], $0x1000  }
0x104: {  	v45 =	vld [tilespmem:$0x1FC60]  }
0x105: {  	v44 =	vld [tilespmem:$0x1FC70]  }
0x106: {  	v49 =	vld [tilespmem:$0x1FC80]  }
0x107: {  	v12 =	vld [tilespmem:$0x1FC90]  }
0x108: {  	v54 =	vld [tilespmem:$0x1FCA0]  }
0x109: {  	v14 =	vld [tilespmem:$0x1FCB0]  }
0x10a: {  	v15 =	vld [tilespmem:$0x1FCC0]  }
0x10b: {  	v58 =	vld [tilespmem:$0x1FCD0]  }
0x10c: {  	v17 =	vld [tilespmem:$0x1FCE0]  }
0x10d: {  	v18 =	vld [tilespmem:$0x1FCF0]  }
0x10e: {  	v19 =	vld [tilespmem:$0x1FD00]  }
0x10f: {  	v20 =	vld [tilespmem:$0x1FD10]  }
0x110: {  	v21 =	vld [tilespmem:$0x1FD20]  }
0x111: {  	v22 =	vld [tilespmem:$0x1FD30]  }
0x112: {  	v61 =	vld [tilespmem:$0x1FD40]  }
0x113: {  	v24 =	vld [tilespmem:$0x1FD50]  }
0x114: {  	v25 =	vld [tilespmem:$0x1FD60]  }
0x115: {  	v26 =	vld [tilespmem:$0x1FD70]  }
0x116: {  	v38 =	vld [tilespmem:$0x1FD80]  }
0x117: {  	v28 =	vld [tilespmem:$0x1FD90]  }
0x118: {  	v47 =	vld [tilespmem:$0x1FDA0]  }
0x119: {  	v30 =	vld [tilespmem:$0x1FDB0]  }
0x11a: {  	v42 =	vld [tilespmem:$0x1FDC0]  }
0x11b: {  	v60 =	vld [tilespmem:$0x1FDD0]  }
0x11c: {  	v33 =	vld [tilespmem:$0x1FDE0]  }
0x11d: {  	v35 =	vld [tilespmem:$0x1FDF0]  }
0x11e: {  	v8 =	vld [tilespmem:$0x1FE00]  }
0x11f: {  	v36 =	vld [tilespmem:$0x1FE10]  }
0x120: {  	v41 =	vld [tilespmem:$0x1FE60]  }
0x121: {  	v23 =	vld [tilespmem:$0x1FE70]  }
0x122: {  	v43 =	vld [tilespmem:$0x1FE80]  }
0x123: {  	v10 =	vld [tilespmem:$0x1FE90]  }
0x124: {  	v9 =	vld [tilespmem:$0x1FEA0]  }
0x125: {  	v46 =	vld [tilespmem:$0x1FEB0]  }
0x126: {  	v11 =	vld [tilespmem:$0x1FEC0]  }
0x127: {  	v48 =	vld [tilespmem:$0x1FED0]  }
0x128: {  	v13 =	vld [tilespmem:$0x1FEE0]  }
0x129: {  	v50 =	vld [tilespmem:$0x1FEF0]  }
0x12a: {  	v51 =	vld [tilespmem:$0x1FF00]  }
0x12b: {  	v52 =	vld [tilespmem:$0x1FF10]  }
0x12c: {  	v53 =	vld [tilespmem:$0x1FF20]  }
0x12d: {  	v27 =	vld [tilespmem:$0x1FF30]  }
0x12e: {  	v55 =	vld [tilespmem:$0x1FF40]  }
0x12f: {  	s2 =	rddreg [dreg:$0x6];
	v56 =	vld [tilespmem:$0x1FF50]  }
0x130: {  	s31 =	rddreg [dreg:$0x5];
	v57 =	vld [tilespmem:$0x1FF60];
	s2 =	sadd.s32 $0x1, s2  }
0x131: {  	v16 =	vld [tilespmem:$0x1FF70];
	p0 =	sne.s32 s2, s31  }
.Ltmp1:
0x132: {  	v59 =	vld [tilespmem:$0x1FF80];
	(pc) =	sbr.rel @!p0 .LBB2_9-.Ltmp1, $4  }
0x133: {  	v62 =	vld [tilespmem:$0x1FF90]  }
0x134: {  	v31 =	vld [tilespmem:$0x1FFA0]  }
0x135: {  	[sflag:s18] =	ssyncset.done $0x0;
	v7 =	vld [tilespmem:$0x1FFB0]  }
0x136: {  	v6 =	vld [tilespmem:$0x1FFE0];
	[sflag:s18] =	ssyncadd.s32 $0xFFFFF000  }
.LBB2_1:
0x137: {  	[dreg:$0x6] =	wrdreg s2  }
0x138: {  	s1 =	rddreg [dreg:$0x3]  }
0x139: {  	[tilespmem:s3], [sflag:$0x5] =	stream.linear.gather [hbm4b:s1+s3], $0x200, $0x38;
	[tilespmem:$0x10400] =	vst v63  }
0x13a: {  	_ =	swait.ge [sflag:s19], $0x200  }
0x13b: {  	[sflag:s19] =	ssyncset.done $0x0  }
0x13c: {  	[sflag:s19] =	ssyncadd.s32 $0xFFFFFE00  }
0x13d: {  	[tilespmem:s21], [sflag:$0x1] =	stream.indirect.gather [hbm4b:s4+s20], $0x20, s3, s20, $0xb8;
	[tilespmem:$0x10400] =	vst v63  }
0x13e: {  	s31 =	rddreg [dreg:$0x4]  }
0x13f: {  	[tilespmem:s20], [sflag:$0x5] =	stream.linear.gather [hbm4b:s31+s3], $0x200, $0x38;
	[tilespmem:$0x10400] =	vst v63  }
0x140: {  	_ =	swait.ge [sflag:s19], $0x200  }
0x141: {  	[sflag:s19] =	ssyncset.done $0x0  }
0x142: {  	s8 =	simm.s32 $0x0;
	[sflag:s19] =	ssyncadd.s32 $0xFFFFFE00  }
0x143: {  	[tilespmem:s22], [sflag:$0x2] =	stream.indirect.gather [hbm4b:s4+s20], $0x20, s20, s20, $0xb8;
	[tilespmem:$0x10400] =	vst v63  }
.LBB2_2:
0x144: {  	p0 =	seq.s32 s8, $0x0  }
0x145: {  	s1 =	simm.s32 @!p0 $0x3  }
0x146: {  	_ =	swait.ge @!p0 [sflag:s1], $0x1000  }
0x147: {  	[sflag:s1] =	ssyncset.done @!p0 $0x0  }
0x148: {  	[sflag:s1] =	ssyncadd.s32 @!p0 $0xFFFFF000  }
0x149: {  	_ =	swait.ge @!p0 [sflag:s1], $0x1000  }
0x14a: {  	[sflag:s1] =	ssyncset.done @!p0 $0x0  }
0x14b: {  	[sflag:s1] =	ssyncadd.s32 @!p0 $0xFFFFF000  }
0x14c: {  	s2 =	simm.s32 $0x0;
	_ =	swait.ge @!p0 [sflag:s1], $0x1000  }
0x14d: {  	v1 =	vmov s2;
	[sflag:s1] =	ssyncset.done @!p0 $0x0  }
0x14e: {  	v1 =	vshll.u32 v1, $0x5;
	[sflag:s1] =	ssyncadd.s32 @!p0 $0xFFFFF000  }
0x14f: {  	v2 =	vlaneseq.u32;
	v1 =	vor.u32 v41, v1;
	_ =	swait.ge @!p0 [sflag:s1], $0x1000  }
0x150: {  	v2 =	vor.u32 v2, v1;
	[sflag:s1] =	ssyncset.done @!p0 $0x0  }
0x151: {  	[sflag:s1] =	ssyncadd.s32 @!p0 $0xFFFFF000  }
0x152: {  	s25 =	simm.s32 $0x0;
	_ =	swait.ge [sflag:s23], $0x4000  }
0x153: {  	s2 =	sand.u32 $0x60, s2;
	s1 =	sand.u32 $0xC00, s25;
	[sflag:s23] =	ssyncset.done $0x0  }
0x154: {  	s2 =	sor.u32 s2, s1;
	[sflag:s23] =	ssyncadd.s32 $0xFFFFC000  }
0x155: {  	v3 =	vor.u32 s2, v45;
	v4 =	vld.idx.msk [tilespmem:v2+s21+$0x0], $0xffff  }
0x156: {  	v2 =	vor.u32 v23, v1;
	_ =	sdelay $0x3  }
0x157: {  	[tilespmem:v3+s24+$0x0] =	vst.idx.msk $0xffff, v4  }
0x158: {  	v3 =	vor.u32 s2, v44;
	v4 =	vld.idx.msk [tilespmem:v2+s21+$0x0], $0xffff  }
0x159: {  	v2 =	vor.u32 v43, v1;
	_ =	sdelay $0x3  }
0x15a: {  	[tilespmem:v3+s24+$0x0] =	vst.idx.msk $0xffff, v4  }
0x15b: {  	v3 =	vor.u32 s2, v49;
	v4 =	vld.idx.msk [tilespmem:v2+s21+$0x0], $0xffff  }
0x15c: {  	v2 =	vor.u32 v10, v1;
	_ =	sdelay $0x3  }
0x15d: {  	[tilespmem:v3+s24+$0x0] =	vst.idx.msk $0xffff, v4  }
0x15e: {  	v3 =	vor.u32 s2, v12;
	v4 =	vld.idx.msk [tilespmem:v2+s21+$0x0], $0xffff  }
0x15f: {  	v2 =	vor.u32 v9, v1;
	_ =	sdelay $0x3  }
0x160: {  	[tilespmem:v3+s24+$0x0] =	vst.idx.msk $0xffff, v4  }
0x161: {  	v3 =	vor.u32 s2, v54;
	v4 =	vld.idx.msk [tilespmem:v2+s21+$0x0], $0xffff  }
0x162: {  	v2 =	vor.u32 v46, v1;
	_ =	sdelay $0x3  }
0x163: {  	[tilespmem:v3+s24+$0x0] =	vst.idx.msk $0xffff, v4  }
0x164: {  	v3 =	vor.u32 s2, v14;
	v4 =	vld.idx.msk [tilespmem:v2+s21+$0x0], $0xffff  }
0x165: {  	v2 =	vor.u32 v11, v1;
	_ =	sdelay $0x3  }
0x166: {  	[tilespmem:v3+s24+$0x0] =	vst.idx.msk $0xffff, v4  }
0x167: {  	v3 =	vor.u32 s2, v15;
	v4 =	vld.idx.msk [tilespmem:v2+s21+$0x0], $0xffff  }
0x168: {  	v2 =	vor.u32 v48, v1;
	_ =	sdelay $0x3  }
0x169: {  	[tilespmem:v3+s24+$0x0] =	vst.idx.msk $0xffff, v4  }
0x16a: {  	v3 =	vor.u32 s2, v58;
	v4 =	vld.idx.msk [tilespmem:v2+s21+$0x0], $0xffff  }
0x16b: {  	v2 =	vor.u32 v13, v1;
	_ =	sdelay $0x3  }
0x16c: {  	[tilespmem:v3+s24+$0x0] =	vst.idx.msk $0xffff, v4  }
0x16d: {  	v3 =	vor.u32 s2, v17;
	v4 =	vld.idx.msk [tilespmem:v2+s21+$0x0], $0xffff  }
0x16e: {  	v2 =	vor.u32 v50, v1;
	_ =	sdelay $0x3  }
0x16f: {  	[tilespmem:v3+s24+$0x0] =	vst.idx.msk $0xffff, v4  }
0x170: {  	v3 =	vor.u32 s2, v18;
	v4 =	vld.idx.msk [tilespmem:v2+s21+$0x0], $0xffff  }
0x171: {  	v2 =	vor.u32 v51, v1;
	_ =	sdelay $0x3  }
0x172: {  	[tilespmem:v3+s24+$0x0] =	vst.idx.msk $0xffff, v4  }
0x173: {  	v3 =	vor.u32 s2, v19;
	v4 =	vld.idx.msk [tilespmem:v2+s21+$0x0], $0xffff  }
0x174: {  	v2 =	vor.u32 v55, v1;
	_ =	sdelay $0x3  }
0x175: {  	[tilespmem:v3+s24+$0x0] =	vst.idx.msk $0xffff, v4  }
0x176: {  	v3 =	vor.u32 s2, v20;
	v4 =	vld.idx.msk [tilespmem:v2+s21+$0x0], $0xffff  }
0x177: {  	v2 =	vor.u32 v16, v1;
	_ =	sdelay $0x3  }
0x178: {  	[tilespmem:v3+s24+$0x0] =	vst.idx.msk $0xffff, v4  }
0x179: {  	v3 =	vor.u32 s2, v21;
	v4 =	vld.idx.msk [tilespmem:v2+s21+$0x0], $0xffff  }
0x17a: {  	v2 =	vor.u32 v7, v1;
	_ =	sdelay $0x3  }
0x17b: {  	[tilespmem:v3+s24+$0x0] =	vst.idx.msk $0xffff, v4  }
0x17c: {  	v3 =	vor.u32 s2, v22;
	v4 =	vld.idx.msk [tilespmem:v2+s21+$0x0], $0xffff  }
0x17d: {  	v2 =	vor.u32 v0, v1;
	_ =	sdelay $0x3  }
0x17e: {  	[tilespmem:v3+s24+$0x0] =	vst.idx.msk $0xffff, v4  }
0x17f: {  	v3 =	vor.u32 s2, v61;
	v4 =	vld.idx.msk [tilespmem:v2+s21+$0x0], $0xffff  }
0x180: {  	v2 =	vor.u32 v6, v1  }
0x181: {  	v29 =	vld [tilespmem:$0x1FC50];
	_ =	sdelay $0x2  }
0x182: {  	[tilespmem:v3+s24+$0x0] =	vst.idx.msk $0xffff, v4  }
0x183: {  	v3 =	vor.u32 s2, v24;
	v4 =	vld.idx.msk [tilespmem:v2+s21+$0x0], $0xffff  }
0x184: {  	v2 =	vor.u32 v29, v1;
	_ =	sdelay $0x3  }
0x185: {  	[tilespmem:v3+s24+$0x0] =	vst.idx.msk $0xffff, v4  }
0x186: {  	v3 =	vor.u32 s2, v25;
	v4 =	vld.idx.msk [tilespmem:v2+s21+$0x0], $0xffff  }
0x187: {  	v2 =	vor.u32 v59, v1;
	_ =	sdelay $0x3  }
0x188: {  	[tilespmem:v3+s24+$0x0] =	vst.idx.msk $0xffff, v4  }
0x189: {  	v3 =	vor.u32 s2, v26;
	v4 =	vld.idx.msk [tilespmem:v2+s21+$0x0], $0xffff  }
0x18a: {  	v2 =	vor.u32 v31, v1;
	_ =	sdelay $0x3  }
0x18b: {  	[tilespmem:v3+s24+$0x0] =	vst.idx.msk $0xffff, v4  }
0x18c: {  	v3 =	vor.u32 s2, v38;
	v4 =	vld.idx.msk [tilespmem:v2+s21+$0x0], $0xffff  }
0x18d: {  	v2 =	vor.u32 v5, v1;
	_ =	sdelay $0x3  }
0x18e: {  	[tilespmem:v3+s24+$0x0] =	vst.idx.msk $0xffff, v4  }
0x18f: {  	v3 =	vor.u32 s2, v28;
	v4 =	vld.idx.msk [tilespmem:v2+s21+$0x0], $0xffff  }
0x190: {  	v2 =	vor.u32 v52, v1;
	_ =	sdelay $0x3  }
0x191: {  	[tilespmem:v3+s24+$0x0] =	vst.idx.msk $0xffff, v4  }
0x192: {  	v3 =	vor.u32 s2, v47;
	v4 =	vld.idx.msk [tilespmem:v2+s21+$0x0], $0xffff  }
0x193: {  	v2 =	vor.u32 v27, v1;
	_ =	sdelay $0x3  }
0x194: {  	[tilespmem:v3+s24+$0x0] =	vst.idx.msk $0xffff, v4  }
0x195: {  	v3 =	vor.u32 s2, v30;
	v4 =	vld.idx.msk [tilespmem:v2+s21+$0x0], $0xffff  }
0x196: {  	v2 =	vor.u32 v53, v1;
	_ =	sdelay $0x3  }
0x197: {  	[tilespmem:v3+s24+$0x0] =	vst.idx.msk $0xffff, v4  }
0x198: {  	v3 =	vor.u32 s2, v42;
	v4 =	vld.idx.msk [tilespmem:v2+s21+$0x0], $0xffff  }
0x199: {  	v2 =	vor.u32 v56, v1;
	_ =	sdelay $0x3  }
0x19a: {  	[tilespmem:v3+s24+$0x0] =	vst.idx.msk $0xffff, v4  }
0x19b: {  	v3 =	vor.u32 s2, v60;
	v4 =	vld.idx.msk [tilespmem:v2+s21+$0x0], $0xffff  }
0x19c: {  	v2 =	vor.u32 v57, v1;
	_ =	sdelay $0x3  }
0x19d: {  	[tilespmem:v3+s24+$0x0] =	vst.idx.msk $0xffff, v4  }
0x19e: {  	v3 =	vor.u32 s2, v33;
	v4 =	vld.idx.msk [tilespmem:v2+s21+$0x0], $0xffff  }
0x19f: {  	v2 =	vor.u32 v62, v1;
	_ =	sdelay $0x3  }
0x1a0: {  	[tilespmem:v3+s24+$0x0] =	vst.idx.msk $0xffff, v4  }
0x1a1: {  	v3 =	vor.u32 s2, v35;
	v4 =	vld.idx.msk [tilespmem:v2+s21+$0x0], $0xffff;
	_ =	sdelay $0x3  }
0x1a2: {  	v2 =	vor.u32 v63, v1  }
0x1a3: {  	[tilespmem:v3+s24+$0x0] =	vst.idx.msk $0xffff, v4;
	v3 =	vor.u32 s2, v8;
	v8 =	vld [tilespmem:$0x1FC40];
	_ =	sdelay $0x3  }
0x1a4: {  	v4 =	vld.idx.msk [tilespmem:v2+s21+$0x0], $0xffff  }
0x1a5: {  	v2 =	vor.u32 v8, v1  }
0x1a6: {  	v34 =	vmov v62;
	v62 =	vmov v0;
	v0 =	vld [tilespmem:$0x1FB20];
	_ =	sdelay $0x2  }
0x1a7: {  	[tilespmem:v3+s24+$0x0] =	vst.idx.msk $0xffff, v4  }
0x1a8: {  	v3 =	vor.u32 s2, v36;
	v4 =	vld.idx.msk [tilespmem:v2+s21+$0x0], $0xffff  }
0x1a9: {  	v40 =	vmov v33;
	v33 =	vld [tilespmem:$0x1FE20];
	v2 =	vor.u32 v0, v1  }
0x1aa: {  	v32 =	vld [tilespmem:$0x1FB30];
	_ =	sdelay $0x2  }
0x1ab: {  	[tilespmem:v3+s24+$0x0] =	vst.idx.msk $0xffff, v4  }
0x1ac: {  	v3 =	vor.u32 s2, v33;
	v4 =	vld.idx.msk [tilespmem:v2+s21+$0x0], $0xffff  }
0x1ad: {  	v36 =	vld [tilespmem:$0x1FE30];
	v2 =	vor.u32 v32, v1;
	_ =	sdelay $0x1  }
0x1ae: {  	v37 =	vld [tilespmem:$0x1FB40];
	_ =	sdelay $0x1  }
0x1af: {  	[tilespmem:v3+s24+$0x0] =	vst.idx.msk $0xffff, v4  }
0x1b0: {  	v3 =	vor.u32 s2, v36;
	v4 =	vld.idx.msk [tilespmem:v2+s21+$0x0], $0xffff;
	_ =	sdelay $0x1  }
0x1b1: {  	v39 =	vld [tilespmem:$0x1FE40];
	v2 =	vor.u32 v37, v1;
	_ =	sdelay $0x2  }
0x1b2: {  	[tilespmem:v3+s24+$0x0] =	vst.idx.msk $0xffff, v4;
	v4 =	vld [tilespmem:$0x1FB50];
	_ =	sdelay $0x1  }
0x1b3: {  	v3 =	vor.u32 s2, v39;
	v2 =	vld.idx.msk [tilespmem:v2+s21+$0x0], $0xffff;
	_ =	sdelay $0x2  }
0x1b4: {  	v1 =	vor.u32 v4, v1  }
0x1b5: {  	[tilespmem:$0x1FB00] =	vst v1  }
0x1b6: {  	[tilespmem:v3+s24+$0x0] =	vst.idx.msk $0xffff, v2;
	v2 =	vld [tilespmem:$0x1FB00];
	_ =	sdelay $0x7  }
0x1b7: {  	v2 =	vld.idx.msk [tilespmem:v2+s21+$0x0], $0xffff;
	_ =	sdelay $0x4  }
0x1b8: {  	[tilespmem:$0x1FB10] =	vst v2;
	v2 =	vld [tilespmem:$0x1FE50];
	_ =	sdelay $0x1  }
0x1b9: {  	s6 =	simm.s32 $0x10  }
0x1ba: {  	v1 =	vmov s6  }
0x1bb: {  	v1 =	vshll.u32 v1, $0x5  }
0x1bc: {  	v1 =	vor.u32 v41, v1;
	v41 =	vld [tilespmem:$0x1FB10];
	v3 =	vor.u32 s2, v2;
	v2 =	vlaneseq.u32  }
0x1bd: {  	v2 =	vor.u32 v2, v1;
	_ =	sdelay $0x2  }
0x1be: {  	s26 =	sand.u32 $0x70, s6  }
0x1bf: {  	s31 =	sor.u32 s1, s26;
	[tilespmem:v3+s24+$0x0] =	vst.idx.msk $0xffff, v41  }
0x1c0: {  	v3 =	vor.u32 s31, v45;
	v41 =	vld.idx.msk [tilespmem:v2+s21+$0x0], $0xffff  }
0x1c1: {  	v2 =	vor.u32 v23, v1;
	_ =	sdelay $0x3  }
0x1c2: {  	[tilespmem:v3+s24+$0x0] =	vst.idx.msk $0xffff, v41  }
0x1c3: {  	v3 =	vor.u32 s31, v44;
	v23 =	vld.idx.msk [tilespmem:v2+s21+$0x0], $0xffff  }
0x1c4: {  	v2 =	vor.u32 v43, v1;
	_ =	sdelay $0x3  }
0x1c5: {  	[tilespmem:v3+s24+$0x0] =	vst.idx.msk $0xffff, v23  }
0x1c6: {  	v3 =	vor.u32 s31, v49;
	v23 =	vld.idx.msk [tilespmem:v2+s21+$0x0], $0xffff  }
0x1c7: {  	v2 =	vor.u32 v10, v1;
	_ =	sdelay $0x3  }
0x1c8: {  	[tilespmem:v3+s24+$0x0] =	vst.idx.msk $0xffff, v23  }
0x1c9: {  	v3 =	vor.u32 s31, v12;
	v10 =	vld.idx.msk [tilespmem:v2+s21+$0x0], $0xffff  }
0x1ca: {  	v2 =	vor.u32 v9, v1;
	_ =	sdelay $0x3  }
0x1cb: {  	[tilespmem:v3+s24+$0x0] =	vst.idx.msk $0xffff, v10  }
0x1cc: {  	v3 =	vor.u32 s31, v54;
	v9 =	vld.idx.msk [tilespmem:v2+s21+$0x0], $0xffff  }
0x1cd: {  	v2 =	vor.u32 v46, v1;
	_ =	sdelay $0x3  }
0x1ce: {  	[tilespmem:v3+s24+$0x0] =	vst.idx.msk $0xffff, v9  }
0x1cf: {  	v3 =	vor.u32 s31, v14;
	v9 =	vld.idx.msk [tilespmem:v2+s21+$0x0], $0xffff  }
0x1d0: {  	v2 =	vor.u32 v11, v1;
	_ =	sdelay $0x3  }
0x1d1: {  	[tilespmem:v3+s24+$0x0] =	vst.idx.msk $0xffff, v9  }
0x1d2: {  	v3 =	vor.u32 s31, v15;
	v9 =	vld.idx.msk [tilespmem:v2+s21+$0x0], $0xffff  }
0x1d3: {  	v2 =	vor.u32 v48, v1;
	_ =	sdelay $0x3  }
0x1d4: {  	[tilespmem:v3+s24+$0x0] =	vst.idx.msk $0xffff, v9  }
0x1d5: {  	v3 =	vor.u32 s31, v58;
	v9 =	vld.idx.msk [tilespmem:v2+s21+$0x0], $0xffff  }
0x1d6: {  	v2 =	vor.u32 v13, v1;
	_ =	sdelay $0x3  }
0x1d7: {  	[tilespmem:v3+s24+$0x0] =	vst.idx.msk $0xffff, v9  }
0x1d8: {  	v3 =	vor.u32 s31, v17;
	v9 =	vld.idx.msk [tilespmem:v2+s21+$0x0], $0xffff  }
0x1d9: {  	v2 =	vor.u32 v50, v1;
	_ =	sdelay $0x3  }
0x1da: {  	[tilespmem:v3+s24+$0x0] =	vst.idx.msk $0xffff, v9  }
0x1db: {  	v3 =	vor.u32 s31, v18;
	v9 =	vld.idx.msk [tilespmem:v2+s21+$0x0], $0xffff  }
0x1dc: {  	v2 =	vor.u32 v51, v1;
	_ =	sdelay $0x3  }
0x1dd: {  	[tilespmem:v3+s24+$0x0] =	vst.idx.msk $0xffff, v9  }
0x1de: {  	v3 =	vor.u32 s31, v19;
	v9 =	vld.idx.msk [tilespmem:v2+s21+$0x0], $0xffff  }
0x1df: {  	v2 =	vor.u32 v55, v1;
	_ =	sdelay $0x3  }
0x1e0: {  	[tilespmem:v3+s24+$0x0] =	vst.idx.msk $0xffff, v9  }
0x1e1: {  	v3 =	vor.u32 s31, v20;
	v9 =	vld.idx.msk [tilespmem:v2+s21+$0x0], $0xffff  }
0x1e2: {  	v2 =	vor.u32 v16, v1;
	_ =	sdelay $0x3  }
0x1e3: {  	[tilespmem:v3+s24+$0x0] =	vst.idx.msk $0xffff, v9  }
0x1e4: {  	v3 =	vor.u32 s31, v21;
	v9 =	vld.idx.msk [tilespmem:v2+s21+$0x0], $0xffff  }
0x1e5: {  	v2 =	vor.u32 v7, v1;
	_ =	sdelay $0x3  }
0x1e6: {  	[tilespmem:v3+s24+$0x0] =	vst.idx.msk $0xffff, v9  }
0x1e7: {  	v3 =	vor.u32 s31, v22;
	v7 =	vld.idx.msk [tilespmem:v2+s21+$0x0], $0xffff  }
0x1e8: {  	v2 =	vor.u32 v62, v1;
	_ =	sdelay $0x3  }
0x1e9: {  	[tilespmem:v3+s24+$0x0] =	vst.idx.msk $0xffff, v7  }
0x1ea: {  	v3 =	vor.u32 s31, v61;
	v7 =	vld.idx.msk [tilespmem:v2+s21+$0x0], $0xffff  }
0x1eb: {  	v2 =	vor.u32 v6, v1;
	_ =	sdelay $0x3  }
0x1ec: {  	[tilespmem:v3+s24+$0x0] =	vst.idx.msk $0xffff, v7  }
0x1ed: {  	v3 =	vor.u32 s31, v24;
	v6 =	vld.idx.msk [tilespmem:v2+s21+$0x0], $0xffff  }
0x1ee: {  	v2 =	vor.u32 v29, v1;
	_ =	sdelay $0x3  }
0x1ef: {  	[tilespmem:v3+s24+$0x0] =	vst.idx.msk $0xffff, v6  }
0x1f0: {  	v3 =	vor.u32 s31, v25;
	v6 =	vld.idx.msk [tilespmem:v2+s21+$0x0], $0xffff  }
0x1f1: {  	v2 =	vor.u32 v59, v1;
	_ =	sdelay $0x3  }
0x1f2: {  	[tilespmem:v3+s24+$0x0] =	vst.idx.msk $0xffff, v6  }
0x1f3: {  	v3 =	vor.u32 s31, v26;
	v6 =	vld.idx.msk [tilespmem:v2+s21+$0x0], $0xffff  }
0x1f4: {  	v2 =	vor.u32 v31, v1;
	_ =	sdelay $0x3  }
0x1f5: {  	[tilespmem:v3+s24+$0x0] =	vst.idx.msk $0xffff, v6  }
0x1f6: {  	v3 =	vor.u32 s31, v38;
	v6 =	vld.idx.msk [tilespmem:v2+s21+$0x0], $0xffff  }
0x1f7: {  	v2 =	vor.u32 v5, v1;
	_ =	sdelay $0x3  }
0x1f8: {  	[tilespmem:v3+s24+$0x0] =	vst.idx.msk $0xffff, v6  }
0x1f9: {  	v3 =	vor.u32 s31, v28;
	v5 =	vld.idx.msk [tilespmem:v2+s21+$0x0], $0xffff  }
0x1fa: {  	v2 =	vor.u32 v52, v1;
	_ =	sdelay $0x3  }
0x1fb: {  	[tilespmem:v3+s24+$0x0] =	vst.idx.msk $0xffff, v5  }
0x1fc: {  	v3 =	vor.u32 s31, v47;
	v5 =	vld.idx.msk [tilespmem:v2+s21+$0x0], $0xffff  }
0x1fd: {  	v2 =	vor.u32 v27, v1;
	_ =	sdelay $0x3  }
0x1fe: {  	[tilespmem:v3+s24+$0x0] =	vst.idx.msk $0xffff, v5  }
0x1ff: {  	v3 =	vor.u32 s31, v30;
	v5 =	vld.idx.msk [tilespmem:v2+s21+$0x0], $0xffff  }
0x200: {  	v2 =	vor.u32 v53, v1;
	_ =	sdelay $0x3  }
0x201: {  	[tilespmem:v3+s24+$0x0] =	vst.idx.msk $0xffff, v5  }
0x202: {  	v3 =	vor.u32 s31, v42;
	v5 =	vld.idx.msk [tilespmem:v2+s21+$0x0], $0xffff  }
0x203: {  	v2 =	vor.u32 v56, v1;
	_ =	sdelay $0x3  }
0x204: {  	[tilespmem:v3+s24+$0x0] =	vst.idx.msk $0xffff, v5  }
0x205: {  	v3 =	vor.u32 s31, v60;
	v5 =	vld.idx.msk [tilespmem:v2+s21+$0x0], $0xffff  }
0x206: {  	v2 =	vor.u32 v57, v1;
	_ =	sdelay $0x3  }
0x207: {  	[tilespmem:v3+s24+$0x0] =	vst.idx.msk $0xffff, v5  }
0x208: {  	v3 =	vor.u32 s31, v40;
	v5 =	vld.idx.msk [tilespmem:v2+s21+$0x0], $0xffff  }
0x209: {  	v2 =	vor.u32 v34, v1;
	_ =	sdelay $0x3  }
0x20a: {  	[tilespmem:v3+s24+$0x0] =	vst.idx.msk $0xffff, v5  }
0x20b: {  	v3 =	vor.u32 s31, v35;
	v5 =	vld.idx.msk [tilespmem:v2+s21+$0x0], $0xffff  }
0x20c: {  	v2 =	vor.u32 v63, v1;
	_ =	sdelay $0x3  }
0x20d: {  	[tilespmem:v3+s24+$0x0] =	vst.idx.msk $0xffff, v5  }
0x20e: {  	v5 =	vld.idx.msk [tilespmem:v2+s21+$0x0], $0xffff  }
0x20f: {  	v2 =	vld [tilespmem:$0x1FE00];
	_ =	sdelay $0x4  }
0x210: {  	v3 =	vor.u32 s31, v2  }
0x211: {  	v2 =	vor.u32 v8, v1;
	_ =	sdelay $0x3  }
0x212: {  	[tilespmem:v3+s24+$0x0] =	vst.idx.msk $0xffff, v5  }
0x213: {  	v5 =	vld.idx.msk [tilespmem:v2+s21+$0x0], $0xffff  }
0x214: {  	v2 =	vld [tilespmem:$0x1FE10];
	_ =	sdelay $0x4  }
0x215: {  	v3 =	vor.u32 s31, v2  }
0x216: {  	v2 =	vor.u32 v0, v1;
	_ =	sdelay $0x3  }
0x217: {  	[tilespmem:v3+s24+$0x0] =	vst.idx.msk $0xffff, v5  }
0x218: {  	v3 =	vor.u32 s31, v33;
	v0 =	vld.idx.msk [tilespmem:v2+s21+$0x0], $0xffff  }
0x219: {  	v2 =	vor.u32 v32, v1;
	_ =	sdelay $0x3  }
0x21a: {  	[tilespmem:v3+s24+$0x0] =	vst.idx.msk $0xffff, v0  }
0x21b: {  	v3 =	vor.u32 s31, v36;
	v2 =	vld.idx.msk [tilespmem:v2+s21+$0x0], $0xffff  }
0x21c: {  	v0 =	vor.u32 v37, v1;
	_ =	sdelay $0x3  }
0x21d: {  	s28 =	simm.s32 $0x50;
	[tilespmem:v3+s24+$0x0] =	vst.idx.msk $0xffff, v2  }
0x21e: {  	s26 =	simm.s32 $0x30;
	s6 =	sshll.u32 s8, $0xF;
	s2 =	simm.s32 $0x20;
	v1 =	vor.u32 v4, v1;
	v3 =	vor.u32 s31, v39;
	v2 =	vld.idx.msk [tilespmem:v0+s21+$0x0], $0xffff  }
.LBB2_3:
0x21f: {  	v0 =	vld [tilespmem:$0x1FE60]  }
0x220: {  	v38 =	vld [tilespmem:$0x1FE50];
	_ =	sdelay $0x2  }
0x221: {  	v4 =	vmov s2  }
0x222: {  	[tilespmem:v3+s24+$0x0] =	vst.idx.msk $0xffff, v2;
	v2 =	vshll.u32 v4, $0x5  }
0x223: {  	v3 =	vld.idx.msk [tilespmem:v1+s21+$0x0], $0xffff;
	v1 =	vor.u32 v0, v2;
	v2 =	vor.u32 s31, v38;
	v0 =	vlaneseq.u32  }
0x224: {  	v41 =	vld [tilespmem:$0x1FC60];
	v4 =	vor.u32 v0, v1  }
0x225: {  	v0 =	vld [tilespmem:$0x1FE70]  }
0x226: {  	s25 =	sadd.s32 $0x100, s25  }
0x227: {  	s2 =	sand.u32 $0x60, s2;
	s1 =	sand.u32 $0xC00, s25  }
0x228: {  	s31 =	sor.u32 s2, s1;
	[tilespmem:v2+s24+$0x0] =	vst.idx.msk $0xffff, v3  }
0x229: {  	v3 =	vor.u32 s31, v41;
	v2 =	vld.idx.msk [tilespmem:v4+s21+$0x0], $0xffff  }
0x22a: {  	v43 =	vld [tilespmem:$0x1FC70];
	v4 =	vor.u32 v0, v1  }
0x22b: {  	v0 =	vld [tilespmem:$0x1FE80];
	_ =	sdelay $0x2  }
0x22c: {  	[tilespmem:v3+s24+$0x0] =	vst.idx.msk $0xffff, v2  }
0x22d: {  	v3 =	vor.u32 s31, v43;
	v2 =	vld.idx.msk [tilespmem:v4+s21+$0x0], $0xffff  }
0x22e: {  	v9 =	vld [tilespmem:$0x1FC80];
	v4 =	vor.u32 v0, v1  }
0x22f: {  	v0 =	vld [tilespmem:$0x1FE90];
	_ =	sdelay $0x2  }
0x230: {  	[tilespmem:v3+s24+$0x0] =	vst.idx.msk $0xffff, v2  }
0x231: {  	v3 =	vor.u32 s31, v9;
	v2 =	vld.idx.msk [tilespmem:v4+s21+$0x0], $0xffff  }
0x232: {  	v10 =	vld [tilespmem:$0x1FC90];
	v4 =	vor.u32 v0, v1  }
0x233: {  	v42 =	vld [tilespmem:$0x1FEA0];
	_ =	sdelay $0x2  }
0x234: {  	[tilespmem:v3+s24+$0x0] =	vst.idx.msk $0xffff, v2  }
0x235: {  	v3 =	vor.u32 s31, v10;
	v2 =	vld.idx.msk [tilespmem:v4+s21+$0x0], $0xffff  }
0x236: {  	v11 =	vld [tilespmem:$0x1FCA0];
	v4 =	vor.u32 v42, v1  }
0x237: {  	v44 =	vld [tilespmem:$0x1FEB0];
	_ =	sdelay $0x2  }
0x238: {  	[tilespmem:v3+s24+$0x0] =	vst.idx.msk $0xffff, v2  }
0x239: {  	v3 =	vor.u32 s31, v11;
	v2 =	vld.idx.msk [tilespmem:v4+s21+$0x0], $0xffff  }
0x23a: {  	v12 =	vld [tilespmem:$0x1FCB0];
	v4 =	vor.u32 v44, v1  }
0x23b: {  	v45 =	vld [tilespmem:$0x1FEC0];
	_ =	sdelay $0x2  }
0x23c: {  	[tilespmem:v3+s24+$0x0] =	vst.idx.msk $0xffff, v2  }
0x23d: {  	v3 =	vor.u32 s31, v12;
	v2 =	vld.idx.msk [tilespmem:v4+s21+$0x0], $0xffff  }
0x23e: {  	v13 =	vld [tilespmem:$0x1FCC0];
	v4 =	vor.u32 v45, v1  }
0x23f: {  	v46 =	vld [tilespmem:$0x1FED0];
	_ =	sdelay $0x2  }
0x240: {  	[tilespmem:v3+s24+$0x0] =	vst.idx.msk $0xffff, v2  }
0x241: {  	v3 =	vor.u32 s31, v13;
	v2 =	vld.idx.msk [tilespmem:v4+s21+$0x0], $0xffff  }
0x242: {  	v50 =	vld [tilespmem:$0x1FCD0];
	v4 =	vor.u32 v46, v1  }
0x243: {  	v47 =	vld [tilespmem:$0x1FEE0];
	_ =	sdelay $0x2  }
0x244: {  	[tilespmem:v3+s24+$0x0] =	vst.idx.msk $0xffff, v2  }
0x245: {  	v3 =	vor.u32 s31, v50;
	v2 =	vld.idx.msk [tilespmem:v4+s21+$0x0], $0xffff  }
0x246: {  	v51 =	vld [tilespmem:$0x1FCE0];
	v4 =	vor.u32 v47, v1  }
0x247: {  	v48 =	vld [tilespmem:$0x1FEF0];
	_ =	sdelay $0x2  }
0x248: {  	[tilespmem:v3+s24+$0x0] =	vst.idx.msk $0xffff, v2  }
0x249: {  	v3 =	vor.u32 s31, v51;
	v2 =	vld.idx.msk [tilespmem:v4+s21+$0x0], $0xffff  }
0x24a: {  	v16 =	vld [tilespmem:$0x1FCF0];
	v4 =	vor.u32 v48, v1  }
0x24b: {  	v49 =	vld [tilespmem:$0x1FF00];
	_ =	sdelay $0x2  }
0x24c: {  	[tilespmem:v3+s24+$0x0] =	vst.idx.msk $0xffff, v2  }
0x24d: {  	v3 =	vor.u32 s31, v16;
	v2 =	vld.idx.msk [tilespmem:v4+s21+$0x0], $0xffff  }
0x24e: {  	v17 =	vld [tilespmem:$0x1FD00];
	v4 =	vor.u32 v49, v1  }
0x24f: {  	v14 =	vld [tilespmem:$0x1FF40];
	_ =	sdelay $0x2  }
0x250: {  	[tilespmem:v3+s24+$0x0] =	vst.idx.msk $0xffff, v2  }
0x251: {  	v3 =	vor.u32 s31, v17;
	v2 =	vld.idx.msk [tilespmem:v4+s21+$0x0], $0xffff  }
0x252: {  	v18 =	vld [tilespmem:$0x1FD10];
	v4 =	vor.u32 v14, v1  }
0x253: {  	v15 =	vld [tilespmem:$0x1FF70];
	_ =	sdelay $0x2  }
0x254: {  	[tilespmem:v3+s24+$0x0] =	vst.idx.msk $0xffff, v2  }
0x255: {  	v3 =	vor.u32 s31, v18;
	v2 =	vld.idx.msk [tilespmem:v4+s21+$0x0], $0xffff  }
0x256: {  	v0 =	vld [tilespmem:$0x1FD20];
	v4 =	vor.u32 v15, v1  }
0x257: {  	v55 =	vld [tilespmem:$0x1FFB0];
	_ =	sdelay $0x2  }
0x258: {  	[tilespmem:v3+s24+$0x0] =	vst.idx.msk $0xffff, v2  }
0x259: {  	v3 =	vor.u32 s31, v0;
	v2 =	vld.idx.msk [tilespmem:v4+s21+$0x0], $0xffff  }
0x25a: {  	v19 =	vld [tilespmem:$0x1FD30];
	v4 =	vor.u32 v55, v1  }
0x25b: {  	v58 =	vld [tilespmem:$0x1FFD0];
	_ =	sdelay $0x2  }
0x25c: {  	[tilespmem:v3+s24+$0x0] =	vst.idx.msk $0xffff, v2  }
0x25d: {  	v3 =	vor.u32 s31, v19;
	v2 =	vld.idx.msk [tilespmem:v4+s21+$0x0], $0xffff  }
0x25e: {  	v20 =	vld [tilespmem:$0x1FD40];
	v4 =	vor.u32 v58, v1  }
0x25f: {  	v62 =	vld [tilespmem:$0x1FFE0];
	_ =	sdelay $0x2  }
0x260: {  	[tilespmem:v3+s24+$0x0] =	vst.idx.msk $0xffff, v2  }
0x261: {  	v3 =	vor.u32 s31, v20;
	v2 =	vld.idx.msk [tilespmem:v4+s21+$0x0], $0xffff  }
0x262: {  	v59 =	vld [tilespmem:$0x1FD50];
	v4 =	vor.u32 v62, v1  }
0x263: {  	v7 =	vld [tilespmem:$0x1FC50];
	_ =	sdelay $0x2  }
0x264: {  	[tilespmem:v3+s24+$0x0] =	vst.idx.msk $0xffff, v2  }
0x265: {  	v3 =	vor.u32 s31, v59;
	v2 =	vld.idx.msk [tilespmem:v4+s21+$0x0], $0xffff  }
0x266: {  	v23 =	vld [tilespmem:$0x1FD60];
	v4 =	vor.u32 v7, v1  }
0x267: {  	v6 =	vld [tilespmem:$0x1FF80];
	_ =	sdelay $0x2  }
0x268: {  	[tilespmem:v3+s24+$0x0] =	vst.idx.msk $0xffff, v2  }
0x269: {  	v3 =	vor.u32 s31, v23;
	v2 =	vld.idx.msk [tilespmem:v4+s21+$0x0], $0xffff  }
0x26a: {  	v61 =	vld [tilespmem:$0x1FD70];
	v4 =	vor.u32 v6, v1  }
0x26b: {  	v21 =	vld [tilespmem:$0x1FFA0];
	_ =	sdelay $0x2  }
0x26c: {  	[tilespmem:v3+s24+$0x0] =	vst.idx.msk $0xffff, v2  }
0x26d: {  	v3 =	vor.u32 s31, v61;
	v2 =	vld.idx.msk [tilespmem:v4+s21+$0x0], $0xffff  }
0x26e: {  	v24 =	vld [tilespmem:$0x1FD80];
	v4 =	vor.u32 v21, v1  }
0x26f: {  	v22 =	vld [tilespmem:$0x1FFF0];
	_ =	sdelay $0x2  }
0x270: {  	[tilespmem:v3+s24+$0x0] =	vst.idx.msk $0xffff, v2  }
0x271: {  	v3 =	vor.u32 s31, v24;
	v2 =	vld.idx.msk [tilespmem:v4+s21+$0x0], $0xffff  }
0x272: {  	v26 =	vld [tilespmem:$0x1FD90];
	v4 =	vor.u32 v22, v1  }
0x273: {  	v5 =	vld [tilespmem:$0x1FF10];
	_ =	sdelay $0x2  }
0x274: {  	[tilespmem:v3+s24+$0x0] =	vst.idx.msk $0xffff, v2  }
0x275: {  	v3 =	vor.u32 s31, v26;
	v2 =	vld.idx.msk [tilespmem:v4+s21+$0x0], $0xffff  }
0x276: {  	v27 =	vld [tilespmem:$0x1FDA0];
	v4 =	vor.u32 v5, v1  }
0x277: {  	v25 =	vld [tilespmem:$0x1FF30];
	_ =	sdelay $0x2  }
0x278: {  	[tilespmem:v3+s24+$0x0] =	vst.idx.msk $0xffff, v2  }
0x279: {  	v3 =	vor.u32 s31, v27;
	v2 =	vld.idx.msk [tilespmem:v4+s21+$0x0], $0xffff  }
0x27a: {  	v28 =	vld [tilespmem:$0x1FDB0];
	v4 =	vor.u32 v25, v1  }
0x27b: {  	v52 =	vld [tilespmem:$0x1FF20];
	_ =	sdelay $0x2  }
0x27c: {  	[tilespmem:v3+s24+$0x0] =	vst.idx.msk $0xffff, v2  }
0x27d: {  	v3 =	vor.u32 s31, v28;
	v2 =	vld.idx.msk [tilespmem:v4+s21+$0x0], $0xffff  }
0x27e: {  	v56 =	vld [tilespmem:$0x1FDC0];
	v4 =	vor.u32 v52, v1  }
0x27f: {  	v54 =	vld [tilespmem:$0x1FF50];
	_ =	sdelay $0x2  }
0x280: {  	[tilespmem:v3+s24+$0x0] =	vst.idx.msk $0xffff, v2  }
0x281: {  	v3 =	vor.u32 s31, v56;
	v2 =	vld.idx.msk [tilespmem:v4+s21+$0x0], $0xffff  }
0x282: {  	v57 =	vld [tilespmem:$0x1FDD0];
	v4 =	vor.u32 v54, v1  }
0x283: {  	v53 =	vld [tilespmem:$0x1FF60];
	_ =	sdelay $0x2  }
0x284: {  	[tilespmem:v3+s24+$0x0] =	vst.idx.msk $0xffff, v2  }
0x285: {  	v3 =	vor.u32 s31, v57;
	v2 =	vld.idx.msk [tilespmem:v4+s21+$0x0], $0xffff  }
0x286: {  	v60 =	vld [tilespmem:$0x1FDE0];
	v4 =	vor.u32 v53, v1  }
0x287: {  	v29 =	vld [tilespmem:$0x1FF90];
	_ =	sdelay $0x2  }
0x288: {  	[tilespmem:v3+s24+$0x0] =	vst.idx.msk $0xffff, v2  }
0x289: {  	v3 =	vor.u32 s31, v60;
	v2 =	vld.idx.msk [tilespmem:v4+s21+$0x0], $0xffff  }
0x28a: {  	v33 =	vld [tilespmem:$0x1FDF0];
	v4 =	vor.u32 v29, v1  }
0x28b: {  	v30 =	vld [tilespmem:$0x1FFC0];
	_ =	sdelay $0x2  }
0x28c: {  	[tilespmem:v3+s24+$0x0] =	vst.idx.msk $0xffff, v2  }
0x28d: {  	v3 =	vor.u32 s31, v33;
	v2 =	vld.idx.msk [tilespmem:v4+s21+$0x0], $0xffff  }
0x28e: {  	v34 =	vld [tilespmem:$0x1FE00];
	v4 =	vor.u32 v30, v1  }
0x28f: {  	v8 =	vld [tilespmem:$0x1FC40];
	_ =	sdelay $0x2  }
0x290: {  	[tilespmem:v3+s24+$0x0] =	vst.idx.msk $0xffff, v2  }
0x291: {  	v3 =	vor.u32 s31, v34;
	v2 =	vld.idx.msk [tilespmem:v4+s21+$0x0], $0xffff  }
0x292: {  	v35 =	vld [tilespmem:$0x1FE10];
	v4 =	vor.u32 v8, v1  }
0x293: {  	v31 =	vld [tilespmem:$0x1FB20];
	_ =	sdelay $0x2  }
0x294: {  	[tilespmem:v3+s24+$0x0] =	vst.idx.msk $0xffff, v2  }
0x295: {  	v3 =	vor.u32 s31, v35;
	v2 =	vld.idx.msk [tilespmem:v4+s21+$0x0], $0xffff  }
0x296: {  	v63 =	vld [tilespmem:$0x1FE20];
	v4 =	vor.u32 v31, v1  }
0x297: {  	v32 =	vld [tilespmem:$0x1FB30];
	_ =	sdelay $0x2  }
0x298: {  	[tilespmem:v3+s24+$0x0] =	vst.idx.msk $0xffff, v2  }
0x299: {  	v3 =	vor.u32 s31, v63;
	v2 =	vld.idx.msk [tilespmem:v4+s21+$0x0], $0xffff  }
0x29a: {  	v36 =	vld [tilespmem:$0x1FE30];
	v4 =	vor.u32 v32, v1  }
0x29b: {  	v37 =	vld [tilespmem:$0x1FB40];
	_ =	sdelay $0x2  }
0x29c: {  	[tilespmem:v3+s24+$0x0] =	vst.idx.msk $0xffff, v2  }
0x29d: {  	v3 =	vor.u32 s31, v36;
	v2 =	vld.idx.msk [tilespmem:v4+s21+$0x0], $0xffff  }
0x29e: {  	v40 =	vld [tilespmem:$0x1FE40];
	v4 =	vor.u32 v37, v1  }
0x29f: {  	v39 =	vld [tilespmem:$0x1FB50];
	_ =	sdelay $0x2  }
0x2a0: {  	[tilespmem:v3+s24+$0x0] =	vst.idx.msk $0xffff, v2  }
0x2a1: {  	v3 =	vor.u32 s31, v40;
	v2 =	vld.idx.msk [tilespmem:v4+s21+$0x0], $0xffff  }
0x2a2: {  	v1 =	vor.u32 v39, v1  }
0x2a3: {  	v4 =	vld [tilespmem:$0x1FE60];
	_ =	sdelay $0x2  }
0x2a4: {  	[tilespmem:v3+s24+$0x0] =	vst.idx.msk $0xffff, v2;
	v2 =	vmov s26  }
0x2a5: {  	v3 =	vld.idx.msk [tilespmem:v1+s21+$0x0], $0xffff;
	v1 =	vshll.u32 v2, $0x5  }
0x2a6: {  	v2 =	vor.u32 s31, v38;
	v1 =	vor.u32 v4, v1;
	v4 =	vlaneseq.u32  }
0x2a7: {  	v4 =	vor.u32 v4, v1;
	_ =	sdelay $0x3  }
0x2a8: {  	[tilespmem:v2+s24+$0x0] =	vst.idx.msk $0xffff, v3  }
0x2a9: {  	v2 =	vld.idx.msk [tilespmem:v4+s21+$0x0], $0xffff  }
0x2aa: {  	v4 =	vld [tilespmem:$0x1FE70];
	_ =	sdelay $0x1  }
0x2ab: {  	s2 =	sand.u32 $0x70, s26  }
0x2ac: {  	s31 =	sor.u32 s1, s2  }
0x2ad: {  	v3 =	vor.u32 s31, v41  }
0x2ae: {  	v4 =	vor.u32 v4, v1;
	_ =	sdelay $0x3  }
0x2af: {  	[tilespmem:v3+s24+$0x0] =	vst.idx.msk $0xffff, v2  }
0x2b0: {  	v2 =	vld.idx.msk [tilespmem:v4+s21+$0x0], $0xffff  }
0x2b1: {  	v4 =	vld [tilespmem:$0x1FE80];
	_ =	sdelay $0x3  }
0x2b2: {  	v3 =	vor.u32 s31, v43  }
0x2b3: {  	v4 =	vor.u32 v4, v1;
	_ =	sdelay $0x3  }
0x2b4: {  	[tilespmem:v3+s24+$0x0] =	vst.idx.msk $0xffff, v2  }
0x2b5: {  	v2 =	vld.idx.msk [tilespmem:v4+s21+$0x0], $0xffff  }
0x2b6: {  	v4 =	vld [tilespmem:$0x1FE90];
	_ =	sdelay $0x3  }
0x2b7: {  	v3 =	vor.u32 s31, v9  }
0x2b8: {  	v4 =	vor.u32 v4, v1;
	_ =	sdelay $0x3  }
0x2b9: {  	[tilespmem:v3+s24+$0x0] =	vst.idx.msk $0xffff, v2  }
0x2ba: {  	v3 =	vor.u32 s31, v10;
	v2 =	vld.idx.msk [tilespmem:v4+s21+$0x0], $0xffff  }
0x2bb: {  	v4 =	vor.u32 v42, v1;
	_ =	sdelay $0x3  }
0x2bc: {  	[tilespmem:v3+s24+$0x0] =	vst.idx.msk $0xffff, v2  }
0x2bd: {  	v3 =	vor.u32 s31, v11;
	v2 =	vld.idx.msk [tilespmem:v4+s21+$0x0], $0xffff  }
0x2be: {  	v4 =	vor.u32 v44, v1;
	_ =	sdelay $0x3  }
0x2bf: {  	[tilespmem:v3+s24+$0x0] =	vst.idx.msk $0xffff, v2  }
0x2c0: {  	v3 =	vor.u32 s31, v12;
	v2 =	vld.idx.msk [tilespmem:v4+s21+$0x0], $0xffff  }
0x2c1: {  	v4 =	vor.u32 v45, v1;
	_ =	sdelay $0x3  }
0x2c2: {  	[tilespmem:v3+s24+$0x0] =	vst.idx.msk $0xffff, v2  }
0x2c3: {  	v3 =	vor.u32 s31, v13;
	v2 =	vld.idx.msk [tilespmem:v4+s21+$0x0], $0xffff  }
0x2c4: {  	v4 =	vor.u32 v46, v1;
	_ =	sdelay $0x3  }
0x2c5: {  	[tilespmem:v3+s24+$0x0] =	vst.idx.msk $0xffff, v2  }
0x2c6: {  	v3 =	vor.u32 s31, v50;
	v2 =	vld.idx.msk [tilespmem:v4+s21+$0x0], $0xffff  }
0x2c7: {  	v4 =	vor.u32 v47, v1;
	_ =	sdelay $0x3  }
0x2c8: {  	[tilespmem:v3+s24+$0x0] =	vst.idx.msk $0xffff, v2  }
0x2c9: {  	v3 =	vor.u32 s31, v51;
	v2 =	vld.idx.msk [tilespmem:v4+s21+$0x0], $0xffff  }
0x2ca: {  	v4 =	vor.u32 v48, v1;
	_ =	sdelay $0x3  }
0x2cb: {  	[tilespmem:v3+s24+$0x0] =	vst.idx.msk $0xffff, v2  }
0x2cc: {  	v3 =	vor.u32 s31, v16;
	v2 =	vld.idx.msk [tilespmem:v4+s21+$0x0], $0xffff  }
0x2cd: {  	v4 =	vor.u32 v49, v1;
	_ =	sdelay $0x3  }
0x2ce: {  	[tilespmem:v3+s24+$0x0] =	vst.idx.msk $0xffff, v2  }
0x2cf: {  	v3 =	vor.u32 s31, v17;
	v2 =	vld.idx.msk [tilespmem:v4+s21+$0x0], $0xffff  }
0x2d0: {  	v4 =	vor.u32 v14, v1;
	_ =	sdelay $0x3  }
0x2d1: {  	[tilespmem:v3+s24+$0x0] =	vst.idx.msk $0xffff, v2  }
0x2d2: {  	v3 =	vor.u32 s31, v18;
	v2 =	vld.idx.msk [tilespmem:v4+s21+$0x0], $0xffff  }
0x2d3: {  	v4 =	vor.u32 v15, v1;
	_ =	sdelay $0x3  }
0x2d4: {  	[tilespmem:v3+s24+$0x0] =	vst.idx.msk $0xffff, v2  }
0x2d5: {  	v3 =	vor.u32 s31, v0;
	v2 =	vld.idx.msk [tilespmem:v4+s21+$0x0], $0xffff  }
0x2d6: {  	v4 =	vor.u32 v55, v1;
	_ =	sdelay $0x3  }
0x2d7: {  	[tilespmem:v3+s24+$0x0] =	vst.idx.msk $0xffff, v2  }
0x2d8: {  	v3 =	vor.u32 s31, v19;
	v2 =	vld.idx.msk [tilespmem:v4+s21+$0x0], $0xffff  }
0x2d9: {  	v4 =	vor.u32 v58, v1;
	_ =	sdelay $0x3  }
0x2da: {  	[tilespmem:v3+s24+$0x0] =	vst.idx.msk $0xffff, v2  }
0x2db: {  	v3 =	vor.u32 s31, v20;
	v2 =	vld.idx.msk [tilespmem:v4+s21+$0x0], $0xffff  }
0x2dc: {  	v4 =	vor.u32 v62, v1;
	_ =	sdelay $0x3  }
0x2dd: {  	[tilespmem:v3+s24+$0x0] =	vst.idx.msk $0xffff, v2  }
0x2de: {  	v3 =	vor.u32 s31, v59;
	v2 =	vld.idx.msk [tilespmem:v4+s21+$0x0], $0xffff  }
0x2df: {  	v4 =	vor.u32 v7, v1;
	_ =	sdelay $0x3  }
0x2e0: {  	[tilespmem:v3+s24+$0x0] =	vst.idx.msk $0xffff, v2  }
0x2e1: {  	v3 =	vor.u32 s31, v23;
	v2 =	vld.idx.msk [tilespmem:v4+s21+$0x0], $0xffff  }
0x2e2: {  	v4 =	vor.u32 v6, v1;
	_ =	sdelay $0x3  }
0x2e3: {  	[tilespmem:v3+s24+$0x0] =	vst.idx.msk $0xffff, v2  }
0x2e4: {  	v3 =	vor.u32 s31, v61;
	v2 =	vld.idx.msk [tilespmem:v4+s21+$0x0], $0xffff  }
0x2e5: {  	v4 =	vor.u32 v21, v1;
	_ =	sdelay $0x3  }
0x2e6: {  	[tilespmem:v3+s24+$0x0] =	vst.idx.msk $0xffff, v2  }
0x2e7: {  	v3 =	vor.u32 s31, v24;
	v2 =	vld.idx.msk [tilespmem:v4+s21+$0x0], $0xffff  }
0x2e8: {  	v4 =	vor.u32 v22, v1;
	_ =	sdelay $0x3  }
0x2e9: {  	[tilespmem:v3+s24+$0x0] =	vst.idx.msk $0xffff, v2  }
0x2ea: {  	v3 =	vor.u32 s31, v26;
	v2 =	vld.idx.msk [tilespmem:v4+s21+$0x0], $0xffff  }
0x2eb: {  	v4 =	vor.u32 v5, v1;
	_ =	sdelay $0x3  }
0x2ec: {  	[tilespmem:v3+s24+$0x0] =	vst.idx.msk $0xffff, v2  }
0x2ed: {  	v3 =	vor.u32 s31, v27;
	v2 =	vld.idx.msk [tilespmem:v4+s21+$0x0], $0xffff  }
0x2ee: {  	v4 =	vor.u32 v25, v1;
	_ =	sdelay $0x3  }
0x2ef: {  	[tilespmem:v3+s24+$0x0] =	vst.idx.msk $0xffff, v2  }
0x2f0: {  	v3 =	vor.u32 s31, v28;
	v2 =	vld.idx.msk [tilespmem:v4+s21+$0x0], $0xffff  }
0x2f1: {  	v4 =	vor.u32 v52, v1;
	_ =	sdelay $0x3  }
0x2f2: {  	[tilespmem:v3+s24+$0x0] =	vst.idx.msk $0xffff, v2  }
0x2f3: {  	v3 =	vor.u32 s31, v56;
	v2 =	vld.idx.msk [tilespmem:v4+s21+$0x0], $0xffff  }
0x2f4: {  	v4 =	vor.u32 v54, v1;
	_ =	sdelay $0x3  }
0x2f5: {  	[tilespmem:v3+s24+$0x0] =	vst.idx.msk $0xffff, v2  }
0x2f6: {  	v3 =	vor.u32 s31, v57;
	v2 =	vld.idx.msk [tilespmem:v4+s21+$0x0], $0xffff  }
0x2f7: {  	v4 =	vor.u32 v53, v1;
	_ =	sdelay $0x3  }
0x2f8: {  	[tilespmem:v3+s24+$0x0] =	vst.idx.msk $0xffff, v2  }
0x2f9: {  	v3 =	vor.u32 s31, v60;
	v2 =	vld.idx.msk [tilespmem:v4+s21+$0x0], $0xffff  }
0x2fa: {  	v4 =	vor.u32 v29, v1;
	_ =	sdelay $0x3  }
0x2fb: {  	[tilespmem:v3+s24+$0x0] =	vst.idx.msk $0xffff, v2  }
0x2fc: {  	v3 =	vor.u32 s31, v33;
	v2 =	vld.idx.msk [tilespmem:v4+s21+$0x0], $0xffff  }
0x2fd: {  	v4 =	vor.u32 v30, v1;
	_ =	sdelay $0x3  }
0x2fe: {  	[tilespmem:v3+s24+$0x0] =	vst.idx.msk $0xffff, v2  }
0x2ff: {  	v3 =	vor.u32 s31, v34;
	v2 =	vld.idx.msk [tilespmem:v4+s21+$0x0], $0xffff  }
0x300: {  	v4 =	vor.u32 v8, v1;
	_ =	sdelay $0x3  }
0x301: {  	[tilespmem:v3+s24+$0x0] =	vst.idx.msk $0xffff, v2  }
0x302: {  	v3 =	vor.u32 s31, v35;
	v2 =	vld.idx.msk [tilespmem:v4+s21+$0x0], $0xffff  }
0x303: {  	v4 =	vor.u32 v31, v1;
	_ =	sdelay $0x3  }
0x304: {  	[tilespmem:v3+s24+$0x0] =	vst.idx.msk $0xffff, v2  }
0x305: {  	v3 =	vor.u32 s31, v63;
	v2 =	vld.idx.msk [tilespmem:v4+s21+$0x0], $0xffff  }
0x306: {  	v4 =	vor.u32 v32, v1;
	_ =	sdelay $0x3  }
0x307: {  	[tilespmem:v3+s24+$0x0] =	vst.idx.msk $0xffff, v2  }
0x308: {  	v3 =	vor.u32 s31, v36;
	v2 =	vld.idx.msk [tilespmem:v4+s21+$0x0], $0xffff  }
0x309: {  	p0 =	sne.s32 s28, $0x1F0;
	v4 =	vor.u32 v37, v1  }
.Ltmp2:
0x30a: {  	_ = 	snop;
	(pc) =	sbr.rel @p0 .LBB2_3-.Ltmp2, $3  }
0x30b: {  	_ =	sdelay $0x1  }
0x30c: {  	s26 =	smov.u32 s28;
	[tilespmem:v3+s24+$0x0] =	vst.idx.msk $0xffff, v2  }
0x30d: {  	s28 =	sadd.s32 $0x20, s28;
	s2 =	sadd.s32 $0xFFFFFFF0, s26;
	v1 =	vor.u32 v39, v1;
	v3 =	vor.u32 s31, v40;
	v2 =	vld.idx.msk [tilespmem:v4+s21+$0x0], $0xffff  }
0x30e: {  	v31 =	vld [tilespmem:$0x1FE60]  }
0x30f: {  	v0 =	vld [tilespmem:$0x1FE50];
	_ =	sdelay $0x2  }
0x310: {  	v4 =	vmov s2  }
0x311: {  	[tilespmem:v3+s24+$0x0] =	vst.idx.msk $0xffff, v2;
	v2 =	vshll.u32 v4, $0x5  }
0x312: {  	v3 =	vld.idx.msk [tilespmem:v1+s21+$0x0], $0xffff;
	v1 =	vor.u32 v31, v2;
	v2 =	vor.u32 s31, v0;
	v0 =	vlaneseq.u32  }
0x313: {  	v41 =	vld [tilespmem:$0x1FC60];
	v4 =	vor.u32 v0, v1  }
0x314: {  	v8 =	vld [tilespmem:$0x1FE70]  }
0x315: {  	s1 =	sadd.s32 $0x100, s25  }
0x316: {  	s25 =	sand.u32 $0x60, s2;
	s1 =	sand.u32 $0xC00, s1  }
0x317: {  	s2 =	sor.u32 s25, s1;
	[tilespmem:v2+s24+$0x0] =	vst.idx.msk $0xffff, v3  }
0x318: {  	v3 =	vor.u32 s2, v41;
	v2 =	vld.idx.msk [tilespmem:v4+s21+$0x0], $0xffff  }
0x319: {  	v43 =	vld [tilespmem:$0x1FC70];
	v4 =	vor.u32 v8, v1  }
0x31a: {  	v7 =	vld [tilespmem:$0x1FE80];
	_ =	sdelay $0x2  }
0x31b: {  	[tilespmem:v3+s24+$0x0] =	vst.idx.msk $0xffff, v2  }
0x31c: {  	v3 =	vor.u32 s2, v43;
	v2 =	vld.idx.msk [tilespmem:v4+s21+$0x0], $0xffff  }
0x31d: {  	v9 =	vld [tilespmem:$0x1FC80];
	v4 =	vor.u32 v7, v1  }
0x31e: {  	v63 =	vld [tilespmem:$0x1FE90];
	_ =	sdelay $0x2  }
0x31f: {  	[tilespmem:v3+s24+$0x0] =	vst.idx.msk $0xffff, v2  }
0x320: {  	v3 =	vor.u32 s2, v9;
	v2 =	vld.idx.msk [tilespmem:v4+s21+$0x0], $0xffff  }
0x321: {  	v10 =	vld [tilespmem:$0x1FC90];
	v4 =	vor.u32 v63, v1  }
0x322: {  	v42 =	vld [tilespmem:$0x1FEA0];
	_ =	sdelay $0x2  }
0x323: {  	[tilespmem:v3+s24+$0x0] =	vst.idx.msk $0xffff, v2  }
0x324: {  	v3 =	vor.u32 s2, v10;
	v2 =	vld.idx.msk [tilespmem:v4+s21+$0x0], $0xffff  }
0x325: {  	v11 =	vld [tilespmem:$0x1FCA0];
	v4 =	vor.u32 v42, v1  }
0x326: {  	v44 =	vld [tilespmem:$0x1FEB0];
	_ =	sdelay $0x2  }
0x327: {  	[tilespmem:v3+s24+$0x0] =	vst.idx.msk $0xffff, v2  }
0x328: {  	v3 =	vor.u32 s2, v11;
	v2 =	vld.idx.msk [tilespmem:v4+s21+$0x0], $0xffff  }
0x329: {  	v12 =	vld [tilespmem:$0x1FCB0];
	v4 =	vor.u32 v44, v1  }
0x32a: {  	v45 =	vld [tilespmem:$0x1FEC0];
	_ =	sdelay $0x2  }
0x32b: {  	[tilespmem:v3+s24+$0x0] =	vst.idx.msk $0xffff, v2  }
0x32c: {  	v3 =	vor.u32 s2, v12;
	v2 =	vld.idx.msk [tilespmem:v4+s21+$0x0], $0xffff  }
0x32d: {  	v13 =	vld [tilespmem:$0x1FCC0];
	v4 =	vor.u32 v45, v1  }
0x32e: {  	v46 =	vld [tilespmem:$0x1FED0];
	_ =	sdelay $0x2  }
0x32f: {  	[tilespmem:v3+s24+$0x0] =	vst.idx.msk $0xffff, v2  }
0x330: {  	v3 =	vor.u32 s2, v13;
	v2 =	vld.idx.msk [tilespmem:v4+s21+$0x0], $0xffff  }
0x331: {  	v50 =	vld [tilespmem:$0x1FCD0];
	v4 =	vor.u32 v46, v1  }
0x332: {  	v47 =	vld [tilespmem:$0x1FEE0];
	_ =	sdelay $0x2  }
0x333: {  	[tilespmem:v3+s24+$0x0] =	vst.idx.msk $0xffff, v2  }
0x334: {  	v3 =	vor.u32 s2, v50;
	v2 =	vld.idx.msk [tilespmem:v4+s21+$0x0], $0xffff  }
0x335: {  	v51 =	vld [tilespmem:$0x1FCE0];
	v4 =	vor.u32 v47, v1  }
0x336: {  	v48 =	vld [tilespmem:$0x1FEF0];
	_ =	sdelay $0x2  }
0x337: {  	[tilespmem:v3+s24+$0x0] =	vst.idx.msk $0xffff, v2  }
0x338: {  	v3 =	vor.u32 s2, v51;
	v2 =	vld.idx.msk [tilespmem:v4+s21+$0x0], $0xffff  }
0x339: {  	v16 =	vld [tilespmem:$0x1FCF0];
	v4 =	vor.u32 v48, v1  }
0x33a: {  	v49 =	vld [tilespmem:$0x1FF00];
	_ =	sdelay $0x2  }
0x33b: {  	[tilespmem:v3+s24+$0x0] =	vst.idx.msk $0xffff, v2  }
0x33c: {  	v3 =	vor.u32 s2, v16;
	v2 =	vld.idx.msk [tilespmem:v4+s21+$0x0], $0xffff  }
0x33d: {  	v17 =	vld [tilespmem:$0x1FD00];
	v4 =	vor.u32 v49, v1  }
0x33e: {  	v14 =	vld [tilespmem:$0x1FF40];
	_ =	sdelay $0x2  }
0x33f: {  	[tilespmem:v3+s24+$0x0] =	vst.idx.msk $0xffff, v2  }
0x340: {  	v3 =	vor.u32 s2, v17;
	v2 =	vld.idx.msk [tilespmem:v4+s21+$0x0], $0xffff  }
0x341: {  	v18 =	vld [tilespmem:$0x1FD10];
	v4 =	vor.u32 v14, v1  }
0x342: {  	v15 =	vld [tilespmem:$0x1FF70];
	_ =	sdelay $0x2  }
0x343: {  	[tilespmem:v3+s24+$0x0] =	vst.idx.msk $0xffff, v2  }
0x344: {  	v3 =	vor.u32 s2, v18;
	v2 =	vld.idx.msk [tilespmem:v4+s21+$0x0], $0xffff  }
0x345: {  	v0 =	vld [tilespmem:$0x1FD20];
	v4 =	vor.u32 v15, v1  }
0x346: {  	v55 =	vld [tilespmem:$0x1FFB0];
	_ =	sdelay $0x2  }
0x347: {  	[tilespmem:v3+s24+$0x0] =	vst.idx.msk $0xffff, v2  }
0x348: {  	v3 =	vor.u32 s2, v0;
	v2 =	vld.idx.msk [tilespmem:v4+s21+$0x0], $0xffff  }
0x349: {  	v19 =	vld [tilespmem:$0x1FD30];
	v4 =	vor.u32 v55, v1  }
0x34a: {  	v58 =	vld [tilespmem:$0x1FFD0];
	_ =	sdelay $0x2  }
0x34b: {  	[tilespmem:v3+s24+$0x0] =	vst.idx.msk $0xffff, v2  }
0x34c: {  	v3 =	vor.u32 s2, v19;
	v2 =	vld.idx.msk [tilespmem:v4+s21+$0x0], $0xffff  }
0x34d: {  	v20 =	vld [tilespmem:$0x1FD40];
	v4 =	vor.u32 v58, v1  }
0x34e: {  	v62 =	vld [tilespmem:$0x1FFE0];
	_ =	sdelay $0x2  }
0x34f: {  	[tilespmem:v3+s24+$0x0] =	vst.idx.msk $0xffff, v2  }
0x350: {  	v3 =	vor.u32 s2, v20;
	v2 =	vld.idx.msk [tilespmem:v4+s21+$0x0], $0xffff  }
0x351: {  	v4 =	vor.u32 v62, v1;
	_ =	sdelay $0x3  }
0x352: {  	v59 =	vld [tilespmem:$0x1FD50];
	[tilespmem:v3+s24+$0x0] =	vst.idx.msk $0xffff, v2  }
0x353: {  	v2 =	vld.idx.msk [tilespmem:v4+s21+$0x0], $0xffff  }
0x354: {  	v4 =	vld [tilespmem:$0x1FC50];
	_ =	sdelay $0x3  }
0x355: {  	v3 =	vor.u32 s2, v59  }
0x356: {  	v23 =	vld [tilespmem:$0x1FD60];
	v4 =	vor.u32 v4, v1  }
0x357: {  	v6 =	vld [tilespmem:$0x1FF80];
	_ =	sdelay $0x2  }
0x358: {  	[tilespmem:v3+s24+$0x0] =	vst.idx.msk $0xffff, v2  }
0x359: {  	v3 =	vor.u32 s2, v23;
	v2 =	vld.idx.msk [tilespmem:v4+s21+$0x0], $0xffff  }
0x35a: {  	v61 =	vld [tilespmem:$0x1FD70];
	v4 =	vor.u32 v6, v1  }
0x35b: {  	v21 =	vld [tilespmem:$0x1FFA0];
	_ =	sdelay $0x2  }
0x35c: {  	[tilespmem:v3+s24+$0x0] =	vst.idx.msk $0xffff, v2  }
0x35d: {  	v3 =	vor.u32 s2, v61;
	v2 =	vld.idx.msk [tilespmem:v4+s21+$0x0], $0xffff  }
0x35e: {  	v24 =	vld [tilespmem:$0x1FD80];
	v4 =	vor.u32 v21, v1  }
0x35f: {  	v22 =	vld [tilespmem:$0x1FFF0];
	_ =	sdelay $0x2  }
0x360: {  	[tilespmem:v3+s24+$0x0] =	vst.idx.msk $0xffff, v2  }
0x361: {  	v3 =	vor.u32 s2, v24;
	v2 =	vld.idx.msk [tilespmem:v4+s21+$0x0], $0xffff  }
0x362: {  	v26 =	vld [tilespmem:$0x1FD90];
	v4 =	vor.u32 v22, v1  }
0x363: {  	v5 =	vld [tilespmem:$0x1FF10];
	_ =	sdelay $0x2  }
0x364: {  	[tilespmem:v3+s24+$0x0] =	vst.idx.msk $0xffff, v2  }
0x365: {  	v3 =	vor.u32 s2, v26;
	v2 =	vld.idx.msk [tilespmem:v4+s21+$0x0], $0xffff  }
0x366: {  	v27 =	vld [tilespmem:$0x1FDA0];
	v4 =	vor.u32 v5, v1  }
0x367: {  	v25 =	vld [tilespmem:$0x1FF30];
	_ =	sdelay $0x2  }
0x368: {  	[tilespmem:v3+s24+$0x0] =	vst.idx.msk $0xffff, v2  }
0x369: {  	v3 =	vor.u32 s2, v27;
	v2 =	vld.idx.msk [tilespmem:v4+s21+$0x0], $0xffff  }
0x36a: {  	v28 =	vld [tilespmem:$0x1FDB0];
	v4 =	vor.u32 v25, v1  }
0x36b: {  	v52 =	vld [tilespmem:$0x1FF20];
	_ =	sdelay $0x2  }
0x36c: {  	[tilespmem:v3+s24+$0x0] =	vst.idx.msk $0xffff, v2  }
0x36d: {  	v3 =	vor.u32 s2, v28;
	v2 =	vld.idx.msk [tilespmem:v4+s21+$0x0], $0xffff  }
0x36e: {  	v56 =	vld [tilespmem:$0x1FDC0];
	v4 =	vor.u32 v52, v1  }
0x36f: {  	v54 =	vld [tilespmem:$0x1FF50];
	_ =	sdelay $0x2  }
0x370: {  	[tilespmem:v3+s24+$0x0] =	vst.idx.msk $0xffff, v2  }
0x371: {  	v3 =	vor.u32 s2, v56;
	v2 =	vld.idx.msk [tilespmem:v4+s21+$0x0], $0xffff  }
0x372: {  	v57 =	vld [tilespmem:$0x1FDD0];
	v4 =	vor.u32 v54, v1  }
0x373: {  	v53 =	vld [tilespmem:$0x1FF60];
	_ =	sdelay $0x2  }
0x374: {  	[tilespmem:v3+s24+$0x0] =	vst.idx.msk $0xffff, v2  }
0x375: {  	v3 =	vor.u32 s2, v57;
	v2 =	vld.idx.msk [tilespmem:v4+s21+$0x0], $0xffff  }
0x376: {  	v60 =	vld [tilespmem:$0x1FDE0];
	v4 =	vor.u32 v53, v1  }
0x377: {  	v29 =	vld [tilespmem:$0x1FF90];
	_ =	sdelay $0x2  }
0x378: {  	[tilespmem:v3+s24+$0x0] =	vst.idx.msk $0xffff, v2  }
0x379: {  	v3 =	vor.u32 s2, v60;
	v2 =	vld.idx.msk [tilespmem:v4+s21+$0x0], $0xffff  }
0x37a: {  	v33 =	vld [tilespmem:$0x1FDF0];
	v4 =	vor.u32 v29, v1  }
0x37b: {  	v30 =	vld [tilespmem:$0x1FFC0];
	_ =	sdelay $0x2  }
0x37c: {  	[tilespmem:v3+s24+$0x0] =	vst.idx.msk $0xffff, v2  }
0x37d: {  	v3 =	vor.u32 s2, v33;
	v2 =	vld.idx.msk [tilespmem:v4+s21+$0x0], $0xffff  }
0x37e: {  	v34 =	vld [tilespmem:$0x1FE00];
	v4 =	vor.u32 v30, v1  }
0x37f: {  	v32 =	vld [tilespmem:$0x1FC40];
	_ =	sdelay $0x2  }
0x380: {  	[tilespmem:v3+s24+$0x0] =	vst.idx.msk $0xffff, v2  }
0x381: {  	v3 =	vor.u32 s2, v34;
	v2 =	vld.idx.msk [tilespmem:v4+s21+$0x0], $0xffff  }
0x382: {  	v4 =	vor.u32 v32, v1;
	_ =	sdelay $0x3  }
0x383: {  	v35 =	vld [tilespmem:$0x1FE10];
	[tilespmem:v3+s24+$0x0] =	vst.idx.msk $0xffff, v2  }
0x384: {  	v2 =	vld.idx.msk [tilespmem:v4+s21+$0x0], $0xffff  }
0x385: {  	v4 =	vld [tilespmem:$0x1FB20];
	_ =	sdelay $0x3  }
0x386: {  	v3 =	vor.u32 s2, v35  }
0x387: {  	v4 =	vor.u32 v4, v1;
	_ =	sdelay $0x3  }
0x388: {  	v40 =	vld [tilespmem:$0x1FE20];
	[tilespmem:v3+s24+$0x0] =	vst.idx.msk $0xffff, v2  }
0x389: {  	v2 =	vld.idx.msk [tilespmem:v4+s21+$0x0], $0xffff  }
0x38a: {  	v4 =	vld [tilespmem:$0x1FB30];
	_ =	sdelay $0x3  }
0x38b: {  	v3 =	vor.u32 s2, v40  }
0x38c: {  	v36 =	vld [tilespmem:$0x1FE30];
	v4 =	vor.u32 v4, v1  }
0x38d: {  	v37 =	vld [tilespmem:$0x1FB40];
	_ =	sdelay $0x2  }
0x38e: {  	[tilespmem:v3+s24+$0x0] =	vst.idx.msk $0xffff, v2  }
0x38f: {  	v3 =	vor.u32 s2, v36;
	v2 =	vld.idx.msk [tilespmem:v4+s21+$0x0], $0xffff  }
0x390: {  	v39 =	vld [tilespmem:$0x1FE40];
	v4 =	vor.u32 v37, v1;
	_ =	sdelay $0x3  }
0x391: {  	v38 =	vld [tilespmem:$0x1FB50];
	[tilespmem:v3+s24+$0x0] =	vst.idx.msk $0xffff, v2  }
0x392: {  	v3 =	vor.u32 s2, v39;
	v2 =	vld.idx.msk [tilespmem:v4+s21+$0x0], $0xffff;
	_ =	sdelay $0x4  }
0x393: {  	v1 =	vor.u32 v38, v1;
	[tilespmem:v3+s24+$0x0] =	vst.idx.msk $0xffff, v2;
	v3 =	vld [tilespmem:$0x1FE50];
	_ =	sdelay $0x2  }
0x394: {  	v4 =	vmov s26  }
0x395: {  	v2 =	vshll.u32 v4, $0x5  }
0x396: {  	v4 =	vlaneseq.u32;
	v1 =	vld.idx.msk [tilespmem:v1+s21+$0x0], $0xffff;
	v2 =	vor.u32 v31, v2;
	v3 =	vor.u32 s2, v3  }
0x397: {  	v4 =	vor.u32 v4, v2;
	_ =	sdelay $0x2  }
0x398: {  	s25 =	sand.u32 $0x70, s26  }
0x399: {  	s1 =	sor.u32 s1, s25;
	[tilespmem:v3+s24+$0x0] =	vst.idx.msk $0xffff, v1  }
0x39a: {  	v3 =	vor.u32 s1, v41;
	v1 =	vld.idx.msk [tilespmem:v4+s21+$0x0], $0xffff  }
0x39b: {  	v4 =	vor.u32 v8, v2;
	_ =	sdelay $0x3  }
0x39c: {  	[tilespmem:v3+s24+$0x0] =	vst.idx.msk $0xffff, v1  }
0x39d: {  	v3 =	vor.u32 s1, v43;
	v1 =	vld.idx.msk [tilespmem:v4+s21+$0x0], $0xffff  }
0x39e: {  	v4 =	vor.u32 v7, v2;
	_ =	sdelay $0x3  }
0x39f: {  	[tilespmem:v3+s24+$0x0] =	vst.idx.msk $0xffff, v1  }
0x3a0: {  	v3 =	vor.u32 s1, v9;
	v1 =	vld.idx.msk [tilespmem:v4+s21+$0x0], $0xffff  }
0x3a1: {  	v4 =	vor.u32 v63, v2;
	_ =	sdelay $0x3  }
0x3a2: {  	[tilespmem:v3+s24+$0x0] =	vst.idx.msk $0xffff, v1  }
0x3a3: {  	v3 =	vor.u32 s1, v10;
	v1 =	vld.idx.msk [tilespmem:v4+s21+$0x0], $0xffff  }
0x3a4: {  	v4 =	vor.u32 v42, v2;
	_ =	sdelay $0x3  }
0x3a5: {  	[tilespmem:v3+s24+$0x0] =	vst.idx.msk $0xffff, v1  }
0x3a6: {  	v3 =	vor.u32 s1, v11;
	v1 =	vld.idx.msk [tilespmem:v4+s21+$0x0], $0xffff  }
0x3a7: {  	v4 =	vor.u32 v44, v2;
	_ =	sdelay $0x3  }
0x3a8: {  	[tilespmem:v3+s24+$0x0] =	vst.idx.msk $0xffff, v1  }
0x3a9: {  	v3 =	vor.u32 s1, v12;
	v1 =	vld.idx.msk [tilespmem:v4+s21+$0x0], $0xffff  }
0x3aa: {  	v4 =	vor.u32 v45, v2;
	_ =	sdelay $0x3  }
0x3ab: {  	[tilespmem:v3+s24+$0x0] =	vst.idx.msk $0xffff, v1  }
0x3ac: {  	v3 =	vor.u32 s1, v13;
	v1 =	vld.idx.msk [tilespmem:v4+s21+$0x0], $0xffff  }
0x3ad: {  	v4 =	vor.u32 v46, v2;
	_ =	sdelay $0x3  }
0x3ae: {  	[tilespmem:v3+s24+$0x0] =	vst.idx.msk $0xffff, v1  }
0x3af: {  	v3 =	vor.u32 s1, v50;
	v1 =	vld.idx.msk [tilespmem:v4+s21+$0x0], $0xffff  }
0x3b0: {  	v4 =	vor.u32 v47, v2;
	_ =	sdelay $0x3  }
0x3b1: {  	[tilespmem:v3+s24+$0x0] =	vst.idx.msk $0xffff, v1  }
0x3b2: {  	v3 =	vor.u32 s1, v51;
	v1 =	vld.idx.msk [tilespmem:v4+s21+$0x0], $0xffff  }
0x3b3: {  	v4 =	vor.u32 v48, v2;
	_ =	sdelay $0x3  }
0x3b4: {  	[tilespmem:v3+s24+$0x0] =	vst.idx.msk $0xffff, v1  }
0x3b5: {  	v3 =	vor.u32 s1, v16;
	v1 =	vld.idx.msk [tilespmem:v4+s21+$0x0], $0xffff  }
0x3b6: {  	v4 =	vor.u32 v49, v2;
	_ =	sdelay $0x3  }
0x3b7: {  	[tilespmem:v3+s24+$0x0] =	vst.idx.msk $0xffff, v1  }
0x3b8: {  	v3 =	vor.u32 s1, v17;
	v1 =	vld.idx.msk [tilespmem:v4+s21+$0x0], $0xffff  }
0x3b9: {  	v4 =	vor.u32 v14, v2;
	_ =	sdelay $0x3  }
0x3ba: {  	[tilespmem:v3+s24+$0x0] =	vst.idx.msk $0xffff, v1  }
0x3bb: {  	v3 =	vor.u32 s1, v18;
	v1 =	vld.idx.msk [tilespmem:v4+s21+$0x0], $0xffff  }
0x3bc: {  	v4 =	vor.u32 v15, v2;
	_ =	sdelay $0x3  }
0x3bd: {  	[tilespmem:v3+s24+$0x0] =	vst.idx.msk $0xffff, v1  }
0x3be: {  	v3 =	vor.u32 s1, v0;
	v1 =	vld.idx.msk [tilespmem:v4+s21+$0x0], $0xffff  }
0x3bf: {  	v4 =	vor.u32 v55, v2;
	_ =	sdelay $0x3  }
0x3c0: {  	[tilespmem:v3+s24+$0x0] =	vst.idx.msk $0xffff, v1  }
0x3c1: {  	v3 =	vor.u32 s1, v19;
	v1 =	vld.idx.msk [tilespmem:v4+s21+$0x0], $0xffff  }
0x3c2: {  	v4 =	vor.u32 v58, v2;
	_ =	sdelay $0x3  }
0x3c3: {  	[tilespmem:v3+s24+$0x0] =	vst.idx.msk $0xffff, v1  }
0x3c4: {  	v3 =	vor.u32 s1, v20;
	v1 =	vld.idx.msk [tilespmem:v4+s21+$0x0], $0xffff  }
0x3c5: {  	v4 =	vor.u32 v62, v2  }
0x3c6: {  	v63 =	vld [tilespmem:$0x1FC50];
	_ =	sdelay $0x2  }
0x3c7: {  	[tilespmem:v3+s24+$0x0] =	vst.idx.msk $0xffff, v1  }
0x3c8: {  	v3 =	vor.u32 s1, v59;
	v1 =	vld.idx.msk [tilespmem:v4+s21+$0x0], $0xffff  }
0x3c9: {  	v4 =	vor.u32 v63, v2;
	_ =	sdelay $0x3  }
0x3ca: {  	[tilespmem:v3+s24+$0x0] =	vst.idx.msk $0xffff, v1  }
0x3cb: {  	v3 =	vor.u32 s1, v23;
	v1 =	vld.idx.msk [tilespmem:v4+s21+$0x0], $0xffff  }
0x3cc: {  	v4 =	vor.u32 v6, v2;
	_ =	sdelay $0x3  }
0x3cd: {  	[tilespmem:v3+s24+$0x0] =	vst.idx.msk $0xffff, v1  }
0x3ce: {  	v3 =	vor.u32 s1, v61;
	v1 =	vld.idx.msk [tilespmem:v4+s21+$0x0], $0xffff  }
0x3cf: {  	v4 =	vor.u32 v21, v2;
	_ =	sdelay $0x3  }
0x3d0: {  	[tilespmem:v3+s24+$0x0] =	vst.idx.msk $0xffff, v1  }
0x3d1: {  	v3 =	vor.u32 s1, v24;
	v1 =	vld.idx.msk [tilespmem:v4+s21+$0x0], $0xffff  }
0x3d2: {  	v4 =	vor.u32 v22, v2;
	_ =	sdelay $0x3  }
0x3d3: {  	[tilespmem:v3+s24+$0x0] =	vst.idx.msk $0xffff, v1  }
0x3d4: {  	v3 =	vor.u32 s1, v26;
	v1 =	vld.idx.msk [tilespmem:v4+s21+$0x0], $0xffff  }
0x3d5: {  	v4 =	vor.u32 v5, v2;
	_ =	sdelay $0x3  }
0x3d6: {  	[tilespmem:v3+s24+$0x0] =	vst.idx.msk $0xffff, v1  }
0x3d7: {  	v3 =	vor.u32 s1, v27;
	v1 =	vld.idx.msk [tilespmem:v4+s21+$0x0], $0xffff  }
0x3d8: {  	v4 =	vor.u32 v25, v2;
	_ =	sdelay $0x3  }
0x3d9: {  	[tilespmem:v3+s24+$0x0] =	vst.idx.msk $0xffff, v1  }
0x3da: {  	v3 =	vor.u32 s1, v28;
	v1 =	vld.idx.msk [tilespmem:v4+s21+$0x0], $0xffff  }
0x3db: {  	v4 =	vor.u32 v52, v2;
	_ =	sdelay $0x3  }
0x3dc: {  	[tilespmem:v3+s24+$0x0] =	vst.idx.msk $0xffff, v1  }
0x3dd: {  	v3 =	vor.u32 s1, v56;
	v1 =	vld.idx.msk [tilespmem:v4+s21+$0x0], $0xffff  }
0x3de: {  	v4 =	vor.u32 v54, v2;
	_ =	sdelay $0x3  }
0x3df: {  	[tilespmem:v3+s24+$0x0] =	vst.idx.msk $0xffff, v1  }
0x3e0: {  	v3 =	vor.u32 s1, v57;
	v1 =	vld.idx.msk [tilespmem:v4+s21+$0x0], $0xffff  }
0x3e1: {  	v4 =	vor.u32 v53, v2;
	_ =	sdelay $0x3  }
0x3e2: {  	[tilespmem:v3+s24+$0x0] =	vst.idx.msk $0xffff, v1  }
0x3e3: {  	v3 =	vor.u32 s1, v60;
	v1 =	vld.idx.msk [tilespmem:v4+s21+$0x0], $0xffff  }
0x3e4: {  	v4 =	vor.u32 v29, v2;
	_ =	sdelay $0x3  }
0x3e5: {  	[tilespmem:v3+s24+$0x0] =	vst.idx.msk $0xffff, v1  }
0x3e6: {  	v3 =	vor.u32 s1, v33;
	v1 =	vld.idx.msk [tilespmem:v4+s21+$0x0], $0xffff  }
0x3e7: {  	v4 =	vor.u32 v30, v2;
	_ =	sdelay $0x3  }
0x3e8: {  	[tilespmem:v3+s24+$0x0] =	vst.idx.msk $0xffff, v1  }
0x3e9: {  	v3 =	vor.u32 s1, v34;
	v1 =	vld.idx.msk [tilespmem:v4+s21+$0x0], $0xffff  }
0x3ea: {  	v4 =	vor.u32 v32, v2  }
0x3eb: {  	v0 =	vld [tilespmem:$0x1FB20];
	_ =	sdelay $0x2  }
0x3ec: {  	[tilespmem:v3+s24+$0x0] =	vst.idx.msk $0xffff, v1  }
0x3ed: {  	v3 =	vor.u32 s1, v35;
	v1 =	vld.idx.msk [tilespmem:v4+s21+$0x0], $0xffff  }
0x3ee: {  	v4 =	vor.u32 v0, v2  }
0x3ef: {  	v0 =	vld [tilespmem:$0x1FB30];
	_ =	sdelay $0x2  }
0x3f0: {  	[tilespmem:v3+s24+$0x0] =	vst.idx.msk $0xffff, v1  }
0x3f1: {  	v3 =	vor.u32 s1, v40;
	v1 =	vld.idx.msk [tilespmem:v4+s21+$0x0], $0xffff  }
0x3f2: {  	v4 =	vor.u32 v0, v2;
	_ =	sdelay $0x3  }
0x3f3: {  	[tilespmem:v3+s24+$0x0] =	vst.idx.msk $0xffff, v1  }
0x3f4: {  	v3 =	vor.u32 s1, v36;
	v1 =	vld.idx.msk [tilespmem:v4+s21+$0x0], $0xffff  }
0x3f5: {  	v4 =	vor.u32 v37, v2;
	_ =	sdelay $0x3  }
0x3f6: {  	[tilespmem:v3+s24+$0x0] =	vst.idx.msk $0xffff, v1  }
0x3f7: {  	v3 =	vor.u32 s1, v39;
	v1 =	vld.idx.msk [tilespmem:v4+s21+$0x0], $0xffff  }
0x3f8: {  	v0 =	vld [tilespmem:$0x1FE50];
	v2 =	vor.u32 v38, v2;
	_ =	sdelay $0x3  }
0x3f9: {  	[tilespmem:v3+s24+$0x0] =	vst.idx.msk $0xffff, v1  }
0x3fa: {  	v1 =	vld.idx.msk [tilespmem:v2+s21+$0x0], $0xffff;
	v2 =	vor.u32 s1, v0;
	_ =	sdelay $0x2  }
0x3fb: {  	s26 =	sshll.u32 s8, $0x11  }
0x3fc: {  	s25 =	sor.u32 s7, s26  }
0x3fd: {  	s1 =	sadd.s32 s5, s25;
	[tilespmem:v2+s24+$0x0] =	vst.idx.msk $0xffff, v1  }
0x3fe: {  	[hbm4b:s1+s3] =	stream.linear.scatter [tilespmem:s24], [sflag:$0x3], $0x1000, $0x38;
	[tilespmem:$0x10400] =	vst v63  }
0x3ff: {  	p0 =	seq.s32 s8, $0x63;
	s26 =	simm.s32 $0x9400;
	s2 =	sadd.s32 s25, s11  }
0x400: {  	[hbm4b:s2+s3] =	stream.linear.scatter [tilespmem:s26], [sflag:$0x3], $0x1000, $0x38;
	[tilespmem:$0x10400] =	vst v63  }
0x401: {  	s1 =	sadd.s32 @!p0 s9, s6;
	s2 =	sadd.s32 s25, s12;
	s26 =	simm.s32 $0xA400  }
0x402: {  	[hbm4b:s2+s3] =	stream.linear.scatter [tilespmem:s26], [sflag:$0x3], $0x1000, $0x38;
	[tilespmem:$0x10400] =	vst v63  }
0x403: {  	s1 =	sshrl.u32 @!p0 s1, $0x3;
	s2 =	sadd.s32 s25, s13;
	s26 =	simm.s32 $0xB400  }
0x404: {  	[hbm4b:s2+s3] =	stream.linear.scatter [tilespmem:s26], [sflag:$0x3], $0x1000, $0x38;
	[tilespmem:$0x10400] =	vst v63  }
0x405: {  	s1 =	sadd.s32 @!p0 s0, s1;
	s2 =	simm.s32 @!p0 $0x0  }
0x406: {  	[tilespmem:s2], [sflag:$0x5] =	stream.linear.gather @!p0 [hbm4b:s1+s2], $0x200, $0x38;
	[tilespmem:$0x10400] =	vst v63  }
0x407: {  	s1 =	simm.s32 @!p0 $0x5  }
0x408: {  	p1 =	seq.s32 @!p0 s8, $0x0;
	_ =	swait.ge @!p0 [sflag:s1], $0x200  }
0x409: {  	p1 =	por p0, !p1;
	[sflag:s1] =	ssyncset.done @!p0 $0x0  }
0x40a: {  	s26 =	simm.s32 @!p0 $0x400;
	[sflag:s1] =	ssyncadd.s32 @!p0 $0xFFFFFE00;
	s1 =	simm.s32 @!p0 $0x200  }
0x40b: {  	[tilespmem:s26], [sflag:$0x1] =	stream.indirect.gather @!p0 [hbm4b:s4+s1], $0x20, s2, s1, $0xb8;
	[tilespmem:$0x10400] =	vst v63  }
0x40c: {  	_ =	swait.ge @p1 [sflag:s18], $0x1000  }
0x40d: {  	[sflag:s18] =	ssyncset.done @p1 $0x0  }
0x40e: {  	[sflag:s18] =	ssyncadd.s32 @p1 $0xFFFFF000  }
0x40f: {  	_ =	swait.ge @p1 [sflag:s18], $0x1000  }
0x410: {  	[sflag:s18] =	ssyncset.done @p1 $0x0  }
0x411: {  	[sflag:s18] =	ssyncadd.s32 @p1 $0xFFFFF000  }
0x412: {  	_ =	swait.ge @p1 [sflag:s18], $0x1000  }
0x413: {  	[sflag:s18] =	ssyncset.done @p1 $0x0  }
0x414: {  	[sflag:s18] =	ssyncadd.s32 @p1 $0xFFFFF000  }
0x415: {  	_ =	swait.ge @p1 [sflag:s18], $0x1000  }
0x416: {  	v2 =	vld [tilespmem:$0x1FE60];
	_ =	sdelay $0x1  }
0x417: {  	s2 =	simm.s32 $0x0  }
0x418: {  	v1 =	vmov s2;
	[sflag:s18] =	ssyncset.done @p1 $0x0  }
0x419: {  	v1 =	vshll.u32 v1, $0x5;
	[sflag:s18] =	ssyncadd.s32 @p1 $0xFFFFF000  }
0x41a: {  	_ =	swait.ge [sflag:s29], $0x4000;
	v1 =	vor.u32 v2, v1;
	v2 =	vlaneseq.u32  }
0x41b: {  	v12 =	vld [tilespmem:$0x1FC60];
	v2 =	vor.u32 v2, v1  }
0x41c: {  	v45 =	vld [tilespmem:$0x1FE70]  }
0x41d: {  	s26 =	simm.s32 $0x0  }
0x41e: {  	s1 =	sand.u32 $0xC00, s26;
	s2 =	sand.u32 $0x60, s2;
	[sflag:s29] =	ssyncset.done $0x0  }
0x41f: {  	s2 =	sor.u32 s2, s1;
	[sflag:s29] =	ssyncadd.s32 $0xFFFFC000  }
0x420: {  	v3 =	vor.u32 s2, v12;
	v2 =	vld.idx.msk [tilespmem:v2+s22+$0x0], $0xffff  }
0x421: {  	v13 =	vld [tilespmem:$0x1FC70];
	v4 =	vor.u32 v45, v1  }
0x422: {  	v46 =	vld [tilespmem:$0x1FE80];
	_ =	sdelay $0x2  }
0x423: {  	[tilespmem:v3+s30+$0x0] =	vst.idx.msk $0xffff, v2  }
0x424: {  	v3 =	vor.u32 s2, v13;
	v2 =	vld.idx.msk [tilespmem:v4+s22+$0x0], $0xffff  }
0x425: {  	v14 =	vld [tilespmem:$0x1FC80];
	v4 =	vor.u32 v46, v1  }
0x426: {  	v47 =	vld [tilespmem:$0x1FE90];
	_ =	sdelay $0x2  }
0x427: {  	[tilespmem:v3+s30+$0x0] =	vst.idx.msk $0xffff, v2  }
0x428: {  	v3 =	vor.u32 s2, v14;
	v2 =	vld.idx.msk [tilespmem:v4+s22+$0x0], $0xffff  }
0x429: {  	v15 =	vld [tilespmem:$0x1FC90];
	v4 =	vor.u32 v47, v1  }
0x42a: {  	v48 =	vld [tilespmem:$0x1FEA0];
	_ =	sdelay $0x2  }
0x42b: {  	[tilespmem:v3+s30+$0x0] =	vst.idx.msk $0xffff, v2  }
0x42c: {  	v3 =	vor.u32 s2, v15;
	v2 =	vld.idx.msk [tilespmem:v4+s22+$0x0], $0xffff  }
0x42d: {  	v16 =	vld [tilespmem:$0x1FCA0];
	v4 =	vor.u32 v48, v1  }
0x42e: {  	v49 =	vld [tilespmem:$0x1FEB0];
	_ =	sdelay $0x2  }
0x42f: {  	[tilespmem:v3+s30+$0x0] =	vst.idx.msk $0xffff, v2  }
0x430: {  	v3 =	vor.u32 s2, v16;
	v2 =	vld.idx.msk [tilespmem:v4+s22+$0x0], $0xffff  }
0x431: {  	v17 =	vld [tilespmem:$0x1FCB0];
	v4 =	vor.u32 v49, v1  }
0x432: {  	v50 =	vld [tilespmem:$0x1FEC0];
	_ =	sdelay $0x2  }
0x433: {  	[tilespmem:v3+s30+$0x0] =	vst.idx.msk $0xffff, v2  }
0x434: {  	v3 =	vor.u32 s2, v17;
	v2 =	vld.idx.msk [tilespmem:v4+s22+$0x0], $0xffff  }
0x435: {  	v18 =	vld [tilespmem:$0x1FCC0];
	v4 =	vor.u32 v50, v1  }
0x436: {  	v51 =	vld [tilespmem:$0x1FED0];
	_ =	sdelay $0x2  }
0x437: {  	[tilespmem:v3+s30+$0x0] =	vst.idx.msk $0xffff, v2  }
0x438: {  	v3 =	vor.u32 s2, v18;
	v2 =	vld.idx.msk [tilespmem:v4+s22+$0x0], $0xffff  }
0x439: {  	v19 =	vld [tilespmem:$0x1FCD0];
	v4 =	vor.u32 v51, v1  }
0x43a: {  	v52 =	vld [tilespmem:$0x1FEE0];
	_ =	sdelay $0x2  }
0x43b: {  	[tilespmem:v3+s30+$0x0] =	vst.idx.msk $0xffff, v2  }
0x43c: {  	v3 =	vor.u32 s2, v19;
	v2 =	vld.idx.msk [tilespmem:v4+s22+$0x0], $0xffff  }
0x43d: {  	v20 =	vld [tilespmem:$0x1FCE0];
	v4 =	vor.u32 v52, v1  }
0x43e: {  	v53 =	vld [tilespmem:$0x1FEF0];
	_ =	sdelay $0x2  }
0x43f: {  	[tilespmem:v3+s30+$0x0] =	vst.idx.msk $0xffff, v2  }
0x440: {  	v3 =	vor.u32 s2, v20;
	v2 =	vld.idx.msk [tilespmem:v4+s22+$0x0], $0xffff  }
0x441: {  	v21 =	vld [tilespmem:$0x1FCF0];
	v4 =	vor.u32 v53, v1  }
0x442: {  	v54 =	vld [tilespmem:$0x1FF00];
	_ =	sdelay $0x2  }
0x443: {  	[tilespmem:v3+s30+$0x0] =	vst.idx.msk $0xffff, v2  }
0x444: {  	v3 =	vor.u32 s2, v21;
	v2 =	vld.idx.msk [tilespmem:v4+s22+$0x0], $0xffff  }
0x445: {  	v22 =	vld [tilespmem:$0x1FD00];
	v4 =	vor.u32 v54, v1  }
0x446: {  	v58 =	vld [tilespmem:$0x1FF40];
	_ =	sdelay $0x2  }
0x447: {  	[tilespmem:v3+s30+$0x0] =	vst.idx.msk $0xffff, v2  }
0x448: {  	v3 =	vor.u32 s2, v22;
	v2 =	vld.idx.msk [tilespmem:v4+s22+$0x0], $0xffff  }
0x449: {  	v23 =	vld [tilespmem:$0x1FD10];
	v4 =	vor.u32 v58, v1  }
0x44a: {  	v61 =	vld [tilespmem:$0x1FF70];
	_ =	sdelay $0x2  }
0x44b: {  	[tilespmem:v3+s30+$0x0] =	vst.idx.msk $0xffff, v2  }
0x44c: {  	v3 =	vor.u32 s2, v23;
	v2 =	vld.idx.msk [tilespmem:v4+s22+$0x0], $0xffff  }
0x44d: {  	v24 =	vld [tilespmem:$0x1FD20];
	v4 =	vor.u32 v61, v1  }
0x44e: {  	v5 =	vld [tilespmem:$0x1FFB0];
	_ =	sdelay $0x2  }
0x44f: {  	[tilespmem:v3+s30+$0x0] =	vst.idx.msk $0xffff, v2  }
0x450: {  	v3 =	vor.u32 s2, v24;
	v2 =	vld.idx.msk [tilespmem:v4+s22+$0x0], $0xffff  }
0x451: {  	v25 =	vld [tilespmem:$0x1FD30];
	v4 =	vor.u32 v5, v1  }
0x452: {  	v38 =	vld [tilespmem:$0x1FFD0];
	_ =	sdelay $0x2  }
0x453: {  	[tilespmem:v3+s30+$0x0] =	vst.idx.msk $0xffff, v2  }
0x454: {  	v3 =	vor.u32 s2, v25;
	v2 =	vld.idx.msk [tilespmem:v4+s22+$0x0], $0xffff  }
0x455: {  	v26 =	vld [tilespmem:$0x1FD40];
	v4 =	vor.u32 v38, v1  }
0x456: {  	v6 =	vld [tilespmem:$0x1FFE0];
	_ =	sdelay $0x2  }
0x457: {  	[tilespmem:v3+s30+$0x0] =	vst.idx.msk $0xffff, v2  }
0x458: {  	v3 =	vor.u32 s2, v26;
	v2 =	vld.idx.msk [tilespmem:v4+s22+$0x0], $0xffff  }
0x459: {  	v27 =	vld [tilespmem:$0x1FD50];
	v4 =	vor.u32 v6, v1;
	_ =	sdelay $0x3  }
0x45a: {  	[tilespmem:v3+s30+$0x0] =	vst.idx.msk $0xffff, v2  }
0x45b: {  	v0 =	vmov v63;
	v3 =	vor.u32 s2, v27;
	v2 =	vld.idx.msk [tilespmem:v4+s22+$0x0], $0xffff  }
0x45c: {  	v28 =	vld [tilespmem:$0x1FD60];
	v4 =	vor.u32 v0, v1  }
0x45d: {  	v62 =	vld [tilespmem:$0x1FF80];
	_ =	sdelay $0x2  }
0x45e: {  	[tilespmem:v3+s30+$0x0] =	vst.idx.msk $0xffff, v2  }
0x45f: {  	v3 =	vor.u32 s2, v28;
	v2 =	vld.idx.msk [tilespmem:v4+s22+$0x0], $0xffff  }
0x460: {  	v29 =	vld [tilespmem:$0x1FD70];
	v4 =	vor.u32 v62, v1  }
0x461: {  	v63 =	vld [tilespmem:$0x1FFA0];
	_ =	sdelay $0x2  }
0x462: {  	[tilespmem:v3+s30+$0x0] =	vst.idx.msk $0xffff, v2  }
0x463: {  	v3 =	vor.u32 s2, v29;
	v2 =	vld.idx.msk [tilespmem:v4+s22+$0x0], $0xffff  }
0x464: {  	v30 =	vld [tilespmem:$0x1FD80];
	v4 =	vor.u32 v63, v1  }
0x465: {  	v39 =	vld [tilespmem:$0x1FFF0];
	_ =	sdelay $0x2  }
0x466: {  	[tilespmem:v3+s30+$0x0] =	vst.idx.msk $0xffff, v2  }
0x467: {  	v3 =	vor.u32 s2, v30;
	v2 =	vld.idx.msk [tilespmem:v4+s22+$0x0], $0xffff  }
0x468: {  	v31 =	vld [tilespmem:$0x1FD90];
	v4 =	vor.u32 v39, v1  }
0x469: {  	v55 =	vld [tilespmem:$0x1FF10];
	_ =	sdelay $0x2  }
0x46a: {  	[tilespmem:v3+s30+$0x0] =	vst.idx.msk $0xffff, v2  }
0x46b: {  	v3 =	vor.u32 s2, v31;
	v2 =	vld.idx.msk [tilespmem:v4+s22+$0x0], $0xffff  }
0x46c: {  	v8 =	vmov v32;
	v32 =	vld [tilespmem:$0x1FDA0];
	v4 =	vor.u32 v55, v1  }
0x46d: {  	v57 =	vld [tilespmem:$0x1FF30];
	_ =	sdelay $0x2  }
0x46e: {  	[tilespmem:v3+s30+$0x0] =	vst.idx.msk $0xffff, v2  }
0x46f: {  	v3 =	vor.u32 s2, v32;
	v2 =	vld.idx.msk [tilespmem:v4+s22+$0x0], $0xffff  }
0x470: {  	v33 =	vld [tilespmem:$0x1FDB0];
	v4 =	vor.u32 v57, v1  }
0x471: {  	v56 =	vld [tilespmem:$0x1FF20];
	_ =	sdelay $0x2  }
0x472: {  	[tilespmem:v3+s30+$0x0] =	vst.idx.msk $0xffff, v2  }
0x473: {  	v3 =	vor.u32 s2, v33;
	v2 =	vld.idx.msk [tilespmem:v4+s22+$0x0], $0xffff  }
0x474: {  	v34 =	vld [tilespmem:$0x1FDC0];
	v4 =	vor.u32 v56, v1  }
0x475: {  	v59 =	vld [tilespmem:$0x1FF50];
	_ =	sdelay $0x2  }
0x476: {  	[tilespmem:v3+s30+$0x0] =	vst.idx.msk $0xffff, v2  }
0x477: {  	v3 =	vor.u32 s2, v34;
	v2 =	vld.idx.msk [tilespmem:v4+s22+$0x0], $0xffff  }
0x478: {  	v35 =	vld [tilespmem:$0x1FDD0];
	v4 =	vor.u32 v59, v1  }
0x479: {  	v60 =	vld [tilespmem:$0x1FF60];
	_ =	sdelay $0x2  }
0x47a: {  	[tilespmem:v3+s30+$0x0] =	vst.idx.msk $0xffff, v2  }
0x47b: {  	v3 =	vor.u32 s2, v35;
	v2 =	vld.idx.msk [tilespmem:v4+s22+$0x0], $0xffff  }
0x47c: {  	v36 =	vld [tilespmem:$0x1FDE0];
	v4 =	vor.u32 v60, v1  }
0x47d: {  	v37 =	vld [tilespmem:$0x1FF90];
	_ =	sdelay $0x2  }
0x47e: {  	[tilespmem:v3+s30+$0x0] =	vst.idx.msk $0xffff, v2  }
0x47f: {  	v3 =	vor.u32 s2, v36;
	v2 =	vld.idx.msk [tilespmem:v4+s22+$0x0], $0xffff  }
0x480: {  	v42 =	vld [tilespmem:$0x1FDF0];
	v4 =	vor.u32 v37, v1  }
0x481: {  	v40 =	vld [tilespmem:$0x1FFC0];
	_ =	sdelay $0x2  }
0x482: {  	[tilespmem:v3+s30+$0x0] =	vst.idx.msk $0xffff, v2  }
0x483: {  	v3 =	vor.u32 s2, v42;
	v2 =	vld.idx.msk [tilespmem:v4+s22+$0x0], $0xffff  }
0x484: {  	v43 =	vld [tilespmem:$0x1FE00];
	v4 =	vor.u32 v40, v1;
	_ =	sdelay $0x3  }
0x485: {  	[tilespmem:v3+s30+$0x0] =	vst.idx.msk $0xffff, v2  }
0x486: {  	v3 =	vor.u32 s2, v43;
	v2 =	vld.idx.msk [tilespmem:v4+s22+$0x0], $0xffff  }
0x487: {  	v44 =	vld [tilespmem:$0x1FE10];
	v4 =	vor.u32 v8, v1  }
0x488: {  	v8 =	vld [tilespmem:$0x1FB20];
	_ =	sdelay $0x2  }
0x489: {  	[tilespmem:v3+s30+$0x0] =	vst.idx.msk $0xffff, v2  }
0x48a: {  	v3 =	vor.u32 s2, v44;
	v2 =	vld.idx.msk [tilespmem:v4+s22+$0x0], $0xffff  }
0x48b: {  	v41 =	vld [tilespmem:$0x1FE20];
	v4 =	vor.u32 v8, v1  }
0x48c: {  	v9 =	vld [tilespmem:$0x1FB30];
	_ =	sdelay $0x2  }
0x48d: {  	[tilespmem:v3+s30+$0x0] =	vst.idx.msk $0xffff, v2  }
0x48e: {  	v3 =	vor.u32 s2, v41;
	v2 =	vld.idx.msk [tilespmem:v4+s22+$0x0], $0xffff  }
0x48f: {  	v7 =	vld [tilespmem:$0x1FE30];
	v4 =	vor.u32 v9, v1;
	_ =	sdelay $0x3  }
0x490: {  	v10 =	vld [tilespmem:$0x1FB40];
	[tilespmem:v3+s30+$0x0] =	vst.idx.msk $0xffff, v2  }
0x491: {  	v3 =	vor.u32 s2, v7;
	v2 =	vld.idx.msk [tilespmem:v4+s22+$0x0], $0xffff;
	_ =	sdelay $0x4  }
0x492: {  	v4 =	vor.u32 v10, v1;
	[tilespmem:v3+s30+$0x0] =	vst.idx.msk $0xffff, v2;
	v3 =	vld [tilespmem:$0x1FE40];
	_ =	sdelay $0x4  }
0x493: {  	v2 =	vld.idx.msk [tilespmem:v4+s22+$0x0], $0xffff;
	v3 =	vor.u32 s2, v3  }
0x494: {  	v11 =	vld [tilespmem:$0x1FB50];
	_ =	sdelay $0x2  }
0x495: {  	s28 =	simm.s32 $0x10  }
0x496: {  	v4 =	vmov s28;
	[tilespmem:v3+s30+$0x0] =	vst.idx.msk $0xffff, v2;
	v3 =	vld [tilespmem:$0x1FE50]  }
0x497: {  	v1 =	vor.u32 v11, v1;
	v2 =	vshll.u32 v4, $0x5;
	v4 =	vld [tilespmem:$0x1FE60];
	_ =	sdelay $0x4  }
0x498: {  	v1 =	vld.idx.msk [tilespmem:v1+s22+$0x0], $0xffff;
	v3 =	vor.u32 s2, v3;
	v4 =	vor.u32 v4, v2;
	v2 =	vlaneseq.u32  }
0x499: {  	v2 =	vor.u32 v2, v4;
	_ =	sdelay $0x2  }
0x49a: {  	s2 =	sand.u32 $0x70, s28  }
0x49b: {  	s1 =	sor.u32 s1, s2;
	[tilespmem:v3+s30+$0x0] =	vst.idx.msk $0xffff, v1  }
0x49c: {  	v1 =	vld.idx.msk [tilespmem:v2+s22+$0x0], $0xffff;
	v2 =	vor.u32 s1, v12  }
0x49d: {  	v3 =	vor.u32 v45, v4;
	_ =	sdelay $0x3  }
0x49e: {  	[tilespmem:v2+s30+$0x0] =	vst.idx.msk $0xffff, v1  }
0x49f: {  	v2 =	vor.u32 s1, v13;
	v1 =	vld.idx.msk [tilespmem:v3+s22+$0x0], $0xffff  }
0x4a0: {  	v3 =	vor.u32 v46, v4;
	_ =	sdelay $0x3  }
0x4a1: {  	[tilespmem:v2+s30+$0x0] =	vst.idx.msk $0xffff, v1  }
0x4a2: {  	v2 =	vor.u32 s1, v14;
	v1 =	vld.idx.msk [tilespmem:v3+s22+$0x0], $0xffff  }
0x4a3: {  	v3 =	vor.u32 v47, v4;
	_ =	sdelay $0x3  }
0x4a4: {  	[tilespmem:v2+s30+$0x0] =	vst.idx.msk $0xffff, v1  }
0x4a5: {  	v2 =	vor.u32 s1, v15;
	v1 =	vld.idx.msk [tilespmem:v3+s22+$0x0], $0xffff  }
0x4a6: {  	v3 =	vor.u32 v48, v4;
	_ =	sdelay $0x3  }
0x4a7: {  	[tilespmem:v2+s30+$0x0] =	vst.idx.msk $0xffff, v1  }
0x4a8: {  	v2 =	vor.u32 s1, v16;
	v1 =	vld.idx.msk [tilespmem:v3+s22+$0x0], $0xffff  }
0x4a9: {  	v3 =	vor.u32 v49, v4;
	_ =	sdelay $0x3  }
0x4aa: {  	[tilespmem:v2+s30+$0x0] =	vst.idx.msk $0xffff, v1  }
0x4ab: {  	v2 =	vor.u32 s1, v17;
	v1 =	vld.idx.msk [tilespmem:v3+s22+$0x0], $0xffff  }
0x4ac: {  	v3 =	vor.u32 v50, v4;
	_ =	sdelay $0x3  }
0x4ad: {  	[tilespmem:v2+s30+$0x0] =	vst.idx.msk $0xffff, v1  }
0x4ae: {  	v2 =	vor.u32 s1, v18;
	v1 =	vld.idx.msk [tilespmem:v3+s22+$0x0], $0xffff  }
0x4af: {  	v3 =	vor.u32 v51, v4;
	_ =	sdelay $0x3  }
0x4b0: {  	[tilespmem:v2+s30+$0x0] =	vst.idx.msk $0xffff, v1  }
0x4b1: {  	v2 =	vor.u32 s1, v19;
	v1 =	vld.idx.msk [tilespmem:v3+s22+$0x0], $0xffff  }
0x4b2: {  	v3 =	vor.u32 v52, v4;
	_ =	sdelay $0x3  }
0x4b3: {  	[tilespmem:v2+s30+$0x0] =	vst.idx.msk $0xffff, v1  }
0x4b4: {  	v2 =	vor.u32 s1, v20;
	v1 =	vld.idx.msk [tilespmem:v3+s22+$0x0], $0xffff  }
0x4b5: {  	v3 =	vor.u32 v53, v4;
	_ =	sdelay $0x3  }
0x4b6: {  	[tilespmem:v2+s30+$0x0] =	vst.idx.msk $0xffff, v1  }
0x4b7: {  	v2 =	vor.u32 s1, v21;
	v1 =	vld.idx.msk [tilespmem:v3+s22+$0x0], $0xffff  }
0x4b8: {  	v3 =	vor.u32 v54, v4;
	_ =	sdelay $0x3  }
0x4b9: {  	[tilespmem:v2+s30+$0x0] =	vst.idx.msk $0xffff, v1  }
0x4ba: {  	v2 =	vor.u32 s1, v22;
	v1 =	vld.idx.msk [tilespmem:v3+s22+$0x0], $0xffff  }
0x4bb: {  	v3 =	vor.u32 v58, v4;
	_ =	sdelay $0x3  }
0x4bc: {  	[tilespmem:v2+s30+$0x0] =	vst.idx.msk $0xffff, v1  }
0x4bd: {  	v2 =	vor.u32 s1, v23;
	v1 =	vld.idx.msk [tilespmem:v3+s22+$0x0], $0xffff  }
0x4be: {  	v3 =	vor.u32 v61, v4;
	_ =	sdelay $0x3  }
0x4bf: {  	[tilespmem:v2+s30+$0x0] =	vst.idx.msk $0xffff, v1  }
0x4c0: {  	v2 =	vor.u32 s1, v24;
	v1 =	vld.idx.msk [tilespmem:v3+s22+$0x0], $0xffff  }
0x4c1: {  	v3 =	vor.u32 v5, v4;
	_ =	sdelay $0x3  }
0x4c2: {  	[tilespmem:v2+s30+$0x0] =	vst.idx.msk $0xffff, v1  }
0x4c3: {  	v2 =	vor.u32 s1, v25;
	v1 =	vld.idx.msk [tilespmem:v3+s22+$0x0], $0xffff  }
0x4c4: {  	v3 =	vor.u32 v38, v4;
	_ =	sdelay $0x3  }
0x4c5: {  	[tilespmem:v2+s30+$0x0] =	vst.idx.msk $0xffff, v1  }
0x4c6: {  	v2 =	vor.u32 s1, v26;
	v1 =	vld.idx.msk [tilespmem:v3+s22+$0x0], $0xffff  }
0x4c7: {  	v3 =	vor.u32 v6, v4;
	_ =	sdelay $0x3  }
0x4c8: {  	[tilespmem:v2+s30+$0x0] =	vst.idx.msk $0xffff, v1  }
0x4c9: {  	v2 =	vor.u32 s1, v27;
	v1 =	vld.idx.msk [tilespmem:v3+s22+$0x0], $0xffff  }
0x4ca: {  	v3 =	vor.u32 v0, v4;
	_ =	sdelay $0x3  }
0x4cb: {  	[tilespmem:v2+s30+$0x0] =	vst.idx.msk $0xffff, v1  }
0x4cc: {  	v2 =	vor.u32 s1, v28;
	v1 =	vld.idx.msk [tilespmem:v3+s22+$0x0], $0xffff  }
0x4cd: {  	v3 =	vor.u32 v62, v4;
	_ =	sdelay $0x3  }
0x4ce: {  	[tilespmem:v2+s30+$0x0] =	vst.idx.msk $0xffff, v1  }
0x4cf: {  	v2 =	vor.u32 s1, v29;
	v1 =	vld.idx.msk [tilespmem:v3+s22+$0x0], $0xffff  }
0x4d0: {  	v3 =	vor.u32 v63, v4;
	_ =	sdelay $0x3  }
0x4d1: {  	[tilespmem:v2+s30+$0x0] =	vst.idx.msk $0xffff, v1  }
0x4d2: {  	v2 =	vor.u32 s1, v30;
	v1 =	vld.idx.msk [tilespmem:v3+s22+$0x0], $0xffff  }
0x4d3: {  	v3 =	vor.u32 v39, v4;
	_ =	sdelay $0x3  }
0x4d4: {  	[tilespmem:v2+s30+$0x0] =	vst.idx.msk $0xffff, v1  }
0x4d5: {  	v2 =	vor.u32 s1, v31;
	v1 =	vld.idx.msk [tilespmem:v3+s22+$0x0], $0xffff  }
0x4d6: {  	v3 =	vor.u32 v55, v4;
	_ =	sdelay $0x3  }
0x4d7: {  	[tilespmem:v2+s30+$0x0] =	vst.idx.msk $0xffff, v1  }
0x4d8: {  	v2 =	vor.u32 s1, v32;
	v1 =	vld.idx.msk [tilespmem:v3+s22+$0x0], $0xffff  }
0x4d9: {  	v3 =	vor.u32 v57, v4;
	_ =	sdelay $0x3  }
0x4da: {  	[tilespmem:v2+s30+$0x0] =	vst.idx.msk $0xffff, v1  }
0x4db: {  	v2 =	vor.u32 s1, v33;
	v1 =	vld.idx.msk [tilespmem:v3+s22+$0x0], $0xffff  }
0x4dc: {  	v3 =	vor.u32 v56, v4;
	_ =	sdelay $0x3  }
0x4dd: {  	[tilespmem:v2+s30+$0x0] =	vst.idx.msk $0xffff, v1  }
0x4de: {  	v2 =	vor.u32 s1, v34;
	v1 =	vld.idx.msk [tilespmem:v3+s22+$0x0], $0xffff  }
0x4df: {  	v3 =	vor.u32 v59, v4;
	_ =	sdelay $0x3  }
0x4e0: {  	[tilespmem:v2+s30+$0x0] =	vst.idx.msk $0xffff, v1  }
0x4e1: {  	v2 =	vor.u32 s1, v35;
	v1 =	vld.idx.msk [tilespmem:v3+s22+$0x0], $0xffff  }
0x4e2: {  	v3 =	vor.u32 v60, v4;
	_ =	sdelay $0x3  }
0x4e3: {  	[tilespmem:v2+s30+$0x0] =	vst.idx.msk $0xffff, v1  }
0x4e4: {  	v2 =	vor.u32 s1, v36;
	v1 =	vld.idx.msk [tilespmem:v3+s22+$0x0], $0xffff  }
0x4e5: {  	v3 =	vor.u32 v37, v4;
	_ =	sdelay $0x3  }
0x4e6: {  	[tilespmem:v2+s30+$0x0] =	vst.idx.msk $0xffff, v1  }
0x4e7: {  	v2 =	vor.u32 s1, v42;
	v1 =	vld.idx.msk [tilespmem:v3+s22+$0x0], $0xffff  }
0x4e8: {  	v3 =	vor.u32 v40, v4  }
0x4e9: {  	v0 =	vld [tilespmem:$0x1FC40];
	_ =	sdelay $0x2  }
0x4ea: {  	[tilespmem:v2+s30+$0x0] =	vst.idx.msk $0xffff, v1  }
0x4eb: {  	v2 =	vor.u32 s1, v43;
	v1 =	vld.idx.msk [tilespmem:v3+s22+$0x0], $0xffff  }
0x4ec: {  	v3 =	vor.u32 v0, v4;
	_ =	sdelay $0x3  }
0x4ed: {  	[tilespmem:v2+s30+$0x0] =	vst.idx.msk $0xffff, v1  }
0x4ee: {  	v2 =	vor.u32 s1, v44;
	v1 =	vld.idx.msk [tilespmem:v3+s22+$0x0], $0xffff  }
0x4ef: {  	v3 =	vor.u32 v8, v4;
	_ =	sdelay $0x3  }
0x4f0: {  	[tilespmem:v2+s30+$0x0] =	vst.idx.msk $0xffff, v1  }
0x4f1: {  	v2 =	vor.u32 s1, v41;
	v1 =	vld.idx.msk [tilespmem:v3+s22+$0x0], $0xffff  }
0x4f2: {  	v3 =	vor.u32 v9, v4;
	_ =	sdelay $0x3  }
0x4f3: {  	[tilespmem:v2+s30+$0x0] =	vst.idx.msk $0xffff, v1  }
0x4f4: {  	v2 =	vor.u32 s1, v7;
	v1 =	vld.idx.msk [tilespmem:v3+s22+$0x0], $0xffff  }
0x4f5: {  	v0 =	vld [tilespmem:$0x1FE40];
	v3 =	vor.u32 v10, v4;
	_ =	sdelay $0x3  }
0x4f6: {  	[tilespmem:v2+s30+$0x0] =	vst.idx.msk $0xffff, v1  }
0x4f7: {  	s31 =	simm.s32 $0x50;
	s28 =	simm.s32 $0x30;
	s2 =	simm.s32 $0x20;
	v1 =	vor.u32 v11, v4;
	v2 =	vld.idx.msk [tilespmem:v3+s22+$0x0], $0xffff;
	v3 =	vor.u32 s1, v0  }
.LBB2_5:
0x4f8: {  	v0 =	vld [tilespmem:$0x1FE60]  }
0x4f9: {  	v6 =	vld [tilespmem:$0x1FE50];
	_ =	sdelay $0x2  }
0x4fa: {  	v4 =	vmov s2  }
0x4fb: {  	[tilespmem:v3+s30+$0x0] =	vst.idx.msk $0xffff, v2;
	v2 =	vshll.u32 v4, $0x5  }
0x4fc: {  	v3 =	vld.idx.msk [tilespmem:v1+s22+$0x0], $0xffff;
	v1 =	vor.u32 v0, v2;
	v2 =	vor.u32 s1, v6;
	v0 =	vlaneseq.u32  }
0x4fd: {  	v13 =	vld [tilespmem:$0x1FC60];
	v4 =	vor.u32 v0, v1  }
0x4fe: {  	v46 =	vld [tilespmem:$0x1FE70]  }
0x4ff: {  	s26 =	sadd.s32 $0x100, s26  }
0x500: {  	s2 =	sand.u32 $0x60, s2;
	s1 =	sand.u32 $0xC00, s26  }
0x501: {  	s2 =	sor.u32 s2, s1;
	[tilespmem:v2+s30+$0x0] =	vst.idx.msk $0xffff, v3  }
0x502: {  	v3 =	vor.u32 s2, v13;
	v2 =	vld.idx.msk [tilespmem:v4+s22+$0x0], $0xffff  }
0x503: {  	v14 =	vld [tilespmem:$0x1FC70];
	v4 =	vor.u32 v46, v1  }
0x504: {  	v47 =	vld [tilespmem:$0x1FE80];
	_ =	sdelay $0x2  }
0x505: {  	[tilespmem:v3+s30+$0x0] =	vst.idx.msk $0xffff, v2  }
0x506: {  	v3 =	vor.u32 s2, v14;
	v2 =	vld.idx.msk [tilespmem:v4+s22+$0x0], $0xffff  }
0x507: {  	v15 =	vld [tilespmem:$0x1FC80];
	v4 =	vor.u32 v47, v1  }
0x508: {  	v48 =	vld [tilespmem:$0x1FE90];
	_ =	sdelay $0x2  }
0x509: {  	[tilespmem:v3+s30+$0x0] =	vst.idx.msk $0xffff, v2  }
0x50a: {  	v3 =	vor.u32 s2, v15;
	v2 =	vld.idx.msk [tilespmem:v4+s22+$0x0], $0xffff  }
0x50b: {  	v16 =	vld [tilespmem:$0x1FC90];
	v4 =	vor.u32 v48, v1  }
0x50c: {  	v49 =	vld [tilespmem:$0x1FEA0];
	_ =	sdelay $0x2  }
0x50d: {  	[tilespmem:v3+s30+$0x0] =	vst.idx.msk $0xffff, v2  }
0x50e: {  	v3 =	vor.u32 s2, v16;
	v2 =	vld.idx.msk [tilespmem:v4+s22+$0x0], $0xffff  }
0x50f: {  	v17 =	vld [tilespmem:$0x1FCA0];
	v4 =	vor.u32 v49, v1  }
0x510: {  	v50 =	vld [tilespmem:$0x1FEB0];
	_ =	sdelay $0x2  }
0x511: {  	[tilespmem:v3+s30+$0x0] =	vst.idx.msk $0xffff, v2  }
0x512: {  	v3 =	vor.u32 s2, v17;
	v2 =	vld.idx.msk [tilespmem:v4+s22+$0x0], $0xffff  }
0x513: {  	v18 =	vld [tilespmem:$0x1FCB0];
	v4 =	vor.u32 v50, v1  }
0x514: {  	v51 =	vld [tilespmem:$0x1FEC0];
	_ =	sdelay $0x2  }
0x515: {  	[tilespmem:v3+s30+$0x0] =	vst.idx.msk $0xffff, v2  }
0x516: {  	v3 =	vor.u32 s2, v18;
	v2 =	vld.idx.msk [tilespmem:v4+s22+$0x0], $0xffff  }
0x517: {  	v19 =	vld [tilespmem:$0x1FCC0];
	v4 =	vor.u32 v51, v1  }
0x518: {  	v52 =	vld [tilespmem:$0x1FED0];
	_ =	sdelay $0x2  }
0x519: {  	[tilespmem:v3+s30+$0x0] =	vst.idx.msk $0xffff, v2  }
0x51a: {  	v3 =	vor.u32 s2, v19;
	v2 =	vld.idx.msk [tilespmem:v4+s22+$0x0], $0xffff  }
0x51b: {  	v20 =	vld [tilespmem:$0x1FCD0];
	v4 =	vor.u32 v52, v1  }
0x51c: {  	v53 =	vld [tilespmem:$0x1FEE0];
	_ =	sdelay $0x2  }
0x51d: {  	[tilespmem:v3+s30+$0x0] =	vst.idx.msk $0xffff, v2  }
0x51e: {  	v3 =	vor.u32 s2, v20;
	v2 =	vld.idx.msk [tilespmem:v4+s22+$0x0], $0xffff  }
0x51f: {  	v21 =	vld [tilespmem:$0x1FCE0];
	v4 =	vor.u32 v53, v1  }
0x520: {  	v54 =	vld [tilespmem:$0x1FEF0];
	_ =	sdelay $0x2  }
0x521: {  	[tilespmem:v3+s30+$0x0] =	vst.idx.msk $0xffff, v2  }
0x522: {  	v3 =	vor.u32 s2, v21;
	v2 =	vld.idx.msk [tilespmem:v4+s22+$0x0], $0xffff  }
0x523: {  	v22 =	vld [tilespmem:$0x1FCF0];
	v4 =	vor.u32 v54, v1  }
0x524: {  	v55 =	vld [tilespmem:$0x1FF00];
	_ =	sdelay $0x2  }
0x525: {  	[tilespmem:v3+s30+$0x0] =	vst.idx.msk $0xffff, v2  }
0x526: {  	v3 =	vor.u32 s2, v22;
	v2 =	vld.idx.msk [tilespmem:v4+s22+$0x0], $0xffff  }
0x527: {  	v23 =	vld [tilespmem:$0x1FD00];
	v4 =	vor.u32 v55, v1  }
0x528: {  	v59 =	vld [tilespmem:$0x1FF40];
	_ =	sdelay $0x2  }
0x529: {  	[tilespmem:v3+s30+$0x0] =	vst.idx.msk $0xffff, v2  }
0x52a: {  	v3 =	vor.u32 s2, v23;
	v2 =	vld.idx.msk [tilespmem:v4+s22+$0x0], $0xffff  }
0x52b: {  	v24 =	vld [tilespmem:$0x1FD10];
	v4 =	vor.u32 v59, v1  }
0x52c: {  	v62 =	vld [tilespmem:$0x1FF70];
	_ =	sdelay $0x2  }
0x52d: {  	[tilespmem:v3+s30+$0x0] =	vst.idx.msk $0xffff, v2  }
0x52e: {  	v3 =	vor.u32 s2, v24;
	v2 =	vld.idx.msk [tilespmem:v4+s22+$0x0], $0xffff  }
0x52f: {  	v25 =	vld [tilespmem:$0x1FD20];
	v4 =	vor.u32 v62, v1  }
0x530: {  	v63 =	vld [tilespmem:$0x1FFB0];
	_ =	sdelay $0x2  }
0x531: {  	[tilespmem:v3+s30+$0x0] =	vst.idx.msk $0xffff, v2  }
0x532: {  	v3 =	vor.u32 s2, v25;
	v2 =	vld.idx.msk [tilespmem:v4+s22+$0x0], $0xffff  }
0x533: {  	v26 =	vld [tilespmem:$0x1FD30];
	v4 =	vor.u32 v63, v1  }
0x534: {  	v38 =	vld [tilespmem:$0x1FFD0];
	_ =	sdelay $0x2  }
0x535: {  	[tilespmem:v3+s30+$0x0] =	vst.idx.msk $0xffff, v2  }
0x536: {  	v3 =	vor.u32 s2, v26;
	v2 =	vld.idx.msk [tilespmem:v4+s22+$0x0], $0xffff  }
0x537: {  	v27 =	vld [tilespmem:$0x1FD40];
	v4 =	vor.u32 v38, v1  }
0x538: {  	v0 =	vld [tilespmem:$0x1FFE0];
	_ =	sdelay $0x2  }
0x539: {  	[tilespmem:v3+s30+$0x0] =	vst.idx.msk $0xffff, v2  }
0x53a: {  	v3 =	vor.u32 s2, v27;
	v2 =	vld.idx.msk [tilespmem:v4+s22+$0x0], $0xffff  }
0x53b: {  	v28 =	vld [tilespmem:$0x1FD50];
	v4 =	vor.u32 v0, v1  }
0x53c: {  	v0 =	vld [tilespmem:$0x1FC50];
	_ =	sdelay $0x2  }
0x53d: {  	[tilespmem:v3+s30+$0x0] =	vst.idx.msk $0xffff, v2  }
0x53e: {  	v3 =	vor.u32 s2, v28;
	v2 =	vld.idx.msk [tilespmem:v4+s22+$0x0], $0xffff  }
0x53f: {  	v29 =	vld [tilespmem:$0x1FD60];
	v4 =	vor.u32 v0, v1  }
0x540: {  	v7 =	vld [tilespmem:$0x1FF80];
	_ =	sdelay $0x2  }
0x541: {  	[tilespmem:v3+s30+$0x0] =	vst.idx.msk $0xffff, v2  }
0x542: {  	v3 =	vor.u32 s2, v29;
	v2 =	vld.idx.msk [tilespmem:v4+s22+$0x0], $0xffff  }
0x543: {  	v30 =	vld [tilespmem:$0x1FD70];
	v4 =	vor.u32 v7, v1  }
0x544: {  	v37 =	vld [tilespmem:$0x1FFA0];
	_ =	sdelay $0x2  }
0x545: {  	[tilespmem:v3+s30+$0x0] =	vst.idx.msk $0xffff, v2  }
0x546: {  	v3 =	vor.u32 s2, v30;
	v2 =	vld.idx.msk [tilespmem:v4+s22+$0x0], $0xffff  }
0x547: {  	v31 =	vld [tilespmem:$0x1FD80];
	v4 =	vor.u32 v37, v1  }
0x548: {  	v39 =	vld [tilespmem:$0x1FFF0];
	_ =	sdelay $0x2  }
0x549: {  	[tilespmem:v3+s30+$0x0] =	vst.idx.msk $0xffff, v2  }
0x54a: {  	v3 =	vor.u32 s2, v31;
	v2 =	vld.idx.msk [tilespmem:v4+s22+$0x0], $0xffff  }
0x54b: {  	v32 =	vld [tilespmem:$0x1FD90];
	v4 =	vor.u32 v39, v1  }
0x54c: {  	v56 =	vld [tilespmem:$0x1FF10];
	_ =	sdelay $0x2  }
0x54d: {  	[tilespmem:v3+s30+$0x0] =	vst.idx.msk $0xffff, v2  }
0x54e: {  	v3 =	vor.u32 s2, v32;
	v2 =	vld.idx.msk [tilespmem:v4+s22+$0x0], $0xffff  }
0x54f: {  	v33 =	vld [tilespmem:$0x1FDA0];
	v4 =	vor.u32 v56, v1  }
0x550: {  	v58 =	vld [tilespmem:$0x1FF30];
	_ =	sdelay $0x2  }
0x551: {  	[tilespmem:v3+s30+$0x0] =	vst.idx.msk $0xffff, v2  }
0x552: {  	v3 =	vor.u32 s2, v33;
	v2 =	vld.idx.msk [tilespmem:v4+s22+$0x0], $0xffff  }
0x553: {  	v34 =	vld [tilespmem:$0x1FDB0];
	v4 =	vor.u32 v58, v1  }
0x554: {  	v57 =	vld [tilespmem:$0x1FF20];
	_ =	sdelay $0x2  }
0x555: {  	[tilespmem:v3+s30+$0x0] =	vst.idx.msk $0xffff, v2  }
0x556: {  	v3 =	vor.u32 s2, v34;
	v2 =	vld.idx.msk [tilespmem:v4+s22+$0x0], $0xffff  }
0x557: {  	v35 =	vld [tilespmem:$0x1FDC0];
	v4 =	vor.u32 v57, v1  }
0x558: {  	v60 =	vld [tilespmem:$0x1FF50];
	_ =	sdelay $0x2  }
0x559: {  	[tilespmem:v3+s30+$0x0] =	vst.idx.msk $0xffff, v2  }
0x55a: {  	v3 =	vor.u32 s2, v35;
	v2 =	vld.idx.msk [tilespmem:v4+s22+$0x0], $0xffff  }
0x55b: {  	v36 =	vld [tilespmem:$0x1FDD0];
	v4 =	vor.u32 v60, v1  }
0x55c: {  	v61 =	vld [tilespmem:$0x1FF60];
	_ =	sdelay $0x2  }
0x55d: {  	[tilespmem:v3+s30+$0x0] =	vst.idx.msk $0xffff, v2  }
0x55e: {  	v3 =	vor.u32 s2, v36;
	v2 =	vld.idx.msk [tilespmem:v4+s22+$0x0], $0xffff  }
0x55f: {  	v42 =	vld [tilespmem:$0x1FDE0];
	v4 =	vor.u32 v61, v1  }
0x560: {  	v8 =	vld [tilespmem:$0x1FF90];
	_ =	sdelay $0x2  }
0x561: {  	[tilespmem:v3+s30+$0x0] =	vst.idx.msk $0xffff, v2  }
0x562: {  	v3 =	vor.u32 s2, v42;
	v2 =	vld.idx.msk [tilespmem:v4+s22+$0x0], $0xffff  }
0x563: {  	v43 =	vld [tilespmem:$0x1FDF0];
	v4 =	vor.u32 v8, v1  }
0x564: {  	v40 =	vld [tilespmem:$0x1FFC0];
	_ =	sdelay $0x2  }
0x565: {  	[tilespmem:v3+s30+$0x0] =	vst.idx.msk $0xffff, v2  }
0x566: {  	v3 =	vor.u32 s2, v43;
	v2 =	vld.idx.msk [tilespmem:v4+s22+$0x0], $0xffff  }
0x567: {  	v44 =	vld [tilespmem:$0x1FE00];
	v4 =	vor.u32 v40, v1  }
0x568: {  	v0 =	vld [tilespmem:$0x1FC40];
	_ =	sdelay $0x2  }
0x569: {  	[tilespmem:v3+s30+$0x0] =	vst.idx.msk $0xffff, v2  }
0x56a: {  	v3 =	vor.u32 s2, v44;
	v2 =	vld.idx.msk [tilespmem:v4+s22+$0x0], $0xffff  }
0x56b: {  	v45 =	vld [tilespmem:$0x1FE10];
	v4 =	vor.u32 v0, v1  }
0x56c: {  	v9 =	vld [tilespmem:$0x1FB20];
	_ =	sdelay $0x2  }
0x56d: {  	[tilespmem:v3+s30+$0x0] =	vst.idx.msk $0xffff, v2  }
0x56e: {  	v3 =	vor.u32 s2, v45;
	v2 =	vld.idx.msk [tilespmem:v4+s22+$0x0], $0xffff  }
0x56f: {  	v41 =	vld [tilespmem:$0x1FE20];
	v4 =	vor.u32 v9, v1  }
0x570: {  	v10 =	vld [tilespmem:$0x1FB30];
	_ =	sdelay $0x2  }
0x571: {  	[tilespmem:v3+s30+$0x0] =	vst.idx.msk $0xffff, v2  }
0x572: {  	v3 =	vor.u32 s2, v41;
	v2 =	vld.idx.msk [tilespmem:v4+s22+$0x0], $0xffff  }
0x573: {  	v0 =	vld [tilespmem:$0x1FE30];
	v4 =	vor.u32 v10, v1  }
0x574: {  	v11 =	vld [tilespmem:$0x1FB40];
	_ =	sdelay $0x2  }
0x575: {  	[tilespmem:v3+s30+$0x0] =	vst.idx.msk $0xffff, v2  }
0x576: {  	v3 =	vor.u32 s2, v0;
	v2 =	vld.idx.msk [tilespmem:v4+s22+$0x0], $0xffff  }
0x577: {  	v5 =	vld [tilespmem:$0x1FE40];
	v4 =	vor.u32 v11, v1  }
0x578: {  	v12 =	vld [tilespmem:$0x1FB50];
	_ =	sdelay $0x2  }
0x579: {  	[tilespmem:v3+s30+$0x0] =	vst.idx.msk $0xffff, v2  }
0x57a: {  	v3 =	vor.u32 s2, v5;
	v2 =	vld.idx.msk [tilespmem:v4+s22+$0x0], $0xffff  }
0x57b: {  	v1 =	vor.u32 v12, v1  }
0x57c: {  	v4 =	vld [tilespmem:$0x1FE60];
	_ =	sdelay $0x2  }
0x57d: {  	[tilespmem:v3+s30+$0x0] =	vst.idx.msk $0xffff, v2;
	v2 =	vmov s28  }
0x57e: {  	v3 =	vld.idx.msk [tilespmem:v1+s22+$0x0], $0xffff;
	v1 =	vshll.u32 v2, $0x5  }
0x57f: {  	v2 =	vor.u32 s2, v6;
	v1 =	vor.u32 v4, v1;
	v4 =	vlaneseq.u32  }
0x580: {  	v4 =	vor.u32 v4, v1;
	_ =	sdelay $0x2  }
0x581: {  	s2 =	sand.u32 $0x70, s28  }
0x582: {  	s1 =	sor.u32 s1, s2;
	[tilespmem:v2+s30+$0x0] =	vst.idx.msk $0xffff, v3  }
0x583: {  	v3 =	vor.u32 s1, v13;
	v2 =	vld.idx.msk [tilespmem:v4+s22+$0x0], $0xffff  }
0x584: {  	v4 =	vor.u32 v46, v1;
	_ =	sdelay $0x3  }
0x585: {  	[tilespmem:v3+s30+$0x0] =	vst.idx.msk $0xffff, v2  }
0x586: {  	v3 =	vor.u32 s1, v14;
	v2 =	vld.idx.msk [tilespmem:v4+s22+$0x0], $0xffff  }
0x587: {  	v4 =	vor.u32 v47, v1;
	_ =	sdelay $0x3  }
0x588: {  	[tilespmem:v3+s30+$0x0] =	vst.idx.msk $0xffff, v2  }
0x589: {  	v3 =	vor.u32 s1, v15;
	v2 =	vld.idx.msk [tilespmem:v4+s22+$0x0], $0xffff  }
0x58a: {  	v4 =	vor.u32 v48, v1;
	_ =	sdelay $0x3  }
0x58b: {  	[tilespmem:v3+s30+$0x0] =	vst.idx.msk $0xffff, v2  }
0x58c: {  	v3 =	vor.u32 s1, v16;
	v2 =	vld.idx.msk [tilespmem:v4+s22+$0x0], $0xffff  }
0x58d: {  	v4 =	vor.u32 v49, v1;
	_ =	sdelay $0x3  }
0x58e: {  	[tilespmem:v3+s30+$0x0] =	vst.idx.msk $0xffff, v2  }
0x58f: {  	v3 =	vor.u32 s1, v17;
	v2 =	vld.idx.msk [tilespmem:v4+s22+$0x0], $0xffff  }
0x590: {  	v4 =	vor.u32 v50, v1;
	_ =	sdelay $0x3  }
0x591: {  	[tilespmem:v3+s30+$0x0] =	vst.idx.msk $0xffff, v2  }
0x592: {  	v3 =	vor.u32 s1, v18;
	v2 =	vld.idx.msk [tilespmem:v4+s22+$0x0], $0xffff  }
0x593: {  	v4 =	vor.u32 v51, v1;
	_ =	sdelay $0x3  }
0x594: {  	[tilespmem:v3+s30+$0x0] =	vst.idx.msk $0xffff, v2  }
0x595: {  	v3 =	vor.u32 s1, v19;
	v2 =	vld.idx.msk [tilespmem:v4+s22+$0x0], $0xffff  }
0x596: {  	v4 =	vor.u32 v52, v1;
	_ =	sdelay $0x3  }
0x597: {  	[tilespmem:v3+s30+$0x0] =	vst.idx.msk $0xffff, v2  }
0x598: {  	v3 =	vor.u32 s1, v20;
	v2 =	vld.idx.msk [tilespmem:v4+s22+$0x0], $0xffff  }
0x599: {  	v4 =	vor.u32 v53, v1;
	_ =	sdelay $0x3  }
0x59a: {  	[tilespmem:v3+s30+$0x0] =	vst.idx.msk $0xffff, v2  }
0x59b: {  	v3 =	vor.u32 s1, v21;
	v2 =	vld.idx.msk [tilespmem:v4+s22+$0x0], $0xffff  }
0x59c: {  	v4 =	vor.u32 v54, v1;
	_ =	sdelay $0x3  }
0x59d: {  	[tilespmem:v3+s30+$0x0] =	vst.idx.msk $0xffff, v2  }
0x59e: {  	v3 =	vor.u32 s1, v22;
	v2 =	vld.idx.msk [tilespmem:v4+s22+$0x0], $0xffff  }
0x59f: {  	v4 =	vor.u32 v55, v1;
	_ =	sdelay $0x3  }
0x5a0: {  	[tilespmem:v3+s30+$0x0] =	vst.idx.msk $0xffff, v2  }
0x5a1: {  	v3 =	vor.u32 s1, v23;
	v2 =	vld.idx.msk [tilespmem:v4+s22+$0x0], $0xffff  }
0x5a2: {  	v4 =	vor.u32 v59, v1;
	_ =	sdelay $0x3  }
0x5a3: {  	[tilespmem:v3+s30+$0x0] =	vst.idx.msk $0xffff, v2  }
0x5a4: {  	v3 =	vor.u32 s1, v24;
	v2 =	vld.idx.msk [tilespmem:v4+s22+$0x0], $0xffff  }
0x5a5: {  	v4 =	vor.u32 v62, v1;
	_ =	sdelay $0x3  }
0x5a6: {  	[tilespmem:v3+s30+$0x0] =	vst.idx.msk $0xffff, v2  }
0x5a7: {  	v3 =	vor.u32 s1, v25;
	v2 =	vld.idx.msk [tilespmem:v4+s22+$0x0], $0xffff  }
0x5a8: {  	v4 =	vor.u32 v63, v1;
	_ =	sdelay $0x3  }
0x5a9: {  	[tilespmem:v3+s30+$0x0] =	vst.idx.msk $0xffff, v2  }
0x5aa: {  	v3 =	vor.u32 s1, v26;
	v2 =	vld.idx.msk [tilespmem:v4+s22+$0x0], $0xffff  }
0x5ab: {  	v4 =	vor.u32 v38, v1;
	_ =	sdelay $0x3  }
0x5ac: {  	[tilespmem:v3+s30+$0x0] =	vst.idx.msk $0xffff, v2  }
0x5ad: {  	v2 =	vld.idx.msk [tilespmem:v4+s22+$0x0], $0xffff  }
0x5ae: {  	v4 =	vld [tilespmem:$0x1FFE0];
	_ =	sdelay $0x3  }
0x5af: {  	v3 =	vor.u32 s1, v27  }
0x5b0: {  	v4 =	vor.u32 v4, v1;
	_ =	sdelay $0x3  }
0x5b1: {  	[tilespmem:v3+s30+$0x0] =	vst.idx.msk $0xffff, v2  }
0x5b2: {  	v2 =	vld.idx.msk [tilespmem:v4+s22+$0x0], $0xffff  }
0x5b3: {  	v4 =	vld [tilespmem:$0x1FC50];
	_ =	sdelay $0x3  }
0x5b4: {  	v3 =	vor.u32 s1, v28  }
0x5b5: {  	v4 =	vor.u32 v4, v1;
	_ =	sdelay $0x3  }
0x5b6: {  	[tilespmem:v3+s30+$0x0] =	vst.idx.msk $0xffff, v2  }
0x5b7: {  	v3 =	vor.u32 s1, v29;
	v2 =	vld.idx.msk [tilespmem:v4+s22+$0x0], $0xffff  }
0x5b8: {  	v4 =	vor.u32 v7, v1;
	_ =	sdelay $0x3  }
0x5b9: {  	[tilespmem:v3+s30+$0x0] =	vst.idx.msk $0xffff, v2  }
0x5ba: {  	v3 =	vor.u32 s1, v30;
	v2 =	vld.idx.msk [tilespmem:v4+s22+$0x0], $0xffff  }
0x5bb: {  	v4 =	vor.u32 v37, v1;
	_ =	sdelay $0x3  }
0x5bc: {  	[tilespmem:v3+s30+$0x0] =	vst.idx.msk $0xffff, v2  }
0x5bd: {  	v3 =	vor.u32 s1, v31;
	v2 =	vld.idx.msk [tilespmem:v4+s22+$0x0], $0xffff  }
0x5be: {  	v4 =	vor.u32 v39, v1;
	_ =	sdelay $0x3  }
0x5bf: {  	[tilespmem:v3+s30+$0x0] =	vst.idx.msk $0xffff, v2  }
0x5c0: {  	v3 =	vor.u32 s1, v32;
	v2 =	vld.idx.msk [tilespmem:v4+s22+$0x0], $0xffff  }
0x5c1: {  	v4 =	vor.u32 v56, v1;
	_ =	sdelay $0x3  }
0x5c2: {  	[tilespmem:v3+s30+$0x0] =	vst.idx.msk $0xffff, v2  }
0x5c3: {  	v3 =	vor.u32 s1, v33;
	v2 =	vld.idx.msk [tilespmem:v4+s22+$0x0], $0xffff  }
0x5c4: {  	v4 =	vor.u32 v58, v1;
	_ =	sdelay $0x3  }
0x5c5: {  	[tilespmem:v3+s30+$0x0] =	vst.idx.msk $0xffff, v2  }
0x5c6: {  	v3 =	vor.u32 s1, v34;
	v2 =	vld.idx.msk [tilespmem:v4+s22+$0x0], $0xffff  }
0x5c7: {  	v4 =	vor.u32 v57, v1;
	_ =	sdelay $0x3  }
0x5c8: {  	[tilespmem:v3+s30+$0x0] =	vst.idx.msk $0xffff, v2  }
0x5c9: {  	v3 =	vor.u32 s1, v35;
	v2 =	vld.idx.msk [tilespmem:v4+s22+$0x0], $0xffff  }
0x5ca: {  	v4 =	vor.u32 v60, v1;
	_ =	sdelay $0x3  }
0x5cb: {  	[tilespmem:v3+s30+$0x0] =	vst.idx.msk $0xffff, v2  }
0x5cc: {  	v3 =	vor.u32 s1, v36;
	v2 =	vld.idx.msk [tilespmem:v4+s22+$0x0], $0xffff  }
0x5cd: {  	v4 =	vor.u32 v61, v1;
	_ =	sdelay $0x3  }
0x5ce: {  	[tilespmem:v3+s30+$0x0] =	vst.idx.msk $0xffff, v2  }
0x5cf: {  	v3 =	vor.u32 s1, v42;
	v2 =	vld.idx.msk [tilespmem:v4+s22+$0x0], $0xffff  }
0x5d0: {  	v4 =	vor.u32 v8, v1;
	_ =	sdelay $0x3  }
0x5d1: {  	[tilespmem:v3+s30+$0x0] =	vst.idx.msk $0xffff, v2  }
0x5d2: {  	v3 =	vor.u32 s1, v43;
	v2 =	vld.idx.msk [tilespmem:v4+s22+$0x0], $0xffff  }
0x5d3: {  	v4 =	vor.u32 v40, v1;
	_ =	sdelay $0x3  }
0x5d4: {  	[tilespmem:v3+s30+$0x0] =	vst.idx.msk $0xffff, v2  }
0x5d5: {  	v2 =	vld.idx.msk [tilespmem:v4+s22+$0x0], $0xffff  }
0x5d6: {  	v4 =	vld [tilespmem:$0x1FC40];
	_ =	sdelay $0x3  }
0x5d7: {  	v3 =	vor.u32 s1, v44  }
0x5d8: {  	v4 =	vor.u32 v4, v1;
	_ =	sdelay $0x3  }
0x5d9: {  	[tilespmem:v3+s30+$0x0] =	vst.idx.msk $0xffff, v2  }
0x5da: {  	v3 =	vor.u32 s1, v45;
	v2 =	vld.idx.msk [tilespmem:v4+s22+$0x0], $0xffff  }
0x5db: {  	v4 =	vor.u32 v9, v1;
	_ =	sdelay $0x3  }
0x5dc: {  	[tilespmem:v3+s30+$0x0] =	vst.idx.msk $0xffff, v2  }
0x5dd: {  	v3 =	vor.u32 s1, v41;
	v2 =	vld.idx.msk [tilespmem:v4+s22+$0x0], $0xffff  }
0x5de: {  	v4 =	vor.u32 v10, v1;
	_ =	sdelay $0x3  }
0x5df: {  	[tilespmem:v3+s30+$0x0] =	vst.idx.msk $0xffff, v2  }
0x5e0: {  	v3 =	vor.u32 s1, v0;
	v2 =	vld.idx.msk [tilespmem:v4+s22+$0x0], $0xffff  }
0x5e1: {  	p1 =	sne.s32 s31, $0x1F0;
	v4 =	vor.u32 v11, v1  }
.Ltmp3:
0x5e2: {  	_ = 	snop;
	(pc) =	sbr.rel @p1 .LBB2_5-.Ltmp3, $3  }
0x5e3: {  	_ =	sdelay $0x1  }
0x5e4: {  	s28 =	smov.u32 s31;
	[tilespmem:v3+s30+$0x0] =	vst.idx.msk $0xffff, v2  }
0x5e5: {  	s31 =	sadd.s32 $0x20, s31;
	s2 =	sadd.s32 $0xFFFFFFF0, s28;
	v1 =	vor.u32 v12, v1;
	v3 =	vor.u32 s1, v5;
	v2 =	vld.idx.msk [tilespmem:v4+s22+$0x0], $0xffff  }
0x5e6: {  	_ = 	snop  }
0x5e7: {  	v0 =	vld [tilespmem:$0x1FE60];
	_ =	sdelay $0x2  }
0x5e8: {  	v4 =	vmov s2;
	[tilespmem:v3+s30+$0x0] =	vst.idx.msk $0xffff, v2  }
0x5e9: {  	v2 =	vshll.u32 v4, $0x5;
	v3 =	vld.idx.msk [tilespmem:v1+s22+$0x0], $0xffff  }
0x5ea: {  	v1 =	vor.u32 v0, v2;
	v0 =	vld [tilespmem:$0x1FE50];
	_ =	sdelay $0x4  }
0x5eb: {  	v2 =	vor.u32 s1, v0;
	v0 =	vlaneseq.u32  }
0x5ec: {  	v12 =	vld [tilespmem:$0x1FC60];
	v4 =	vor.u32 v0, v1  }
0x5ed: {  	v44 =	vld [tilespmem:$0x1FE70]  }
0x5ee: {  	s31 =	sadd.s32 $0x100, s26  }
0x5ef: {  	s26 =	sand.u32 $0x60, s2;
	s1 =	sand.u32 $0xC00, s31  }
0x5f0: {  	s2 =	sor.u32 s26, s1;
	[tilespmem:v2+s30+$0x0] =	vst.idx.msk $0xffff, v3  }
0x5f1: {  	v3 =	vor.u32 s2, v12;
	v2 =	vld.idx.msk [tilespmem:v4+s22+$0x0], $0xffff  }
0x5f2: {  	v13 =	vld [tilespmem:$0x1FC70];
	v4 =	vor.u32 v44, v1  }
0x5f3: {  	v45 =	vld [tilespmem:$0x1FE80];
	_ =	sdelay $0x2  }
0x5f4: {  	[tilespmem:v3+s30+$0x0] =	vst.idx.msk $0xffff, v2  }
0x5f5: {  	v3 =	vor.u32 s2, v13;
	v2 =	vld.idx.msk [tilespmem:v4+s22+$0x0], $0xffff  }
0x5f6: {  	v14 =	vld [tilespmem:$0x1FC80];
	v4 =	vor.u32 v45, v1  }
0x5f7: {  	v46 =	vld [tilespmem:$0x1FE90];
	_ =	sdelay $0x2  }
0x5f8: {  	[tilespmem:v3+s30+$0x0] =	vst.idx.msk $0xffff, v2  }
0x5f9: {  	v3 =	vor.u32 s2, v14;
	v2 =	vld.idx.msk [tilespmem:v4+s22+$0x0], $0xffff  }
0x5fa: {  	v15 =	vld [tilespmem:$0x1FC90];
	v4 =	vor.u32 v46, v1  }
0x5fb: {  	v47 =	vld [tilespmem:$0x1FEA0];
	_ =	sdelay $0x2  }
0x5fc: {  	[tilespmem:v3+s30+$0x0] =	vst.idx.msk $0xffff, v2  }
0x5fd: {  	v3 =	vor.u32 s2, v15;
	v2 =	vld.idx.msk [tilespmem:v4+s22+$0x0], $0xffff  }
0x5fe: {  	v16 =	vld [tilespmem:$0x1FCA0];
	v4 =	vor.u32 v47, v1  }
0x5ff: {  	v48 =	vld [tilespmem:$0x1FEB0];
	_ =	sdelay $0x2  }
0x600: {  	[tilespmem:v3+s30+$0x0] =	vst.idx.msk $0xffff, v2  }
0x601: {  	v3 =	vor.u32 s2, v16;
	v2 =	vld.idx.msk [tilespmem:v4+s22+$0x0], $0xffff  }
0x602: {  	v17 =	vld [tilespmem:$0x1FCB0];
	v4 =	vor.u32 v48, v1  }
0x603: {  	v49 =	vld [tilespmem:$0x1FEC0];
	_ =	sdelay $0x2  }
0x604: {  	[tilespmem:v3+s30+$0x0] =	vst.idx.msk $0xffff, v2  }
0x605: {  	v3 =	vor.u32 s2, v17;
	v2 =	vld.idx.msk [tilespmem:v4+s22+$0x0], $0xffff  }
0x606: {  	v18 =	vld [tilespmem:$0x1FCC0];
	v4 =	vor.u32 v49, v1  }
0x607: {  	v50 =	vld [tilespmem:$0x1FED0];
	_ =	sdelay $0x2  }
0x608: {  	[tilespmem:v3+s30+$0x0] =	vst.idx.msk $0xffff, v2  }
0x609: {  	v3 =	vor.u32 s2, v18;
	v2 =	vld.idx.msk [tilespmem:v4+s22+$0x0], $0xffff  }
0x60a: {  	v19 =	vld [tilespmem:$0x1FCD0];
	v4 =	vor.u32 v50, v1  }
0x60b: {  	v51 =	vld [tilespmem:$0x1FEE0];
	_ =	sdelay $0x2  }
0x60c: {  	[tilespmem:v3+s30+$0x0] =	vst.idx.msk $0xffff, v2  }
0x60d: {  	v3 =	vor.u32 s2, v19;
	v2 =	vld.idx.msk [tilespmem:v4+s22+$0x0], $0xffff  }
0x60e: {  	v20 =	vld [tilespmem:$0x1FCE0];
	v4 =	vor.u32 v51, v1  }
0x60f: {  	v52 =	vld [tilespmem:$0x1FEF0];
	_ =	sdelay $0x2  }
0x610: {  	[tilespmem:v3+s30+$0x0] =	vst.idx.msk $0xffff, v2  }
0x611: {  	v3 =	vor.u32 s2, v20;
	v2 =	vld.idx.msk [tilespmem:v4+s22+$0x0], $0xffff  }
0x612: {  	v21 =	vld [tilespmem:$0x1FCF0];
	v4 =	vor.u32 v52, v1  }
0x613: {  	v53 =	vld [tilespmem:$0x1FF00];
	_ =	sdelay $0x2  }
0x614: {  	[tilespmem:v3+s30+$0x0] =	vst.idx.msk $0xffff, v2  }
0x615: {  	v3 =	vor.u32 s2, v21;
	v2 =	vld.idx.msk [tilespmem:v4+s22+$0x0], $0xffff  }
0x616: {  	v22 =	vld [tilespmem:$0x1FD00];
	v4 =	vor.u32 v53, v1  }
0x617: {  	v57 =	vld [tilespmem:$0x1FF40];
	_ =	sdelay $0x2  }
0x618: {  	[tilespmem:v3+s30+$0x0] =	vst.idx.msk $0xffff, v2  }
0x619: {  	v3 =	vor.u32 s2, v22;
	v2 =	vld.idx.msk [tilespmem:v4+s22+$0x0], $0xffff  }
0x61a: {  	v23 =	vld [tilespmem:$0x1FD10];
	v4 =	vor.u32 v57, v1  }
0x61b: {  	v60 =	vld [tilespmem:$0x1FF70];
	_ =	sdelay $0x2  }
0x61c: {  	[tilespmem:v3+s30+$0x0] =	vst.idx.msk $0xffff, v2  }
0x61d: {  	v3 =	vor.u32 s2, v23;
	v2 =	vld.idx.msk [tilespmem:v4+s22+$0x0], $0xffff  }
0x61e: {  	v24 =	vld [tilespmem:$0x1FD20];
	v4 =	vor.u32 v60, v1  }
0x61f: {  	v63 =	vld [tilespmem:$0x1FFB0];
	_ =	sdelay $0x2  }
0x620: {  	[tilespmem:v3+s30+$0x0] =	vst.idx.msk $0xffff, v2  }
0x621: {  	v3 =	vor.u32 s2, v24;
	v2 =	vld.idx.msk [tilespmem:v4+s22+$0x0], $0xffff  }
0x622: {  	v25 =	vld [tilespmem:$0x1FD30];
	v4 =	vor.u32 v63, v1  }
0x623: {  	v0 =	vld [tilespmem:$0x1FFD0];
	_ =	sdelay $0x2  }
0x624: {  	[tilespmem:v3+s30+$0x0] =	vst.idx.msk $0xffff, v2  }
0x625: {  	v3 =	vor.u32 s2, v25;
	v2 =	vld.idx.msk [tilespmem:v4+s22+$0x0], $0xffff  }
0x626: {  	v26 =	vld [tilespmem:$0x1FD40];
	v4 =	vor.u32 v0, v1  }
0x627: {  	v5 =	vld [tilespmem:$0x1FFE0];
	_ =	sdelay $0x2  }
0x628: {  	[tilespmem:v3+s30+$0x0] =	vst.idx.msk $0xffff, v2  }
0x629: {  	v3 =	vor.u32 s2, v26;
	v2 =	vld.idx.msk [tilespmem:v4+s22+$0x0], $0xffff  }
0x62a: {  	v27 =	vld [tilespmem:$0x1FD50];
	v4 =	vor.u32 v5, v1  }
0x62b: {  	v7 =	vld [tilespmem:$0x1FC50];
	_ =	sdelay $0x2  }
0x62c: {  	[tilespmem:v3+s30+$0x0] =	vst.idx.msk $0xffff, v2  }
0x62d: {  	v3 =	vor.u32 s2, v27;
	v2 =	vld.idx.msk [tilespmem:v4+s22+$0x0], $0xffff  }
0x62e: {  	v28 =	vld [tilespmem:$0x1FD60];
	v4 =	vor.u32 v7, v1  }
0x62f: {  	v61 =	vld [tilespmem:$0x1FF80];
	_ =	sdelay $0x2  }
0x630: {  	[tilespmem:v3+s30+$0x0] =	vst.idx.msk $0xffff, v2  }
0x631: {  	v3 =	vor.u32 s2, v28;
	v2 =	vld.idx.msk [tilespmem:v4+s22+$0x0], $0xffff  }
0x632: {  	v29 =	vld [tilespmem:$0x1FD70];
	v4 =	vor.u32 v61, v1  }
0x633: {  	v62 =	vld [tilespmem:$0x1FFA0];
	_ =	sdelay $0x2  }
0x634: {  	[tilespmem:v3+s30+$0x0] =	vst.idx.msk $0xffff, v2  }
0x635: {  	v3 =	vor.u32 s2, v29;
	v2 =	vld.idx.msk [tilespmem:v4+s22+$0x0], $0xffff  }
0x636: {  	v30 =	vld [tilespmem:$0x1FD80];
	v4 =	vor.u32 v62, v1  }
0x637: {  	v0 =	vld [tilespmem:$0x1FFF0];
	_ =	sdelay $0x2  }
0x638: {  	[tilespmem:v3+s30+$0x0] =	vst.idx.msk $0xffff, v2  }
0x639: {  	v3 =	vor.u32 s2, v30;
	v2 =	vld.idx.msk [tilespmem:v4+s22+$0x0], $0xffff  }
0x63a: {  	v31 =	vld [tilespmem:$0x1FD90];
	v4 =	vor.u32 v0, v1  }
0x63b: {  	v54 =	vld [tilespmem:$0x1FF10];
	_ =	sdelay $0x2  }
0x63c: {  	[tilespmem:v3+s30+$0x0] =	vst.idx.msk $0xffff, v2  }
0x63d: {  	v3 =	vor.u32 s2, v31;
	v2 =	vld.idx.msk [tilespmem:v4+s22+$0x0], $0xffff  }
0x63e: {  	v32 =	vld [tilespmem:$0x1FDA0];
	v4 =	vor.u32 v54, v1  }
0x63f: {  	v56 =	vld [tilespmem:$0x1FF30];
	_ =	sdelay $0x2  }
0x640: {  	[tilespmem:v3+s30+$0x0] =	vst.idx.msk $0xffff, v2  }
0x641: {  	v3 =	vor.u32 s2, v32;
	v2 =	vld.idx.msk [tilespmem:v4+s22+$0x0], $0xffff  }
0x642: {  	v33 =	vld [tilespmem:$0x1FDB0];
	v4 =	vor.u32 v56, v1  }
0x643: {  	v55 =	vld [tilespmem:$0x1FF20];
	_ =	sdelay $0x2  }
0x644: {  	[tilespmem:v3+s30+$0x0] =	vst.idx.msk $0xffff, v2  }
0x645: {  	v3 =	vor.u32 s2, v33;
	v2 =	vld.idx.msk [tilespmem:v4+s22+$0x0], $0xffff  }
0x646: {  	v34 =	vld [tilespmem:$0x1FDC0];
	v4 =	vor.u32 v55, v1  }
0x647: {  	v58 =	vld [tilespmem:$0x1FF50];
	_ =	sdelay $0x2  }
0x648: {  	[tilespmem:v3+s30+$0x0] =	vst.idx.msk $0xffff, v2  }
0x649: {  	v3 =	vor.u32 s2, v34;
	v2 =	vld.idx.msk [tilespmem:v4+s22+$0x0], $0xffff  }
0x64a: {  	v35 =	vld [tilespmem:$0x1FDD0];
	v4 =	vor.u32 v58, v1  }
0x64b: {  	v59 =	vld [tilespmem:$0x1FF60];
	_ =	sdelay $0x2  }
0x64c: {  	[tilespmem:v3+s30+$0x0] =	vst.idx.msk $0xffff, v2  }
0x64d: {  	v3 =	vor.u32 s2, v35;
	v2 =	vld.idx.msk [tilespmem:v4+s22+$0x0], $0xffff  }
0x64e: {  	v36 =	vld [tilespmem:$0x1FDE0];
	v4 =	vor.u32 v59, v1  }
0x64f: {  	v37 =	vld [tilespmem:$0x1FF90];
	_ =	sdelay $0x2  }
0x650: {  	[tilespmem:v3+s30+$0x0] =	vst.idx.msk $0xffff, v2  }
0x651: {  	v3 =	vor.u32 s2, v36;
	v2 =	vld.idx.msk [tilespmem:v4+s22+$0x0], $0xffff  }
0x652: {  	v41 =	vld [tilespmem:$0x1FDF0];
	v4 =	vor.u32 v37, v1  }
0x653: {  	v38 =	vld [tilespmem:$0x1FFC0];
	_ =	sdelay $0x2  }
0x654: {  	[tilespmem:v3+s30+$0x0] =	vst.idx.msk $0xffff, v2  }
0x655: {  	v3 =	vor.u32 s2, v41;
	v2 =	vld.idx.msk [tilespmem:v4+s22+$0x0], $0xffff  }
0x656: {  	v42 =	vld [tilespmem:$0x1FE00];
	v4 =	vor.u32 v38, v1  }
0x657: {  	v6 =	vld [tilespmem:$0x1FC40];
	_ =	sdelay $0x2  }
0x658: {  	[tilespmem:v3+s30+$0x0] =	vst.idx.msk $0xffff, v2  }
0x659: {  	v3 =	vor.u32 s2, v42;
	v2 =	vld.idx.msk [tilespmem:v4+s22+$0x0], $0xffff  }
0x65a: {  	v43 =	vld [tilespmem:$0x1FE10];
	v4 =	vor.u32 v6, v1  }
0x65b: {  	v8 =	vld [tilespmem:$0x1FB20];
	_ =	sdelay $0x2  }
0x65c: {  	[tilespmem:v3+s30+$0x0] =	vst.idx.msk $0xffff, v2  }
0x65d: {  	v3 =	vor.u32 s2, v43;
	v2 =	vld.idx.msk [tilespmem:v4+s22+$0x0], $0xffff  }
0x65e: {  	v39 =	vld [tilespmem:$0x1FE20];
	v4 =	vor.u32 v8, v1  }
0x65f: {  	v9 =	vld [tilespmem:$0x1FB30];
	_ =	sdelay $0x2  }
0x660: {  	[tilespmem:v3+s30+$0x0] =	vst.idx.msk $0xffff, v2  }
0x661: {  	v3 =	vor.u32 s2, v39;
	v2 =	vld.idx.msk [tilespmem:v4+s22+$0x0], $0xffff  }
0x662: {  	v40 =	vld [tilespmem:$0x1FE30];
	v4 =	vor.u32 v9, v1  }
0x663: {  	v10 =	vld [tilespmem:$0x1FB40];
	_ =	sdelay $0x2  }
0x664: {  	[tilespmem:v3+s30+$0x0] =	vst.idx.msk $0xffff, v2  }
0x665: {  	v3 =	vor.u32 s2, v40;
	v2 =	vld.idx.msk [tilespmem:v4+s22+$0x0], $0xffff  }
0x666: {  	v0 =	vld [tilespmem:$0x1FE40];
	v4 =	vor.u32 v10, v1;
	_ =	sdelay $0x3  }
0x667: {  	[tilespmem:v3+s30+$0x0] =	vst.idx.msk $0xffff, v2  }
0x668: {  	v3 =	vor.u32 s2, v0;
	v2 =	vld.idx.msk [tilespmem:v4+s22+$0x0], $0xffff  }
0x669: {  	v11 =	vld [tilespmem:$0x1FB50];
	_ =	sdelay $0x3  }
0x66a: {  	v4 =	vmov s28;
	[tilespmem:v3+s30+$0x0] =	vst.idx.msk $0xffff, v2;
	v3 =	vld [tilespmem:$0x1FE50]  }
0x66b: {  	v1 =	vor.u32 v11, v1;
	v2 =	vshll.u32 v4, $0x5;
	v4 =	vld [tilespmem:$0x1FE60];
	_ =	sdelay $0x4  }
0x66c: {  	v1 =	vld.idx.msk [tilespmem:v1+s22+$0x0], $0xffff;
	v3 =	vor.u32 s2, v3;
	v2 =	vor.u32 v4, v2;
	v4 =	vlaneseq.u32  }
0x66d: {  	v4 =	vor.u32 v4, v2;
	_ =	sdelay $0x2  }
0x66e: {  	s31 =	sand.u32 $0x70, s28  }
0x66f: {  	s1 =	sor.u32 s1, s31;
	[tilespmem:v3+s30+$0x0] =	vst.idx.msk $0xffff, v1  }
0x670: {  	v3 =	vor.u32 s1, v12;
	v1 =	vld.idx.msk [tilespmem:v4+s22+$0x0], $0xffff  }
0x671: {  	v4 =	vor.u32 v44, v2;
	_ =	sdelay $0x3  }
0x672: {  	[tilespmem:v3+s30+$0x0] =	vst.idx.msk $0xffff, v1  }
0x673: {  	v3 =	vor.u32 s1, v13;
	v1 =	vld.idx.msk [tilespmem:v4+s22+$0x0], $0xffff  }
0x674: {  	v4 =	vor.u32 v45, v2;
	_ =	sdelay $0x3  }
0x675: {  	[tilespmem:v3+s30+$0x0] =	vst.idx.msk $0xffff, v1  }
0x676: {  	v3 =	vor.u32 s1, v14;
	v1 =	vld.idx.msk [tilespmem:v4+s22+$0x0], $0xffff  }
0x677: {  	v4 =	vor.u32 v46, v2;
	_ =	sdelay $0x3  }
0x678: {  	[tilespmem:v3+s30+$0x0] =	vst.idx.msk $0xffff, v1  }
0x679: {  	v3 =	vor.u32 s1, v15;
	v1 =	vld.idx.msk [tilespmem:v4+s22+$0x0], $0xffff  }
0x67a: {  	v4 =	vor.u32 v47, v2;
	_ =	sdelay $0x3  }
0x67b: {  	[tilespmem:v3+s30+$0x0] =	vst.idx.msk $0xffff, v1  }
0x67c: {  	v3 =	vor.u32 s1, v16;
	v1 =	vld.idx.msk [tilespmem:v4+s22+$0x0], $0xffff  }
0x67d: {  	v4 =	vor.u32 v48, v2;
	_ =	sdelay $0x3  }
0x67e: {  	[tilespmem:v3+s30+$0x0] =	vst.idx.msk $0xffff, v1  }
0x67f: {  	v3 =	vor.u32 s1, v17;
	v1 =	vld.idx.msk [tilespmem:v4+s22+$0x0], $0xffff  }
0x680: {  	v4 =	vor.u32 v49, v2;
	_ =	sdelay $0x3  }
0x681: {  	[tilespmem:v3+s30+$0x0] =	vst.idx.msk $0xffff, v1  }
0x682: {  	v3 =	vor.u32 s1, v18;
	v1 =	vld.idx.msk [tilespmem:v4+s22+$0x0], $0xffff  }
0x683: {  	v4 =	vor.u32 v50, v2;
	_ =	sdelay $0x3  }
0x684: {  	[tilespmem:v3+s30+$0x0] =	vst.idx.msk $0xffff, v1  }
0x685: {  	v3 =	vor.u32 s1, v19;
	v1 =	vld.idx.msk [tilespmem:v4+s22+$0x0], $0xffff  }
0x686: {  	v4 =	vor.u32 v51, v2;
	_ =	sdelay $0x3  }
0x687: {  	[tilespmem:v3+s30+$0x0] =	vst.idx.msk $0xffff, v1  }
0x688: {  	v3 =	vor.u32 s1, v20;
	v1 =	vld.idx.msk [tilespmem:v4+s22+$0x0], $0xffff  }
0x689: {  	v4 =	vor.u32 v52, v2;
	_ =	sdelay $0x3  }
0x68a: {  	[tilespmem:v3+s30+$0x0] =	vst.idx.msk $0xffff, v1  }
0x68b: {  	v3 =	vor.u32 s1, v21;
	v1 =	vld.idx.msk [tilespmem:v4+s22+$0x0], $0xffff  }
0x68c: {  	v4 =	vor.u32 v53, v2;
	_ =	sdelay $0x3  }
0x68d: {  	[tilespmem:v3+s30+$0x0] =	vst.idx.msk $0xffff, v1  }
0x68e: {  	v3 =	vor.u32 s1, v22;
	v1 =	vld.idx.msk [tilespmem:v4+s22+$0x0], $0xffff  }
0x68f: {  	v4 =	vor.u32 v57, v2;
	_ =	sdelay $0x3  }
0x690: {  	[tilespmem:v3+s30+$0x0] =	vst.idx.msk $0xffff, v1  }
0x691: {  	v3 =	vor.u32 s1, v23;
	v1 =	vld.idx.msk [tilespmem:v4+s22+$0x0], $0xffff  }
0x692: {  	v4 =	vor.u32 v60, v2;
	_ =	sdelay $0x3  }
0x693: {  	[tilespmem:v3+s30+$0x0] =	vst.idx.msk $0xffff, v1  }
0x694: {  	v3 =	vor.u32 s1, v24;
	v1 =	vld.idx.msk [tilespmem:v4+s22+$0x0], $0xffff  }
0x695: {  	v4 =	vor.u32 v63, v2  }
0x696: {  	v57 =	vld [tilespmem:$0x1FFD0];
	_ =	sdelay $0x2  }
0x697: {  	[tilespmem:v3+s30+$0x0] =	vst.idx.msk $0xffff, v1  }
0x698: {  	v3 =	vor.u32 s1, v25;
	v1 =	vld.idx.msk [tilespmem:v4+s22+$0x0], $0xffff  }
0x699: {  	v4 =	vor.u32 v57, v2;
	_ =	sdelay $0x3  }
0x69a: {  	[tilespmem:v3+s30+$0x0] =	vst.idx.msk $0xffff, v1  }
0x69b: {  	v3 =	vor.u32 s1, v26;
	v1 =	vld.idx.msk [tilespmem:v4+s22+$0x0], $0xffff  }
0x69c: {  	v4 =	vor.u32 v5, v2;
	_ =	sdelay $0x3  }
0x69d: {  	[tilespmem:v3+s30+$0x0] =	vst.idx.msk $0xffff, v1  }
0x69e: {  	v3 =	vor.u32 s1, v27;
	v1 =	vld.idx.msk [tilespmem:v4+s22+$0x0], $0xffff  }
0x69f: {  	v4 =	vor.u32 v7, v2;
	_ =	sdelay $0x3  }
0x6a0: {  	[tilespmem:v3+s30+$0x0] =	vst.idx.msk $0xffff, v1  }
0x6a1: {  	v3 =	vor.u32 s1, v28;
	v1 =	vld.idx.msk [tilespmem:v4+s22+$0x0], $0xffff  }
0x6a2: {  	v4 =	vor.u32 v61, v2;
	_ =	sdelay $0x3  }
0x6a3: {  	[tilespmem:v3+s30+$0x0] =	vst.idx.msk $0xffff, v1  }
0x6a4: {  	v3 =	vor.u32 s1, v29;
	v1 =	vld.idx.msk [tilespmem:v4+s22+$0x0], $0xffff  }
0x6a5: {  	v4 =	vor.u32 v62, v2  }
0x6a6: {  	v5 =	vld [tilespmem:$0x1FFF0];
	_ =	sdelay $0x2  }
0x6a7: {  	[tilespmem:v3+s30+$0x0] =	vst.idx.msk $0xffff, v1  }
0x6a8: {  	v3 =	vor.u32 s1, v30;
	v1 =	vld.idx.msk [tilespmem:v4+s22+$0x0], $0xffff  }
0x6a9: {  	v4 =	vor.u32 v5, v2;
	_ =	sdelay $0x3  }
0x6aa: {  	[tilespmem:v3+s30+$0x0] =	vst.idx.msk $0xffff, v1  }
0x6ab: {  	v3 =	vor.u32 s1, v31;
	v1 =	vld.idx.msk [tilespmem:v4+s22+$0x0], $0xffff  }
0x6ac: {  	v4 =	vor.u32 v54, v2;
	_ =	sdelay $0x3  }
0x6ad: {  	[tilespmem:v3+s30+$0x0] =	vst.idx.msk $0xffff, v1  }
0x6ae: {  	v3 =	vor.u32 s1, v32;
	v1 =	vld.idx.msk [tilespmem:v4+s22+$0x0], $0xffff  }
0x6af: {  	v4 =	vor.u32 v56, v2;
	_ =	sdelay $0x3  }
0x6b0: {  	[tilespmem:v3+s30+$0x0] =	vst.idx.msk $0xffff, v1  }
0x6b1: {  	v3 =	vor.u32 s1, v33;
	v1 =	vld.idx.msk [tilespmem:v4+s22+$0x0], $0xffff  }
0x6b2: {  	v4 =	vor.u32 v55, v2;
	_ =	sdelay $0x3  }
0x6b3: {  	[tilespmem:v3+s30+$0x0] =	vst.idx.msk $0xffff, v1  }
0x6b4: {  	v3 =	vor.u32 s1, v34;
	v1 =	vld.idx.msk [tilespmem:v4+s22+$0x0], $0xffff  }
0x6b5: {  	v4 =	vor.u32 v58, v2;
	_ =	sdelay $0x3  }
0x6b6: {  	[tilespmem:v3+s30+$0x0] =	vst.idx.msk $0xffff, v1  }
0x6b7: {  	v3 =	vor.u32 s1, v35;
	v1 =	vld.idx.msk [tilespmem:v4+s22+$0x0], $0xffff  }
0x6b8: {  	v4 =	vor.u32 v59, v2;
	_ =	sdelay $0x3  }
0x6b9: {  	[tilespmem:v3+s30+$0x0] =	vst.idx.msk $0xffff, v1  }
0x6ba: {  	v3 =	vor.u32 s1, v36;
	v1 =	vld.idx.msk [tilespmem:v4+s22+$0x0], $0xffff  }
0x6bb: {  	v4 =	vor.u32 v37, v2;
	_ =	sdelay $0x3  }
0x6bc: {  	[tilespmem:v3+s30+$0x0] =	vst.idx.msk $0xffff, v1  }
0x6bd: {  	v3 =	vor.u32 s1, v41;
	v1 =	vld.idx.msk [tilespmem:v4+s22+$0x0], $0xffff  }
0x6be: {  	v4 =	vor.u32 v38, v2;
	_ =	sdelay $0x3  }
0x6bf: {  	[tilespmem:v3+s30+$0x0] =	vst.idx.msk $0xffff, v1  }
0x6c0: {  	v3 =	vor.u32 s1, v42;
	v1 =	vld.idx.msk [tilespmem:v4+s22+$0x0], $0xffff  }
0x6c1: {  	v4 =	vor.u32 v6, v2;
	_ =	sdelay $0x3  }
0x6c2: {  	[tilespmem:v3+s30+$0x0] =	vst.idx.msk $0xffff, v1  }
0x6c3: {  	v3 =	vor.u32 s1, v43;
	v1 =	vld.idx.msk [tilespmem:v4+s22+$0x0], $0xffff  }
0x6c4: {  	v4 =	vor.u32 v8, v2;
	_ =	sdelay $0x3  }
0x6c5: {  	[tilespmem:v3+s30+$0x0] =	vst.idx.msk $0xffff, v1  }
0x6c6: {  	v3 =	vor.u32 s1, v39;
	v1 =	vld.idx.msk [tilespmem:v4+s22+$0x0], $0xffff  }
0x6c7: {  	v4 =	vor.u32 v9, v2;
	_ =	sdelay $0x3  }
0x6c8: {  	[tilespmem:v3+s30+$0x0] =	vst.idx.msk $0xffff, v1  }
0x6c9: {  	v3 =	vor.u32 s1, v40;
	v1 =	vld.idx.msk [tilespmem:v4+s22+$0x0], $0xffff  }
0x6ca: {  	v4 =	vor.u32 v10, v2;
	_ =	sdelay $0x3  }
0x6cb: {  	[tilespmem:v3+s30+$0x0] =	vst.idx.msk $0xffff, v1  }
0x6cc: {  	v3 =	vor.u32 s1, v0;
	v1 =	vld.idx.msk [tilespmem:v4+s22+$0x0], $0xffff;
	_ =	sdelay $0x4  }
0x6cd: {  	v2 =	vor.u32 v11, v2;
	[tilespmem:v3+s30+$0x0] =	vst.idx.msk $0xffff, v1;
	v3 =	vld [tilespmem:$0x1FE50];
	_ =	sdelay $0x4  }
0x6ce: {  	v1 =	vld.idx.msk [tilespmem:v2+s22+$0x0], $0xffff;
	v2 =	vor.u32 s1, v3;
	_ =	sdelay $0x4  }
0x6cf: {  	s26 =	sadd.s32 s25, s14;
	[tilespmem:v2+s30+$0x0] =	vst.idx.msk $0xffff, v1  }
0x6d0: {  	[hbm4b:s26+s3] =	stream.linear.scatter [tilespmem:s30], [sflag:$0x4], $0x1000, $0x38;
	[tilespmem:$0x10400] =	vst v63  }
0x6d1: {  	s31 =	simm.s32 $0xD400;
	s28 =	sadd.s32 s25, s15  }
0x6d2: {  	[hbm4b:s28+s3] =	stream.linear.scatter [tilespmem:s31], [sflag:$0x4], $0x1000, $0x38;
	[tilespmem:$0x10400] =	vst v63  }
.Ltmp4:
0x6d3: {  	_ = 	snop;
	(pc) =	sbr.rel @p0 .LBB2_8-.Ltmp4, $4  }
0x6d4: {  	s2 =	sadd.s32 s25, s16;
	s26 =	simm.s32 $0xE400  }
0x6d5: {  	[hbm4b:s2+s3] =	stream.linear.scatter [tilespmem:s26], [sflag:$0x4], $0x1000, $0x38;
	[tilespmem:$0x10400] =	vst v63  }
0x6d6: {  	s28 =	sadd.s32 s25, s17;
	s31 =	simm.s32 $0xF400  }
0x6d7: {  	v63 =	vmov v38;
	v0 =	vmov v57;
	[hbm4b:s28+s3] =	stream.linear.scatter [tilespmem:s31], [sflag:$0x4], $0x1000, $0x38;
	[tilespmem:$0x10400] =	vst v63  }
0x6d8: {  	s1 =	sadd.s32 s10, s6  }
0x6d9: {  	s1 =	sshrl.u32 s1, $0x3  }
0x6da: {  	s1 =	sadd.s32 s0, s1  }
0x6db: {  	[tilespmem:s20], [sflag:$0x5] =	stream.linear.gather [hbm4b:s1+s3], $0x200, $0x38;
	[tilespmem:$0x10400] =	vst v63  }
0x6dc: {  	_ =	swait.ge [sflag:s19], $0x200  }
0x6dd: {  	v45 =	vld [tilespmem:$0x1FC60]  }
0x6de: {  	v44 =	vld [tilespmem:$0x1FC70]  }
0x6df: {  	v49 =	vld [tilespmem:$0x1FC80]  }
0x6e0: {  	v12 =	vld [tilespmem:$0x1FC90]  }
0x6e1: {  	v54 =	vld [tilespmem:$0x1FCA0]  }
0x6e2: {  	v14 =	vld [tilespmem:$0x1FCB0]  }
0x6e3: {  	v15 =	vld [tilespmem:$0x1FCC0]  }
0x6e4: {  	v58 =	vld [tilespmem:$0x1FCD0]  }
0x6e5: {  	v17 =	vld [tilespmem:$0x1FCE0]  }
0x6e6: {  	v18 =	vld [tilespmem:$0x1FCF0]  }
0x6e7: {  	v19 =	vld [tilespmem:$0x1FD00]  }
0x6e8: {  	v20 =	vld [tilespmem:$0x1FD10]  }
0x6e9: {  	v21 =	vld [tilespmem:$0x1FD20]  }
0x6ea: {  	v22 =	vld [tilespmem:$0x1FD30]  }
0x6eb: {  	v61 =	vld [tilespmem:$0x1FD40]  }
0x6ec: {  	v24 =	vld [tilespmem:$0x1FD50]  }
0x6ed: {  	v25 =	vld [tilespmem:$0x1FD60]  }
0x6ee: {  	v26 =	vld [tilespmem:$0x1FD70]  }
0x6ef: {  	v38 =	vld [tilespmem:$0x1FD80]  }
0x6f0: {  	v28 =	vld [tilespmem:$0x1FD90]  }
0x6f1: {  	v47 =	vld [tilespmem:$0x1FDA0]  }
0x6f2: {  	v30 =	vld [tilespmem:$0x1FDB0]  }
0x6f3: {  	v42 =	vld [tilespmem:$0x1FDC0]  }
0x6f4: {  	v60 =	vld [tilespmem:$0x1FDD0]  }
0x6f5: {  	v33 =	vld [tilespmem:$0x1FDE0]  }
0x6f6: {  	v35 =	vld [tilespmem:$0x1FDF0]  }
0x6f7: {  	v8 =	vld [tilespmem:$0x1FE00]  }
0x6f8: {  	v36 =	vld [tilespmem:$0x1FE10]  }
0x6f9: {  	v41 =	vld [tilespmem:$0x1FE60]  }
0x6fa: {  	v23 =	vld [tilespmem:$0x1FE70]  }
0x6fb: {  	v43 =	vld [tilespmem:$0x1FE80]  }
0x6fc: {  	v10 =	vld [tilespmem:$0x1FE90]  }
0x6fd: {  	v9 =	vld [tilespmem:$0x1FEA0]  }
0x6fe: {  	v46 =	vld [tilespmem:$0x1FEB0]  }
0x6ff: {  	v11 =	vld [tilespmem:$0x1FEC0]  }
0x700: {  	v48 =	vld [tilespmem:$0x1FED0]  }
0x701: {  	v13 =	vld [tilespmem:$0x1FEE0]  }
0x702: {  	v50 =	vld [tilespmem:$0x1FEF0]  }
0x703: {  	v51 =	vld [tilespmem:$0x1FF00]  }
0x704: {  	v52 =	vld [tilespmem:$0x1FF10]  }
0x705: {  	v53 =	vld [tilespmem:$0x1FF20]  }
0x706: {  	v27 =	vld [tilespmem:$0x1FF30]  }
0x707: {  	v55 =	vld [tilespmem:$0x1FF40]  }
0x708: {  	v56 =	vld [tilespmem:$0x1FF50]  }
0x709: {  	v57 =	vld [tilespmem:$0x1FF60]  }
0x70a: {  	v16 =	vld [tilespmem:$0x1FF70]  }
.Ltmp5:
0x70b: {  	v59 =	vld [tilespmem:$0x1FF80];
	(pc) =	sbr.rel .LBB2_2-.Ltmp5, $4  }
0x70c: {  	v62 =	vld [tilespmem:$0x1FF90]  }
0x70d: {  	[sflag:s19] =	ssyncset.done $0x0;
	v31 =	vld [tilespmem:$0x1FFA0]  }
0x70e: {  	s8 =	sadd.s32 $0x1, s8;
	v7 =	vld [tilespmem:$0x1FFB0];
	[sflag:s19] =	ssyncadd.s32 $0xFFFFFE00  }
0x70f: {  	v6 =	vld [tilespmem:$0x1FFE0];
	[tilespmem:s22], [sflag:$0x2] =	stream.indirect.gather [hbm4b:s4+s20], $0x20, s20, s20, $0xb8  }
.LBB2_9:
0x710: {  	_ =	sfence.sel $0x180000  }
0x711: {  	[bflag:$0x0] =	sbarrier.arrive $0xFFFF  }
0x712: {  	_ =	strace $0x90000047  }
0x713: {  	s0 =	stileid.u32;
	[bflag:$0x2] =	sbarrier.arrive $0xFFFF  }
0x714: {  	p0 =	sne.s32 s0, $0x0;
	s0 =	rddreg [dreg:$0x2]  }
0x715: {  	s0 =	sadd.s32 @!p0 $0x100000, s0  }
0x716: {  	[sflag:s0] =	ssyncadd.tile.s32 @!p0 $0x1;
	_ =	shalt  }
.Lfunc_end2:
_tile_overlayer_lowered:
.L_overlay_start_2:
0x717: {  	(tag) =	ssettag $0x2  }
0x718: {  	s0 =	rddreg [dreg:$0x0];
	s2 =	stileid.u32  }
0x719: {  	s1 =	rddreg [dreg:$0x1];
	p0 =	sne.s32 s2, $0x0  }
0x71a: {  	s3 =	rddreg [dreg:$0x2];
	[bflag:$0x3] =	sbarrier.arrive $0xFFFF;
	s2 =	simm.s32 @!p0 $0x1C05  }
0x71b: {  	[timem:s3], [sflag:s2] =	dma.local @!p0 [hbm:s0], s1  }
0x71c: {  	s0 =	simm.s32 @!p0 $0x5  }
0x71d: {  	_ =	swait.ge @!p0 [sflag:s0], s1  }
0x71e: {  	s1 =	ssub.s32 @!p0 $0x0, s1;
	[sflag:s0] =	ssyncset.done @!p0 $0x0  }
0x71f: {  	[sflag:s0] =	ssyncadd.s32 @!p0 s1  }
0x720: {  	[bflag:$0x3] =	sbarrier.arrive $0xFFFF  }
0x721: {  	_ =	shalt  }

</sc_bundles>
